<compile_context>
chip_gen: v7x
topology: tpu7x:2x2x1
jax: 0.10.2.dev20260603
libtpu: 0.0.44.dev20260713+nightly
codegen_flags: <defaults>
</compile_context>

<pallas_src>
import numpy as np

import jax
import jax.numpy as jnp
from jax import lax
from jax.experimental import pallas as pl
from jax.experimental.pallas import tpu as pltpu
from jax.experimental.pallas import tpu_sc as plsc

BATCH = 16384
HIST = 50
D = 64
DW = D // 2
NUM_EMB = 1000000
B_TOT = BATCH * HIST
NW = 32
CHUNK = 128
N_BLOCKS = B_TOT // CHUNK
PER_W = N_BLOCKS // NW
SB = 4
N_SUPER = PER_W // SB
NBUF = 2
BT = BATCH // CHUNK
CPAD = CHUNK + 1
OBUF = SB * D * CPAD
DH_RUN = SB * 8 * CPAD
OUT_RUN = SB * 8 * CHUNK

_MASK_ME = np.int32(0x0FFFE000)
_MASK_S = np.int32(-2147483648)
_SCALE = np.float32(2.0 ** 112)

def _emb_body(tbl_hbm, idx_hbm, out_hbm,
              idx_all, rows0, rows1, out0, out1,
              gsem0, gsem1, osem0, osem1):
    wid = lax.axis_index("s") * 2 + lax.axis_index("c")
    kbase = wid * PER_W

    rows = [rows0, rows1]
    outs = [out0, out1]
    gsems = [gsem0, gsem1]
    osems = [osem0, osem1]

    lanes2 = lax.iota(jnp.int32, 16) * 2
    scat = {}
    for s0 in range(2):
        for o in range(2):
            d = lanes2 + (32 * s0 + o)
            scat[(s0, o)] = (d >> 3) * DH_RUN + (d & 7) * CHUNK

    pltpu.sync_copy(idx_hbm.at[pl.ds(kbase, PER_W)], idx_all)

    def start_gathers(bb, sb):
        for j in range(SB):
            pltpu.async_copy(
                tbl_hbm.at[idx_all.at[sb * SB + j]],
                rows[bb].at[j], gsems[bb])

    def wait_gathers(bb):
        for j in range(SB):
            pltpu.make_async_copy(
                tbl_hbm.at[idx_all.at[j]], rows[bb].at[j], gsems[bb]).wait()

    def wait_outs(bb):
        for dh in range(D // 8):
            pltpu.make_async_copy(
                outs[bb].at[pl.ds(dh * DH_RUN, OUT_RUN)],
                out_hbm.at[pl.ds(0, OUT_RUN)], osems[bb]).wait()

    for bb in range(NBUF):
        start_gathers(bb, bb)

    def super_body(s2, carry):
        for bb in range(NBUF):
            s = s2 * NBUF + bb
            k0 = kbase + s * SB
            h = k0 // BT
            bt0 = k0 % BT
            wait_gathers(bb)

            @pl.when(s2 > 0)
            def _wait_out():
                wait_outs(bb)

            for j in range(SB):

                def row_body(r, carry2, _j=j, _bb=bb):
                    pos = (_j * 8 * CHUNK) + r
                    for s0 in range(2):
                        w = rows[_bb][_j, r, pl.ds(s0 * 16, 16)]
                        f_lo = lax.bitcast_convert_type(
                            ((w << 13) & _MASK_ME) | ((w << 16) & _MASK_S),
                            jnp.float32) * _SCALE
                        f_hi = lax.bitcast_convert_type(
                            ((w >> 3) & _MASK_ME) | (w & _MASK_S),
                            jnp.float32) * _SCALE
                        plsc.store_scatter(
                            outs[_bb], [scat[(s0, 0)] + pos], f_lo)
                        plsc.store_scatter(
                            outs[_bb], [scat[(s0, 1)] + pos], f_hi)
                    return carry2

                lax.fori_loop(0, CHUNK, row_body, 0, unroll=4)

            obase = h * (D * BATCH) + bt0 * (8 * CHUNK)
            for dh in range(D // 8):
                pltpu.async_copy(
                    outs[bb].at[pl.ds(dh * DH_RUN, OUT_RUN)],
                    out_hbm.at[pl.ds(obase + dh * (8 * BATCH), OUT_RUN)],
                    osems[bb])

            @pl.when(s2 < N_SUPER // NBUF - 1)
            def _next_gather():
                start_gathers(bb, s + NBUF)

        return carry

    lax.fori_loop(0, N_SUPER // NBUF, super_body, 0)

    for bb in range(NBUF):
        wait_outs(bb)


_emb = pl.kernel(
    _emb_body,
    out_type=jax.ShapeDtypeStruct((B_TOT * D,), jnp.float32),
    mesh=plsc.VectorSubcoreMesh(core_axis_name="c", subcore_axis_name="s"),
    compiler_params=pltpu.CompilerParams(
        needs_layout_passes=False, use_tc_tiling_on_sc=False),
    scratch_types=[
        pltpu.VMEM((PER_W, CHUNK), jnp.int32),
        pltpu.VMEM((SB, CHUNK, DW), jnp.int32),
        pltpu.VMEM((SB, CHUNK, DW), jnp.int32),
        pltpu.VMEM((OBUF,), jnp.float32),
        pltpu.VMEM((OBUF,), jnp.float32),
        pltpu.SemaphoreType.DMA,
        pltpu.SemaphoreType.DMA,
        pltpu.SemaphoreType.DMA,
        pltpu.SemaphoreType.DMA,
    ],
)


_PACK_RO = 2048
_PACK_BC = _PACK_RO * 4
_PACK_GRID = -(-(NUM_EMB // 4) // _PACK_RO)


def _pack_body(x_ref, o_ref):
    w = pltpu.bitcast(x_ref[...], jnp.int32)
    for i in range(4):
        o_ref[:, i * 32:(i + 1) * 32] = w[:, i * _PACK_RO:(i + 1) * _PACK_RO].T


_pack = pl.pallas_call(
    _pack_body,
    grid=(_PACK_GRID,),
    in_specs=[pl.BlockSpec((D, _PACK_BC), lambda i: (0, i))],
    out_specs=pl.BlockSpec((_PACK_RO, 128), lambda i: (i, 0)),
    out_shape=jax.ShapeDtypeStruct((_PACK_GRID * _PACK_RO, 128), jnp.int32),
)


@jax.jit
def kernel(x, weight):
    r = x.T.reshape(N_BLOCKS, CHUNK)
    c = r & 8191
    idx = (r - c) + ((c & 2047) << 2) + (c >> 11)
    wt = jax.lax.bitcast_convert_type(weight, jnp.uint16).T
    tbl = _pack(wt).reshape(_PACK_GRID * _PACK_RO * 4, DW)
    flat = _emb(tbl, idx)
    out5 = flat.reshape(HIST, D // 8, BT, 8, CHUNK)
    out = out5.transpose(2, 4, 0, 1, 3).reshape(BATCH, HIST, D)
    return out

# --- scband reference (transcript-rebuilt; emitter-appended) ---
"""Pipeline reference for scband-gpu16bit-embedding-42992622633475 (READ-ONLY COPY).

The authoritative reference and input builder live on the scoring server;
editing this copy changes nothing except your own understanding.
"""

import jax, jax.numpy as jnp
import numpy as np

NUM_EMBEDDINGS = 1000000
EMBEDDING_DIM = 64
BATCH = 16384
HIST = 50


def setup_inputs(seed: int = 0) -> dict:
    key = jax.random.key(seed)
    k1, k2 = jax.random.split(key)
    x = jax.random.randint(k1, (BATCH, HIST), 0, NUM_EMBEDDINGS, dtype=jnp.int32)
    # fp16 embedding table, mirroring source_layer.weight.half()
    weight = (jax.random.normal(k2, (NUM_EMBEDDINGS, EMBEDDING_DIM), dtype=jnp.float32) * 0.02).astype(jnp.float16)
    return {"x": x, "weight": weight}


def reference(x, weight):
    # F.embedding(x, weight).to(torch.float32)
    out = jnp.take(weight, x, axis=0)
    return out.astype(jnp.float32)

if __name__ == "__main__":
    import jax
    _d = setup_inputs()
    print(jax.jit(kernel)(*tuple(_d.values())))

</pallas_src>

<mosaic_0001>
#map = affine_map<(d0, d1) -> (0, 0)>
#map1 = affine_map<(d0, d1) -> (0)>
module attributes {stable_mosaic.version = 14 : i64} {
  func.func @_emb_body(%arg0: i32, %arg1: i32, %arg2: memref<1007616x32xi32, #tpu.memory_space<hbm>>, %arg3: memref<6400x128xi32, #tpu.memory_space<hbm>>, %arg4: memref<52428800xf32, #tpu.memory_space<hbm>>, %arg5: memref<200x128xi32, #tpu.memory_space<vmem>>, %arg6: memref<4x128x32xi32, #tpu.memory_space<vmem>>, %arg7: memref<4x128x32xi32, #tpu.memory_space<vmem>>, %arg8: memref<33024xf32, #tpu.memory_space<vmem>>, %arg9: memref<33024xf32, #tpu.memory_space<vmem>>, %arg10: memref<!tpu.dma_semaphore, #tpu.memory_space<semaphore_mem>>, %arg11: memref<!tpu.dma_semaphore, #tpu.memory_space<semaphore_mem>>, %arg12: memref<!tpu.dma_semaphore, #tpu.memory_space<semaphore_mem>>, %arg13: memref<!tpu.dma_semaphore, #tpu.memory_space<semaphore_mem>>) attributes {dimension_semantics = [#tpu.dimension_semantics<core_parallel>, #tpu.dimension_semantics<subcore_parallel>], iteration_bounds = array<i64: 2, 16>, scalar_prefetch = 0 : i64, scratch_operands = 9 : i64, tpu.core_type = #tpu.core_type<sc_vector_subcore>, window_params = [{transform_indices = #map}, {transform_indices = #map}, {transform_indices = #map1}]} {
    %mul3A = arith.constant 2 : i32
    %mul3A_0 = arith.muli %arg1, %mul3A : i32
    %add3A = arith.addi %mul3A_0, %arg0 : i32
    %mul3A_1 = arith.constant 200 : i32
    %mul3A_2 = arith.muli %add3A, %mul3A_1 : i32
    %iota3A = tpu.iota {dimensions = array<i32: 0>} : vector<16xi32>
    %mul3A_3 = arith.constant 2 : i32
    %mul3A_4 = vector.broadcast %mul3A_3 : i32 to vector<16xi32>
    %mul3A_5 = arith.muli %iota3A, %mul3A_4 : vector<16xi32>
    %add3A_6 = arith.constant 0 : i32
    %add3A_7 = vector.broadcast %add3A_6 : i32 to vector<16xi32>
    %add3A_8 = arith.addi %mul3A_5, %add3A_7 : vector<16xi32>
    %shift_right_arithmetic3A = arith.constant 3 : i32
    %shift_right_arithmetic3A_9 = vector.broadcast %shift_right_arithmetic3A : i32 to vector<16xi32>
    %shift_right_arithmetic3A_10 = arith.shrsi %add3A_8, %shift_right_arithmetic3A_9 : vector<16xi32>
    %mul3A_11 = arith.constant 4128 : i32
    %mul3A_12 = vector.broadcast %mul3A_11 : i32 to vector<16xi32>
    %mul3A_13 = arith.muli %shift_right_arithmetic3A_10, %mul3A_12 : vector<16xi32>
    %and3A = arith.constant 7 : i32
    %and3A_14 = vector.broadcast %and3A : i32 to vector<16xi32>
    %and3A_15 = arith.andi %add3A_8, %and3A_14 : vector<16xi32>
    %mul3A_16 = arith.constant 128 : i32
    %mul3A_17 = vector.broadcast %mul3A_16 : i32 to vector<16xi32>
    %mul3A_18 = arith.muli %and3A_15, %mul3A_17 : vector<16xi32>
    %add3A_19 = arith.addi %mul3A_13, %mul3A_18 : vector<16xi32>
    %add3A_20 = arith.constant 1 : i32
    %add3A_21 = vector.broadcast %add3A_20 : i32 to vector<16xi32>
    %add3A_22 = arith.addi %mul3A_5, %add3A_21 : vector<16xi32>
    %shift_right_arithmetic3A_23 = arith.constant 3 : i32
    %shift_right_arithmetic3A_24 = vector.broadcast %shift_right_arithmetic3A_23 : i32 to vector<16xi32>
    %shift_right_arithmetic3A_25 = arith.shrsi %add3A_22, %shift_right_arithmetic3A_24 : vector<16xi32>
    %mul3A_26 = arith.constant 4128 : i32
    %mul3A_27 = vector.broadcast %mul3A_26 : i32 to vector<16xi32>
    %mul3A_28 = arith.muli %shift_right_arithmetic3A_25, %mul3A_27 : vector<16xi32>
    %and3A_29 = arith.constant 7 : i32
    %and3A_30 = vector.broadcast %and3A_29 : i32 to vector<16xi32>
    %and3A_31 = arith.andi %add3A_22, %and3A_30 : vector<16xi32>
    %mul3A_32 = arith.constant 128 : i32
    %mul3A_33 = vector.broadcast %mul3A_32 : i32 to vector<16xi32>
    %mul3A_34 = arith.muli %and3A_31, %mul3A_33 : vector<16xi32>
    %add3A_35 = arith.addi %mul3A_28, %mul3A_34 : vector<16xi32>
    %add3A_36 = arith.constant 32 : i32
    %add3A_37 = vector.broadcast %add3A_36 : i32 to vector<16xi32>
    %add3A_38 = arith.addi %mul3A_5, %add3A_37 : vector<16xi32>
    %shift_right_arithmetic3A_39 = arith.constant 3 : i32
    %shift_right_arithmetic3A_40 = vector.broadcast %shift_right_arithmetic3A_39 : i32 to vector<16xi32>
    %shift_right_arithmetic3A_41 = arith.shrsi %add3A_38, %shift_right_arithmetic3A_40 : vector<16xi32>
    %mul3A_42 = arith.constant 4128 : i32
    %mul3A_43 = vector.broadcast %mul3A_42 : i32 to vector<16xi32>
    %mul3A_44 = arith.muli %shift_right_arithmetic3A_41, %mul3A_43 : vector<16xi32>
    %and3A_45 = arith.constant 7 : i32
    %and3A_46 = vector.broadcast %and3A_45 : i32 to vector<16xi32>
    %and3A_47 = arith.andi %add3A_38, %and3A_46 : vector<16xi32>
    %mul3A_48 = arith.constant 128 : i32
    %mul3A_49 = vector.broadcast %mul3A_48 : i32 to vector<16xi32>
    %mul3A_50 = arith.muli %and3A_47, %mul3A_49 : vector<16xi32>
    %add3A_51 = arith.addi %mul3A_44, %mul3A_50 : vector<16xi32>
    %add3A_52 = arith.constant 33 : i32
    %add3A_53 = vector.broadcast %add3A_52 : i32 to vector<16xi32>
    %add3A_54 = arith.addi %mul3A_5, %add3A_53 : vector<16xi32>
    %shift_right_arithmetic3A_55 = arith.constant 3 : i32
    %shift_right_arithmetic3A_56 = vector.broadcast %shift_right_arithmetic3A_55 : i32 to vector<16xi32>
    %shift_right_arithmetic3A_57 = arith.shrsi %add3A_54, %shift_right_arithmetic3A_56 : vector<16xi32>
    %mul3A_58 = arith.constant 4128 : i32
    %mul3A_59 = vector.broadcast %mul3A_58 : i32 to vector<16xi32>
    %mul3A_60 = arith.muli %shift_right_arithmetic3A_57, %mul3A_59 : vector<16xi32>
    %and3A_61 = arith.constant 7 : i32
    %and3A_62 = vector.broadcast %and3A_61 : i32 to vector<16xi32>
    %and3A_63 = arith.andi %add3A_54, %and3A_62 : vector<16xi32>
    %mul3A_64 = arith.constant 128 : i32
    %mul3A_65 = vector.broadcast %mul3A_64 : i32 to vector<16xi32>
    %mul3A_66 = arith.muli %and3A_63, %mul3A_65 : vector<16xi32>
    %add3A_67 = arith.addi %mul3A_60, %mul3A_66 : vector<16xi32>
    "tpu.region"() ({
      %run_scoped3A = tpu.sem_alloc : memref<!tpu.dma_semaphore, #tpu.memory_space<semaphore_mem>>
      %dma_start3A_295 = arith.constant 0 : i32
      %dma_start3A_296 = tpu.memref_slice %arg3[%mul3A_2, %dma_start3A_295] : memref<6400x128xi32, #tpu.memory_space<hbm>> -> memref<200x128xi32, #tpu.memory_space<hbm>>
      %dma_start3A_297 = arith.constant 0 : i32
      %dma_start3A_298 = tpu.memref_slice %arg3[%mul3A_2, %dma_start3A_297] : memref<6400x128xi32, #tpu.memory_space<hbm>> -> memref<200x128xi32, #tpu.memory_space<hbm>>
      tpu.enqueue_dma source(%dma_start3A_298 : memref<200x128xi32, #tpu.memory_space<hbm>>) target(%arg5 : memref<200x128xi32, #tpu.memory_space<vmem>>) target_semaphore(%run_scoped3A : memref<!tpu.dma_semaphore, #tpu.memory_space<semaphore_mem>>)
      %dma_wait3A_299 = arith.constant 0 : i32
      %dma_wait3A_300 = tpu.memref_slice %arg3[%mul3A_2, %dma_wait3A_299] : memref<6400x128xi32, #tpu.memory_space<hbm>> -> memref<200x128xi32, #tpu.memory_space<hbm>>
      %dma_wait3A_301 = arith.constant 0 : i32
      %dma_wait3A_302 = tpu.memref_slice %arg3[%mul3A_2, %dma_wait3A_301] : memref<6400x128xi32, #tpu.memory_space<hbm>> -> memref<200x128xi32, #tpu.memory_space<hbm>>
      tpu.wait_dma2 semaphore(%run_scoped3A : memref<!tpu.dma_semaphore, #tpu.memory_space<semaphore_mem>>) src(%dma_wait3A_302 : memref<200x128xi32, #tpu.memory_space<hbm>>) dst(%arg5 : memref<200x128xi32, #tpu.memory_space<vmem>>)
      tpu.yield
    }) : () -> ()
    %dma_start3A = arith.constant 0 : i32
    %dma_start3A_68 = arith.constant 0 : i32
    %dma_start3A_69 = arith.constant 0 : i32
    %dma_start3A_70 = arith.constant 0 : i32
    %dma_start3A_71 = tpu.memref_slice %arg6[%dma_start3A_68, %dma_start3A_69, %dma_start3A_70] : memref<4x128x32xi32, #tpu.memory_space<vmem>> -> memref<1x128x32xi32, #tpu.memory_space<vmem>>
    %dma_start3A_72 = tpu.memref_squeeze %dma_start3A_71 : memref<1x128x32xi32, #tpu.memory_space<vmem>> -> memref<128x32xi32, #tpu.memory_space<vmem>>
    %dma_start3A_73 = arith.constant 0 : i32
    %dma_start3A_74 = tpu.memref_slice %arg5[%dma_start3A, %dma_start3A_73] : memref<200x128xi32, #tpu.memory_space<vmem>> -> memref<1x128xi32, #tpu.memory_space<vmem>>
    %dma_start3A_75 = tpu.memref_squeeze %dma_start3A_74 : memref<1x128xi32, #tpu.memory_space<vmem>> -> memref<128xi32, #tpu.memory_space<vmem>>
    %dma_start3A_76 = arith.constant 0 : i32
    %dma_start3A_77 = arith.constant 0 : i32
    %dma_start3A_78 = tpu.memref_slice %arg2[%dma_start3A_76, %dma_start3A_77] : memref<1007616x32xi32, #tpu.memory_space<hbm>> -> memref<1007616x32xi32, #tpu.memory_space<hbm>>
    tpu.enqueue_indirect_dma source(%dma_start3A_78 : memref<1007616x32xi32, #tpu.memory_space<hbm>>) target(%dma_start3A_72 : memref<128x32xi32, #tpu.memory_space<vmem>>) offsets(%dma_start3A_75 : memref<128xi32, #tpu.memory_space<vmem>>) semaphore(%arg10 : memref<!tpu.dma_semaphore, #tpu.memory_space<semaphore_mem>>)
    %dma_start3A_79 = arith.constant 1 : i32
    %dma_start3A_80 = arith.constant 1 : i32
    %dma_start3A_81 = arith.constant 0 : i32
    %dma_start3A_82 = arith.constant 0 : i32
    %dma_start3A_83 = tpu.memref_slice %arg6[%dma_start3A_80, %dma_start3A_81, %dma_start3A_82] : memref<4x128x32xi32, #tpu.memory_space<vmem>> -> memref<1x128x32xi32, #tpu.memory_space<vmem>>
    %dma_start3A_84 = tpu.memref_squeeze %dma_start3A_83 : memref<1x128x32xi32, #tpu.memory_space<vmem>> -> memref<128x32xi32, #tpu.memory_space<vmem>>
    %dma_start3A_85 = arith.constant 0 : i32
    %dma_start3A_86 = tpu.memref_slice %arg5[%dma_start3A_79, %dma_start3A_85] : memref<200x128xi32, #tpu.memory_space<vmem>> -> memref<1x128xi32, #tpu.memory_space<vmem>>
    %dma_start3A_87 = tpu.memref_squeeze %dma_start3A_86 : memref<1x128xi32, #tpu.memory_space<vmem>> -> memref<128xi32, #tpu.memory_space<vmem>>
    %dma_start3A_88 = arith.constant 0 : i32
    %dma_start3A_89 = arith.constant 0 : i32
    %dma_start3A_90 = tpu.memref_slice %arg2[%dma_start3A_88, %dma_start3A_89] : memref<1007616x32xi32, #tpu.memory_space<hbm>> -> memref<1007616x32xi32, #tpu.memory_space<hbm>>
    tpu.enqueue_indirect_dma source(%dma_start3A_90 : memref<1007616x32xi32, #tpu.memory_space<hbm>>) target(%dma_start3A_84 : memref<128x32xi32, #tpu.memory_space<vmem>>) offsets(%dma_start3A_87 : memref<128xi32, #tpu.memory_space<vmem>>) semaphore(%arg10 : memref<!tpu.dma_semaphore, #tpu.memory_space<semaphore_mem>>)
    %dma_start3A_91 = arith.constant 2 : i32
    %dma_start3A_92 = arith.constant 2 : i32
    %dma_start3A_93 = arith.constant 0 : i32
    %dma_start3A_94 = arith.constant 0 : i32
    %dma_start3A_95 = tpu.memref_slice %arg6[%dma_start3A_92, %dma_start3A_93, %dma_start3A_94] : memref<4x128x32xi32, #tpu.memory_space<vmem>> -> memref<1x128x32xi32, #tpu.memory_space<vmem>>
    %dma_start3A_96 = tpu.memref_squeeze %dma_start3A_95 : memref<1x128x32xi32, #tpu.memory_space<vmem>> -> memref<128x32xi32, #tpu.memory_space<vmem>>
    %dma_start3A_97 = arith.constant 0 : i32
    %dma_start3A_98 = tpu.memref_slice %arg5[%dma_start3A_91, %dma_start3A_97] : memref<200x128xi32, #tpu.memory_space<vmem>> -> memref<1x128xi32, #tpu.memory_space<vmem>>
    %dma_start3A_99 = tpu.memref_squeeze %dma_start3A_98 : memref<1x128xi32, #tpu.memory_space<vmem>> -> memref<128xi32, #tpu.memory_space<vmem>>
    %dma_start3A_100 = arith.constant 0 : i32
    %dma_start3A_101 = arith.constant 0 : i32
    %dma_start3A_102 = tpu.memref_slice %arg2[%dma_start3A_100, %dma_start3A_101] : memref<1007616x32xi32, #tpu.memory_space<hbm>> -> memref<1007616x32xi32, #tpu.memory_space<hbm>>
    tpu.enqueue_indirect_dma source(%dma_start3A_102 : memref<1007616x32xi32, #tpu.memory_space<hbm>>) target(%dma_start3A_96 : memref<128x32xi32, #tpu.memory_space<vmem>>) offsets(%dma_start3A_99 : memref<128xi32, #tpu.memory_space<vmem>>) semaphore(%arg10 : memref<!tpu.dma_semaphore, #tpu.memory_space<semaphore_mem>>)
    %dma_start3A_103 = arith.constant 3 : i32
    %dma_start3A_104 = arith.constant 3 : i32
    %dma_start3A_105 = arith.constant 0 : i32
    %dma_start3A_106 = arith.constant 0 : i32
    %dma_start3A_107 = tpu.memref_slice %arg6[%dma_start3A_104, %dma_start3A_105, %dma_start3A_106] : memref<4x128x32xi32, #tpu.memory_space<vmem>> -> memref<1x128x32xi32, #tpu.memory_space<vmem>>
    %dma_start3A_108 = tpu.memref_squeeze %dma_start3A_107 : memref<1x128x32xi32, #tpu.memory_space<vmem>> -> memref<128x32xi32, #tpu.memory_space<vmem>>
    %dma_start3A_109 = arith.constant 0 : i32
    %dma_start3A_110 = tpu.memref_slice %arg5[%dma_start3A_103, %dma_start3A_109] : memref<200x128xi32, #tpu.memory_space<vmem>> -> memref<1x128xi32, #tpu.memory_space<vmem>>
    %dma_start3A_111 = tpu.memref_squeeze %dma_start3A_110 : memref<1x128xi32, #tpu.memory_space<vmem>> -> memref<128xi32, #tpu.memory_space<vmem>>
    %dma_start3A_112 = arith.constant 0 : i32
    %dma_start3A_113 = arith.constant 0 : i32
    %dma_start3A_114 = tpu.memref_slice %arg2[%dma_start3A_112, %dma_start3A_113] : memref<1007616x32xi32, #tpu.memory_space<hbm>> -> memref<1007616x32xi32, #tpu.memory_space<hbm>>
    tpu.enqueue_indirect_dma source(%dma_start3A_114 : memref<1007616x32xi32, #tpu.memory_space<hbm>>) target(%dma_start3A_108 : memref<128x32xi32, #tpu.memory_space<vmem>>) offsets(%dma_start3A_111 : memref<128xi32, #tpu.memory_space<vmem>>) semaphore(%arg10 : memref<!tpu.dma_semaphore, #tpu.memory_space<semaphore_mem>>)
    %dma_start3A_115 = arith.constant 4 : i32
    %dma_start3A_116 = arith.constant 0 : i32
    %dma_start3A_117 = arith.constant 0 : i32
    %dma_start3A_118 = arith.constant 0 : i32
    %dma_start3A_119 = tpu.memref_slice %arg7[%dma_start3A_116, %dma_start3A_117, %dma_start3A_118] : memref<4x128x32xi32, #tpu.memory_space<vmem>> -> memref<1x128x32xi32, #tpu.memory_space<vmem>>
    %dma_start3A_120 = tpu.memref_squeeze %dma_start3A_119 : memref<1x128x32xi32, #tpu.memory_space<vmem>> -> memref<128x32xi32, #tpu.memory_space<vmem>>
    %dma_start3A_121 = arith.constant 0 : i32
    %dma_start3A_122 = tpu.memref_slice %arg5[%dma_start3A_115, %dma_start3A_121] : memref<200x128xi32, #tpu.memory_space<vmem>> -> memref<1x128xi32, #tpu.memory_space<vmem>>
    %dma_start3A_123 = tpu.memref_squeeze %dma_start3A_122 : memref<1x128xi32, #tpu.memory_space<vmem>> -> memref<128xi32, #tpu.memory_space<vmem>>
    %dma_start3A_124 = arith.constant 0 : i32
    %dma_start3A_125 = arith.constant 0 : i32
    %dma_start3A_126 = tpu.memref_slice %arg2[%dma_start3A_124, %dma_start3A_125] : memref<1007616x32xi32, #tpu.memory_space<hbm>> -> memref<1007616x32xi32, #tpu.memory_space<hbm>>
    tpu.enqueue_indirect_dma source(%dma_start3A_126 : memref<1007616x32xi32, #tpu.memory_space<hbm>>) target(%dma_start3A_120 : memref<128x32xi32, #tpu.memory_space<vmem>>) offsets(%dma_start3A_123 : memref<128xi32, #tpu.memory_space<vmem>>) semaphore(%arg11 : memref<!tpu.dma_semaphore, #tpu.memory_space<semaphore_mem>>)
    %dma_start3A_127 = arith.constant 5 : i32
    %dma_start3A_128 = arith.constant 1 : i32
    %dma_start3A_129 = arith.constant 0 : i32
    %dma_start3A_130 = arith.constant 0 : i32
    %dma_start3A_131 = tpu.memref_slice %arg7[%dma_start3A_128, %dma_start3A_129, %dma_start3A_130] : memref<4x128x32xi32, #tpu.memory_space<vmem>> -> memref<1x128x32xi32, #tpu.memory_space<vmem>>
    %dma_start3A_132 = tpu.memref_squeeze %dma_start3A_131 : memref<1x128x32xi32, #tpu.memory_space<vmem>> -> memref<128x32xi32, #tpu.memory_space<vmem>>
    %dma_start3A_133 = arith.constant 0 : i32
    %dma_start3A_134 = tpu.memref_slice %arg5[%dma_start3A_127, %dma_start3A_133] : memref<200x128xi32, #tpu.memory_space<vmem>> -> memref<1x128xi32, #tpu.memory_space<vmem>>
    %dma_start3A_135 = tpu.memref_squeeze %dma_start3A_134 : memref<1x128xi32, #tpu.memory_space<vmem>> -> memref<128xi32, #tpu.memory_space<vmem>>
    %dma_start3A_136 = arith.constant 0 : i32
    %dma_start3A_137 = arith.constant 0 : i32
    %dma_start3A_138 = tpu.memref_slice %arg2[%dma_start3A_136, %dma_start3A_137] : memref<1007616x32xi32, #tpu.memory_space<hbm>> -> memref<1007616x32xi32, #tpu.memory_space<hbm>>
    tpu.enqueue_indirect_dma source(%dma_start3A_138 : memref<1007616x32xi32, #tpu.memory_space<hbm>>) target(%dma_start3A_132 : memref<128x32xi32, #tpu.memory_space<vmem>>) offsets(%dma_start3A_135 : memref<128xi32, #tpu.memory_space<vmem>>) semaphore(%arg11 : memref<!tpu.dma_semaphore, #tpu.memory_space<semaphore_mem>>)
    %dma_start3A_139 = arith.constant 6 : i32
    %dma_start3A_140 = arith.constant 2 : i32
    %dma_start3A_141 = arith.constant 0 : i32
    %dma_start3A_142 = arith.constant 0 : i32
    %dma_start3A_143 = tpu.memref_slice %arg7[%dma_start3A_140, %dma_start3A_141, %dma_start3A_142] : memref<4x128x32xi32, #tpu.memory_space<vmem>> -> memref<1x128x32xi32, #tpu.memory_space<vmem>>
    %dma_start3A_144 = tpu.memref_squeeze %dma_start3A_143 : memref<1x128x32xi32, #tpu.memory_space<vmem>> -> memref<128x32xi32, #tpu.memory_space<vmem>>
    %dma_start3A_145 = arith.constant 0 : i32
    %dma_start3A_146 = tpu.memref_slice %arg5[%dma_start3A_139, %dma_start3A_145] : memref<200x128xi32, #tpu.memory_space<vmem>> -> memref<1x128xi32, #tpu.memory_space<vmem>>
    %dma_start3A_147 = tpu.memref_squeeze %dma_start3A_146 : memref<1x128xi32, #tpu.memory_space<vmem>> -> memref<128xi32, #tpu.memory_space<vmem>>
    %dma_start3A_148 = arith.constant 0 : i32
    %dma_start3A_149 = arith.constant 0 : i32
    %dma_start3A_150 = tpu.memref_slice %arg2[%dma_start3A_148, %dma_start3A_149] : memref<1007616x32xi32, #tpu.memory_space<hbm>> -> memref<1007616x32xi32, #tpu.memory_space<hbm>>
    tpu.enqueue_indirect_dma source(%dma_start3A_150 : memref<1007616x32xi32, #tpu.memory_space<hbm>>) target(%dma_start3A_144 : memref<128x32xi32, #tpu.memory_space<vmem>>) offsets(%dma_start3A_147 : memref<128xi32, #tpu.memory_space<vmem>>) semaphore(%arg11 : memref<!tpu.dma_semaphore, #tpu.memory_space<semaphore_mem>>)
    %dma_start3A_151 = arith.constant 7 : i32
    %dma_start3A_152 = arith.constant 3 : i32
    %dma_start3A_153 = arith.constant 0 : i32
    %dma_start3A_154 = arith.constant 0 : i32
    %dma_start3A_155 = tpu.memref_slice %arg7[%dma_start3A_152, %dma_start3A_153, %dma_start3A_154] : memref<4x128x32xi32, #tpu.memory_space<vmem>> -> memref<1x128x32xi32, #tpu.memory_space<vmem>>
    %dma_start3A_156 = tpu.memref_squeeze %dma_start3A_155 : memref<1x128x32xi32, #tpu.memory_space<vmem>> -> memref<128x32xi32, #tpu.memory_space<vmem>>
    %dma_start3A_157 = arith.constant 0 : i32
    %dma_start3A_158 = tpu.memref_slice %arg5[%dma_start3A_151, %dma_start3A_157] : memref<200x128xi32, #tpu.memory_space<vmem>> -> memref<1x128xi32, #tpu.memory_space<vmem>>
    %dma_start3A_159 = tpu.memref_squeeze %dma_start3A_158 : memref<1x128xi32, #tpu.memory_space<vmem>> -> memref<128xi32, #tpu.memory_space<vmem>>
    %dma_start3A_160 = arith.constant 0 : i32
    %dma_start3A_161 = arith.constant 0 : i32
    %dma_start3A_162 = tpu.memref_slice %arg2[%dma_start3A_160, %dma_start3A_161] : memref<1007616x32xi32, #tpu.memory_space<hbm>> -> memref<1007616x32xi32, #tpu.memory_space<hbm>>
    tpu.enqueue_indirect_dma source(%dma_start3A_162 : memref<1007616x32xi32, #tpu.memory_space<hbm>>) target(%dma_start3A_156 : memref<128x32xi32, #tpu.memory_space<vmem>>) offsets(%dma_start3A_159 : memref<128xi32, #tpu.memory_space<vmem>>) semaphore(%arg11 : memref<!tpu.dma_semaphore, #tpu.memory_space<semaphore_mem>>)
    %scan3A = arith.constant 0 : i32
    %scan3A_163 = arith.constant 0 : i32
    %scan3A_164 = arith.constant 25 : i32
    %scan3A_165 = arith.addi %scan3A_163, %scan3A_164 : i32
    %scan3A_166 = arith.constant 1 : i32
    scf.for %scan3A_295 = %scan3A_163 to %scan3A_165 step %scan3A_166  : i32 {
      %mul3A_296 = arith.constant 2 : i32
      %mul3A_297 = arith.muli %scan3A_295, %mul3A_296 : i32
      %add3A_298 = arith.constant 0 : i32
      %add3A_299 = arith.addi %mul3A_297, %add3A_298 : i32
      %mul3A_300 = arith.constant 4 : i32
      %mul3A_301 = arith.muli %add3A_299, %mul3A_300 : i32
      %add3A_302 = arith.addi %mul3A_2, %mul3A_301 : i32
      %jit3A = arith.constant 128 : i32
      %div3A = arith.divsi %add3A_302, %jit3A : i32
      %sign3A = arith.constant 0 : i32
      %sign3A_303 = arith.cmpi sgt, %add3A_302, %sign3A : i32
      %sign3A_304 = arith.extui %sign3A_303 : i1 to i32
      %sign3A_305 = arith.constant 0 : i32
      %sign3A_306 = arith.cmpi slt, %add3A_302, %sign3A_305 : i32
      %sign3A_307 = arith.extui %sign3A_306 : i1 to i32
      %sign3A_308 = arith.subi %sign3A_304, %sign3A_307 : i32
      %sign3A_309 = arith.constant 0 : i32
      %sign3A_310 = arith.cmpi sgt, %jit3A, %sign3A_309 : i32
      %sign3A_311 = arith.extui %sign3A_310 : i1 to i32
      %sign3A_312 = arith.constant 0 : i32
      %sign3A_313 = arith.cmpi slt, %jit3A, %sign3A_312 : i32
      %sign3A_314 = arith.extui %sign3A_313 : i1 to i32
      %sign3A_315 = arith.subi %sign3A_311, %sign3A_314 : i32
      %ne3A = arith.cmpi ne, %sign3A_308, %sign3A_315 : i32
      %rem3A = arith.remsi %add3A_302, %jit3A : i32
      %ne3A_316 = arith.constant 0 : i32
      %ne3A_317 = arith.cmpi ne, %rem3A, %ne3A_316 : i32
      %and3A_318 = arith.andi %ne3A, %ne3A_317 : i1
      %sub3A = arith.constant 1 : i32
      %sub3A_319 = arith.subi %div3A, %sub3A : i32
      %select_n3A = arith.select %and3A_318, %sub3A_319, %div3A : i32
      %jit3A_320 = arith.constant 128 : i32
      %eq3A = arith.constant 0 : i32
      %eq3A_321 = arith.cmpi eq, %jit3A_320, %eq3A : i32
      %jit3A_322 = arith.constant 1 : i32
      %select_n3A_323 = arith.select %eq3A_321, %jit3A_322, %jit3A_320 : i32
      %rem3A_324 = arith.remsi %add3A_302, %select_n3A_323 : i32
      %ne3A_325 = arith.constant 0 : i32
      %ne3A_326 = arith.cmpi ne, %rem3A_324, %ne3A_325 : i32
      %lt3A = arith.constant 0 : i32
      %lt3A_327 = arith.cmpi slt, %rem3A_324, %lt3A : i32
      %lt3A_328 = arith.constant 0 : i32
      %lt3A_329 = arith.cmpi slt, %select_n3A_323, %lt3A_328 : i32
      %ne3A_330 = arith.xori %lt3A_327, %lt3A_329 : i1
      %and3A_331 = arith.andi %ne3A_330, %ne3A_326 : i1
      %add3A_332 = arith.addi %rem3A_324, %select_n3A_323 : i32
      %select_n3A_333 = arith.select %and3A_331, %add3A_332, %rem3A_324 : i32
      %dma_wait3A_334 = arith.constant 0 : i32
      %dma_wait3A_335 = arith.constant 0 : i32
      %dma_wait3A_336 = arith.constant 0 : i32
      %dma_wait3A_337 = arith.constant 0 : i32
      %dma_wait3A_338 = tpu.memref_slice %arg6[%dma_wait3A_335, %dma_wait3A_336, %dma_wait3A_337] : memref<4x128x32xi32, #tpu.memory_space<vmem>> -> memref<1x128x32xi32, #tpu.memory_space<vmem>>
      %dma_wait3A_339 = tpu.memref_squeeze %dma_wait3A_338 : memref<1x128x32xi32, #tpu.memory_space<vmem>> -> memref<128x32xi32, #tpu.memory_space<vmem>>
      %dma_wait3A_340 = arith.constant 0 : i32
      %dma_wait3A_341 = tpu.memref_slice %arg5[%dma_wait3A_334, %dma_wait3A_340] : memref<200x128xi32, #tpu.memory_space<vmem>> -> memref<1x128xi32, #tpu.memory_space<vmem>>
      %dma_wait3A_342 = tpu.memref_squeeze %dma_wait3A_341 : memref<1x128xi32, #tpu.memory_space<vmem>> -> memref<128xi32, #tpu.memory_space<vmem>>
      %dma_wait3A_343 = arith.constant 0 : i32
      %dma_wait3A_344 = arith.constant 0 : i32
      %dma_wait3A_345 = tpu.memref_slice %arg2[%dma_wait3A_343, %dma_wait3A_344] : memref<1007616x32xi32, #tpu.memory_space<hbm>> -> memref<1007616x32xi32, #tpu.memory_space<hbm>>
      tpu.wait_indirect_dma semaphore(%arg10 : memref<!tpu.dma_semaphore, #tpu.memory_space<semaphore_mem>>) src(%dma_wait3A_345 : memref<1007616x32xi32, #tpu.memory_space<hbm>>) dst(%dma_wait3A_339 : memref<128x32xi32, #tpu.memory_space<vmem>>)
      %dma_wait3A_346 = arith.constant 1 : i32
      %dma_wait3A_347 = arith.constant 1 : i32
      %dma_wait3A_348 = arith.constant 0 : i32
      %dma_wait3A_349 = arith.constant 0 : i32
      %dma_wait3A_350 = tpu.memref_slice %arg6[%dma_wait3A_347, %dma_wait3A_348, %dma_wait3A_349] : memref<4x128x32xi32, #tpu.memory_space<vmem>> -> memref<1x128x32xi32, #tpu.memory_space<vmem>>
      %dma_wait3A_351 = tpu.memref_squeeze %dma_wait3A_350 : memref<1x128x32xi32, #tpu.memory_space<vmem>> -> memref<128x32xi32, #tpu.memory_space<vmem>>
      %dma_wait3A_352 = arith.constant 0 : i32
      %dma_wait3A_353 = tpu.memref_slice %arg5[%dma_wait3A_346, %dma_wait3A_352] : memref<200x128xi32, #tpu.memory_space<vmem>> -> memref<1x128xi32, #tpu.memory_space<vmem>>
      %dma_wait3A_354 = tpu.memref_squeeze %dma_wait3A_353 : memref<1x128xi32, #tpu.memory_space<vmem>> -> memref<128xi32, #tpu.memory_space<vmem>>
      %dma_wait3A_355 = arith.constant 0 : i32
      %dma_wait3A_356 = arith.constant 0 : i32
      %dma_wait3A_357 = tpu.memref_slice %arg2[%dma_wait3A_355, %dma_wait3A_356] : memref<1007616x32xi32, #tpu.memory_space<hbm>> -> memref<1007616x32xi32, #tpu.memory_space<hbm>>
      tpu.wait_indirect_dma semaphore(%arg10 : memref<!tpu.dma_semaphore, #tpu.memory_space<semaphore_mem>>) src(%dma_wait3A_357 : memref<1007616x32xi32, #tpu.memory_space<hbm>>) dst(%dma_wait3A_351 : memref<128x32xi32, #tpu.memory_space<vmem>>)
      %dma_wait3A_358 = arith.constant 2 : i32
      %dma_wait3A_359 = arith.constant 2 : i32
      %dma_wait3A_360 = arith.constant 0 : i32
      %dma_wait3A_361 = arith.constant 0 : i32
      %dma_wait3A_362 = tpu.memref_slice %arg6[%dma_wait3A_359, %dma_wait3A_360, %dma_wait3A_361] : memref<4x128x32xi32, #tpu.memory_space<vmem>> -> memref<1x128x32xi32, #tpu.memory_space<vmem>>
      %dma_wait3A_363 = tpu.memref_squeeze %dma_wait3A_362 : memref<1x128x32xi32, #tpu.memory_space<vmem>> -> memref<128x32xi32, #tpu.memory_space<vmem>>
      %dma_wait3A_364 = arith.constant 0 : i32
      %dma_wait3A_365 = tpu.memref_slice %arg5[%dma_wait3A_358, %dma_wait3A_364] : memref<200x128xi32, #tpu.memory_space<vmem>> -> memref<1x128xi32, #tpu.memory_space<vmem>>
      %dma_wait3A_366 = tpu.memref_squeeze %dma_wait3A_365 : memref<1x128xi32, #tpu.memory_space<vmem>> -> memref<128xi32, #tpu.memory_space<vmem>>
      %dma_wait3A_367 = arith.constant 0 : i32
      %dma_wait3A_368 = arith.constant 0 : i32
      %dma_wait3A_369 = tpu.memref_slice %arg2[%dma_wait3A_367, %dma_wait3A_368] : memref<1007616x32xi32, #tpu.memory_space<hbm>> -> memref<1007616x32xi32, #tpu.memory_space<hbm>>
      tpu.wait_indirect_dma semaphore(%arg10 : memref<!tpu.dma_semaphore, #tpu.memory_space<semaphore_mem>>) src(%dma_wait3A_369 : memref<1007616x32xi32, #tpu.memory_space<hbm>>) dst(%dma_wait3A_363 : memref<128x32xi32, #tpu.memory_space<vmem>>)
      %dma_wait3A_370 = arith.constant 3 : i32
      %dma_wait3A_371 = arith.constant 3 : i32
      %dma_wait3A_372 = arith.constant 0 : i32
      %dma_wait3A_373 = arith.constant 0 : i32
      %dma_wait3A_374 = tpu.memref_slice %arg6[%dma_wait3A_371, %dma_wait3A_372, %dma_wait3A_373] : memref<4x128x32xi32, #tpu.memory_space<vmem>> -> memref<1x128x32xi32, #tpu.memory_space<vmem>>
      %dma_wait3A_375 = tpu.memref_squeeze %dma_wait3A_374 : memref<1x128x32xi32, #tpu.memory_space<vmem>> -> memref<128x32xi32, #tpu.memory_space<vmem>>
      %dma_wait3A_376 = arith.constant 0 : i32
      %dma_wait3A_377 = tpu.memref_slice %arg5[%dma_wait3A_370, %dma_wait3A_376] : memref<200x128xi32, #tpu.memory_space<vmem>> -> memref<1x128xi32, #tpu.memory_space<vmem>>
      %dma_wait3A_378 = tpu.memref_squeeze %dma_wait3A_377 : memref<1x128xi32, #tpu.memory_space<vmem>> -> memref<128xi32, #tpu.memory_space<vmem>>
      %dma_wait3A_379 = arith.constant 0 : i32
      %dma_wait3A_380 = arith.constant 0 : i32
      %dma_wait3A_381 = tpu.memref_slice %arg2[%dma_wait3A_379, %dma_wait3A_380] : memref<1007616x32xi32, #tpu.memory_space<hbm>> -> memref<1007616x32xi32, #tpu.memory_space<hbm>>
      tpu.wait_indirect_dma semaphore(%arg10 : memref<!tpu.dma_semaphore, #tpu.memory_space<semaphore_mem>>) src(%dma_wait3A_381 : memref<1007616x32xi32, #tpu.memory_space<hbm>>) dst(%dma_wait3A_375 : memref<128x32xi32, #tpu.memory_space<vmem>>)
      %gt3A = arith.constant 0 : i32
      %gt3A_382 = arith.cmpi sgt, %scan3A_295, %gt3A : i32
      %convert_element_type3A = arith.extui %gt3A_382 : i1 to i32
      %cond3A = arith.constant 0 : i32
      %cond3A_383 = arith.cmpi ne, %convert_element_type3A, %cond3A : i32
      scf.if %cond3A_383 {
        %dma_wait3A_680 = arith.constant 0 : i32
        %dma_wait3A_681 = tpu.memref_slice %arg8[%dma_wait3A_680] : memref<33024xf32, #tpu.memory_space<vmem>> -> memref<4096xf32, #tpu.memory_space<vmem>>
        %dma_wait3A_682 = arith.constant 0 : i32
        %dma_wait3A_683 = tpu.memref_slice %arg4[%dma_wait3A_682] : memref<52428800xf32, #tpu.memory_space<hbm>> -> memref<4096xf32, #tpu.memory_space<hbm>>
        %dma_wait3A_684 = arith.constant 0 : i32
        %dma_wait3A_685 = tpu.memref_slice %arg4[%dma_wait3A_684] : memref<52428800xf32, #tpu.memory_space<hbm>> -> memref<4096xf32, #tpu.memory_space<hbm>>
        %dma_wait3A_686 = arith.constant 0 : i32
        %dma_wait3A_687 = tpu.memref_slice %arg8[%dma_wait3A_686] : memref<33024xf32, #tpu.memory_space<vmem>> -> memref<4096xf32, #tpu.memory_space<vmem>>
        tpu.wait_dma2 semaphore(%arg12 : memref<!tpu.dma_semaphore, #tpu.memory_space<semaphore_mem>>) src(%dma_wait3A_687 : memref<4096xf32, #tpu.memory_space<vmem>>) dst(%dma_wait3A_685 : memref<4096xf32, #tpu.memory_space<hbm>>)
        %dma_wait3A_688 = arith.constant 4128 : i32
        %dma_wait3A_689 = tpu.memref_slice %arg8[%dma_wait3A_688] : memref<33024xf32, #tpu.memory_space<vmem>> -> memref<4096xf32, #tpu.memory_space<vmem>>
        %dma_wait3A_690 = arith.constant 0 : i32
        %dma_wait3A_691 = tpu.memref_slice %arg4[%dma_wait3A_690] : memref<52428800xf32, #tpu.memory_space<hbm>> -> memref<4096xf32, #tpu.memory_space<hbm>>
        %dma_wait3A_692 = arith.constant 0 : i32
        %dma_wait3A_693 = tpu.memref_slice %arg4[%dma_wait3A_692] : memref<52428800xf32, #tpu.memory_space<hbm>> -> memref<4096xf32, #tpu.memory_space<hbm>>
        %dma_wait3A_694 = arith.constant 4128 : i32
        %dma_wait3A_695 = tpu.memref_slice %arg8[%dma_wait3A_694] : memref<33024xf32, #tpu.memory_space<vmem>> -> memref<4096xf32, #tpu.memory_space<vmem>>
        tpu.wait_dma2 semaphore(%arg12 : memref<!tpu.dma_semaphore, #tpu.memory_space<semaphore_mem>>) src(%dma_wait3A_695 : memref<4096xf32, #tpu.memory_space<vmem>>) dst(%dma_wait3A_693 : memref<4096xf32, #tpu.memory_space<hbm>>)
        %dma_wait3A_696 = arith.constant 8256 : i32
        %dma_wait3A_697 = tpu.memref_slice %arg8[%dma_wait3A_696] : memref<33024xf32, #tpu.memory_space<vmem>> -> memref<4096xf32, #tpu.memory_space<vmem>>
        %dma_wait3A_698 = arith.constant 0 : i32
        %dma_wait3A_699 = tpu.memref_slice %arg4[%dma_wait3A_698] : memref<52428800xf32, #tpu.memory_space<hbm>> -> memref<4096xf32, #tpu.memory_space<hbm>>
        %dma_wait3A_700 = arith.constant 0 : i32
        %dma_wait3A_701 = tpu.memref_slice %arg4[%dma_wait3A_700] : memref<52428800xf32, #tpu.memory_space<hbm>> -> memref<4096xf32, #tpu.memory_space<hbm>>
        %dma_wait3A_702 = arith.constant 8256 : i32
        %dma_wait3A_703 = tpu.memref_slice %arg8[%dma_wait3A_702] : memref<33024xf32, #tpu.memory_space<vmem>> -> memref<4096xf32, #tpu.memory_space<vmem>>
        tpu.wait_dma2 semaphore(%arg12 : memref<!tpu.dma_semaphore, #tpu.memory_space<semaphore_mem>>) src(%dma_wait3A_703 : memref<4096xf32, #tpu.memory_space<vmem>>) dst(%dma_wait3A_701 : memref<4096xf32, #tpu.memory_space<hbm>>)
        %dma_wait3A_704 = arith.constant 12384 : i32
        %dma_wait3A_705 = tpu.memref_slice %arg8[%dma_wait3A_704] : memref<33024xf32, #tpu.memory_space<vmem>> -> memref<4096xf32, #tpu.memory_space<vmem>>
        %dma_wait3A_706 = arith.constant 0 : i32
        %dma_wait3A_707 = tpu.memref_slice %arg4[%dma_wait3A_706] : memref<52428800xf32, #tpu.memory_space<hbm>> -> memref<4096xf32, #tpu.memory_space<hbm>>
        %dma_wait3A_708 = arith.constant 0 : i32
        %dma_wait3A_709 = tpu.memref_slice %arg4[%dma_wait3A_708] : memref<52428800xf32, #tpu.memory_space<hbm>> -> memref<4096xf32, #tpu.memory_space<hbm>>
        %dma_wait3A_710 = arith.constant 12384 : i32
        %dma_wait3A_711 = tpu.memref_slice %arg8[%dma_wait3A_710] : memref<33024xf32, #tpu.memory_space<vmem>> -> memref<4096xf32, #tpu.memory_space<vmem>>
        tpu.wait_dma2 semaphore(%arg12 : memref<!tpu.dma_semaphore, #tpu.memory_space<semaphore_mem>>) src(%dma_wait3A_711 : memref<4096xf32, #tpu.memory_space<vmem>>) dst(%dma_wait3A_709 : memref<4096xf32, #tpu.memory_space<hbm>>)
        %dma_wait3A_712 = arith.constant 16512 : i32
        %dma_wait3A_713 = tpu.memref_slice %arg8[%dma_wait3A_712] : memref<33024xf32, #tpu.memory_space<vmem>> -> memref<4096xf32, #tpu.memory_space<vmem>>
        %dma_wait3A_714 = arith.constant 0 : i32
        %dma_wait3A_715 = tpu.memref_slice %arg4[%dma_wait3A_714] : memref<52428800xf32, #tpu.memory_space<hbm>> -> memref<4096xf32, #tpu.memory_space<hbm>>
        %dma_wait3A_716 = arith.constant 0 : i32
        %dma_wait3A_717 = tpu.memref_slice %arg4[%dma_wait3A_716] : memref<52428800xf32, #tpu.memory_space<hbm>> -> memref<4096xf32, #tpu.memory_space<hbm>>
        %dma_wait3A_718 = arith.constant 16512 : i32
        %dma_wait3A_719 = tpu.memref_slice %arg8[%dma_wait3A_718] : memref<33024xf32, #tpu.memory_space<vmem>> -> memref<4096xf32, #tpu.memory_space<vmem>>
        tpu.wait_dma2 semaphore(%arg12 : memref<!tpu.dma_semaphore, #tpu.memory_space<semaphore_mem>>) src(%dma_wait3A_719 : memref<4096xf32, #tpu.memory_space<vmem>>) dst(%dma_wait3A_717 : memref<4096xf32, #tpu.memory_space<hbm>>)
        %dma_wait3A_720 = arith.constant 20640 : i32
        %dma_wait3A_721 = tpu.memref_slice %arg8[%dma_wait3A_720] : memref<33024xf32, #tpu.memory_space<vmem>> -> memref<4096xf32, #tpu.memory_space<vmem>>
        %dma_wait3A_722 = arith.constant 0 : i32
        %dma_wait3A_723 = tpu.memref_slice %arg4[%dma_wait3A_722] : memref<52428800xf32, #tpu.memory_space<hbm>> -> memref<4096xf32, #tpu.memory_space<hbm>>
        %dma_wait3A_724 = arith.constant 0 : i32
        %dma_wait3A_725 = tpu.memref_slice %arg4[%dma_wait3A_724] : memref<52428800xf32, #tpu.memory_space<hbm>> -> memref<4096xf32, #tpu.memory_space<hbm>>
        %dma_wait3A_726 = arith.constant 20640 : i32
        %dma_wait3A_727 = tpu.memref_slice %arg8[%dma_wait3A_726] : memref<33024xf32, #tpu.memory_space<vmem>> -> memref<4096xf32, #tpu.memory_space<vmem>>
        tpu.wait_dma2 semaphore(%arg12 : memref<!tpu.dma_semaphore, #tpu.memory_space<semaphore_mem>>) src(%dma_wait3A_727 : memref<4096xf32, #tpu.memory_space<vmem>>) dst(%dma_wait3A_725 : memref<4096xf32, #tpu.memory_space<hbm>>)
        %dma_wait3A_728 = arith.constant 24768 : i32
        %dma_wait3A_729 = tpu.memref_slice %arg8[%dma_wait3A_728] : memref<33024xf32, #tpu.memory_space<vmem>> -> memref<4096xf32, #tpu.memory_space<vmem>>
        %dma_wait3A_730 = arith.constant 0 : i32
        %dma_wait3A_731 = tpu.memref_slice %arg4[%dma_wait3A_730] : memref<52428800xf32, #tpu.memory_space<hbm>> -> memref<4096xf32, #tpu.memory_space<hbm>>
        %dma_wait3A_732 = arith.constant 0 : i32
        %dma_wait3A_733 = tpu.memref_slice %arg4[%dma_wait3A_732] : memref<52428800xf32, #tpu.memory_space<hbm>> -> memref<4096xf32, #tpu.memory_space<hbm>>
        %dma_wait3A_734 = arith.constant 24768 : i32
        %dma_wait3A_735 = tpu.memref_slice %arg8[%dma_wait3A_734] : memref<33024xf32, #tpu.memory_space<vmem>> -> memref<4096xf32, #tpu.memory_space<vmem>>
        tpu.wait_dma2 semaphore(%arg12 : memref<!tpu.dma_semaphore, #tpu.memory_space<semaphore_mem>>) src(%dma_wait3A_735 : memref<4096xf32, #tpu.memory_space<vmem>>) dst(%dma_wait3A_733 : memref<4096xf32, #tpu.memory_space<hbm>>)
        %dma_wait3A_736 = arith.constant 28896 : i32
        %dma_wait3A_737 = tpu.memref_slice %arg8[%dma_wait3A_736] : memref<33024xf32, #tpu.memory_space<vmem>> -> memref<4096xf32, #tpu.memory_space<vmem>>
        %dma_wait3A_738 = arith.constant 0 : i32
        %dma_wait3A_739 = tpu.memref_slice %arg4[%dma_wait3A_738] : memref<52428800xf32, #tpu.memory_space<hbm>> -> memref<4096xf32, #tpu.memory_space<hbm>>
        %dma_wait3A_740 = arith.constant 0 : i32
        %dma_wait3A_741 = tpu.memref_slice %arg4[%dma_wait3A_740] : memref<52428800xf32, #tpu.memory_space<hbm>> -> memref<4096xf32, #tpu.memory_space<hbm>>
        %dma_wait3A_742 = arith.constant 28896 : i32
        %dma_wait3A_743 = tpu.memref_slice %arg8[%dma_wait3A_742] : memref<33024xf32, #tpu.memory_space<vmem>> -> memref<4096xf32, #tpu.memory_space<vmem>>
        tpu.wait_dma2 semaphore(%arg12 : memref<!tpu.dma_semaphore, #tpu.memory_space<semaphore_mem>>) src(%dma_wait3A_743 : memref<4096xf32, #tpu.memory_space<vmem>>) dst(%dma_wait3A_741 : memref<4096xf32, #tpu.memory_space<hbm>>)
      } else {
      }
      %scan3A_384 = arith.constant 0 : i32
      %scan3A_385 = arith.constant 0 : i32
      %scan3A_386 = arith.constant 128 : i32
      %scan3A_387 = arith.addi %scan3A_385, %scan3A_386 : i32
      %scan3A_388 = arith.constant 4 : i32
      scf.for %scan3A_680 = %scan3A_385 to %scan3A_387 step %scan3A_388  : i32 {
        %add3A_681 = arith.constant 0 : i32
        %add3A_682 = arith.addi %add3A_681, %scan3A_680 : i32
        %get3A = arith.constant 0 : i32
        %get3A_683 = arith.index_cast %get3A : i32 to index
        %get3A_684 = arith.index_cast %scan3A_680 : i32 to index
        %get3A_685 = arith.constant 0 : index
        %get3A_686 = tpu.vector_load %arg6[%get3A_683, %get3A_684, %get3A_685] {strides = array<i32>} : memref<4x128x32xi32, #tpu.memory_space<vmem>>, vector<16xi32>,
        %shift_left3A = arith.constant 13 : i32
        %shift_left3A_687 = vector.broadcast %shift_left3A : i32 to vector<16xi32>
        %shift_left3A_688 = arith.shli %get3A_686, %shift_left3A_687 : vector<16xi32>
        %and3A_689 = arith.constant 268427264 : i32
        %and3A_690 = vector.broadcast %and3A_689 : i32 to vector<16xi32>
        %and3A_691 = arith.andi %shift_left3A_688, %and3A_690 : vector<16xi32>
        %shift_left3A_692 = arith.constant 16 : i32
        %shift_left3A_693 = vector.broadcast %shift_left3A_692 : i32 to vector<16xi32>
        %shift_left3A_694 = arith.shli %get3A_686, %shift_left3A_693 : vector<16xi32>
        %and3A_695 = arith.constant -2147483648 : i32
        %and3A_696 = vector.broadcast %and3A_695 : i32 to vector<16xi32>
        %and3A_697 = arith.andi %shift_left3A_694, %and3A_696 : vector<16xi32>
        %or3A = arith.ori %and3A_691, %and3A_697 : vector<16xi32>
        %bitcast_convert_type3A = tpu.bitcast %or3A : vector<16xi32> -> vector<16xf32>
        %mul3A_698 = arith.constant 5.19229686E+33 : f32
        %mul3A_699 = vector.broadcast %mul3A_698 : f32 to vector<16xf32>
        %mul3A_700 = arith.mulf %bitcast_convert_type3A, %mul3A_699 : vector<16xf32>
        %shift_right_arithmetic3A_701 = arith.constant 3 : i32
        %shift_right_arithmetic3A_702 = vector.broadcast %shift_right_arithmetic3A_701 : i32 to vector<16xi32>
        %shift_right_arithmetic3A_703 = arith.shrsi %get3A_686, %shift_right_arithmetic3A_702 : vector<16xi32>
        %and3A_704 = arith.constant 268427264 : i32
        %and3A_705 = vector.broadcast %and3A_704 : i32 to vector<16xi32>
        %and3A_706 = arith.andi %shift_right_arithmetic3A_703, %and3A_705 : vector<16xi32>
        %and3A_707 = arith.constant -2147483648 : i32
        %and3A_708 = vector.broadcast %and3A_707 : i32 to vector<16xi32>
        %and3A_709 = arith.andi %get3A_686, %and3A_708 : vector<16xi32>
        %or3A_710 = arith.ori %and3A_706, %and3A_709 : vector<16xi32>
        %bitcast_convert_type3A_711 = tpu.bitcast %or3A_710 : vector<16xi32> -> vector<16xf32>
        %mul3A_712 = arith.constant 5.19229686E+33 : f32
        %mul3A_713 = vector.broadcast %mul3A_712 : f32 to vector<16xf32>
        %mul3A_714 = arith.mulf %bitcast_convert_type3A_711, %mul3A_713 : vector<16xf32>
        %add3A_715 = vector.broadcast %add3A_682 : i32 to vector<16xi32>
        %add3A_716 = arith.addi %add3A_19, %add3A_715 : vector<16xi32>
        tpu.vector_store_idx %arg8[%add3A_716], %mul3A_700 : memref<33024xf32, #tpu.memory_space<vmem>>[vector<16xi32>], vector<16xf32>,
        %add3A_717 = vector.broadcast %add3A_682 : i32 to vector<16xi32>
        %add3A_718 = arith.addi %add3A_35, %add3A_717 : vector<16xi32>
        tpu.vector_store_idx %arg8[%add3A_718], %mul3A_714 : memref<33024xf32, #tpu.memory_space<vmem>>[vector<16xi32>], vector<16xf32>,
        %get3A_719 = arith.constant 0 : i32
        %get3A_720 = arith.index_cast %get3A_719 : i32 to index
        %get3A_721 = arith.index_cast %scan3A_680 : i32 to index
        %get3A_722 = arith.constant 16 : index
        %get3A_723 = tpu.vector_load %arg6[%get3A_720, %get3A_721, %get3A_722] {strides = array<i32>} : memref<4x128x32xi32, #tpu.memory_space<vmem>>, vector<16xi32>,
        %shift_left3A_724 = arith.constant 13 : i32
        %shift_left3A_725 = vector.broadcast %shift_left3A_724 : i32 to vector<16xi32>
        %shift_left3A_726 = arith.shli %get3A_723, %shift_left3A_725 : vector<16xi32>
        %and3A_727 = arith.constant 268427264 : i32
        %and3A_728 = vector.broadcast %and3A_727 : i32 to vector<16xi32>
        %and3A_729 = arith.andi %shift_left3A_726, %and3A_728 : vector<16xi32>
        %shift_left3A_730 = arith.constant 16 : i32
        %shift_left3A_731 = vector.broadcast %shift_left3A_730 : i32 to vector<16xi32>
        %shift_left3A_732 = arith.shli %get3A_723, %shift_left3A_731 : vector<16xi32>
        %and3A_733 = arith.constant -2147483648 : i32
        %and3A_734 = vector.broadcast %and3A_733 : i32 to vector<16xi32>
        %and3A_735 = arith.andi %shift_left3A_732, %and3A_734 : vector<16xi32>
        %or3A_736 = arith.ori %and3A_729, %and3A_735 : vector<16xi32>
        %bitcast_convert_type3A_737 = tpu.bitcast %or3A_736 : vector<16xi32> -> vector<16xf32>
        %mul3A_738 = arith.constant 5.19229686E+33 : f32
        %mul3A_739 = vector.broadcast %mul3A_738 : f32 to vector<16xf32>
        %mul3A_740 = arith.mulf %bitcast_convert_type3A_737, %mul3A_739 : vector<16xf32>
        %shift_right_arithmetic3A_741 = arith.constant 3 : i32
        %shift_right_arithmetic3A_742 = vector.broadcast %shift_right_arithmetic3A_741 : i32 to vector<16xi32>
        %shift_right_arithmetic3A_743 = arith.shrsi %get3A_723, %shift_right_arithmetic3A_742 : vector<16xi32>
        %and3A_744 = arith.constant 268427264 : i32
        %and3A_745 = vector.broadcast %and3A_744 : i32 to vector<16xi32>
        %and3A_746 = arith.andi %shift_right_arithmetic3A_743, %and3A_745 : vector<16xi32>
        %and3A_747 = arith.constant -2147483648 : i32
        %and3A_748 = vector.broadcast %and3A_747 : i32 to vector<16xi32>
        %and3A_749 = arith.andi %get3A_723, %and3A_748 : vector<16xi32>
        %or3A_750 = arith.ori %and3A_746, %and3A_749 : vector<16xi32>
        %bitcast_convert_type3A_751 = tpu.bitcast %or3A_750 : vector<16xi32> -> vector<16xf32>
        %mul3A_752 = arith.constant 5.19229686E+33 : f32
        %mul3A_753 = vector.broadcast %mul3A_752 : f32 to vector<16xf32>
        %mul3A_754 = arith.mulf %bitcast_convert_type3A_751, %mul3A_753 : vector<16xf32>
        %add3A_755 = vector.broadcast %add3A_682 : i32 to vector<16xi32>
        %add3A_756 = arith.addi %add3A_51, %add3A_755 : vector<16xi32>
        tpu.vector_store_idx %arg8[%add3A_756], %mul3A_740 : memref<33024xf32, #tpu.memory_space<vmem>>[vector<16xi32>], vector<16xf32>,
        %add3A_757 = vector.broadcast %add3A_682 : i32 to vector<16xi32>
        %add3A_758 = arith.addi %add3A_67, %add3A_757 : vector<16xi32>
        tpu.vector_store_idx %arg8[%add3A_758], %mul3A_754 : memref<33024xf32, #tpu.memory_space<vmem>>[vector<16xi32>], vector<16xf32>,
        %scan3A_759 = arith.constant 1 : i32
        %scan3A_760 = arith.addi %scan3A_680, %scan3A_759 : i32
        %add3A_761 = arith.constant 0 : i32
        %add3A_762 = arith.addi %add3A_761, %scan3A_760 : i32
        %get3A_763 = arith.constant 0 : i32
        %get3A_764 = arith.index_cast %get3A_763 : i32 to index
        %get3A_765 = arith.index_cast %scan3A_760 : i32 to index
        %get3A_766 = arith.constant 0 : index
        %get3A_767 = tpu.vector_load %arg6[%get3A_764, %get3A_765, %get3A_766] {strides = array<i32>} : memref<4x128x32xi32, #tpu.memory_space<vmem>>, vector<16xi32>,
        %shift_left3A_768 = arith.constant 13 : i32
        %shift_left3A_769 = vector.broadcast %shift_left3A_768 : i32 to vector<16xi32>
        %shift_left3A_770 = arith.shli %get3A_767, %shift_left3A_769 : vector<16xi32>
        %and3A_771 = arith.constant 268427264 : i32
        %and3A_772 = vector.broadcast %and3A_771 : i32 to vector<16xi32>
        %and3A_773 = arith.andi %shift_left3A_770, %and3A_772 : vector<16xi32>
        %shift_left3A_774 = arith.constant 16 : i32
        %shift_left3A_775 = vector.broadcast %shift_left3A_774 : i32 to vector<16xi32>
        %shift_left3A_776 = arith.shli %get3A_767, %shift_left3A_775 : vector<16xi32>
        %and3A_777 = arith.constant -2147483648 : i32
        %and3A_778 = vector.broadcast %and3A_777 : i32 to vector<16xi32>
        %and3A_779 = arith.andi %shift_left3A_776, %and3A_778 : vector<16xi32>
        %or3A_780 = arith.ori %and3A_773, %and3A_779 : vector<16xi32>
        %bitcast_convert_type3A_781 = tpu.bitcast %or3A_780 : vector<16xi32> -> vector<16xf32>
        %mul3A_782 = arith.constant 5.19229686E+33 : f32
        %mul3A_783 = vector.broadcast %mul3A_782 : f32 to vector<16xf32>
        %mul3A_784 = arith.mulf %bitcast_convert_type3A_781, %mul3A_783 : vector<16xf32>
        %shift_right_arithmetic3A_785 = arith.constant 3 : i32
        %shift_right_arithmetic3A_786 = vector.broadcast %shift_right_arithmetic3A_785 : i32 to vector<16xi32>
        %shift_right_arithmetic3A_787 = arith.shrsi %get3A_767, %shift_right_arithmetic3A_786 : vector<16xi32>
        %and3A_788 = arith.constant 268427264 : i32
        %and3A_789 = vector.broadcast %and3A_788 : i32 to vector<16xi32>
        %and3A_790 = arith.andi %shift_right_arithmetic3A_787, %and3A_789 : vector<16xi32>
        %and3A_791 = arith.constant -2147483648 : i32
        %and3A_792 = vector.broadcast %and3A_791 : i32 to vector<16xi32>
        %and3A_793 = arith.andi %get3A_767, %and3A_792 : vector<16xi32>
        %or3A_794 = arith.ori %and3A_790, %and3A_793 : vector<16xi32>
        %bitcast_convert_type3A_795 = tpu.bitcast %or3A_794 : vector<16xi32> -> vector<16xf32>
        %mul3A_796 = arith.constant 5.19229686E+33 : f32
        %mul3A_797 = vector.broadcast %mul3A_796 : f32 to vector<16xf32>
        %mul3A_798 = arith.mulf %bitcast_convert_type3A_795, %mul3A_797 : vector<16xf32>
        %add3A_799 = vector.broadcast %add3A_762 : i32 to vector<16xi32>
        %add3A_800 = arith.addi %add3A_19, %add3A_799 : vector<16xi32>
        tpu.vector_store_idx %arg8[%add3A_800], %mul3A_784 : memref<33024xf32, #tpu.memory_space<vmem>>[vector<16xi32>], vector<16xf32>,
        %add3A_801 = vector.broadcast %add3A_762 : i32 to vector<16xi32>
        %add3A_802 = arith.addi %add3A_35, %add3A_801 : vector<16xi32>
        tpu.vector_store_idx %arg8[%add3A_802], %mul3A_798 : memref<33024xf32, #tpu.memory_space<vmem>>[vector<16xi32>], vector<16xf32>,
        %get3A_803 = arith.constant 0 : i32
        %get3A_804 = arith.index_cast %get3A_803 : i32 to index
        %get3A_805 = arith.index_cast %scan3A_760 : i32 to index
        %get3A_806 = arith.constant 16 : index
        %get3A_807 = tpu.vector_load %arg6[%get3A_804, %get3A_805, %get3A_806] {strides = array<i32>} : memref<4x128x32xi32, #tpu.memory_space<vmem>>, vector<16xi32>,
        %shift_left3A_808 = arith.constant 13 : i32
        %shift_left3A_809 = vector.broadcast %shift_left3A_808 : i32 to vector<16xi32>
        %shift_left3A_810 = arith.shli %get3A_807, %shift_left3A_809 : vector<16xi32>
        %and3A_811 = arith.constant 268427264 : i32
        %and3A_812 = vector.broadcast %and3A_811 : i32 to vector<16xi32>
        %and3A_813 = arith.andi %shift_left3A_810, %and3A_812 : vector<16xi32>
        %shift_left3A_814 = arith.constant 16 : i32
        %shift_left3A_815 = vector.broadcast %shift_left3A_814 : i32 to vector<16xi32>
        %shift_left3A_816 = arith.shli %get3A_807, %shift_left3A_815 : vector<16xi32>
        %and3A_817 = arith.constant -2147483648 : i32
        %and3A_818 = vector.broadcast %and3A_817 : i32 to vector<16xi32>
        %and3A_819 = arith.andi %shift_left3A_816, %and3A_818 : vector<16xi32>
        %or3A_820 = arith.ori %and3A_813, %and3A_819 : vector<16xi32>
        %bitcast_convert_type3A_821 = tpu.bitcast %or3A_820 : vector<16xi32> -> vector<16xf32>
        %mul3A_822 = arith.constant 5.19229686E+33 : f32
        %mul3A_823 = vector.broadcast %mul3A_822 : f32 to vector<16xf32>
        %mul3A_824 = arith.mulf %bitcast_convert_type3A_821, %mul3A_823 : vector<16xf32>
        %shift_right_arithmetic3A_825 = arith.constant 3 : i32
        %shift_right_arithmetic3A_826 = vector.broadcast %shift_right_arithmetic3A_825 : i32 to vector<16xi32>
        %shift_right_arithmetic3A_827 = arith.shrsi %get3A_807, %shift_right_arithmetic3A_826 : vector<16xi32>
        %and3A_828 = arith.constant 268427264 : i32
        %and3A_829 = vector.broadcast %and3A_828 : i32 to vector<16xi32>
        %and3A_830 = arith.andi %shift_right_arithmetic3A_827, %and3A_829 : vector<16xi32>
        %and3A_831 = arith.constant -2147483648 : i32
        %and3A_832 = vector.broadcast %and3A_831 : i32 to vector<16xi32>
        %and3A_833 = arith.andi %get3A_807, %and3A_832 : vector<16xi32>
        %or3A_834 = arith.ori %and3A_830, %and3A_833 : vector<16xi32>
        %bitcast_convert_type3A_835 = tpu.bitcast %or3A_834 : vector<16xi32> -> vector<16xf32>
        %mul3A_836 = arith.constant 5.19229686E+33 : f32
        %mul3A_837 = vector.broadcast %mul3A_836 : f32 to vector<16xf32>
        %mul3A_838 = arith.mulf %bitcast_convert_type3A_835, %mul3A_837 : vector<16xf32>
        %add3A_839 = vector.broadcast %add3A_762 : i32 to vector<16xi32>
        %add3A_840 = arith.addi %add3A_51, %add3A_839 : vector<16xi32>
        tpu.vector_store_idx %arg8[%add3A_840], %mul3A_824 : memref<33024xf32, #tpu.memory_space<vmem>>[vector<16xi32>], vector<16xf32>,
        %add3A_841 = vector.broadcast %add3A_762 : i32 to vector<16xi32>
        %add3A_842 = arith.addi %add3A_67, %add3A_841 : vector<16xi32>
        tpu.vector_store_idx %arg8[%add3A_842], %mul3A_838 : memref<33024xf32, #tpu.memory_space<vmem>>[vector<16xi32>], vector<16xf32>,
        %scan3A_843 = arith.constant 2 : i32
        %scan3A_844 = arith.addi %scan3A_680, %scan3A_843 : i32
        %add3A_845 = arith.constant 0 : i32
        %add3A_846 = arith.addi %add3A_845, %scan3A_844 : i32
        %get3A_847 = arith.constant 0 : i32
        %get3A_848 = arith.index_cast %get3A_847 : i32 to index
        %get3A_849 = arith.index_cast %scan3A_844 : i32 to index
        %get3A_850 = arith.constant 0 : index
        %get3A_851 = tpu.vector_load %arg6[%get3A_848, %get3A_849, %get3A_850] {strides = array<i32>} : memref<4x128x32xi32, #tpu.memory_space<vmem>>, vector<16xi32>,
        %shift_left3A_852 = arith.constant 13 : i32
        %shift_left3A_853 = vector.broadcast %shift_left3A_852 : i32 to vector<16xi32>
        %shift_left3A_854 = arith.shli %get3A_851, %shift_left3A_853 : vector<16xi32>
        %and3A_855 = arith.constant 268427264 : i32
        %and3A_856 = vector.broadcast %and3A_855 : i32 to vector<16xi32>
        %and3A_857 = arith.andi %shift_left3A_854, %and3A_856 : vector<16xi32>
        %shift_left3A_858 = arith.constant 16 : i32
        %shift_left3A_859 = vector.broadcast %shift_left3A_858 : i32 to vector<16xi32>
        %shift_left3A_860 = arith.shli %get3A_851, %shift_left3A_859 : vector<16xi32>
        %and3A_861 = arith.constant -2147483648 : i32
        %and3A_862 = vector.broadcast %and3A_861 : i32 to vector<16xi32>
        %and3A_863 = arith.andi %shift_left3A_860, %and3A_862 : vector<16xi32>
        %or3A_864 = arith.ori %and3A_857, %and3A_863 : vector<16xi32>
        %bitcast_convert_type3A_865 = tpu.bitcast %or3A_864 : vector<16xi32> -> vector<16xf32>
        %mul3A_866 = arith.constant 5.19229686E+33 : f32
        %mul3A_867 = vector.broadcast %mul3A_866 : f32 to vector<16xf32>
        %mul3A_868 = arith.mulf %bitcast_convert_type3A_865, %mul3A_867 : vector<16xf32>
        %shift_right_arithmetic3A_869 = arith.constant 3 : i32
        %shift_right_arithmetic3A_870 = vector.broadcast %shift_right_arithmetic3A_869 : i32 to vector<16xi32>
        %shift_right_arithmetic3A_871 = arith.shrsi %get3A_851, %shift_right_arithmetic3A_870 : vector<16xi32>
        %and3A_872 = arith.constant 268427264 : i32
        %and3A_873 = vector.broadcast %and3A_872 : i32 to vector<16xi32>
        %and3A_874 = arith.andi %shift_right_arithmetic3A_871, %and3A_873 : vector<16xi32>
        %and3A_875 = arith.constant -2147483648 : i32
        %and3A_876 = vector.broadcast %and3A_875 : i32 to vector<16xi32>
        %and3A_877 = arith.andi %get3A_851, %and3A_876 : vector<16xi32>
        %or3A_878 = arith.ori %and3A_874, %and3A_877 : vector<16xi32>
        %bitcast_convert_type3A_879 = tpu.bitcast %or3A_878 : vector<16xi32> -> vector<16xf32>
        %mul3A_880 = arith.constant 5.19229686E+33 : f32
        %mul3A_881 = vector.broadcast %mul3A_880 : f32 to vector<16xf32>
        %mul3A_882 = arith.mulf %bitcast_convert_type3A_879, %mul3A_881 : vector<16xf32>
        %add3A_883 = vector.broadcast %add3A_846 : i32 to vector<16xi32>
        %add3A_884 = arith.addi %add3A_19, %add3A_883 : vector<16xi32>
        tpu.vector_store_idx %arg8[%add3A_884], %mul3A_868 : memref<33024xf32, #tpu.memory_space<vmem>>[vector<16xi32>], vector<16xf32>,
        %add3A_885 = vector.broadcast %add3A_846 : i32 to vector<16xi32>
        %add3A_886 = arith.addi %add3A_35, %add3A_885 : vector<16xi32>
        tpu.vector_store_idx %arg8[%add3A_886], %mul3A_882 : memref<33024xf32, #tpu.memory_space<vmem>>[vector<16xi32>], vector<16xf32>,
        %get3A_887 = arith.constant 0 : i32
        %get3A_888 = arith.index_cast %get3A_887 : i32 to index
        %get3A_889 = arith.index_cast %scan3A_844 : i32 to index
        %get3A_890 = arith.constant 16 : index
        %get3A_891 = tpu.vector_load %arg6[%get3A_888, %get3A_889, %get3A_890] {strides = array<i32>} : memref<4x128x32xi32, #tpu.memory_space<vmem>>, vector<16xi32>,
        %shift_left3A_892 = arith.constant 13 : i32
        %shift_left3A_893 = vector.broadcast %shift_left3A_892 : i32 to vector<16xi32>
        %shift_left3A_894 = arith.shli %get3A_891, %shift_left3A_893 : vector<16xi32>
        %and3A_895 = arith.constant 268427264 : i32
        %and3A_896 = vector.broadcast %and3A_895 : i32 to vector<16xi32>
        %and3A_897 = arith.andi %shift_left3A_894, %and3A_896 : vector<16xi32>
        %shift_left3A_898 = arith.constant 16 : i32
        %shift_left3A_899 = vector.broadcast %shift_left3A_898 : i32 to vector<16xi32>
        %shift_left3A_900 = arith.shli %get3A_891, %shift_left3A_899 : vector<16xi32>
        %and3A_901 = arith.constant -2147483648 : i32
        %and3A_902 = vector.broadcast %and3A_901 : i32 to vector<16xi32>
        %and3A_903 = arith.andi %shift_left3A_900, %and3A_902 : vector<16xi32>
        %or3A_904 = arith.ori %and3A_897, %and3A_903 : vector<16xi32>
        %bitcast_convert_type3A_905 = tpu.bitcast %or3A_904 : vector<16xi32> -> vector<16xf32>
        %mul3A_906 = arith.constant 5.19229686E+33 : f32
        %mul3A_907 = vector.broadcast %mul3A_906 : f32 to vector<16xf32>
        %mul3A_908 = arith.mulf %bitcast_convert_type3A_905, %mul3A_907 : vector<16xf32>
        %shift_right_arithmetic3A_909 = arith.constant 3 : i32
        %shift_right_arithmetic3A_910 = vector.broadcast %shift_right_arithmetic3A_909 : i32 to vector<16xi32>
        %shift_right_arithmetic3A_911 = arith.shrsi %get3A_891, %shift_right_arithmetic3A_910 : vector<16xi32>
        %and3A_912 = arith.constant 268427264 : i32
        %and3A_913 = vector.broadcast %and3A_912 : i32 to vector<16xi32>
        %and3A_914 = arith.andi %shift_right_arithmetic3A_911, %and3A_913 : vector<16xi32>
        %and3A_915 = arith.constant -2147483648 : i32
        %and3A_916 = vector.broadcast %and3A_915 : i32 to vector<16xi32>
        %and3A_917 = arith.andi %get3A_891, %and3A_916 : vector<16xi32>
        %or3A_918 = arith.ori %and3A_914, %and3A_917 : vector<16xi32>
        %bitcast_convert_type3A_919 = tpu.bitcast %or3A_918 : vector<16xi32> -> vector<16xf32>
        %mul3A_920 = arith.constant 5.19229686E+33 : f32
        %mul3A_921 = vector.broadcast %mul3A_920 : f32 to vector<16xf32>
        %mul3A_922 = arith.mulf %bitcast_convert_type3A_919, %mul3A_921 : vector<16xf32>
        %add3A_923 = vector.broadcast %add3A_846 : i32 to vector<16xi32>
        %add3A_924 = arith.addi %add3A_51, %add3A_923 : vector<16xi32>
        tpu.vector_store_idx %arg8[%add3A_924], %mul3A_908 : memref<33024xf32, #tpu.memory_space<vmem>>[vector<16xi32>], vector<16xf32>,
        %add3A_925 = vector.broadcast %add3A_846 : i32 to vector<16xi32>
        %add3A_926 = arith.addi %add3A_67, %add3A_925 : vector<16xi32>
        tpu.vector_store_idx %arg8[%add3A_926], %mul3A_922 : memref<33024xf32, #tpu.memory_space<vmem>>[vector<16xi32>], vector<16xf32>,
        %scan3A_927 = arith.constant 3 : i32
        %scan3A_928 = arith.addi %scan3A_680, %scan3A_927 : i32
        %add3A_929 = arith.constant 0 : i32
        %add3A_930 = arith.addi %add3A_929, %scan3A_928 : i32
        %get3A_931 = arith.constant 0 : i32
        %get3A_932 = arith.index_cast %get3A_931 : i32 to index
        %get3A_933 = arith.index_cast %scan3A_928 : i32 to index
        %get3A_934 = arith.constant 0 : index
        %get3A_935 = tpu.vector_load %arg6[%get3A_932, %get3A_933, %get3A_934] {strides = array<i32>} : memref<4x128x32xi32, #tpu.memory_space<vmem>>, vector<16xi32>,
        %shift_left3A_936 = arith.constant 13 : i32
        %shift_left3A_937 = vector.broadcast %shift_left3A_936 : i32 to vector<16xi32>
        %shift_left3A_938 = arith.shli %get3A_935, %shift_left3A_937 : vector<16xi32>
        %and3A_939 = arith.constant 268427264 : i32
        %and3A_940 = vector.broadcast %and3A_939 : i32 to vector<16xi32>
        %and3A_941 = arith.andi %shift_left3A_938, %and3A_940 : vector<16xi32>
        %shift_left3A_942 = arith.constant 16 : i32
        %shift_left3A_943 = vector.broadcast %shift_left3A_942 : i32 to vector<16xi32>
        %shift_left3A_944 = arith.shli %get3A_935, %shift_left3A_943 : vector<16xi32>
        %and3A_945 = arith.constant -2147483648 : i32
        %and3A_946 = vector.broadcast %and3A_945 : i32 to vector<16xi32>
        %and3A_947 = arith.andi %shift_left3A_944, %and3A_946 : vector<16xi32>
        %or3A_948 = arith.ori %and3A_941, %and3A_947 : vector<16xi32>
        %bitcast_convert_type3A_949 = tpu.bitcast %or3A_948 : vector<16xi32> -> vector<16xf32>
        %mul3A_950 = arith.constant 5.19229686E+33 : f32
        %mul3A_951 = vector.broadcast %mul3A_950 : f32 to vector<16xf32>
        %mul3A_952 = arith.mulf %bitcast_convert_type3A_949, %mul3A_951 : vector<16xf32>
        %shift_right_arithmetic3A_953 = arith.constant 3 : i32
        %shift_right_arithmetic3A_954 = vector.broadcast %shift_right_arithmetic3A_953 : i32 to vector<16xi32>
        %shift_right_arithmetic3A_955 = arith.shrsi %get3A_935, %shift_right_arithmetic3A_954 : vector<16xi32>
        %and3A_956 = arith.constant 268427264 : i32
        %and3A_957 = vector.broadcast %and3A_956 : i32 to vector<16xi32>
        %and3A_958 = arith.andi %shift_right_arithmetic3A_955, %and3A_957 : vector<16xi32>
        %and3A_959 = arith.constant -2147483648 : i32
        %and3A_960 = vector.broadcast %and3A_959 : i32 to vector<16xi32>
        %and3A_961 = arith.andi %get3A_935, %and3A_960 : vector<16xi32>
        %or3A_962 = arith.ori %and3A_958, %and3A_961 : vector<16xi32>
        %bitcast_convert_type3A_963 = tpu.bitcast %or3A_962 : vector<16xi32> -> vector<16xf32>
        %mul3A_964 = arith.constant 5.19229686E+33 : f32
        %mul3A_965 = vector.broadcast %mul3A_964 : f32 to vector<16xf32>
        %mul3A_966 = arith.mulf %bitcast_convert_type3A_963, %mul3A_965 : vector<16xf32>
        %add3A_967 = vector.broadcast %add3A_930 : i32 to vector<16xi32>
        %add3A_968 = arith.addi %add3A_19, %add3A_967 : vector<16xi32>
        tpu.vector_store_idx %arg8[%add3A_968], %mul3A_952 : memref<33024xf32, #tpu.memory_space<vmem>>[vector<16xi32>], vector<16xf32>,
        %add3A_969 = vector.broadcast %add3A_930 : i32 to vector<16xi32>
        %add3A_970 = arith.addi %add3A_35, %add3A_969 : vector<16xi32>
        tpu.vector_store_idx %arg8[%add3A_970], %mul3A_966 : memref<33024xf32, #tpu.memory_space<vmem>>[vector<16xi32>], vector<16xf32>,
        %get3A_971 = arith.constant 0 : i32
        %get3A_972 = arith.index_cast %get3A_971 : i32 to index
        %get3A_973 = arith.index_cast %scan3A_928 : i32 to index
        %get3A_974 = arith.constant 16 : index
        %get3A_975 = tpu.vector_load %arg6[%get3A_972, %get3A_973, %get3A_974] {strides = array<i32>} : memref<4x128x32xi32, #tpu.memory_space<vmem>>, vector<16xi32>,
        %shift_left3A_976 = arith.constant 13 : i32
        %shift_left3A_977 = vector.broadcast %shift_left3A_976 : i32 to vector<16xi32>
        %shift_left3A_978 = arith.shli %get3A_975, %shift_left3A_977 : vector<16xi32>
        %and3A_979 = arith.constant 268427264 : i32
        %and3A_980 = vector.broadcast %and3A_979 : i32 to vector<16xi32>
        %and3A_981 = arith.andi %shift_left3A_978, %and3A_980 : vector<16xi32>
        %shift_left3A_982 = arith.constant 16 : i32
        %shift_left3A_983 = vector.broadcast %shift_left3A_982 : i32 to vector<16xi32>
        %shift_left3A_984 = arith.shli %get3A_975, %shift_left3A_983 : vector<16xi32>
        %and3A_985 = arith.constant -2147483648 : i32
        %and3A_986 = vector.broadcast %and3A_985 : i32 to vector<16xi32>
        %and3A_987 = arith.andi %shift_left3A_984, %and3A_986 : vector<16xi32>
        %or3A_988 = arith.ori %and3A_981, %and3A_987 : vector<16xi32>
        %bitcast_convert_type3A_989 = tpu.bitcast %or3A_988 : vector<16xi32> -> vector<16xf32>
        %mul3A_990 = arith.constant 5.19229686E+33 : f32
        %mul3A_991 = vector.broadcast %mul3A_990 : f32 to vector<16xf32>
        %mul3A_992 = arith.mulf %bitcast_convert_type3A_989, %mul3A_991 : vector<16xf32>
        %shift_right_arithmetic3A_993 = arith.constant 3 : i32
        %shift_right_arithmetic3A_994 = vector.broadcast %shift_right_arithmetic3A_993 : i32 to vector<16xi32>
        %shift_right_arithmetic3A_995 = arith.shrsi %get3A_975, %shift_right_arithmetic3A_994 : vector<16xi32>
        %and3A_996 = arith.constant 268427264 : i32
        %and3A_997 = vector.broadcast %and3A_996 : i32 to vector<16xi32>
        %and3A_998 = arith.andi %shift_right_arithmetic3A_995, %and3A_997 : vector<16xi32>
        %and3A_999 = arith.constant -2147483648 : i32
        %and3A_1000 = vector.broadcast %and3A_999 : i32 to vector<16xi32>
        %and3A_1001 = arith.andi %get3A_975, %and3A_1000 : vector<16xi32>
        %or3A_1002 = arith.ori %and3A_998, %and3A_1001 : vector<16xi32>
        %bitcast_convert_type3A_1003 = tpu.bitcast %or3A_1002 : vector<16xi32> -> vector<16xf32>
        %mul3A_1004 = arith.constant 5.19229686E+33 : f32
        %mul3A_1005 = vector.broadcast %mul3A_1004 : f32 to vector<16xf32>
        %mul3A_1006 = arith.mulf %bitcast_convert_type3A_1003, %mul3A_1005 : vector<16xf32>
        %add3A_1007 = vector.broadcast %add3A_930 : i32 to vector<16xi32>
        %add3A_1008 = arith.addi %add3A_51, %add3A_1007 : vector<16xi32>
        tpu.vector_store_idx %arg8[%add3A_1008], %mul3A_992 : memref<33024xf32, #tpu.memory_space<vmem>>[vector<16xi32>], vector<16xf32>,
        %add3A_1009 = vector.broadcast %add3A_930 : i32 to vector<16xi32>
        %add3A_1010 = arith.addi %add3A_67, %add3A_1009 : vector<16xi32>
        tpu.vector_store_idx %arg8[%add3A_1010], %mul3A_1006 : memref<33024xf32, #tpu.memory_space<vmem>>[vector<16xi32>], vector<16xf32>,
      }
      %scan3A_389 = arith.constant 128 : i32
      %scan3A_390 = arith.constant 0 : i32
      %scan3A_391 = arith.constant 0 : i32
      %scan3A_392 = arith.constant 128 : i32
      %scan3A_393 = arith.addi %scan3A_391, %scan3A_392 : i32
      %scan3A_394 = arith.constant 4 : i32
      scf.for %scan3A_680 = %scan3A_391 to %scan3A_393 step %scan3A_394  : i32 {
        %add3A_681 = arith.constant 1024 : i32
        %add3A_682 = arith.addi %add3A_681, %scan3A_680 : i32
        %get3A = arith.constant 1 : i32
        %get3A_683 = arith.index_cast %get3A : i32 to index
        %get3A_684 = arith.index_cast %scan3A_680 : i32 to index
        %get3A_685 = arith.constant 0 : index
        %get3A_686 = tpu.vector_load %arg6[%get3A_683, %get3A_684, %get3A_685] {strides = array<i32>} : memref<4x128x32xi32, #tpu.memory_space<vmem>>, vector<16xi32>,
        %shift_left3A = arith.constant 13 : i32
        %shift_left3A_687 = vector.broadcast %shift_left3A : i32 to vector<16xi32>
        %shift_left3A_688 = arith.shli %get3A_686, %shift_left3A_687 : vector<16xi32>
        %and3A_689 = arith.constant 268427264 : i32
        %and3A_690 = vector.broadcast %and3A_689 : i32 to vector<16xi32>
        %and3A_691 = arith.andi %shift_left3A_688, %and3A_690 : vector<16xi32>
        %shift_left3A_692 = arith.constant 16 : i32
        %shift_left3A_693 = vector.broadcast %shift_left3A_692 : i32 to vector<16xi32>
        %shift_left3A_694 = arith.shli %get3A_686, %shift_left3A_693 : vector<16xi32>
        %and3A_695 = arith.constant -2147483648 : i32
        %and3A_696 = vector.broadcast %and3A_695 : i32 to vector<16xi32>
        %and3A_697 = arith.andi %shift_left3A_694, %and3A_696 : vector<16xi32>
        %or3A = arith.ori %and3A_691, %and3A_697 : vector<16xi32>
        %bitcast_convert_type3A = tpu.bitcast %or3A : vector<16xi32> -> vector<16xf32>
        %mul3A_698 = arith.constant 5.19229686E+33 : f32
        %mul3A_699 = vector.broadcast %mul3A_698 : f32 to vector<16xf32>
        %mul3A_700 = arith.mulf %bitcast_convert_type3A, %mul3A_699 : vector<16xf32>
        %shift_right_arithmetic3A_701 = arith.constant 3 : i32
        %shift_right_arithmetic3A_702 = vector.broadcast %shift_right_arithmetic3A_701 : i32 to vector<16xi32>
        %shift_right_arithmetic3A_703 = arith.shrsi %get3A_686, %shift_right_arithmetic3A_702 : vector<16xi32>
        %and3A_704 = arith.constant 268427264 : i32
        %and3A_705 = vector.broadcast %and3A_704 : i32 to vector<16xi32>
        %and3A_706 = arith.andi %shift_right_arithmetic3A_703, %and3A_705 : vector<16xi32>
        %and3A_707 = arith.constant -2147483648 : i32
        %and3A_708 = vector.broadcast %and3A_707 : i32 to vector<16xi32>
        %and3A_709 = arith.andi %get3A_686, %and3A_708 : vector<16xi32>
        %or3A_710 = arith.ori %and3A_706, %and3A_709 : vector<16xi32>
        %bitcast_convert_type3A_711 = tpu.bitcast %or3A_710 : vector<16xi32> -> vector<16xf32>
        %mul3A_712 = arith.constant 5.19229686E+33 : f32
        %mul3A_713 = vector.broadcast %mul3A_712 : f32 to vector<16xf32>
        %mul3A_714 = arith.mulf %bitcast_convert_type3A_711, %mul3A_713 : vector<16xf32>
        %add3A_715 = vector.broadcast %add3A_682 : i32 to vector<16xi32>
        %add3A_716 = arith.addi %add3A_19, %add3A_715 : vector<16xi32>
        tpu.vector_store_idx %arg8[%add3A_716], %mul3A_700 : memref<33024xf32, #tpu.memory_space<vmem>>[vector<16xi32>], vector<16xf32>,
        %add3A_717 = vector.broadcast %add3A_682 : i32 to vector<16xi32>
        %add3A_718 = arith.addi %add3A_35, %add3A_717 : vector<16xi32>
        tpu.vector_store_idx %arg8[%add3A_718], %mul3A_714 : memref<33024xf32, #tpu.memory_space<vmem>>[vector<16xi32>], vector<16xf32>,
        %get3A_719 = arith.constant 1 : i32
        %get3A_720 = arith.index_cast %get3A_719 : i32 to index
        %get3A_721 = arith.index_cast %scan3A_680 : i32 to index
        %get3A_722 = arith.constant 16 : index
        %get3A_723 = tpu.vector_load %arg6[%get3A_720, %get3A_721, %get3A_722] {strides = array<i32>} : memref<4x128x32xi32, #tpu.memory_space<vmem>>, vector<16xi32>,
        %shift_left3A_724 = arith.constant 13 : i32
        %shift_left3A_725 = vector.broadcast %shift_left3A_724 : i32 to vector<16xi32>
        %shift_left3A_726 = arith.shli %get3A_723, %shift_left3A_725 : vector<16xi32>
        %and3A_727 = arith.constant 268427264 : i32
        %and3A_728 = vector.broadcast %and3A_727 : i32 to vector<16xi32>
        %and3A_729 = arith.andi %shift_left3A_726, %and3A_728 : vector<16xi32>
        %shift_left3A_730 = arith.constant 16 : i32
        %shift_left3A_731 = vector.broadcast %shift_left3A_730 : i32 to vector<16xi32>
        %shift_left3A_732 = arith.shli %get3A_723, %shift_left3A_731 : vector<16xi32>
        %and3A_733 = arith.constant -2147483648 : i32
        %and3A_734 = vector.broadcast %and3A_733 : i32 to vector<16xi32>
        %and3A_735 = arith.andi %shift_left3A_732, %and3A_734 : vector<16xi32>
        %or3A_736 = arith.ori %and3A_729, %and3A_735 : vector<16xi32>
        %bitcast_convert_type3A_737 = tpu.bitcast %or3A_736 : vector<16xi32> -> vector<16xf32>
        %mul3A_738 = arith.constant 5.19229686E+33 : f32
        %mul3A_739 = vector.broadcast %mul3A_738 : f32 to vector<16xf32>
        %mul3A_740 = arith.mulf %bitcast_convert_type3A_737, %mul3A_739 : vector<16xf32>
        %shift_right_arithmetic3A_741 = arith.constant 3 : i32
        %shift_right_arithmetic3A_742 = vector.broadcast %shift_right_arithmetic3A_741 : i32 to vector<16xi32>
        %shift_right_arithmetic3A_743 = arith.shrsi %get3A_723, %shift_right_arithmetic3A_742 : vector<16xi32>
        %and3A_744 = arith.constant 268427264 : i32
        %and3A_745 = vector.broadcast %and3A_744 : i32 to vector<16xi32>
        %and3A_746 = arith.andi %shift_right_arithmetic3A_743, %and3A_745 : vector<16xi32>
        %and3A_747 = arith.constant -2147483648 : i32
        %and3A_748 = vector.broadcast %and3A_747 : i32 to vector<16xi32>
        %and3A_749 = arith.andi %get3A_723, %and3A_748 : vector<16xi32>
        %or3A_750 = arith.ori %and3A_746, %and3A_749 : vector<16xi32>
        %bitcast_convert_type3A_751 = tpu.bitcast %or3A_750 : vector<16xi32> -> vector<16xf32>
        %mul3A_752 = arith.constant 5.19229686E+33 : f32
        %mul3A_753 = vector.broadcast %mul3A_752 : f32 to vector<16xf32>
        %mul3A_754 = arith.mulf %bitcast_convert_type3A_751, %mul3A_753 : vector<16xf32>
        %add3A_755 = vector.broadcast %add3A_682 : i32 to vector<16xi32>
        %add3A_756 = arith.addi %add3A_51, %add3A_755 : vector<16xi32>
        tpu.vector_store_idx %arg8[%add3A_756], %mul3A_740 : memref<33024xf32, #tpu.memory_space<vmem>>[vector<16xi32>], vector<16xf32>,
        %add3A_757 = vector.broadcast %add3A_682 : i32 to vector<16xi32>
        %add3A_758 = arith.addi %add3A_67, %add3A_757 : vector<16xi32>
        tpu.vector_store_idx %arg8[%add3A_758], %mul3A_754 : memref<33024xf32, #tpu.memory_space<vmem>>[vector<16xi32>], vector<16xf32>,
        %scan3A_759 = arith.constant 1 : i32
        %scan3A_760 = arith.addi %scan3A_680, %scan3A_759 : i32
        %add3A_761 = arith.constant 1024 : i32
        %add3A_762 = arith.addi %add3A_761, %scan3A_760 : i32
        %get3A_763 = arith.constant 1 : i32
        %get3A_764 = arith.index_cast %get3A_763 : i32 to index
        %get3A_765 = arith.index_cast %scan3A_760 : i32 to index
        %get3A_766 = arith.constant 0 : index
        %get3A_767 = tpu.vector_load %arg6[%get3A_764, %get3A_765, %get3A_766] {strides = array<i32>} : memref<4x128x32xi32, #tpu.memory_space<vmem>>, vector<16xi32>,
        %shift_left3A_768 = arith.constant 13 : i32
        %shift_left3A_769 = vector.broadcast %shift_left3A_768 : i32 to vector<16xi32>
        %shift_left3A_770 = arith.shli %get3A_767, %shift_left3A_769 : vector<16xi32>
        %and3A_771 = arith.constant 268427264 : i32
        %and3A_772 = vector.broadcast %and3A_771 : i32 to vector<16xi32>
        %and3A_773 = arith.andi %shift_left3A_770, %and3A_772 : vector<16xi32>
        %shift_left3A_774 = arith.constant 16 : i32
        %shift_left3A_775 = vector.broadcast %shift_left3A_774 : i32 to vector<16xi32>
        %shift_left3A_776 = arith.shli %get3A_767, %shift_left3A_775 : vector<16xi32>
        %and3A_777 = arith.constant -2147483648 : i32
        %and3A_778 = vector.broadcast %and3A_777 : i32 to vector<16xi32>
        %and3A_779 = arith.andi %shift_left3A_776, %and3A_778 : vector<16xi32>
        %or3A_780 = arith.ori %and3A_773, %and3A_779 : vector<16xi32>
        %bitcast_convert_type3A_781 = tpu.bitcast %or3A_780 : vector<16xi32> -> vector<16xf32>
        %mul3A_782 = arith.constant 5.19229686E+33 : f32
        %mul3A_783 = vector.broadcast %mul3A_782 : f32 to vector<16xf32>
        %mul3A_784 = arith.mulf %bitcast_convert_type3A_781, %mul3A_783 : vector<16xf32>
        %shift_right_arithmetic3A_785 = arith.constant 3 : i32
        %shift_right_arithmetic3A_786 = vector.broadcast %shift_right_arithmetic3A_785 : i32 to vector<16xi32>
        %shift_right_arithmetic3A_787 = arith.shrsi %get3A_767, %shift_right_arithmetic3A_786 : vector<16xi32>
        %and3A_788 = arith.constant 268427264 : i32
        %and3A_789 = vector.broadcast %and3A_788 : i32 to vector<16xi32>
        %and3A_790 = arith.andi %shift_right_arithmetic3A_787, %and3A_789 : vector<16xi32>
        %and3A_791 = arith.constant -2147483648 : i32
        %and3A_792 = vector.broadcast %and3A_791 : i32 to vector<16xi32>
        %and3A_793 = arith.andi %get3A_767, %and3A_792 : vector<16xi32>
        %or3A_794 = arith.ori %and3A_790, %and3A_793 : vector<16xi32>
        %bitcast_convert_type3A_795 = tpu.bitcast %or3A_794 : vector<16xi32> -> vector<16xf32>
        %mul3A_796 = arith.constant 5.19229686E+33 : f32
        %mul3A_797 = vector.broadcast %mul3A_796 : f32 to vector<16xf32>
        %mul3A_798 = arith.mulf %bitcast_convert_type3A_795, %mul3A_797 : vector<16xf32>
        %add3A_799 = vector.broadcast %add3A_762 : i32 to vector<16xi32>
        %add3A_800 = arith.addi %add3A_19, %add3A_799 : vector<16xi32>
        tpu.vector_store_idx %arg8[%add3A_800], %mul3A_784 : memref<33024xf32, #tpu.memory_space<vmem>>[vector<16xi32>], vector<16xf32>,
        %add3A_801 = vector.broadcast %add3A_762 : i32 to vector<16xi32>
        %add3A_802 = arith.addi %add3A_35, %add3A_801 : vector<16xi32>
        tpu.vector_store_idx %arg8[%add3A_802], %mul3A_798 : memref<33024xf32, #tpu.memory_space<vmem>>[vector<16xi32>], vector<16xf32>,
        %get3A_803 = arith.constant 1 : i32
        %get3A_804 = arith.index_cast %get3A_803 : i32 to index
        %get3A_805 = arith.index_cast %scan3A_760 : i32 to index
        %get3A_806 = arith.constant 16 : index
        %get3A_807 = tpu.vector_load %arg6[%get3A_804, %get3A_805, %get3A_806] {strides = array<i32>} : memref<4x128x32xi32, #tpu.memory_space<vmem>>, vector<16xi32>,
        %shift_left3A_808 = arith.constant 13 : i32
        %shift_left3A_809 = vector.broadcast %shift_left3A_808 : i32 to vector<16xi32>
        %shift_left3A_810 = arith.shli %get3A_807, %shift_left3A_809 : vector<16xi32>
        %and3A_811 = arith.constant 268427264 : i32
        %and3A_812 = vector.broadcast %and3A_811 : i32 to vector<16xi32>
        %and3A_813 = arith.andi %shift_left3A_810, %and3A_812 : vector<16xi32>
        %shift_left3A_814 = arith.constant 16 : i32
        %shift_left3A_815 = vector.broadcast %shift_left3A_814 : i32 to vector<16xi32>
        %shift_left3A_816 = arith.shli %get3A_807, %shift_left3A_815 : vector<16xi32>
        %and3A_817 = arith.constant -2147483648 : i32
        %and3A_818 = vector.broadcast %and3A_817 : i32 to vector<16xi32>
        %and3A_819 = arith.andi %shift_left3A_816, %and3A_818 : vector<16xi32>
        %or3A_820 = arith.ori %and3A_813, %and3A_819 : vector<16xi32>
        %bitcast_convert_type3A_821 = tpu.bitcast %or3A_820 : vector<16xi32> -> vector<16xf32>
        %mul3A_822 = arith.constant 5.19229686E+33 : f32
        %mul3A_823 = vector.broadcast %mul3A_822 : f32 to vector<16xf32>
        %mul3A_824 = arith.mulf %bitcast_convert_type3A_821, %mul3A_823 : vector<16xf32>
        %shift_right_arithmetic3A_825 = arith.constant 3 : i32
        %shift_right_arithmetic3A_826 = vector.broadcast %shift_right_arithmetic3A_825 : i32 to vector<16xi32>
        %shift_right_arithmetic3A_827 = arith.shrsi %get3A_807, %shift_right_arithmetic3A_826 : vector<16xi32>
        %and3A_828 = arith.constant 268427264 : i32
        %and3A_829 = vector.broadcast %and3A_828 : i32 to vector<16xi32>
        %and3A_830 = arith.andi %shift_right_arithmetic3A_827, %and3A_829 : vector<16xi32>
        %and3A_831 = arith.constant -2147483648 : i32
        %and3A_832 = vector.broadcast %and3A_831 : i32 to vector<16xi32>
        %and3A_833 = arith.andi %get3A_807, %and3A_832 : vector<16xi32>
        %or3A_834 = arith.ori %and3A_830, %and3A_833 : vector<16xi32>
        %bitcast_convert_type3A_835 = tpu.bitcast %or3A_834 : vector<16xi32> -> vector<16xf32>
        %mul3A_836 = arith.constant 5.19229686E+33 : f32
        %mul3A_837 = vector.broadcast %mul3A_836 : f32 to vector<16xf32>
        %mul3A_838 = arith.mulf %bitcast_convert_type3A_835, %mul3A_837 : vector<16xf32>
        %add3A_839 = vector.broadcast %add3A_762 : i32 to vector<16xi32>
        %add3A_840 = arith.addi %add3A_51, %add3A_839 : vector<16xi32>
        tpu.vector_store_idx %arg8[%add3A_840], %mul3A_824 : memref<33024xf32, #tpu.memory_space<vmem>>[vector<16xi32>], vector<16xf32>,
        %add3A_841 = vector.broadcast %add3A_762 : i32 to vector<16xi32>
        %add3A_842 = arith.addi %add3A_67, %add3A_841 : vector<16xi32>
        tpu.vector_store_idx %arg8[%add3A_842], %mul3A_838 : memref<33024xf32, #tpu.memory_space<vmem>>[vector<16xi32>], vector<16xf32>,
        %scan3A_843 = arith.constant 2 : i32
        %scan3A_844 = arith.addi %scan3A_680, %scan3A_843 : i32
        %add3A_845 = arith.constant 1024 : i32
        %add3A_846 = arith.addi %add3A_845, %scan3A_844 : i32
        %get3A_847 = arith.constant 1 : i32
        %get3A_848 = arith.index_cast %get3A_847 : i32 to index
        %get3A_849 = arith.index_cast %scan3A_844 : i32 to index
        %get3A_850 = arith.constant 0 : index
        %get3A_851 = tpu.vector_load %arg6[%get3A_848, %get3A_849, %get3A_850] {strides = array<i32>} : memref<4x128x32xi32, #tpu.memory_space<vmem>>, vector<16xi32>,
        %shift_left3A_852 = arith.constant 13 : i32
        %shift_left3A_853 = vector.broadcast %shift_left3A_852 : i32 to vector<16xi32>
        %shift_left3A_854 = arith.shli %get3A_851, %shift_left3A_853 : vector<16xi32>
        %and3A_855 = arith.constant 268427264 : i32
        %and3A_856 = vector.broadcast %and3A_855 : i32 to vector<16xi32>
        %and3A_857 = arith.andi %shift_left3A_854, %and3A_856 : vector<16xi32>
        %shift_left3A_858 = arith.constant 16 : i32
        %shift_left3A_859 = vector.broadcast %shift_left3A_858 : i32 to vector<16xi32>
        %shift_left3A_860 = arith.shli %get3A_851, %shift_left3A_859 : vector<16xi32>
        %and3A_861 = arith.constant -2147483648 : i32
        %and3A_862 = vector.broadcast %and3A_861 : i32 to vector<16xi32>
        %and3A_863 = arith.andi %shift_left3A_860, %and3A_862 : vector<16xi32>
        %or3A_864 = arith.ori %and3A_857, %and3A_863 : vector<16xi32>
        %bitcast_convert_type3A_865 = tpu.bitcast %or3A_864 : vector<16xi32> -> vector<16xf32>
        %mul3A_866 = arith.constant 5.19229686E+33 : f32
        %mul3A_867 = vector.broadcast %mul3A_866 : f32 to vector<16xf32>
        %mul3A_868 = arith.mulf %bitcast_convert_type3A_865, %mul3A_867 : vector<16xf32>
        %shift_right_arithmetic3A_869 = arith.constant 3 : i32
        %shift_right_arithmetic3A_870 = vector.broadcast %shift_right_arithmetic3A_869 : i32 to vector<16xi32>
        %shift_right_arithmetic3A_871 = arith.shrsi %get3A_851, %shift_right_arithmetic3A_870 : vector<16xi32>
        %and3A_872 = arith.constant 268427264 : i32
        %and3A_873 = vector.broadcast %and3A_872 : i32 to vector<16xi32>
        %and3A_874 = arith.andi %shift_right_arithmetic3A_871, %and3A_873 : vector<16xi32>
        %and3A_875 = arith.constant -2147483648 : i32
        %and3A_876 = vector.broadcast %and3A_875 : i32 to vector<16xi32>
        %and3A_877 = arith.andi %get3A_851, %and3A_876 : vector<16xi32>
        %or3A_878 = arith.ori %and3A_874, %and3A_877 : vector<16xi32>
        %bitcast_convert_type3A_879 = tpu.bitcast %or3A_878 : vector<16xi32> -> vector<16xf32>
        %mul3A_880 = arith.constant 5.19229686E+33 : f32
        %mul3A_881 = vector.broadcast %mul3A_880 : f32 to vector<16xf32>
        %mul3A_882 = arith.mulf %bitcast_convert_type3A_879, %mul3A_881 : vector<16xf32>
        %add3A_883 = vector.broadcast %add3A_846 : i32 to vector<16xi32>
        %add3A_884 = arith.addi %add3A_19, %add3A_883 : vector<16xi32>
        tpu.vector_store_idx %arg8[%add3A_884], %mul3A_868 : memref<33024xf32, #tpu.memory_space<vmem>>[vector<16xi32>], vector<16xf32>,
        %add3A_885 = vector.broadcast %add3A_846 : i32 to vector<16xi32>
        %add3A_886 = arith.addi %add3A_35, %add3A_885 : vector<16xi32>
        tpu.vector_store_idx %arg8[%add3A_886], %mul3A_882 : memref<33024xf32, #tpu.memory_space<vmem>>[vector<16xi32>], vector<16xf32>,
        %get3A_887 = arith.constant 1 : i32
        %get3A_888 = arith.index_cast %get3A_887 : i32 to index
        %get3A_889 = arith.index_cast %scan3A_844 : i32 to index
        %get3A_890 = arith.constant 16 : index
        %get3A_891 = tpu.vector_load %arg6[%get3A_888, %get3A_889, %get3A_890] {strides = array<i32>} : memref<4x128x32xi32, #tpu.memory_space<vmem>>, vector<16xi32>,
        %shift_left3A_892 = arith.constant 13 : i32
        %shift_left3A_893 = vector.broadcast %shift_left3A_892 : i32 to vector<16xi32>
        %shift_left3A_894 = arith.shli %get3A_891, %shift_left3A_893 : vector<16xi32>
        %and3A_895 = arith.constant 268427264 : i32
        %and3A_896 = vector.broadcast %and3A_895 : i32 to vector<16xi32>
        %and3A_897 = arith.andi %shift_left3A_894, %and3A_896 : vector<16xi32>
        %shift_left3A_898 = arith.constant 16 : i32
        %shift_left3A_899 = vector.broadcast %shift_left3A_898 : i32 to vector<16xi32>
        %shift_left3A_900 = arith.shli %get3A_891, %shift_left3A_899 : vector<16xi32>
        %and3A_901 = arith.constant -2147483648 : i32
        %and3A_902 = vector.broadcast %and3A_901 : i32 to vector<16xi32>
        %and3A_903 = arith.andi %shift_left3A_900, %and3A_902 : vector<16xi32>
        %or3A_904 = arith.ori %and3A_897, %and3A_903 : vector<16xi32>
        %bitcast_convert_type3A_905 = tpu.bitcast %or3A_904 : vector<16xi32> -> vector<16xf32>
        %mul3A_906 = arith.constant 5.19229686E+33 : f32
        %mul3A_907 = vector.broadcast %mul3A_906 : f32 to vector<16xf32>
        %mul3A_908 = arith.mulf %bitcast_convert_type3A_905, %mul3A_907 : vector<16xf32>
        %shift_right_arithmetic3A_909 = arith.constant 3 : i32
        %shift_right_arithmetic3A_910 = vector.broadcast %shift_right_arithmetic3A_909 : i32 to vector<16xi32>
        %shift_right_arithmetic3A_911 = arith.shrsi %get3A_891, %shift_right_arithmetic3A_910 : vector<16xi32>
        %and3A_912 = arith.constant 268427264 : i32
        %and3A_913 = vector.broadcast %and3A_912 : i32 to vector<16xi32>
        %and3A_914 = arith.andi %shift_right_arithmetic3A_911, %and3A_913 : vector<16xi32>
        %and3A_915 = arith.constant -2147483648 : i32
        %and3A_916 = vector.broadcast %and3A_915 : i32 to vector<16xi32>
        %and3A_917 = arith.andi %get3A_891, %and3A_916 : vector<16xi32>
        %or3A_918 = arith.ori %and3A_914, %and3A_917 : vector<16xi32>
        %bitcast_convert_type3A_919 = tpu.bitcast %or3A_918 : vector<16xi32> -> vector<16xf32>
        %mul3A_920 = arith.constant 5.19229686E+33 : f32
        %mul3A_921 = vector.broadcast %mul3A_920 : f32 to vector<16xf32>
        %mul3A_922 = arith.mulf %bitcast_convert_type3A_919, %mul3A_921 : vector<16xf32>
        %add3A_923 = vector.broadcast %add3A_846 : i32 to vector<16xi32>
        %add3A_924 = arith.addi %add3A_51, %add3A_923 : vector<16xi32>
        tpu.vector_store_idx %arg8[%add3A_924], %mul3A_908 : memref<33024xf32, #tpu.memory_space<vmem>>[vector<16xi32>], vector<16xf32>,
        %add3A_925 = vector.broadcast %add3A_846 : i32 to vector<16xi32>
        %add3A_926 = arith.addi %add3A_67, %add3A_925 : vector<16xi32>
        tpu.vector_store_idx %arg8[%add3A_926], %mul3A_922 : memref<33024xf32, #tpu.memory_space<vmem>>[vector<16xi32>], vector<16xf32>,
        %scan3A_927 = arith.constant 3 : i32
        %scan3A_928 = arith.addi %scan3A_680, %scan3A_927 : i32
        %add3A_929 = arith.constant 1024 : i32
        %add3A_930 = arith.addi %add3A_929, %scan3A_928 : i32
        %get3A_931 = arith.constant 1 : i32
        %get3A_932 = arith.index_cast %get3A_931 : i32 to index
        %get3A_933 = arith.index_cast %scan3A_928 : i32 to index
        %get3A_934 = arith.constant 0 : index
        %get3A_935 = tpu.vector_load %arg6[%get3A_932, %get3A_933, %get3A_934] {strides = array<i32>} : memref<4x128x32xi32, #tpu.memory_space<vmem>>, vector<16xi32>,
        %shift_left3A_936 = arith.constant 13 : i32
        %shift_left3A_937 = vector.broadcast %shift_left3A_936 : i32 to vector<16xi32>
        %shift_left3A_938 = arith.shli %get3A_935, %shift_left3A_937 : vector<16xi32>
        %and3A_939 = arith.constant 268427264 : i32
        %and3A_940 = vector.broadcast %and3A_939 : i32 to vector<16xi32>
        %and3A_941 = arith.andi %shift_left3A_938, %and3A_940 : vector<16xi32>
        %shift_left3A_942 = arith.constant 16 : i32
        %shift_left3A_943 = vector.broadcast %shift_left3A_942 : i32 to vector<16xi32>
        %shift_left3A_944 = arith.shli %get3A_935, %shift_left3A_943 : vector<16xi32>
        %and3A_945 = arith.constant -2147483648 : i32
        %and3A_946 = vector.broadcast %and3A_945 : i32 to vector<16xi32>
        %and3A_947 = arith.andi %shift_left3A_944, %and3A_946 : vector<16xi32>
        %or3A_948 = arith.ori %and3A_941, %and3A_947 : vector<16xi32>
        %bitcast_convert_type3A_949 = tpu.bitcast %or3A_948 : vector<16xi32> -> vector<16xf32>
        %mul3A_950 = arith.constant 5.19229686E+33 : f32
        %mul3A_951 = vector.broadcast %mul3A_950 : f32 to vector<16xf32>
        %mul3A_952 = arith.mulf %bitcast_convert_type3A_949, %mul3A_951 : vector<16xf32>
        %shift_right_arithmetic3A_953 = arith.constant 3 : i32
        %shift_right_arithmetic3A_954 = vector.broadcast %shift_right_arithmetic3A_953 : i32 to vector<16xi32>
        %shift_right_arithmetic3A_955 = arith.shrsi %get3A_935, %shift_right_arithmetic3A_954 : vector<16xi32>
        %and3A_956 = arith.constant 268427264 : i32
        %and3A_957 = vector.broadcast %and3A_956 : i32 to vector<16xi32>
        %and3A_958 = arith.andi %shift_right_arithmetic3A_955, %and3A_957 : vector<16xi32>
        %and3A_959 = arith.constant -2147483648 : i32
        %and3A_960 = vector.broadcast %and3A_959 : i32 to vector<16xi32>
        %and3A_961 = arith.andi %get3A_935, %and3A_960 : vector<16xi32>
        %or3A_962 = arith.ori %and3A_958, %and3A_961 : vector<16xi32>
        %bitcast_convert_type3A_963 = tpu.bitcast %or3A_962 : vector<16xi32> -> vector<16xf32>
        %mul3A_964 = arith.constant 5.19229686E+33 : f32
        %mul3A_965 = vector.broadcast %mul3A_964 : f32 to vector<16xf32>
        %mul3A_966 = arith.mulf %bitcast_convert_type3A_963, %mul3A_965 : vector<16xf32>
        %add3A_967 = vector.broadcast %add3A_930 : i32 to vector<16xi32>
        %add3A_968 = arith.addi %add3A_19, %add3A_967 : vector<16xi32>
        tpu.vector_store_idx %arg8[%add3A_968], %mul3A_952 : memref<33024xf32, #tpu.memory_space<vmem>>[vector<16xi32>], vector<16xf32>,
        %add3A_969 = vector.broadcast %add3A_930 : i32 to vector<16xi32>
        %add3A_970 = arith.addi %add3A_35, %add3A_969 : vector<16xi32>
        tpu.vector_store_idx %arg8[%add3A_970], %mul3A_966 : memref<33024xf32, #tpu.memory_space<vmem>>[vector<16xi32>], vector<16xf32>,
        %get3A_971 = arith.constant 1 : i32
        %get3A_972 = arith.index_cast %get3A_971 : i32 to index
        %get3A_973 = arith.index_cast %scan3A_928 : i32 to index
        %get3A_974 = arith.constant 16 : index
        %get3A_975 = tpu.vector_load %arg6[%get3A_972, %get3A_973, %get3A_974] {strides = array<i32>} : memref<4x128x32xi32, #tpu.memory_space<vmem>>, vector<16xi32>,
        %shift_left3A_976 = arith.constant 13 : i32
        %shift_left3A_977 = vector.broadcast %shift_left3A_976 : i32 to vector<16xi32>
        %shift_left3A_978 = arith.shli %get3A_975, %shift_left3A_977 : vector<16xi32>
        %and3A_979 = arith.constant 268427264 : i32
        %and3A_980 = vector.broadcast %and3A_979 : i32 to vector<16xi32>
        %and3A_981 = arith.andi %shift_left3A_978, %and3A_980 : vector<16xi32>
        %shift_left3A_982 = arith.constant 16 : i32
        %shift_left3A_983 = vector.broadcast %shift_left3A_982 : i32 to vector<16xi32>
        %shift_left3A_984 = arith.shli %get3A_975, %shift_left3A_983 : vector<16xi32>
        %and3A_985 = arith.constant -2147483648 : i32
        %and3A_986 = vector.broadcast %and3A_985 : i32 to vector<16xi32>
        %and3A_987 = arith.andi %shift_left3A_984, %and3A_986 : vector<16xi32>
        %or3A_988 = arith.ori %and3A_981, %and3A_987 : vector<16xi32>
        %bitcast_convert_type3A_989 = tpu.bitcast %or3A_988 : vector<16xi32> -> vector<16xf32>
        %mul3A_990 = arith.constant 5.19229686E+33 : f32
        %mul3A_991 = vector.broadcast %mul3A_990 : f32 to vector<16xf32>
        %mul3A_992 = arith.mulf %bitcast_convert_type3A_989, %mul3A_991 : vector<16xf32>
        %shift_right_arithmetic3A_993 = arith.constant 3 : i32
        %shift_right_arithmetic3A_994 = vector.broadcast %shift_right_arithmetic3A_993 : i32 to vector<16xi32>
        %shift_right_arithmetic3A_995 = arith.shrsi %get3A_975, %shift_right_arithmetic3A_994 : vector<16xi32>
        %and3A_996 = arith.constant 268427264 : i32
        %and3A_997 = vector.broadcast %and3A_996 : i32 to vector<16xi32>
        %and3A_998 = arith.andi %shift_right_arithmetic3A_995, %and3A_997 : vector<16xi32>
        %and3A_999 = arith.constant -2147483648 : i32
        %and3A_1000 = vector.broadcast %and3A_999 : i32 to vector<16xi32>
        %and3A_1001 = arith.andi %get3A_975, %and3A_1000 : vector<16xi32>
        %or3A_1002 = arith.ori %and3A_998, %and3A_1001 : vector<16xi32>
        %bitcast_convert_type3A_1003 = tpu.bitcast %or3A_1002 : vector<16xi32> -> vector<16xf32>
        %mul3A_1004 = arith.constant 5.19229686E+33 : f32
        %mul3A_1005 = vector.broadcast %mul3A_1004 : f32 to vector<16xf32>
        %mul3A_1006 = arith.mulf %bitcast_convert_type3A_1003, %mul3A_1005 : vector<16xf32>
        %add3A_1007 = vector.broadcast %add3A_930 : i32 to vector<16xi32>
        %add3A_1008 = arith.addi %add3A_51, %add3A_1007 : vector<16xi32>
        tpu.vector_store_idx %arg8[%add3A_1008], %mul3A_992 : memref<33024xf32, #tpu.memory_space<vmem>>[vector<16xi32>], vector<16xf32>,
        %add3A_1009 = vector.broadcast %add3A_930 : i32 to vector<16xi32>
        %add3A_1010 = arith.addi %add3A_67, %add3A_1009 : vector<16xi32>
        tpu.vector_store_idx %arg8[%add3A_1010], %mul3A_1006 : memref<33024xf32, #tpu.memory_space<vmem>>[vector<16xi32>], vector<16xf32>,
      }
      %scan3A_395 = arith.constant 128 : i32
      %scan3A_396 = arith.constant 0 : i32
      %scan3A_397 = arith.constant 0 : i32
      %scan3A_398 = arith.constant 128 : i32
      %scan3A_399 = arith.addi %scan3A_397, %scan3A_398 : i32
      %scan3A_400 = arith.constant 4 : i32
      scf.for %scan3A_680 = %scan3A_397 to %scan3A_399 step %scan3A_400  : i32 {
        %add3A_681 = arith.constant 2048 : i32
        %add3A_682 = arith.addi %add3A_681, %scan3A_680 : i32
        %get3A = arith.constant 2 : i32
        %get3A_683 = arith.index_cast %get3A : i32 to index
        %get3A_684 = arith.index_cast %scan3A_680 : i32 to index
        %get3A_685 = arith.constant 0 : index
        %get3A_686 = tpu.vector_load %arg6[%get3A_683, %get3A_684, %get3A_685] {strides = array<i32>} : memref<4x128x32xi32, #tpu.memory_space<vmem>>, vector<16xi32>,
        %shift_left3A = arith.constant 13 : i32
        %shift_left3A_687 = vector.broadcast %shift_left3A : i32 to vector<16xi32>
        %shift_left3A_688 = arith.shli %get3A_686, %shift_left3A_687 : vector<16xi32>
        %and3A_689 = arith.constant 268427264 : i32
        %and3A_690 = vector.broadcast %and3A_689 : i32 to vector<16xi32>
        %and3A_691 = arith.andi %shift_left3A_688, %and3A_690 : vector<16xi32>
        %shift_left3A_692 = arith.constant 16 : i32
        %shift_left3A_693 = vector.broadcast %shift_left3A_692 : i32 to vector<16xi32>
        %shift_left3A_694 = arith.shli %get3A_686, %shift_left3A_693 : vector<16xi32>
        %and3A_695 = arith.constant -2147483648 : i32
        %and3A_696 = vector.broadcast %and3A_695 : i32 to vector<16xi32>
        %and3A_697 = arith.andi %shift_left3A_694, %and3A_696 : vector<16xi32>
        %or3A = arith.ori %and3A_691, %and3A_697 : vector<16xi32>
        %bitcast_convert_type3A = tpu.bitcast %or3A : vector<16xi32> -> vector<16xf32>
        %mul3A_698 = arith.constant 5.19229686E+33 : f32
        %mul3A_699 = vector.broadcast %mul3A_698 : f32 to vector<16xf32>
        %mul3A_700 = arith.mulf %bitcast_convert_type3A, %mul3A_699 : vector<16xf32>
        %shift_right_arithmetic3A_701 = arith.constant 3 : i32
        %shift_right_arithmetic3A_702 = vector.broadcast %shift_right_arithmetic3A_701 : i32 to vector<16xi32>
        %shift_right_arithmetic3A_703 = arith.shrsi %get3A_686, %shift_right_arithmetic3A_702 : vector<16xi32>
        %and3A_704 = arith.constant 268427264 : i32
        %and3A_705 = vector.broadcast %and3A_704 : i32 to vector<16xi32>
        %and3A_706 = arith.andi %shift_right_arithmetic3A_703, %and3A_705 : vector<16xi32>
        %and3A_707 = arith.constant -2147483648 : i32
        %and3A_708 = vector.broadcast %and3A_707 : i32 to vector<16xi32>
        %and3A_709 = arith.andi %get3A_686, %and3A_708 : vector<16xi32>
        %or3A_710 = arith.ori %and3A_706, %and3A_709 : vector<16xi32>
        %bitcast_convert_type3A_711 = tpu.bitcast %or3A_710 : vector<16xi32> -> vector<16xf32>
        %mul3A_712 = arith.constant 5.19229686E+33 : f32
        %mul3A_713 = vector.broadcast %mul3A_712 : f32 to vector<16xf32>
        %mul3A_714 = arith.mulf %bitcast_convert_type3A_711, %mul3A_713 : vector<16xf32>
        %add3A_715 = vector.broadcast %add3A_682 : i32 to vector<16xi32>
        %add3A_716 = arith.addi %add3A_19, %add3A_715 : vector<16xi32>
        tpu.vector_store_idx %arg8[%add3A_716], %mul3A_700 : memref<33024xf32, #tpu.memory_space<vmem>>[vector<16xi32>], vector<16xf32>,
        %add3A_717 = vector.broadcast %add3A_682 : i32 to vector<16xi32>
        %add3A_718 = arith.addi %add3A_35, %add3A_717 : vector<16xi32>
        tpu.vector_store_idx %arg8[%add3A_718], %mul3A_714 : memref<33024xf32, #tpu.memory_space<vmem>>[vector<16xi32>], vector<16xf32>,
        %get3A_719 = arith.constant 2 : i32
        %get3A_720 = arith.index_cast %get3A_719 : i32 to index
        %get3A_721 = arith.index_cast %scan3A_680 : i32 to index
        %get3A_722 = arith.constant 16 : index
        %get3A_723 = tpu.vector_load %arg6[%get3A_720, %get3A_721, %get3A_722] {strides = array<i32>} : memref<4x128x32xi32, #tpu.memory_space<vmem>>, vector<16xi32>,
        %shift_left3A_724 = arith.constant 13 : i32
        %shift_left3A_725 = vector.broadcast %shift_left3A_724 : i32 to vector<16xi32>
        %shift_left3A_726 = arith.shli %get3A_723, %shift_left3A_725 : vector<16xi32>
        %and3A_727 = arith.constant 268427264 : i32
        %and3A_728 = vector.broadcast %and3A_727 : i32 to vector<16xi32>
        %and3A_729 = arith.andi %shift_left3A_726, %and3A_728 : vector<16xi32>
        %shift_left3A_730 = arith.constant 16 : i32
        %shift_left3A_731 = vector.broadcast %shift_left3A_730 : i32 to vector<16xi32>
        %shift_left3A_732 = arith.shli %get3A_723, %shift_left3A_731 : vector<16xi32>
        %and3A_733 = arith.constant -2147483648 : i32
        %and3A_734 = vector.broadcast %and3A_733 : i32 to vector<16xi32>
        %and3A_735 = arith.andi %shift_left3A_732, %and3A_734 : vector<16xi32>
        %or3A_736 = arith.ori %and3A_729, %and3A_735 : vector<16xi32>
        %bitcast_convert_type3A_737 = tpu.bitcast %or3A_736 : vector<16xi32> -> vector<16xf32>
        %mul3A_738 = arith.constant 5.19229686E+33 : f32
        %mul3A_739 = vector.broadcast %mul3A_738 : f32 to vector<16xf32>
        %mul3A_740 = arith.mulf %bitcast_convert_type3A_737, %mul3A_739 : vector<16xf32>
        %shift_right_arithmetic3A_741 = arith.constant 3 : i32
        %shift_right_arithmetic3A_742 = vector.broadcast %shift_right_arithmetic3A_741 : i32 to vector<16xi32>
        %shift_right_arithmetic3A_743 = arith.shrsi %get3A_723, %shift_right_arithmetic3A_742 : vector<16xi32>
        %and3A_744 = arith.constant 268427264 : i32
        %and3A_745 = vector.broadcast %and3A_744 : i32 to vector<16xi32>
        %and3A_746 = arith.andi %shift_right_arithmetic3A_743, %and3A_745 : vector<16xi32>
        %and3A_747 = arith.constant -2147483648 : i32
        %and3A_748 = vector.broadcast %and3A_747 : i32 to vector<16xi32>
        %and3A_749 = arith.andi %get3A_723, %and3A_748 : vector<16xi32>
        %or3A_750 = arith.ori %and3A_746, %and3A_749 : vector<16xi32>
        %bitcast_convert_type3A_751 = tpu.bitcast %or3A_750 : vector<16xi32> -> vector<16xf32>
        %mul3A_752 = arith.constant 5.19229686E+33 : f32
        %mul3A_753 = vector.broadcast %mul3A_752 : f32 to vector<16xf32>
        %mul3A_754 = arith.mulf %bitcast_convert_type3A_751, %mul3A_753 : vector<16xf32>
        %add3A_755 = vector.broadcast %add3A_682 : i32 to vector<16xi32>
        %add3A_756 = arith.addi %add3A_51, %add3A_755 : vector<16xi32>
        tpu.vector_store_idx %arg8[%add3A_756], %mul3A_740 : memref<33024xf32, #tpu.memory_space<vmem>>[vector<16xi32>], vector<16xf32>,
        %add3A_757 = vector.broadcast %add3A_682 : i32 to vector<16xi32>
        %add3A_758 = arith.addi %add3A_67, %add3A_757 : vector<16xi32>
        tpu.vector_store_idx %arg8[%add3A_758], %mul3A_754 : memref<33024xf32, #tpu.memory_space<vmem>>[vector<16xi32>], vector<16xf32>,
        %scan3A_759 = arith.constant 1 : i32
        %scan3A_760 = arith.addi %scan3A_680, %scan3A_759 : i32
        %add3A_761 = arith.constant 2048 : i32
        %add3A_762 = arith.addi %add3A_761, %scan3A_760 : i32
        %get3A_763 = arith.constant 2 : i32
        %get3A_764 = arith.index_cast %get3A_763 : i32 to index
        %get3A_765 = arith.index_cast %scan3A_760 : i32 to index
        %get3A_766 = arith.constant 0 : index
        %get3A_767 = tpu.vector_load %arg6[%get3A_764, %get3A_765, %get3A_766] {strides = array<i32>} : memref<4x128x32xi32, #tpu.memory_space<vmem>>, vector<16xi32>,
        %shift_left3A_768 = arith.constant 13 : i32
        %shift_left3A_769 = vector.broadcast %shift_left3A_768 : i32 to vector<16xi32>
        %shift_left3A_770 = arith.shli %get3A_767, %shift_left3A_769 : vector<16xi32>
        %and3A_771 = arith.constant 268427264 : i32
        %and3A_772 = vector.broadcast %and3A_771 : i32 to vector<16xi32>
        %and3A_773 = arith.andi %shift_left3A_770, %and3A_772 : vector<16xi32>
        %shift_left3A_774 = arith.constant 16 : i32
        %shift_left3A_775 = vector.broadcast %shift_left3A_774 : i32 to vector<16xi32>
        %shift_left3A_776 = arith.shli %get3A_767, %shift_left3A_775 : vector<16xi32>
        %and3A_777 = arith.constant -2147483648 : i32
        %and3A_778 = vector.broadcast %and3A_777 : i32 to vector<16xi32>
        %and3A_779 = arith.andi %shift_left3A_776, %and3A_778 : vector<16xi32>
        %or3A_780 = arith.ori %and3A_773, %and3A_779 : vector<16xi32>
        %bitcast_convert_type3A_781 = tpu.bitcast %or3A_780 : vector<16xi32> -> vector<16xf32>
        %mul3A_782 = arith.constant 5.19229686E+33 : f32
        %mul3A_783 = vector.broadcast %mul3A_782 : f32 to vector<16xf32>
        %mul3A_784 = arith.mulf %bitcast_convert_type3A_781, %mul3A_783 : vector<16xf32>
        %shift_right_arithmetic3A_785 = arith.constant 3 : i32
        %shift_right_arithmetic3A_786 = vector.broadcast %shift_right_arithmetic3A_785 : i32 to vector<16xi32>
        %shift_right_arithmetic3A_787 = arith.shrsi %get3A_767, %shift_right_arithmetic3A_786 : vector<16xi32>
        %and3A_788 = arith.constant 268427264 : i32
        %and3A_789 = vector.broadcast %and3A_788 : i32 to vector<16xi32>
        %and3A_790 = arith.andi %shift_right_arithmetic3A_787, %and3A_789 : vector<16xi32>
        %and3A_791 = arith.constant -2147483648 : i32
        %and3A_792 = vector.broadcast %and3A_791 : i32 to vector<16xi32>
        %and3A_793 = arith.andi %get3A_767, %and3A_792 : vector<16xi32>
        %or3A_794 = arith.ori %and3A_790, %and3A_793 : vector<16xi32>
        %bitcast_convert_type3A_795 = tpu.bitcast %or3A_794 : vector<16xi32> -> vector<16xf32>
        %mul3A_796 = arith.constant 5.19229686E+33 : f32
        %mul3A_797 = vector.broadcast %mul3A_796 : f32 to vector<16xf32>
        %mul3A_798 = arith.mulf %bitcast_convert_type3A_795, %mul3A_797 : vector<16xf32>
        %add3A_799 = vector.broadcast %add3A_762 : i32 to vector<16xi32>
        %add3A_800 = arith.addi %add3A_19, %add3A_799 : vector<16xi32>
        tpu.vector_store_idx %arg8[%add3A_800], %mul3A_784 : memref<33024xf32, #tpu.memory_space<vmem>>[vector<16xi32>], vector<16xf32>,
        %add3A_801 = vector.broadcast %add3A_762 : i32 to vector<16xi32>
        %add3A_802 = arith.addi %add3A_35, %add3A_801 : vector<16xi32>
        tpu.vector_store_idx %arg8[%add3A_802], %mul3A_798 : memref<33024xf32, #tpu.memory_space<vmem>>[vector<16xi32>], vector<16xf32>,
        %get3A_803 = arith.constant 2 : i32
        %get3A_804 = arith.index_cast %get3A_803 : i32 to index
        %get3A_805 = arith.index_cast %scan3A_760 : i32 to index
        %get3A_806 = arith.constant 16 : index
        %get3A_807 = tpu.vector_load %arg6[%get3A_804, %get3A_805, %get3A_806] {strides = array<i32>} : memref<4x128x32xi32, #tpu.memory_space<vmem>>, vector<16xi32>,
        %shift_left3A_808 = arith.constant 13 : i32
        %shift_left3A_809 = vector.broadcast %shift_left3A_808 : i32 to vector<16xi32>
        %shift_left3A_810 = arith.shli %get3A_807, %shift_left3A_809 : vector<16xi32>
        %and3A_811 = arith.constant 268427264 : i32
        %and3A_812 = vector.broadcast %and3A_811 : i32 to vector<16xi32>
        %and3A_813 = arith.andi %shift_left3A_810, %and3A_812 : vector<16xi32>
        %shift_left3A_814 = arith.constant 16 : i32
        %shift_left3A_815 = vector.broadcast %shift_left3A_814 : i32 to vector<16xi32>
        %shift_left3A_816 = arith.shli %get3A_807, %shift_left3A_815 : vector<16xi32>
        %and3A_817 = arith.constant -2147483648 : i32
        %and3A_818 = vector.broadcast %and3A_817 : i32 to vector<16xi32>
        %and3A_819 = arith.andi %shift_left3A_816, %and3A_818 : vector<16xi32>
        %or3A_820 = arith.ori %and3A_813, %and3A_819 : vector<16xi32>
        %bitcast_convert_type3A_821 = tpu.bitcast %or3A_820 : vector<16xi32> -> vector<16xf32>
        %mul3A_822 = arith.constant 5.19229686E+33 : f32
        %mul3A_823 = vector.broadcast %mul3A_822 : f32 to vector<16xf32>
        %mul3A_824 = arith.mulf %bitcast_convert_type3A_821, %mul3A_823 : vector<16xf32>
        %shift_right_arithmetic3A_825 = arith.constant 3 : i32
        %shift_right_arithmetic3A_826 = vector.broadcast %shift_right_arithmetic3A_825 : i32 to vector<16xi32>
        %shift_right_arithmetic3A_827 = arith.shrsi %get3A_807, %shift_right_arithmetic3A_826 : vector<16xi32>
        %and3A_828 = arith.constant 268427264 : i32
        %and3A_829 = vector.broadcast %and3A_828 : i32 to vector<16xi32>
        %and3A_830 = arith.andi %shift_right_arithmetic3A_827, %and3A_829 : vector<16xi32>
        %and3A_831 = arith.constant -2147483648 : i32
        %and3A_832 = vector.broadcast %and3A_831 : i32 to vector<16xi32>
        %and3A_833 = arith.andi %get3A_807, %and3A_832 : vector<16xi32>
        %or3A_834 = arith.ori %and3A_830, %and3A_833 : vector<16xi32>
        %bitcast_convert_type3A_835 = tpu.bitcast %or3A_834 : vector<16xi32> -> vector<16xf32>
        %mul3A_836 = arith.constant 5.19229686E+33 : f32
        %mul3A_837 = vector.broadcast %mul3A_836 : f32 to vector<16xf32>
        %mul3A_838 = arith.mulf %bitcast_convert_type3A_835, %mul3A_837 : vector<16xf32>
        %add3A_839 = vector.broadcast %add3A_762 : i32 to vector<16xi32>
        %add3A_840 = arith.addi %add3A_51, %add3A_839 : vector<16xi32>
        tpu.vector_store_idx %arg8[%add3A_840], %mul3A_824 : memref<33024xf32, #tpu.memory_space<vmem>>[vector<16xi32>], vector<16xf32>,
        %add3A_841 = vector.broadcast %add3A_762 : i32 to vector<16xi32>
        %add3A_842 = arith.addi %add3A_67, %add3A_841 : vector<16xi32>
        tpu.vector_store_idx %arg8[%add3A_842], %mul3A_838 : memref<33024xf32, #tpu.memory_space<vmem>>[vector<16xi32>], vector<16xf32>,
        %scan3A_843 = arith.constant 2 : i32
        %scan3A_844 = arith.addi %scan3A_680, %scan3A_843 : i32
        %add3A_845 = arith.constant 2048 : i32
        %add3A_846 = arith.addi %add3A_845, %scan3A_844 : i32
        %get3A_847 = arith.constant 2 : i32
        %get3A_848 = arith.index_cast %get3A_847 : i32 to index
        %get3A_849 = arith.index_cast %scan3A_844 : i32 to index
        %get3A_850 = arith.constant 0 : index
        %get3A_851 = tpu.vector_load %arg6[%get3A_848, %get3A_849, %get3A_850] {strides = array<i32>} : memref<4x128x32xi32, #tpu.memory_space<vmem>>, vector<16xi32>,
        %shift_left3A_852 = arith.constant 13 : i32
        %shift_left3A_853 = vector.broadcast %shift_left3A_852 : i32 to vector<16xi32>
        %shift_left3A_854 = arith.shli %get3A_851, %shift_left3A_853 : vector<16xi32>
        %and3A_855 = arith.constant 268427264 : i32
        %and3A_856 = vector.broadcast %and3A_855 : i32 to vector<16xi32>
        %and3A_857 = arith.andi %shift_left3A_854, %and3A_856 : vector<16xi32>
        %shift_left3A_858 = arith.constant 16 : i32
        %shift_left3A_859 = vector.broadcast %shift_left3A_858 : i32 to vector<16xi32>
        %shift_left3A_860 = arith.shli %get3A_851, %shift_left3A_859 : vector<16xi32>
        %and3A_861 = arith.constant -2147483648 : i32
        %and3A_862 = vector.broadcast %and3A_861 : i32 to vector<16xi32>
        %and3A_863 = arith.andi %shift_left3A_860, %and3A_862 : vector<16xi32>
        %or3A_864 = arith.ori %and3A_857, %and3A_863 : vector<16xi32>
        %bitcast_convert_type3A_865 = tpu.bitcast %or3A_864 : vector<16xi32> -> vector<16xf32>
        %mul3A_866 = arith.constant 5.19229686E+33 : f32
        %mul3A_867 = vector.broadcast %mul3A_866 : f32 to vector<16xf32>
        %mul3A_868 = arith.mulf %bitcast_convert_type3A_865, %mul3A_867 : vector<16xf32>
        %shift_right_arithmetic3A_869 = arith.constant 3 : i32
        %shift_right_arithmetic3A_870 = vector.broadcast %shift_right_arithmetic3A_869 : i32 to vector<16xi32>
        %shift_right_arithmetic3A_871 = arith.shrsi %get3A_851, %shift_right_arithmetic3A_870 : vector<16xi32>
        %and3A_872 = arith.constant 268427264 : i32
        %and3A_873 = vector.broadcast %and3A_872 : i32 to vector<16xi32>
        %and3A_874 = arith.andi %shift_right_arithmetic3A_871, %and3A_873 : vector<16xi32>
        %and3A_875 = arith.constant -2147483648 : i32
        %and3A_876 = vector.broadcast %and3A_875 : i32 to vector<16xi32>
        %and3A_877 = arith.andi %get3A_851, %and3A_876 : vector<16xi32>
        %or3A_878 = arith.ori %and3A_874, %and3A_877 : vector<16xi32>
        %bitcast_convert_type3A_879 = tpu.bitcast %or3A_878 : vector<16xi32> -> vector<16xf32>
        %mul3A_880 = arith.constant 5.19229686E+33 : f32
        %mul3A_881 = vector.broadcast %mul3A_880 : f32 to vector<16xf32>
        %mul3A_882 = arith.mulf %bitcast_convert_type3A_879, %mul3A_881 : vector<16xf32>
        %add3A_883 = vector.broadcast %add3A_846 : i32 to vector<16xi32>
        %add3A_884 = arith.addi %add3A_19, %add3A_883 : vector<16xi32>
        tpu.vector_store_idx %arg8[%add3A_884], %mul3A_868 : memref<33024xf32, #tpu.memory_space<vmem>>[vector<16xi32>], vector<16xf32>,
        %add3A_885 = vector.broadcast %add3A_846 : i32 to vector<16xi32>
        %add3A_886 = arith.addi %add3A_35, %add3A_885 : vector<16xi32>
        tpu.vector_store_idx %arg8[%add3A_886], %mul3A_882 : memref<33024xf32, #tpu.memory_space<vmem>>[vector<16xi32>], vector<16xf32>,
        %get3A_887 = arith.constant 2 : i32
        %get3A_888 = arith.index_cast %get3A_887 : i32 to index
        %get3A_889 = arith.index_cast %scan3A_844 : i32 to index
        %get3A_890 = arith.constant 16 : index
        %get3A_891 = tpu.vector_load %arg6[%get3A_888, %get3A_889, %get3A_890] {strides = array<i32>} : memref<4x128x32xi32, #tpu.memory_space<vmem>>, vector<16xi32>,
        %shift_left3A_892 = arith.constant 13 : i32
        %shift_left3A_893 = vector.broadcast %shift_left3A_892 : i32 to vector<16xi32>
        %shift_left3A_894 = arith.shli %get3A_891, %shift_left3A_893 : vector<16xi32>
        %and3A_895 = arith.constant 268427264 : i32
        %and3A_896 = vector.broadcast %and3A_895 : i32 to vector<16xi32>
        %and3A_897 = arith.andi %shift_left3A_894, %and3A_896 : vector<16xi32>
        %shift_left3A_898 = arith.constant 16 : i32
        %shift_left3A_899 = vector.broadcast %shift_left3A_898 : i32 to vector<16xi32>
        %shift_left3A_900 = arith.shli %get3A_891, %shift_left3A_899 : vector<16xi32>
        %and3A_901 = arith.constant -2147483648 : i32
        %and3A_902 = vector.broadcast %and3A_901 : i32 to vector<16xi32>
        %and3A_903 = arith.andi %shift_left3A_900, %and3A_902 : vector<16xi32>
        %or3A_904 = arith.ori %and3A_897, %and3A_903 : vector<16xi32>
        %bitcast_convert_type3A_905 = tpu.bitcast %or3A_904 : vector<16xi32> -> vector<16xf32>
        %mul3A_906 = arith.constant 5.19229686E+33 : f32
        %mul3A_907 = vector.broadcast %mul3A_906 : f32 to vector<16xf32>
        %mul3A_908 = arith.mulf %bitcast_convert_type3A_905, %mul3A_907 : vector<16xf32>
        %shift_right_arithmetic3A_909 = arith.constant 3 : i32
        %shift_right_arithmetic3A_910 = vector.broadcast %shift_right_arithmetic3A_909 : i32 to vector<16xi32>
        %shift_right_arithmetic3A_911 = arith.shrsi %get3A_891, %shift_right_arithmetic3A_910 : vector<16xi32>
        %and3A_912 = arith.constant 268427264 : i32
        %and3A_913 = vector.broadcast %and3A_912 : i32 to vector<16xi32>
        %and3A_914 = arith.andi %shift_right_arithmetic3A_911, %and3A_913 : vector<16xi32>
        %and3A_915 = arith.constant -2147483648 : i32
        %and3A_916 = vector.broadcast %and3A_915 : i32 to vector<16xi32>
        %and3A_917 = arith.andi %get3A_891, %and3A_916 : vector<16xi32>
        %or3A_918 = arith.ori %and3A_914, %and3A_917 : vector<16xi32>
        %bitcast_convert_type3A_919 = tpu.bitcast %or3A_918 : vector<16xi32> -> vector<16xf32>
        %mul3A_920 = arith.constant 5.19229686E+33 : f32
        %mul3A_921 = vector.broadcast %mul3A_920 : f32 to vector<16xf32>
        %mul3A_922 = arith.mulf %bitcast_convert_type3A_919, %mul3A_921 : vector<16xf32>
        %add3A_923 = vector.broadcast %add3A_846 : i32 to vector<16xi32>
        %add3A_924 = arith.addi %add3A_51, %add3A_923 : vector<16xi32>
        tpu.vector_store_idx %arg8[%add3A_924], %mul3A_908 : memref<33024xf32, #tpu.memory_space<vmem>>[vector<16xi32>], vector<16xf32>,
        %add3A_925 = vector.broadcast %add3A_846 : i32 to vector<16xi32>
        %add3A_926 = arith.addi %add3A_67, %add3A_925 : vector<16xi32>
        tpu.vector_store_idx %arg8[%add3A_926], %mul3A_922 : memref<33024xf32, #tpu.memory_space<vmem>>[vector<16xi32>], vector<16xf32>,
        %scan3A_927 = arith.constant 3 : i32
        %scan3A_928 = arith.addi %scan3A_680, %scan3A_927 : i32
        %add3A_929 = arith.constant 2048 : i32
        %add3A_930 = arith.addi %add3A_929, %scan3A_928 : i32
        %get3A_931 = arith.constant 2 : i32
        %get3A_932 = arith.index_cast %get3A_931 : i32 to index
        %get3A_933 = arith.index_cast %scan3A_928 : i32 to index
        %get3A_934 = arith.constant 0 : index
        %get3A_935 = tpu.vector_load %arg6[%get3A_932, %get3A_933, %get3A_934] {strides = array<i32>} : memref<4x128x32xi32, #tpu.memory_space<vmem>>, vector<16xi32>,
        %shift_left3A_936 = arith.constant 13 : i32
        %shift_left3A_937 = vector.broadcast %shift_left3A_936 : i32 to vector<16xi32>
        %shift_left3A_938 = arith.shli %get3A_935, %shift_left3A_937 : vector<16xi32>
        %and3A_939 = arith.constant 268427264 : i32
        %and3A_940 = vector.broadcast %and3A_939 : i32 to vector<16xi32>
        %and3A_941 = arith.andi %shift_left3A_938, %and3A_940 : vector<16xi32>
        %shift_left3A_942 = arith.constant 16 : i32
        %shift_left3A_943 = vector.broadcast %shift_left3A_942 : i32 to vector<16xi32>
        %shift_left3A_944 = arith.shli %get3A_935, %shift_left3A_943 : vector<16xi32>
        %and3A_945 = arith.constant -2147483648 : i32
        %and3A_946 = vector.broadcast %and3A_945 : i32 to vector<16xi32>
        %and3A_947 = arith.andi %shift_left3A_944, %and3A_946 : vector<16xi32>
        %or3A_948 = arith.ori %and3A_941, %and3A_947 : vector<16xi32>
        %bitcast_convert_type3A_949 = tpu.bitcast %or3A_948 : vector<16xi32> -> vector<16xf32>
        %mul3A_950 = arith.constant 5.19229686E+33 : f32
        %mul3A_951 = vector.broadcast %mul3A_950 : f32 to vector<16xf32>
        %mul3A_952 = arith.mulf %bitcast_convert_type3A_949, %mul3A_951 : vector<16xf32>
        %shift_right_arithmetic3A_953 = arith.constant 3 : i32
        %shift_right_arithmetic3A_954 = vector.broadcast %shift_right_arithmetic3A_953 : i32 to vector<16xi32>
        %shift_right_arithmetic3A_955 = arith.shrsi %get3A_935, %shift_right_arithmetic3A_954 : vector<16xi32>
        %and3A_956 = arith.constant 268427264 : i32
        %and3A_957 = vector.broadcast %and3A_956 : i32 to vector<16xi32>
        %and3A_958 = arith.andi %shift_right_arithmetic3A_955, %and3A_957 : vector<16xi32>
        %and3A_959 = arith.constant -2147483648 : i32
        %and3A_960 = vector.broadcast %and3A_959 : i32 to vector<16xi32>
        %and3A_961 = arith.andi %get3A_935, %and3A_960 : vector<16xi32>
        %or3A_962 = arith.ori %and3A_958, %and3A_961 : vector<16xi32>
        %bitcast_convert_type3A_963 = tpu.bitcast %or3A_962 : vector<16xi32> -> vector<16xf32>
        %mul3A_964 = arith.constant 5.19229686E+33 : f32
        %mul3A_965 = vector.broadcast %mul3A_964 : f32 to vector<16xf32>
        %mul3A_966 = arith.mulf %bitcast_convert_type3A_963, %mul3A_965 : vector<16xf32>
        %add3A_967 = vector.broadcast %add3A_930 : i32 to vector<16xi32>
        %add3A_968 = arith.addi %add3A_19, %add3A_967 : vector<16xi32>
        tpu.vector_store_idx %arg8[%add3A_968], %mul3A_952 : memref<33024xf32, #tpu.memory_space<vmem>>[vector<16xi32>], vector<16xf32>,
        %add3A_969 = vector.broadcast %add3A_930 : i32 to vector<16xi32>
        %add3A_970 = arith.addi %add3A_35, %add3A_969 : vector<16xi32>
        tpu.vector_store_idx %arg8[%add3A_970], %mul3A_966 : memref<33024xf32, #tpu.memory_space<vmem>>[vector<16xi32>], vector<16xf32>,
        %get3A_971 = arith.constant 2 : i32
        %get3A_972 = arith.index_cast %get3A_971 : i32 to index
        %get3A_973 = arith.index_cast %scan3A_928 : i32 to index
        %get3A_974 = arith.constant 16 : index
        %get3A_975 = tpu.vector_load %arg6[%get3A_972, %get3A_973, %get3A_974] {strides = array<i32>} : memref<4x128x32xi32, #tpu.memory_space<vmem>>, vector<16xi32>,
        %shift_left3A_976 = arith.constant 13 : i32
        %shift_left3A_977 = vector.broadcast %shift_left3A_976 : i32 to vector<16xi32>
        %shift_left3A_978 = arith.shli %get3A_975, %shift_left3A_977 : vector<16xi32>
        %and3A_979 = arith.constant 268427264 : i32
        %and3A_980 = vector.broadcast %and3A_979 : i32 to vector<16xi32>
        %and3A_981 = arith.andi %shift_left3A_978, %and3A_980 : vector<16xi32>
        %shift_left3A_982 = arith.constant 16 : i32
        %shift_left3A_983 = vector.broadcast %shift_left3A_982 : i32 to vector<16xi32>
        %shift_left3A_984 = arith.shli %get3A_975, %shift_left3A_983 : vector<16xi32>
        %and3A_985 = arith.constant -2147483648 : i32
        %and3A_986 = vector.broadcast %and3A_985 : i32 to vector<16xi32>
        %and3A_987 = arith.andi %shift_left3A_984, %and3A_986 : vector<16xi32>
        %or3A_988 = arith.ori %and3A_981, %and3A_987 : vector<16xi32>
        %bitcast_convert_type3A_989 = tpu.bitcast %or3A_988 : vector<16xi32> -> vector<16xf32>
        %mul3A_990 = arith.constant 5.19229686E+33 : f32
        %mul3A_991 = vector.broadcast %mul3A_990 : f32 to vector<16xf32>
        %mul3A_992 = arith.mulf %bitcast_convert_type3A_989, %mul3A_991 : vector<16xf32>
        %shift_right_arithmetic3A_993 = arith.constant 3 : i32
        %shift_right_arithmetic3A_994 = vector.broadcast %shift_right_arithmetic3A_993 : i32 to vector<16xi32>
        %shift_right_arithmetic3A_995 = arith.shrsi %get3A_975, %shift_right_arithmetic3A_994 : vector<16xi32>
        %and3A_996 = arith.constant 268427264 : i32
        %and3A_997 = vector.broadcast %and3A_996 : i32 to vector<16xi32>
        %and3A_998 = arith.andi %shift_right_arithmetic3A_995, %and3A_997 : vector<16xi32>
        %and3A_999 = arith.constant -2147483648 : i32
        %and3A_1000 = vector.broadcast %and3A_999 : i32 to vector<16xi32>
        %and3A_1001 = arith.andi %get3A_975, %and3A_1000 : vector<16xi32>
        %or3A_1002 = arith.ori %and3A_998, %and3A_1001 : vector<16xi32>
        %bitcast_convert_type3A_1003 = tpu.bitcast %or3A_1002 : vector<16xi32> -> vector<16xf32>
        %mul3A_1004 = arith.constant 5.19229686E+33 : f32
        %mul3A_1005 = vector.broadcast %mul3A_1004 : f32 to vector<16xf32>
        %mul3A_1006 = arith.mulf %bitcast_convert_type3A_1003, %mul3A_1005 : vector<16xf32>
        %add3A_1007 = vector.broadcast %add3A_930 : i32 to vector<16xi32>
        %add3A_1008 = arith.addi %add3A_51, %add3A_1007 : vector<16xi32>
        tpu.vector_store_idx %arg8[%add3A_1008], %mul3A_992 : memref<33024xf32, #tpu.memory_space<vmem>>[vector<16xi32>], vector<16xf32>,
        %add3A_1009 = vector.broadcast %add3A_930 : i32 to vector<16xi32>
        %add3A_1010 = arith.addi %add3A_67, %add3A_1009 : vector<16xi32>
        tpu.vector_store_idx %arg8[%add3A_1010], %mul3A_1006 : memref<33024xf32, #tpu.memory_space<vmem>>[vector<16xi32>], vector<16xf32>,
      }
      %scan3A_401 = arith.constant 128 : i32
      %scan3A_402 = arith.constant 0 : i32
      %scan3A_403 = arith.constant 0 : i32
      %scan3A_404 = arith.constant 128 : i32
      %scan3A_405 = arith.addi %scan3A_403, %scan3A_404 : i32
      %scan3A_406 = arith.constant 4 : i32
      scf.for %scan3A_680 = %scan3A_403 to %scan3A_405 step %scan3A_406  : i32 {
        %add3A_681 = arith.constant 3072 : i32
        %add3A_682 = arith.addi %add3A_681, %scan3A_680 : i32
        %get3A = arith.constant 3 : i32
        %get3A_683 = arith.index_cast %get3A : i32 to index
        %get3A_684 = arith.index_cast %scan3A_680 : i32 to index
        %get3A_685 = arith.constant 0 : index
        %get3A_686 = tpu.vector_load %arg6[%get3A_683, %get3A_684, %get3A_685] {strides = array<i32>} : memref<4x128x32xi32, #tpu.memory_space<vmem>>, vector<16xi32>,
        %shift_left3A = arith.constant 13 : i32
        %shift_left3A_687 = vector.broadcast %shift_left3A : i32 to vector<16xi32>
        %shift_left3A_688 = arith.shli %get3A_686, %shift_left3A_687 : vector<16xi32>
        %and3A_689 = arith.constant 268427264 : i32
        %and3A_690 = vector.broadcast %and3A_689 : i32 to vector<16xi32>
        %and3A_691 = arith.andi %shift_left3A_688, %and3A_690 : vector<16xi32>
        %shift_left3A_692 = arith.constant 16 : i32
        %shift_left3A_693 = vector.broadcast %shift_left3A_692 : i32 to vector<16xi32>
        %shift_left3A_694 = arith.shli %get3A_686, %shift_left3A_693 : vector<16xi32>
        %and3A_695 = arith.constant -2147483648 : i32
        %and3A_696 = vector.broadcast %and3A_695 : i32 to vector<16xi32>
        %and3A_697 = arith.andi %shift_left3A_694, %and3A_696 : vector<16xi32>
        %or3A = arith.ori %and3A_691, %and3A_697 : vector<16xi32>
        %bitcast_convert_type3A = tpu.bitcast %or3A : vector<16xi32> -> vector<16xf32>
        %mul3A_698 = arith.constant 5.19229686E+33 : f32
        %mul3A_699 = vector.broadcast %mul3A_698 : f32 to vector<16xf32>
        %mul3A_700 = arith.mulf %bitcast_convert_type3A, %mul3A_699 : vector<16xf32>
        %shift_right_arithmetic3A_701 = arith.constant 3 : i32
        %shift_right_arithmetic3A_702 = vector.broadcast %shift_right_arithmetic3A_701 : i32 to vector<16xi32>
        %shift_right_arithmetic3A_703 = arith.shrsi %get3A_686, %shift_right_arithmetic3A_702 : vector<16xi32>
        %and3A_704 = arith.constant 268427264 : i32
        %and3A_705 = vector.broadcast %and3A_704 : i32 to vector<16xi32>
        %and3A_706 = arith.andi %shift_right_arithmetic3A_703, %and3A_705 : vector<16xi32>
        %and3A_707 = arith.constant -2147483648 : i32
        %and3A_708 = vector.broadcast %and3A_707 : i32 to vector<16xi32>
        %and3A_709 = arith.andi %get3A_686, %and3A_708 : vector<16xi32>
        %or3A_710 = arith.ori %and3A_706, %and3A_709 : vector<16xi32>
        %bitcast_convert_type3A_711 = tpu.bitcast %or3A_710 : vector<16xi32> -> vector<16xf32>
        %mul3A_712 = arith.constant 5.19229686E+33 : f32
        %mul3A_713 = vector.broadcast %mul3A_712 : f32 to vector<16xf32>
        %mul3A_714 = arith.mulf %bitcast_convert_type3A_711, %mul3A_713 : vector<16xf32>
        %add3A_715 = vector.broadcast %add3A_682 : i32 to vector<16xi32>
        %add3A_716 = arith.addi %add3A_19, %add3A_715 : vector<16xi32>
        tpu.vector_store_idx %arg8[%add3A_716], %mul3A_700 : memref<33024xf32, #tpu.memory_space<vmem>>[vector<16xi32>], vector<16xf32>,
        %add3A_717 = vector.broadcast %add3A_682 : i32 to vector<16xi32>
        %add3A_718 = arith.addi %add3A_35, %add3A_717 : vector<16xi32>
        tpu.vector_store_idx %arg8[%add3A_718], %mul3A_714 : memref<33024xf32, #tpu.memory_space<vmem>>[vector<16xi32>], vector<16xf32>,
        %get3A_719 = arith.constant 3 : i32
        %get3A_720 = arith.index_cast %get3A_719 : i32 to index
        %get3A_721 = arith.index_cast %scan3A_680 : i32 to index
        %get3A_722 = arith.constant 16 : index
        %get3A_723 = tpu.vector_load %arg6[%get3A_720, %get3A_721, %get3A_722] {strides = array<i32>} : memref<4x128x32xi32, #tpu.memory_space<vmem>>, vector<16xi32>,
        %shift_left3A_724 = arith.constant 13 : i32
        %shift_left3A_725 = vector.broadcast %shift_left3A_724 : i32 to vector<16xi32>
        %shift_left3A_726 = arith.shli %get3A_723, %shift_left3A_725 : vector<16xi32>
        %and3A_727 = arith.constant 268427264 : i32
        %and3A_728 = vector.broadcast %and3A_727 : i32 to vector<16xi32>
        %and3A_729 = arith.andi %shift_left3A_726, %and3A_728 : vector<16xi32>
        %shift_left3A_730 = arith.constant 16 : i32
        %shift_left3A_731 = vector.broadcast %shift_left3A_730 : i32 to vector<16xi32>
        %shift_left3A_732 = arith.shli %get3A_723, %shift_left3A_731 : vector<16xi32>
        %and3A_733 = arith.constant -2147483648 : i32
        %and3A_734 = vector.broadcast %and3A_733 : i32 to vector<16xi32>
        %and3A_735 = arith.andi %shift_left3A_732, %and3A_734 : vector<16xi32>
        %or3A_736 = arith.ori %and3A_729, %and3A_735 : vector<16xi32>
        %bitcast_convert_type3A_737 = tpu.bitcast %or3A_736 : vector<16xi32> -> vector<16xf32>
        %mul3A_738 = arith.constant 5.19229686E+33 : f32
        %mul3A_739 = vector.broadcast %mul3A_738 : f32 to vector<16xf32>
        %mul3A_740 = arith.mulf %bitcast_convert_type3A_737, %mul3A_739 : vector<16xf32>
        %shift_right_arithmetic3A_741 = arith.constant 3 : i32
        %shift_right_arithmetic3A_742 = vector.broadcast %shift_right_arithmetic3A_741 : i32 to vector<16xi32>
        %shift_right_arithmetic3A_743 = arith.shrsi %get3A_723, %shift_right_arithmetic3A_742 : vector<16xi32>
        %and3A_744 = arith.constant 268427264 : i32
        %and3A_745 = vector.broadcast %and3A_744 : i32 to vector<16xi32>
        %and3A_746 = arith.andi %shift_right_arithmetic3A_743, %and3A_745 : vector<16xi32>
        %and3A_747 = arith.constant -2147483648 : i32
        %and3A_748 = vector.broadcast %and3A_747 : i32 to vector<16xi32>
        %and3A_749 = arith.andi %get3A_723, %and3A_748 : vector<16xi32>
        %or3A_750 = arith.ori %and3A_746, %and3A_749 : vector<16xi32>
        %bitcast_convert_type3A_751 = tpu.bitcast %or3A_750 : vector<16xi32> -> vector<16xf32>
        %mul3A_752 = arith.constant 5.19229686E+33 : f32
        %mul3A_753 = vector.broadcast %mul3A_752 : f32 to vector<16xf32>
        %mul3A_754 = arith.mulf %bitcast_convert_type3A_751, %mul3A_753 : vector<16xf32>
        %add3A_755 = vector.broadcast %add3A_682 : i32 to vector<16xi32>
        %add3A_756 = arith.addi %add3A_51, %add3A_755 : vector<16xi32>
        tpu.vector_store_idx %arg8[%add3A_756], %mul3A_740 : memref<33024xf32, #tpu.memory_space<vmem>>[vector<16xi32>], vector<16xf32>,
        %add3A_757 = vector.broadcast %add3A_682 : i32 to vector<16xi32>
        %add3A_758 = arith.addi %add3A_67, %add3A_757 : vector<16xi32>
        tpu.vector_store_idx %arg8[%add3A_758], %mul3A_754 : memref<33024xf32, #tpu.memory_space<vmem>>[vector<16xi32>], vector<16xf32>,
        %scan3A_759 = arith.constant 1 : i32
        %scan3A_760 = arith.addi %scan3A_680, %scan3A_759 : i32
        %add3A_761 = arith.constant 3072 : i32
        %add3A_762 = arith.addi %add3A_761, %scan3A_760 : i32
        %get3A_763 = arith.constant 3 : i32
        %get3A_764 = arith.index_cast %get3A_763 : i32 to index
        %get3A_765 = arith.index_cast %scan3A_760 : i32 to index
        %get3A_766 = arith.constant 0 : index
        %get3A_767 = tpu.vector_load %arg6[%get3A_764, %get3A_765, %get3A_766] {strides = array<i32>} : memref<4x128x32xi32, #tpu.memory_space<vmem>>, vector<16xi32>,
        %shift_left3A_768 = arith.constant 13 : i32
        %shift_left3A_769 = vector.broadcast %shift_left3A_768 : i32 to vector<16xi32>
        %shift_left3A_770 = arith.shli %get3A_767, %shift_left3A_769 : vector<16xi32>
        %and3A_771 = arith.constant 268427264 : i32
        %and3A_772 = vector.broadcast %and3A_771 : i32 to vector<16xi32>
        %and3A_773 = arith.andi %shift_left3A_770, %and3A_772 : vector<16xi32>
        %shift_left3A_774 = arith.constant 16 : i32
        %shift_left3A_775 = vector.broadcast %shift_left3A_774 : i32 to vector<16xi32>
        %shift_left3A_776 = arith.shli %get3A_767, %shift_left3A_775 : vector<16xi32>
        %and3A_777 = arith.constant -2147483648 : i32
        %and3A_778 = vector.broadcast %and3A_777 : i32 to vector<16xi32>
        %and3A_779 = arith.andi %shift_left3A_776, %and3A_778 : vector<16xi32>
        %or3A_780 = arith.ori %and3A_773, %and3A_779 : vector<16xi32>
        %bitcast_convert_type3A_781 = tpu.bitcast %or3A_780 : vector<16xi32> -> vector<16xf32>
        %mul3A_782 = arith.constant 5.19229686E+33 : f32
        %mul3A_783 = vector.broadcast %mul3A_782 : f32 to vector<16xf32>
        %mul3A_784 = arith.mulf %bitcast_convert_type3A_781, %mul3A_783 : vector<16xf32>
        %shift_right_arithmetic3A_785 = arith.constant 3 : i32
        %shift_right_arithmetic3A_786 = vector.broadcast %shift_right_arithmetic3A_785 : i32 to vector<16xi32>
        %shift_right_arithmetic3A_787 = arith.shrsi %get3A_767, %shift_right_arithmetic3A_786 : vector<16xi32>
        %and3A_788 = arith.constant 268427264 : i32
        %and3A_789 = vector.broadcast %and3A_788 : i32 to vector<16xi32>
        %and3A_790 = arith.andi %shift_right_arithmetic3A_787, %and3A_789 : vector<16xi32>
        %and3A_791 = arith.constant -2147483648 : i32
        %and3A_792 = vector.broadcast %and3A_791 : i32 to vector<16xi32>
        %and3A_793 = arith.andi %get3A_767, %and3A_792 : vector<16xi32>
        %or3A_794 = arith.ori %and3A_790, %and3A_793 : vector<16xi32>
        %bitcast_convert_type3A_795 = tpu.bitcast %or3A_794 : vector<16xi32> -> vector<16xf32>
        %mul3A_796 = arith.constant 5.19229686E+33 : f32
        %mul3A_797 = vector.broadcast %mul3A_796 : f32 to vector<16xf32>
        %mul3A_798 = arith.mulf %bitcast_convert_type3A_795, %mul3A_797 : vector<16xf32>
        %add3A_799 = vector.broadcast %add3A_762 : i32 to vector<16xi32>
        %add3A_800 = arith.addi %add3A_19, %add3A_799 : vector<16xi32>
        tpu.vector_store_idx %arg8[%add3A_800], %mul3A_784 : memref<33024xf32, #tpu.memory_space<vmem>>[vector<16xi32>], vector<16xf32>,
        %add3A_801 = vector.broadcast %add3A_762 : i32 to vector<16xi32>
        %add3A_802 = arith.addi %add3A_35, %add3A_801 : vector<16xi32>
        tpu.vector_store_idx %arg8[%add3A_802], %mul3A_798 : memref<33024xf32, #tpu.memory_space<vmem>>[vector<16xi32>], vector<16xf32>,
        %get3A_803 = arith.constant 3 : i32
        %get3A_804 = arith.index_cast %get3A_803 : i32 to index
        %get3A_805 = arith.index_cast %scan3A_760 : i32 to index
        %get3A_806 = arith.constant 16 : index
        %get3A_807 = tpu.vector_load %arg6[%get3A_804, %get3A_805, %get3A_806] {strides = array<i32>} : memref<4x128x32xi32, #tpu.memory_space<vmem>>, vector<16xi32>,
        %shift_left3A_808 = arith.constant 13 : i32
        %shift_left3A_809 = vector.broadcast %shift_left3A_808 : i32 to vector<16xi32>
        %shift_left3A_810 = arith.shli %get3A_807, %shift_left3A_809 : vector<16xi32>
        %and3A_811 = arith.constant 268427264 : i32
        %and3A_812 = vector.broadcast %and3A_811 : i32 to vector<16xi32>
        %and3A_813 = arith.andi %shift_left3A_810, %and3A_812 : vector<16xi32>
        %shift_left3A_814 = arith.constant 16 : i32
        %shift_left3A_815 = vector.broadcast %shift_left3A_814 : i32 to vector<16xi32>
        %shift_left3A_816 = arith.shli %get3A_807, %shift_left3A_815 : vector<16xi32>
        %and3A_817 = arith.constant -2147483648 : i32
        %and3A_818 = vector.broadcast %and3A_817 : i32 to vector<16xi32>
        %and3A_819 = arith.andi %shift_left3A_816, %and3A_818 : vector<16xi32>
        %or3A_820 = arith.ori %and3A_813, %and3A_819 : vector<16xi32>
        %bitcast_convert_type3A_821 = tpu.bitcast %or3A_820 : vector<16xi32> -> vector<16xf32>
        %mul3A_822 = arith.constant 5.19229686E+33 : f32
        %mul3A_823 = vector.broadcast %mul3A_822 : f32 to vector<16xf32>
        %mul3A_824 = arith.mulf %bitcast_convert_type3A_821, %mul3A_823 : vector<16xf32>
        %shift_right_arithmetic3A_825 = arith.constant 3 : i32
        %shift_right_arithmetic3A_826 = vector.broadcast %shift_right_arithmetic3A_825 : i32 to vector<16xi32>
        %shift_right_arithmetic3A_827 = arith.shrsi %get3A_807, %shift_right_arithmetic3A_826 : vector<16xi32>
        %and3A_828 = arith.constant 268427264 : i32
        %and3A_829 = vector.broadcast %and3A_828 : i32 to vector<16xi32>
        %and3A_830 = arith.andi %shift_right_arithmetic3A_827, %and3A_829 : vector<16xi32>
        %and3A_831 = arith.constant -2147483648 : i32
        %and3A_832 = vector.broadcast %and3A_831 : i32 to vector<16xi32>
        %and3A_833 = arith.andi %get3A_807, %and3A_832 : vector<16xi32>
        %or3A_834 = arith.ori %and3A_830, %and3A_833 : vector<16xi32>
        %bitcast_convert_type3A_835 = tpu.bitcast %or3A_834 : vector<16xi32> -> vector<16xf32>
        %mul3A_836 = arith.constant 5.19229686E+33 : f32
        %mul3A_837 = vector.broadcast %mul3A_836 : f32 to vector<16xf32>
        %mul3A_838 = arith.mulf %bitcast_convert_type3A_835, %mul3A_837 : vector<16xf32>
        %add3A_839 = vector.broadcast %add3A_762 : i32 to vector<16xi32>
        %add3A_840 = arith.addi %add3A_51, %add3A_839 : vector<16xi32>
        tpu.vector_store_idx %arg8[%add3A_840], %mul3A_824 : memref<33024xf32, #tpu.memory_space<vmem>>[vector<16xi32>], vector<16xf32>,
        %add3A_841 = vector.broadcast %add3A_762 : i32 to vector<16xi32>
        %add3A_842 = arith.addi %add3A_67, %add3A_841 : vector<16xi32>
        tpu.vector_store_idx %arg8[%add3A_842], %mul3A_838 : memref<33024xf32, #tpu.memory_space<vmem>>[vector<16xi32>], vector<16xf32>,
        %scan3A_843 = arith.constant 2 : i32
        %scan3A_844 = arith.addi %scan3A_680, %scan3A_843 : i32
        %add3A_845 = arith.constant 3072 : i32
        %add3A_846 = arith.addi %add3A_845, %scan3A_844 : i32
        %get3A_847 = arith.constant 3 : i32
        %get3A_848 = arith.index_cast %get3A_847 : i32 to index
        %get3A_849 = arith.index_cast %scan3A_844 : i32 to index
        %get3A_850 = arith.constant 0 : index
        %get3A_851 = tpu.vector_load %arg6[%get3A_848, %get3A_849, %get3A_850] {strides = array<i32>} : memref<4x128x32xi32, #tpu.memory_space<vmem>>, vector<16xi32>,
        %shift_left3A_852 = arith.constant 13 : i32
        %shift_left3A_853 = vector.broadcast %shift_left3A_852 : i32 to vector<16xi32>
        %shift_left3A_854 = arith.shli %get3A_851, %shift_left3A_853 : vector<16xi32>
        %and3A_855 = arith.constant 268427264 : i32
        %and3A_856 = vector.broadcast %and3A_855 : i32 to vector<16xi32>
        %and3A_857 = arith.andi %shift_left3A_854, %and3A_856 : vector<16xi32>
        %shift_left3A_858 = arith.constant 16 : i32
        %shift_left3A_859 = vector.broadcast %shift_left3A_858 : i32 to vector<16xi32>
        %shift_left3A_860 = arith.shli %get3A_851, %shift_left3A_859 : vector<16xi32>
        %and3A_861 = arith.constant -2147483648 : i32
        %and3A_862 = vector.broadcast %and3A_861 : i32 to vector<16xi32>
        %and3A_863 = arith.andi %shift_left3A_860, %and3A_862 : vector<16xi32>
        %or3A_864 = arith.ori %and3A_857, %and3A_863 : vector<16xi32>
        %bitcast_convert_type3A_865 = tpu.bitcast %or3A_864 : vector<16xi32> -> vector<16xf32>
        %mul3A_866 = arith.constant 5.19229686E+33 : f32
        %mul3A_867 = vector.broadcast %mul3A_866 : f32 to vector<16xf32>
        %mul3A_868 = arith.mulf %bitcast_convert_type3A_865, %mul3A_867 : vector<16xf32>
        %shift_right_arithmetic3A_869 = arith.constant 3 : i32
        %shift_right_arithmetic3A_870 = vector.broadcast %shift_right_arithmetic3A_869 : i32 to vector<16xi32>
        %shift_right_arithmetic3A_871 = arith.shrsi %get3A_851, %shift_right_arithmetic3A_870 : vector<16xi32>
        %and3A_872 = arith.constant 268427264 : i32
        %and3A_873 = vector.broadcast %and3A_872 : i32 to vector<16xi32>
        %and3A_874 = arith.andi %shift_right_arithmetic3A_871, %and3A_873 : vector<16xi32>
        %and3A_875 = arith.constant -2147483648 : i32
        %and3A_876 = vector.broadcast %and3A_875 : i32 to vector<16xi32>
        %and3A_877 = arith.andi %get3A_851, %and3A_876 : vector<16xi32>
        %or3A_878 = arith.ori %and3A_874, %and3A_877 : vector<16xi32>
        %bitcast_convert_type3A_879 = tpu.bitcast %or3A_878 : vector<16xi32> -> vector<16xf32>
        %mul3A_880 = arith.constant 5.19229686E+33 : f32
        %mul3A_881 = vector.broadcast %mul3A_880 : f32 to vector<16xf32>
        %mul3A_882 = arith.mulf %bitcast_convert_type3A_879, %mul3A_881 : vector<16xf32>
        %add3A_883 = vector.broadcast %add3A_846 : i32 to vector<16xi32>
        %add3A_884 = arith.addi %add3A_19, %add3A_883 : vector<16xi32>
        tpu.vector_store_idx %arg8[%add3A_884], %mul3A_868 : memref<33024xf32, #tpu.memory_space<vmem>>[vector<16xi32>], vector<16xf32>,
        %add3A_885 = vector.broadcast %add3A_846 : i32 to vector<16xi32>
        %add3A_886 = arith.addi %add3A_35, %add3A_885 : vector<16xi32>
        tpu.vector_store_idx %arg8[%add3A_886], %mul3A_882 : memref<33024xf32, #tpu.memory_space<vmem>>[vector<16xi32>], vector<16xf32>,
        %get3A_887 = arith.constant 3 : i32
        %get3A_888 = arith.index_cast %get3A_887 : i32 to index
        %get3A_889 = arith.index_cast %scan3A_844 : i32 to index
        %get3A_890 = arith.constant 16 : index
        %get3A_891 = tpu.vector_load %arg6[%get3A_888, %get3A_889, %get3A_890] {strides = array<i32>} : memref<4x128x32xi32, #tpu.memory_space<vmem>>, vector<16xi32>,
        %shift_left3A_892 = arith.constant 13 : i32
        %shift_left3A_893 = vector.broadcast %shift_left3A_892 : i32 to vector<16xi32>
        %shift_left3A_894 = arith.shli %get3A_891, %shift_left3A_893 : vector<16xi32>
        %and3A_895 = arith.constant 268427264 : i32
        %and3A_896 = vector.broadcast %and3A_895 : i32 to vector<16xi32>
        %and3A_897 = arith.andi %shift_left3A_894, %and3A_896 : vector<16xi32>
        %shift_left3A_898 = arith.constant 16 : i32
        %shift_left3A_899 = vector.broadcast %shift_left3A_898 : i32 to vector<16xi32>
        %shift_left3A_900 = arith.shli %get3A_891, %shift_left3A_899 : vector<16xi32>
        %and3A_901 = arith.constant -2147483648 : i32
        %and3A_902 = vector.broadcast %and3A_901 : i32 to vector<16xi32>
        %and3A_903 = arith.andi %shift_left3A_900, %and3A_902 : vector<16xi32>
        %or3A_904 = arith.ori %and3A_897, %and3A_903 : vector<16xi32>
        %bitcast_convert_type3A_905 = tpu.bitcast %or3A_904 : vector<16xi32> -> vector<16xf32>
        %mul3A_906 = arith.constant 5.19229686E+33 : f32
        %mul3A_907 = vector.broadcast %mul3A_906 : f32 to vector<16xf32>
        %mul3A_908 = arith.mulf %bitcast_convert_type3A_905, %mul3A_907 : vector<16xf32>
        %shift_right_arithmetic3A_909 = arith.constant 3 : i32
        %shift_right_arithmetic3A_910 = vector.broadcast %shift_right_arithmetic3A_909 : i32 to vector<16xi32>
        %shift_right_arithmetic3A_911 = arith.shrsi %get3A_891, %shift_right_arithmetic3A_910 : vector<16xi32>
        %and3A_912 = arith.constant 268427264 : i32
        %and3A_913 = vector.broadcast %and3A_912 : i32 to vector<16xi32>
        %and3A_914 = arith.andi %shift_right_arithmetic3A_911, %and3A_913 : vector<16xi32>
        %and3A_915 = arith.constant -2147483648 : i32
        %and3A_916 = vector.broadcast %and3A_915 : i32 to vector<16xi32>
        %and3A_917 = arith.andi %get3A_891, %and3A_916 : vector<16xi32>
        %or3A_918 = arith.ori %and3A_914, %and3A_917 : vector<16xi32>
        %bitcast_convert_type3A_919 = tpu.bitcast %or3A_918 : vector<16xi32> -> vector<16xf32>
        %mul3A_920 = arith.constant 5.19229686E+33 : f32
        %mul3A_921 = vector.broadcast %mul3A_920 : f32 to vector<16xf32>
        %mul3A_922 = arith.mulf %bitcast_convert_type3A_919, %mul3A_921 : vector<16xf32>
        %add3A_923 = vector.broadcast %add3A_846 : i32 to vector<16xi32>
        %add3A_924 = arith.addi %add3A_51, %add3A_923 : vector<16xi32>
        tpu.vector_store_idx %arg8[%add3A_924], %mul3A_908 : memref<33024xf32, #tpu.memory_space<vmem>>[vector<16xi32>], vector<16xf32>,
        %add3A_925 = vector.broadcast %add3A_846 : i32 to vector<16xi32>
        %add3A_926 = arith.addi %add3A_67, %add3A_925 : vector<16xi32>
        tpu.vector_store_idx %arg8[%add3A_926], %mul3A_922 : memref<33024xf32, #tpu.memory_space<vmem>>[vector<16xi32>], vector<16xf32>,
        %scan3A_927 = arith.constant 3 : i32
        %scan3A_928 = arith.addi %scan3A_680, %scan3A_927 : i32
        %add3A_929 = arith.constant 3072 : i32
        %add3A_930 = arith.addi %add3A_929, %scan3A_928 : i32
        %get3A_931 = arith.constant 3 : i32
        %get3A_932 = arith.index_cast %get3A_931 : i32 to index
        %get3A_933 = arith.index_cast %scan3A_928 : i32 to index
        %get3A_934 = arith.constant 0 : index
        %get3A_935 = tpu.vector_load %arg6[%get3A_932, %get3A_933, %get3A_934] {strides = array<i32>} : memref<4x128x32xi32, #tpu.memory_space<vmem>>, vector<16xi32>,
        %shift_left3A_936 = arith.constant 13 : i32
        %shift_left3A_937 = vector.broadcast %shift_left3A_936 : i32 to vector<16xi32>
        %shift_left3A_938 = arith.shli %get3A_935, %shift_left3A_937 : vector<16xi32>
        %and3A_939 = arith.constant 268427264 : i32
        %and3A_940 = vector.broadcast %and3A_939 : i32 to vector<16xi32>
        %and3A_941 = arith.andi %shift_left3A_938, %and3A_940 : vector<16xi32>
        %shift_left3A_942 = arith.constant 16 : i32
        %shift_left3A_943 = vector.broadcast %shift_left3A_942 : i32 to vector<16xi32>
        %shift_left3A_944 = arith.shli %get3A_935, %shift_left3A_943 : vector<16xi32>
        %and3A_945 = arith.constant -2147483648 : i32
        %and3A_946 = vector.broadcast %and3A_945 : i32 to vector<16xi32>
        %and3A_947 = arith.andi %shift_left3A_944, %and3A_946 : vector<16xi32>
        %or3A_948 = arith.ori %and3A_941, %and3A_947 : vector<16xi32>
        %bitcast_convert_type3A_949 = tpu.bitcast %or3A_948 : vector<16xi32> -> vector<16xf32>
        %mul3A_950 = arith.constant 5.19229686E+33 : f32
        %mul3A_951 = vector.broadcast %mul3A_950 : f32 to vector<16xf32>
        %mul3A_952 = arith.mulf %bitcast_convert_type3A_949, %mul3A_951 : vector<16xf32>
        %shift_right_arithmetic3A_953 = arith.constant 3 : i32
        %shift_right_arithmetic3A_954 = vector.broadcast %shift_right_arithmetic3A_953 : i32 to vector<16xi32>
        %shift_right_arithmetic3A_955 = arith.shrsi %get3A_935, %shift_right_arithmetic3A_954 : vector<16xi32>
        %and3A_956 = arith.constant 268427264 : i32
        %and3A_957 = vector.broadcast %and3A_956 : i32 to vector<16xi32>
        %and3A_958 = arith.andi %shift_right_arithmetic3A_955, %and3A_957 : vector<16xi32>
        %and3A_959 = arith.constant -2147483648 : i32
        %and3A_960 = vector.broadcast %and3A_959 : i32 to vector<16xi32>
        %and3A_961 = arith.andi %get3A_935, %and3A_960 : vector<16xi32>
        %or3A_962 = arith.ori %and3A_958, %and3A_961 : vector<16xi32>
        %bitcast_convert_type3A_963 = tpu.bitcast %or3A_962 : vector<16xi32> -> vector<16xf32>
        %mul3A_964 = arith.constant 5.19229686E+33 : f32
        %mul3A_965 = vector.broadcast %mul3A_964 : f32 to vector<16xf32>
        %mul3A_966 = arith.mulf %bitcast_convert_type3A_963, %mul3A_965 : vector<16xf32>
        %add3A_967 = vector.broadcast %add3A_930 : i32 to vector<16xi32>
        %add3A_968 = arith.addi %add3A_19, %add3A_967 : vector<16xi32>
        tpu.vector_store_idx %arg8[%add3A_968], %mul3A_952 : memref<33024xf32, #tpu.memory_space<vmem>>[vector<16xi32>], vector<16xf32>,
        %add3A_969 = vector.broadcast %add3A_930 : i32 to vector<16xi32>
        %add3A_970 = arith.addi %add3A_35, %add3A_969 : vector<16xi32>
        tpu.vector_store_idx %arg8[%add3A_970], %mul3A_966 : memref<33024xf32, #tpu.memory_space<vmem>>[vector<16xi32>], vector<16xf32>,
        %get3A_971 = arith.constant 3 : i32
        %get3A_972 = arith.index_cast %get3A_971 : i32 to index
        %get3A_973 = arith.index_cast %scan3A_928 : i32 to index
        %get3A_974 = arith.constant 16 : index
        %get3A_975 = tpu.vector_load %arg6[%get3A_972, %get3A_973, %get3A_974] {strides = array<i32>} : memref<4x128x32xi32, #tpu.memory_space<vmem>>, vector<16xi32>,
        %shift_left3A_976 = arith.constant 13 : i32
        %shift_left3A_977 = vector.broadcast %shift_left3A_976 : i32 to vector<16xi32>
        %shift_left3A_978 = arith.shli %get3A_975, %shift_left3A_977 : vector<16xi32>
        %and3A_979 = arith.constant 268427264 : i32
        %and3A_980 = vector.broadcast %and3A_979 : i32 to vector<16xi32>
        %and3A_981 = arith.andi %shift_left3A_978, %and3A_980 : vector<16xi32>
        %shift_left3A_982 = arith.constant 16 : i32
        %shift_left3A_983 = vector.broadcast %shift_left3A_982 : i32 to vector<16xi32>
        %shift_left3A_984 = arith.shli %get3A_975, %shift_left3A_983 : vector<16xi32>
        %and3A_985 = arith.constant -2147483648 : i32
        %and3A_986 = vector.broadcast %and3A_985 : i32 to vector<16xi32>
        %and3A_987 = arith.andi %shift_left3A_984, %and3A_986 : vector<16xi32>
        %or3A_988 = arith.ori %and3A_981, %and3A_987 : vector<16xi32>
        %bitcast_convert_type3A_989 = tpu.bitcast %or3A_988 : vector<16xi32> -> vector<16xf32>
        %mul3A_990 = arith.constant 5.19229686E+33 : f32
        %mul3A_991 = vector.broadcast %mul3A_990 : f32 to vector<16xf32>
        %mul3A_992 = arith.mulf %bitcast_convert_type3A_989, %mul3A_991 : vector<16xf32>
        %shift_right_arithmetic3A_993 = arith.constant 3 : i32
        %shift_right_arithmetic3A_994 = vector.broadcast %shift_right_arithmetic3A_993 : i32 to vector<16xi32>
        %shift_right_arithmetic3A_995 = arith.shrsi %get3A_975, %shift_right_arithmetic3A_994 : vector<16xi32>
        %and3A_996 = arith.constant 268427264 : i32
        %and3A_997 = vector.broadcast %and3A_996 : i32 to vector<16xi32>
        %and3A_998 = arith.andi %shift_right_arithmetic3A_995, %and3A_997 : vector<16xi32>
        %and3A_999 = arith.constant -2147483648 : i32
        %and3A_1000 = vector.broadcast %and3A_999 : i32 to vector<16xi32>
        %and3A_1001 = arith.andi %get3A_975, %and3A_1000 : vector<16xi32>
        %or3A_1002 = arith.ori %and3A_998, %and3A_1001 : vector<16xi32>
        %bitcast_convert_type3A_1003 = tpu.bitcast %or3A_1002 : vector<16xi32> -> vector<16xf32>
        %mul3A_1004 = arith.constant 5.19229686E+33 : f32
        %mul3A_1005 = vector.broadcast %mul3A_1004 : f32 to vector<16xf32>
        %mul3A_1006 = arith.mulf %bitcast_convert_type3A_1003, %mul3A_1005 : vector<16xf32>
        %add3A_1007 = vector.broadcast %add3A_930 : i32 to vector<16xi32>
        %add3A_1008 = arith.addi %add3A_51, %add3A_1007 : vector<16xi32>
        tpu.vector_store_idx %arg8[%add3A_1008], %mul3A_992 : memref<33024xf32, #tpu.memory_space<vmem>>[vector<16xi32>], vector<16xf32>,
        %add3A_1009 = vector.broadcast %add3A_930 : i32 to vector<16xi32>
        %add3A_1010 = arith.addi %add3A_67, %add3A_1009 : vector<16xi32>
        tpu.vector_store_idx %arg8[%add3A_1010], %mul3A_1006 : memref<33024xf32, #tpu.memory_space<vmem>>[vector<16xi32>], vector<16xf32>,
      }
      %scan3A_407 = arith.constant 128 : i32
      %mul3A_408 = arith.constant 1048576 : i32
      %mul3A_409 = arith.muli %select_n3A, %mul3A_408 : i32
      %mul3A_410 = arith.constant 1024 : i32
      %mul3A_411 = arith.muli %select_n3A_333, %mul3A_410 : i32
      %add3A_412 = arith.addi %mul3A_409, %mul3A_411 : i32
      %add3A_413 = arith.constant 0 : i32
      %add3A_414 = arith.addi %add3A_412, %add3A_413 : i32
      %dma_start3A_415 = arith.constant 0 : i32
      %dma_start3A_416 = tpu.memref_slice %arg8[%dma_start3A_415] : memref<33024xf32, #tpu.memory_space<vmem>> -> memref<4096xf32, #tpu.memory_space<vmem>>
      %dma_start3A_417 = tpu.memref_slice %arg4[%add3A_414] : memref<52428800xf32, #tpu.memory_space<hbm>> -> memref<4096xf32, #tpu.memory_space<hbm>>
      %dma_start3A_418 = tpu.memref_slice %arg4[%add3A_414] : memref<52428800xf32, #tpu.memory_space<hbm>> -> memref<4096xf32, #tpu.memory_space<hbm>>
      %dma_start3A_419 = arith.constant 0 : i32
      %dma_start3A_420 = tpu.memref_slice %arg8[%dma_start3A_419] : memref<33024xf32, #tpu.memory_space<vmem>> -> memref<4096xf32, #tpu.memory_space<vmem>>
      tpu.enqueue_dma source(%dma_start3A_420 : memref<4096xf32, #tpu.memory_space<vmem>>) target(%dma_start3A_418 : memref<4096xf32, #tpu.memory_space<hbm>>) target_semaphore(%arg12 : memref<!tpu.dma_semaphore, #tpu.memory_space<semaphore_mem>>)
      %add3A_421 = arith.constant 131072 : i32
      %add3A_422 = arith.addi %add3A_412, %add3A_421 : i32
      %dma_start3A_423 = arith.constant 4128 : i32
      %dma_start3A_424 = tpu.memref_slice %arg8[%dma_start3A_423] : memref<33024xf32, #tpu.memory_space<vmem>> -> memref<4096xf32, #tpu.memory_space<vmem>>
      %dma_start3A_425 = tpu.memref_slice %arg4[%add3A_422] : memref<52428800xf32, #tpu.memory_space<hbm>> -> memref<4096xf32, #tpu.memory_space<hbm>>
      %dma_start3A_426 = tpu.memref_slice %arg4[%add3A_422] : memref<52428800xf32, #tpu.memory_space<hbm>> -> memref<4096xf32, #tpu.memory_space<hbm>>
      %dma_start3A_427 = arith.constant 4128 : i32
      %dma_start3A_428 = tpu.memref_slice %arg8[%dma_start3A_427] : memref<33024xf32, #tpu.memory_space<vmem>> -> memref<4096xf32, #tpu.memory_space<vmem>>
      tpu.enqueue_dma source(%dma_start3A_428 : memref<4096xf32, #tpu.memory_space<vmem>>) target(%dma_start3A_426 : memref<4096xf32, #tpu.memory_space<hbm>>) target_semaphore(%arg12 : memref<!tpu.dma_semaphore, #tpu.memory_space<semaphore_mem>>)
      %add3A_429 = arith.constant 262144 : i32
      %add3A_430 = arith.addi %add3A_412, %add3A_429 : i32
      %dma_start3A_431 = arith.constant 8256 : i32
      %dma_start3A_432 = tpu.memref_slice %arg8[%dma_start3A_431] : memref<33024xf32, #tpu.memory_space<vmem>> -> memref<4096xf32, #tpu.memory_space<vmem>>
      %dma_start3A_433 = tpu.memref_slice %arg4[%add3A_430] : memref<52428800xf32, #tpu.memory_space<hbm>> -> memref<4096xf32, #tpu.memory_space<hbm>>
      %dma_start3A_434 = tpu.memref_slice %arg4[%add3A_430] : memref<52428800xf32, #tpu.memory_space<hbm>> -> memref<4096xf32, #tpu.memory_space<hbm>>
      %dma_start3A_435 = arith.constant 8256 : i32
      %dma_start3A_436 = tpu.memref_slice %arg8[%dma_start3A_435] : memref<33024xf32, #tpu.memory_space<vmem>> -> memref<4096xf32, #tpu.memory_space<vmem>>
      tpu.enqueue_dma source(%dma_start3A_436 : memref<4096xf32, #tpu.memory_space<vmem>>) target(%dma_start3A_434 : memref<4096xf32, #tpu.memory_space<hbm>>) target_semaphore(%arg12 : memref<!tpu.dma_semaphore, #tpu.memory_space<semaphore_mem>>)
      %add3A_437 = arith.constant 393216 : i32
      %add3A_438 = arith.addi %add3A_412, %add3A_437 : i32
      %dma_start3A_439 = arith.constant 12384 : i32
      %dma_start3A_440 = tpu.memref_slice %arg8[%dma_start3A_439] : memref<33024xf32, #tpu.memory_space<vmem>> -> memref<4096xf32, #tpu.memory_space<vmem>>
      %dma_start3A_441 = tpu.memref_slice %arg4[%add3A_438] : memref<52428800xf32, #tpu.memory_space<hbm>> -> memref<4096xf32, #tpu.memory_space<hbm>>
      %dma_start3A_442 = tpu.memref_slice %arg4[%add3A_438] : memref<52428800xf32, #tpu.memory_space<hbm>> -> memref<4096xf32, #tpu.memory_space<hbm>>
      %dma_start3A_443 = arith.constant 12384 : i32
      %dma_start3A_444 = tpu.memref_slice %arg8[%dma_start3A_443] : memref<33024xf32, #tpu.memory_space<vmem>> -> memref<4096xf32, #tpu.memory_space<vmem>>
      tpu.enqueue_dma source(%dma_start3A_444 : memref<4096xf32, #tpu.memory_space<vmem>>) target(%dma_start3A_442 : memref<4096xf32, #tpu.memory_space<hbm>>) target_semaphore(%arg12 : memref<!tpu.dma_semaphore, #tpu.memory_space<semaphore_mem>>)
      %add3A_445 = arith.constant 524288 : i32
      %add3A_446 = arith.addi %add3A_412, %add3A_445 : i32
      %dma_start3A_447 = arith.constant 16512 : i32
      %dma_start3A_448 = tpu.memref_slice %arg8[%dma_start3A_447] : memref<33024xf32, #tpu.memory_space<vmem>> -> memref<4096xf32, #tpu.memory_space<vmem>>
      %dma_start3A_449 = tpu.memref_slice %arg4[%add3A_446] : memref<52428800xf32, #tpu.memory_space<hbm>> -> memref<4096xf32, #tpu.memory_space<hbm>>
      %dma_start3A_450 = tpu.memref_slice %arg4[%add3A_446] : memref<52428800xf32, #tpu.memory_space<hbm>> -> memref<4096xf32, #tpu.memory_space<hbm>>
      %dma_start3A_451 = arith.constant 16512 : i32
      %dma_start3A_452 = tpu.memref_slice %arg8[%dma_start3A_451] : memref<33024xf32, #tpu.memory_space<vmem>> -> memref<4096xf32, #tpu.memory_space<vmem>>
      tpu.enqueue_dma source(%dma_start3A_452 : memref<4096xf32, #tpu.memory_space<vmem>>) target(%dma_start3A_450 : memref<4096xf32, #tpu.memory_space<hbm>>) target_semaphore(%arg12 : memref<!tpu.dma_semaphore, #tpu.memory_space<semaphore_mem>>)
      %add3A_453 = arith.constant 655360 : i32
      %add3A_454 = arith.addi %add3A_412, %add3A_453 : i32
      %dma_start3A_455 = arith.constant 20640 : i32
      %dma_start3A_456 = tpu.memref_slice %arg8[%dma_start3A_455] : memref<33024xf32, #tpu.memory_space<vmem>> -> memref<4096xf32, #tpu.memory_space<vmem>>
      %dma_start3A_457 = tpu.memref_slice %arg4[%add3A_454] : memref<52428800xf32, #tpu.memory_space<hbm>> -> memref<4096xf32, #tpu.memory_space<hbm>>
      %dma_start3A_458 = tpu.memref_slice %arg4[%add3A_454] : memref<52428800xf32, #tpu.memory_space<hbm>> -> memref<4096xf32, #tpu.memory_space<hbm>>
      %dma_start3A_459 = arith.constant 20640 : i32
      %dma_start3A_460 = tpu.memref_slice %arg8[%dma_start3A_459] : memref<33024xf32, #tpu.memory_space<vmem>> -> memref<4096xf32, #tpu.memory_space<vmem>>
      tpu.enqueue_dma source(%dma_start3A_460 : memref<4096xf32, #tpu.memory_space<vmem>>) target(%dma_start3A_458 : memref<4096xf32, #tpu.memory_space<hbm>>) target_semaphore(%arg12 : memref<!tpu.dma_semaphore, #tpu.memory_space<semaphore_mem>>)
      %add3A_461 = arith.constant 786432 : i32
      %add3A_462 = arith.addi %add3A_412, %add3A_461 : i32
      %dma_start3A_463 = arith.constant 24768 : i32
      %dma_start3A_464 = tpu.memref_slice %arg8[%dma_start3A_463] : memref<33024xf32, #tpu.memory_space<vmem>> -> memref<4096xf32, #tpu.memory_space<vmem>>
      %dma_start3A_465 = tpu.memref_slice %arg4[%add3A_462] : memref<52428800xf32, #tpu.memory_space<hbm>> -> memref<4096xf32, #tpu.memory_space<hbm>>
      %dma_start3A_466 = tpu.memref_slice %arg4[%add3A_462] : memref<52428800xf32, #tpu.memory_space<hbm>> -> memref<4096xf32, #tpu.memory_space<hbm>>
      %dma_start3A_467 = arith.constant 24768 : i32
      %dma_start3A_468 = tpu.memref_slice %arg8[%dma_start3A_467] : memref<33024xf32, #tpu.memory_space<vmem>> -> memref<4096xf32, #tpu.memory_space<vmem>>
      tpu.enqueue_dma source(%dma_start3A_468 : memref<4096xf32, #tpu.memory_space<vmem>>) target(%dma_start3A_466 : memref<4096xf32, #tpu.memory_space<hbm>>) target_semaphore(%arg12 : memref<!tpu.dma_semaphore, #tpu.memory_space<semaphore_mem>>)
      %add3A_469 = arith.constant 917504 : i32
      %add3A_470 = arith.addi %add3A_412, %add3A_469 : i32
      %dma_start3A_471 = arith.constant 28896 : i32
      %dma_start3A_472 = tpu.memref_slice %arg8[%dma_start3A_471] : memref<33024xf32, #tpu.memory_space<vmem>> -> memref<4096xf32, #tpu.memory_space<vmem>>
      %dma_start3A_473 = tpu.memref_slice %arg4[%add3A_470] : memref<52428800xf32, #tpu.memory_space<hbm>> -> memref<4096xf32, #tpu.memory_space<hbm>>
      %dma_start3A_474 = tpu.memref_slice %arg4[%add3A_470] : memref<52428800xf32, #tpu.memory_space<hbm>> -> memref<4096xf32, #tpu.memory_space<hbm>>
      %dma_start3A_475 = arith.constant 28896 : i32
      %dma_start3A_476 = tpu.memref_slice %arg8[%dma_start3A_475] : memref<33024xf32, #tpu.memory_space<vmem>> -> memref<4096xf32, #tpu.memory_space<vmem>>
      tpu.enqueue_dma source(%dma_start3A_476 : memref<4096xf32, #tpu.memory_space<vmem>>) target(%dma_start3A_474 : memref<4096xf32, #tpu.memory_space<hbm>>) target_semaphore(%arg12 : memref<!tpu.dma_semaphore, #tpu.memory_space<semaphore_mem>>)
      %lt3A_477 = arith.constant 24 : i32
      %lt3A_478 = arith.cmpi slt, %scan3A_295, %lt3A_477 : i32
      %convert_element_type3A_479 = arith.extui %lt3A_478 : i1 to i32
      %cond3A_480 = arith.constant 0 : i32
      %cond3A_481 = arith.cmpi ne, %convert_element_type3A_479, %cond3A_480 : i32
      scf.if %cond3A_481 {
        %add3A_680 = arith.constant 2 : i32
        %add3A_681 = arith.addi %add3A_299, %add3A_680 : i32
        %mul3A_682 = arith.constant 4 : i32
        %mul3A_683 = arith.muli %add3A_681, %mul3A_682 : i32
        %add3A_684 = arith.constant 0 : i32
        %add3A_685 = arith.addi %mul3A_683, %add3A_684 : i32
        %dma_start3A_686 = arith.constant 0 : i32
        %dma_start3A_687 = arith.constant 0 : i32
        %dma_start3A_688 = arith.constant 0 : i32
        %dma_start3A_689 = tpu.memref_slice %arg6[%dma_start3A_686, %dma_start3A_687, %dma_start3A_688] : memref<4x128x32xi32, #tpu.memory_space<vmem>> -> memref<1x128x32xi32, #tpu.memory_space<vmem>>
        %dma_start3A_690 = tpu.memref_squeeze %dma_start3A_689 : memref<1x128x32xi32, #tpu.memory_space<vmem>> -> memref<128x32xi32, #tpu.memory_space<vmem>>
        %dma_start3A_691 = arith.constant 0 : i32
        %dma_start3A_692 = tpu.memref_slice %arg5[%add3A_685, %dma_start3A_691] : memref<200x128xi32, #tpu.memory_space<vmem>> -> memref<1x128xi32, #tpu.memory_space<vmem>>
        %dma_start3A_693 = tpu.memref_squeeze %dma_start3A_692 : memref<1x128xi32, #tpu.memory_space<vmem>> -> memref<128xi32, #tpu.memory_space<vmem>>
        %dma_start3A_694 = arith.constant 0 : i32
        %dma_start3A_695 = arith.constant 0 : i32
        %dma_start3A_696 = tpu.memref_slice %arg2[%dma_start3A_694, %dma_start3A_695] : memref<1007616x32xi32, #tpu.memory_space<hbm>> -> memref<1007616x32xi32, #tpu.memory_space<hbm>>
        tpu.enqueue_indirect_dma source(%dma_start3A_696 : memref<1007616x32xi32, #tpu.memory_space<hbm>>) target(%dma_start3A_690 : memref<128x32xi32, #tpu.memory_space<vmem>>) offsets(%dma_start3A_693 : memref<128xi32, #tpu.memory_space<vmem>>) semaphore(%arg10 : memref<!tpu.dma_semaphore, #tpu.memory_space<semaphore_mem>>)
        %mul3A_697 = arith.constant 4 : i32
        %mul3A_698 = arith.muli %add3A_681, %mul3A_697 : i32
        %add3A_699 = arith.constant 1 : i32
        %add3A_700 = arith.addi %mul3A_698, %add3A_699 : i32
        %dma_start3A_701 = arith.constant 1 : i32
        %dma_start3A_702 = arith.constant 0 : i32
        %dma_start3A_703 = arith.constant 0 : i32
        %dma_start3A_704 = tpu.memref_slice %arg6[%dma_start3A_701, %dma_start3A_702, %dma_start3A_703] : memref<4x128x32xi32, #tpu.memory_space<vmem>> -> memref<1x128x32xi32, #tpu.memory_space<vmem>>
        %dma_start3A_705 = tpu.memref_squeeze %dma_start3A_704 : memref<1x128x32xi32, #tpu.memory_space<vmem>> -> memref<128x32xi32, #tpu.memory_space<vmem>>
        %dma_start3A_706 = arith.constant 0 : i32
        %dma_start3A_707 = tpu.memref_slice %arg5[%add3A_700, %dma_start3A_706] : memref<200x128xi32, #tpu.memory_space<vmem>> -> memref<1x128xi32, #tpu.memory_space<vmem>>
        %dma_start3A_708 = tpu.memref_squeeze %dma_start3A_707 : memref<1x128xi32, #tpu.memory_space<vmem>> -> memref<128xi32, #tpu.memory_space<vmem>>
        %dma_start3A_709 = arith.constant 0 : i32
        %dma_start3A_710 = arith.constant 0 : i32
        %dma_start3A_711 = tpu.memref_slice %arg2[%dma_start3A_709, %dma_start3A_710] : memref<1007616x32xi32, #tpu.memory_space<hbm>> -> memref<1007616x32xi32, #tpu.memory_space<hbm>>
        tpu.enqueue_indirect_dma source(%dma_start3A_711 : memref<1007616x32xi32, #tpu.memory_space<hbm>>) target(%dma_start3A_705 : memref<128x32xi32, #tpu.memory_space<vmem>>) offsets(%dma_start3A_708 : memref<128xi32, #tpu.memory_space<vmem>>) semaphore(%arg10 : memref<!tpu.dma_semaphore, #tpu.memory_space<semaphore_mem>>)
        %mul3A_712 = arith.constant 4 : i32
        %mul3A_713 = arith.muli %add3A_681, %mul3A_712 : i32
        %add3A_714 = arith.constant 2 : i32
        %add3A_715 = arith.addi %mul3A_713, %add3A_714 : i32
        %dma_start3A_716 = arith.constant 2 : i32
        %dma_start3A_717 = arith.constant 0 : i32
        %dma_start3A_718 = arith.constant 0 : i32
        %dma_start3A_719 = tpu.memref_slice %arg6[%dma_start3A_716, %dma_start3A_717, %dma_start3A_718] : memref<4x128x32xi32, #tpu.memory_space<vmem>> -> memref<1x128x32xi32, #tpu.memory_space<vmem>>
        %dma_start3A_720 = tpu.memref_squeeze %dma_start3A_719 : memref<1x128x32xi32, #tpu.memory_space<vmem>> -> memref<128x32xi32, #tpu.memory_space<vmem>>
        %dma_start3A_721 = arith.constant 0 : i32
        %dma_start3A_722 = tpu.memref_slice %arg5[%add3A_715, %dma_start3A_721] : memref<200x128xi32, #tpu.memory_space<vmem>> -> memref<1x128xi32, #tpu.memory_space<vmem>>
        %dma_start3A_723 = tpu.memref_squeeze %dma_start3A_722 : memref<1x128xi32, #tpu.memory_space<vmem>> -> memref<128xi32, #tpu.memory_space<vmem>>
        %dma_start3A_724 = arith.constant 0 : i32
        %dma_start3A_725 = arith.constant 0 : i32
        %dma_start3A_726 = tpu.memref_slice %arg2[%dma_start3A_724, %dma_start3A_725] : memref<1007616x32xi32, #tpu.memory_space<hbm>> -> memref<1007616x32xi32, #tpu.memory_space<hbm>>
        tpu.enqueue_indirect_dma source(%dma_start3A_726 : memref<1007616x32xi32, #tpu.memory_space<hbm>>) target(%dma_start3A_720 : memref<128x32xi32, #tpu.memory_space<vmem>>) offsets(%dma_start3A_723 : memref<128xi32, #tpu.memory_space<vmem>>) semaphore(%arg10 : memref<!tpu.dma_semaphore, #tpu.memory_space<semaphore_mem>>)
        %mul3A_727 = arith.constant 4 : i32
        %mul3A_728 = arith.muli %add3A_681, %mul3A_727 : i32
        %add3A_729 = arith.constant 3 : i32
        %add3A_730 = arith.addi %mul3A_728, %add3A_729 : i32
        %dma_start3A_731 = arith.constant 3 : i32
        %dma_start3A_732 = arith.constant 0 : i32
        %dma_start3A_733 = arith.constant 0 : i32
        %dma_start3A_734 = tpu.memref_slice %arg6[%dma_start3A_731, %dma_start3A_732, %dma_start3A_733] : memref<4x128x32xi32, #tpu.memory_space<vmem>> -> memref<1x128x32xi32, #tpu.memory_space<vmem>>
        %dma_start3A_735 = tpu.memref_squeeze %dma_start3A_734 : memref<1x128x32xi32, #tpu.memory_space<vmem>> -> memref<128x32xi32, #tpu.memory_space<vmem>>
        %dma_start3A_736 = arith.constant 0 : i32
        %dma_start3A_737 = tpu.memref_slice %arg5[%add3A_730, %dma_start3A_736] : memref<200x128xi32, #tpu.memory_space<vmem>> -> memref<1x128xi32, #tpu.memory_space<vmem>>
        %dma_start3A_738 = tpu.memref_squeeze %dma_start3A_737 : memref<1x128xi32, #tpu.memory_space<vmem>> -> memref<128xi32, #tpu.memory_space<vmem>>
        %dma_start3A_739 = arith.constant 0 : i32
        %dma_start3A_740 = arith.constant 0 : i32
        %dma_start3A_741 = tpu.memref_slice %arg2[%dma_start3A_739, %dma_start3A_740] : memref<1007616x32xi32, #tpu.memory_space<hbm>> -> memref<1007616x32xi32, #tpu.memory_space<hbm>>
        tpu.enqueue_indirect_dma source(%dma_start3A_741 : memref<1007616x32xi32, #tpu.memory_space<hbm>>) target(%dma_start3A_735 : memref<128x32xi32, #tpu.memory_space<vmem>>) offsets(%dma_start3A_738 : memref<128xi32, #tpu.memory_space<vmem>>) semaphore(%arg10 : memref<!tpu.dma_semaphore, #tpu.memory_space<semaphore_mem>>)
      } else {
      }
      %mul3A_482 = arith.constant 2 : i32
      %mul3A_483 = arith.muli %scan3A_295, %mul3A_482 : i32
      %add3A_484 = arith.constant 1 : i32
      %add3A_485 = arith.addi %mul3A_483, %add3A_484 : i32
      %mul3A_486 = arith.constant 4 : i32
      %mul3A_487 = arith.muli %add3A_485, %mul3A_486 : i32
      %add3A_488 = arith.addi %mul3A_2, %mul3A_487 : i32
      %jit3A_489 = arith.constant 128 : i32
      %div3A_490 = arith.divsi %add3A_488, %jit3A_489 : i32
      %sign3A_491 = arith.constant 0 : i32
      %sign3A_492 = arith.cmpi sgt, %add3A_488, %sign3A_491 : i32
      %sign3A_493 = arith.extui %sign3A_492 : i1 to i32
      %sign3A_494 = arith.constant 0 : i32
      %sign3A_495 = arith.cmpi slt, %add3A_488, %sign3A_494 : i32
      %sign3A_496 = arith.extui %sign3A_495 : i1 to i32
      %sign3A_497 = arith.subi %sign3A_493, %sign3A_496 : i32
      %sign3A_498 = arith.constant 0 : i32
      %sign3A_499 = arith.cmpi sgt, %jit3A_489, %sign3A_498 : i32
      %sign3A_500 = arith.extui %sign3A_499 : i1 to i32
      %sign3A_501 = arith.constant 0 : i32
      %sign3A_502 = arith.cmpi slt, %jit3A_489, %sign3A_501 : i32
      %sign3A_503 = arith.extui %sign3A_502 : i1 to i32
      %sign3A_504 = arith.subi %sign3A_500, %sign3A_503 : i32
      %ne3A_505 = arith.cmpi ne, %sign3A_497, %sign3A_504 : i32
      %rem3A_506 = arith.remsi %add3A_488, %jit3A_489 : i32
      %ne3A_507 = arith.constant 0 : i32
      %ne3A_508 = arith.cmpi ne, %rem3A_506, %ne3A_507 : i32
      %and3A_509 = arith.andi %ne3A_505, %ne3A_508 : i1
      %sub3A_510 = arith.constant 1 : i32
      %sub3A_511 = arith.subi %div3A_490, %sub3A_510 : i32
      %select_n3A_512 = arith.select %and3A_509, %sub3A_511, %div3A_490 : i32
      %jit3A_513 = arith.constant 128 : i32
      %eq3A_514 = arith.constant 0 : i32
      %eq3A_515 = arith.cmpi eq, %jit3A_513, %eq3A_514 : i32
      %jit3A_516 = arith.constant 1 : i32
      %select_n3A_517 = arith.select %eq3A_515, %jit3A_516, %jit3A_513 : i32
      %rem3A_518 = arith.remsi %add3A_488, %select_n3A_517 : i32
      %ne3A_519 = arith.constant 0 : i32
      %ne3A_520 = arith.cmpi ne, %rem3A_518, %ne3A_519 : i32
      %lt3A_521 = arith.constant 0 : i32
      %lt3A_522 = arith.cmpi slt, %rem3A_518, %lt3A_521 : i32
      %lt3A_523 = arith.constant 0 : i32
      %lt3A_524 = arith.cmpi slt, %select_n3A_517, %lt3A_523 : i32
      %ne3A_525 = arith.xori %lt3A_522, %lt3A_524 : i1
      %and3A_526 = arith.andi %ne3A_525, %ne3A_520 : i1
      %add3A_527 = arith.addi %rem3A_518, %select_n3A_517 : i32
      %select_n3A_528 = arith.select %and3A_526, %add3A_527, %rem3A_518 : i32
      %dma_wait3A_529 = arith.constant 0 : i32
      %dma_wait3A_530 = arith.constant 0 : i32
      %dma_wait3A_531 = arith.constant 0 : i32
      %dma_wait3A_532 = arith.constant 0 : i32
      %dma_wait3A_533 = tpu.memref_slice %arg7[%dma_wait3A_530, %dma_wait3A_531, %dma_wait3A_532] : memref<4x128x32xi32, #tpu.memory_space<vmem>> -> memref<1x128x32xi32, #tpu.memory_space<vmem>>
      %dma_wait3A_534 = tpu.memref_squeeze %dma_wait3A_533 : memref<1x128x32xi32, #tpu.memory_space<vmem>> -> memref<128x32xi32, #tpu.memory_space<vmem>>
      %dma_wait3A_535 = arith.constant 0 : i32
      %dma_wait3A_536 = tpu.memref_slice %arg5[%dma_wait3A_529, %dma_wait3A_535] : memref<200x128xi32, #tpu.memory_space<vmem>> -> memref<1x128xi32, #tpu.memory_space<vmem>>
      %dma_wait3A_537 = tpu.memref_squeeze %dma_wait3A_536 : memref<1x128xi32, #tpu.memory_space<vmem>> -> memref<128xi32, #tpu.memory_space<vmem>>
      %dma_wait3A_538 = arith.constant 0 : i32
      %dma_wait3A_539 = arith.constant 0 : i32
      %dma_wait3A_540 = tpu.memref_slice %arg2[%dma_wait3A_538, %dma_wait3A_539] : memref<1007616x32xi32, #tpu.memory_space<hbm>> -> memref<1007616x32xi32, #tpu.memory_space<hbm>>
      tpu.wait_indirect_dma semaphore(%arg11 : memref<!tpu.dma_semaphore, #tpu.memory_space<semaphore_mem>>) src(%dma_wait3A_540 : memref<1007616x32xi32, #tpu.memory_space<hbm>>) dst(%dma_wait3A_534 : memref<128x32xi32, #tpu.memory_space<vmem>>)
      %dma_wait3A_541 = arith.constant 1 : i32
      %dma_wait3A_542 = arith.constant 1 : i32
      %dma_wait3A_543 = arith.constant 0 : i32
      %dma_wait3A_544 = arith.constant 0 : i32
      %dma_wait3A_545 = tpu.memref_slice %arg7[%dma_wait3A_542, %dma_wait3A_543, %dma_wait3A_544] : memref<4x128x32xi32, #tpu.memory_space<vmem>> -> memref<1x128x32xi32, #tpu.memory_space<vmem>>
      %dma_wait3A_546 = tpu.memref_squeeze %dma_wait3A_545 : memref<1x128x32xi32, #tpu.memory_space<vmem>> -> memref<128x32xi32, #tpu.memory_space<vmem>>
      %dma_wait3A_547 = arith.constant 0 : i32
      %dma_wait3A_548 = tpu.memref_slice %arg5[%dma_wait3A_541, %dma_wait3A_547] : memref<200x128xi32, #tpu.memory_space<vmem>> -> memref<1x128xi32, #tpu.memory_space<vmem>>
      %dma_wait3A_549 = tpu.memref_squeeze %dma_wait3A_548 : memref<1x128xi32, #tpu.memory_space<vmem>> -> memref<128xi32, #tpu.memory_space<vmem>>
      %dma_wait3A_550 = arith.constant 0 : i32
      %dma_wait3A_551 = arith.constant 0 : i32
      %dma_wait3A_552 = tpu.memref_slice %arg2[%dma_wait3A_550, %dma_wait3A_551] : memref<1007616x32xi32, #tpu.memory_space<hbm>> -> memref<1007616x32xi32, #tpu.memory_space<hbm>>
      tpu.wait_indirect_dma semaphore(%arg11 : memref<!tpu.dma_semaphore, #tpu.memory_space<semaphore_mem>>) src(%dma_wait3A_552 : memref<1007616x32xi32, #tpu.memory_space<hbm>>) dst(%dma_wait3A_546 : memref<128x32xi32, #tpu.memory_space<vmem>>)
      %dma_wait3A_553 = arith.constant 2 : i32
      %dma_wait3A_554 = arith.constant 2 : i32
      %dma_wait3A_555 = arith.constant 0 : i32
      %dma_wait3A_556 = arith.constant 0 : i32
      %dma_wait3A_557 = tpu.memref_slice %arg7[%dma_wait3A_554, %dma_wait3A_555, %dma_wait3A_556] : memref<4x128x32xi32, #tpu.memory_space<vmem>> -> memref<1x128x32xi32, #tpu.memory_space<vmem>>
      %dma_wait3A_558 = tpu.memref_squeeze %dma_wait3A_557 : memref<1x128x32xi32, #tpu.memory_space<vmem>> -> memref<128x32xi32, #tpu.memory_space<vmem>>
      %dma_wait3A_559 = arith.constant 0 : i32
      %dma_wait3A_560 = tpu.memref_slice %arg5[%dma_wait3A_553, %dma_wait3A_559] : memref<200x128xi32, #tpu.memory_space<vmem>> -> memref<1x128xi32, #tpu.memory_space<vmem>>
      %dma_wait3A_561 = tpu.memref_squeeze %dma_wait3A_560 : memref<1x128xi32, #tpu.memory_space<vmem>> -> memref<128xi32, #tpu.memory_space<vmem>>
      %dma_wait3A_562 = arith.constant 0 : i32
      %dma_wait3A_563 = arith.constant 0 : i32
      %dma_wait3A_564 = tpu.memref_slice %arg2[%dma_wait3A_562, %dma_wait3A_563] : memref<1007616x32xi32, #tpu.memory_space<hbm>> -> memref<1007616x32xi32, #tpu.memory_space<hbm>>
      tpu.wait_indirect_dma semaphore(%arg11 : memref<!tpu.dma_semaphore, #tpu.memory_space<semaphore_mem>>) src(%dma_wait3A_564 : memref<1007616x32xi32, #tpu.memory_space<hbm>>) dst(%dma_wait3A_558 : memref<128x32xi32, #tpu.memory_space<vmem>>)
      %dma_wait3A_565 = arith.constant 3 : i32
      %dma_wait3A_566 = arith.constant 3 : i32
      %dma_wait3A_567 = arith.constant 0 : i32
      %dma_wait3A_568 = arith.constant 0 : i32
      %dma_wait3A_569 = tpu.memref_slice %arg7[%dma_wait3A_566, %dma_wait3A_567, %dma_wait3A_568] : memref<4x128x32xi32, #tpu.memory_space<vmem>> -> memref<1x128x32xi32, #tpu.memory_space<vmem>>
      %dma_wait3A_570 = tpu.memref_squeeze %dma_wait3A_569 : memref<1x128x32xi32, #tpu.memory_space<vmem>> -> memref<128x32xi32, #tpu.memory_space<vmem>>
      %dma_wait3A_571 = arith.constant 0 : i32
      %dma_wait3A_572 = tpu.memref_slice %arg5[%dma_wait3A_565, %dma_wait3A_571] : memref<200x128xi32, #tpu.memory_space<vmem>> -> memref<1x128xi32, #tpu.memory_space<vmem>>
      %dma_wait3A_573 = tpu.memref_squeeze %dma_wait3A_572 : memref<1x128xi32, #tpu.memory_space<vmem>> -> memref<128xi32, #tpu.memory_space<vmem>>
      %dma_wait3A_574 = arith.constant 0 : i32
      %dma_wait3A_575 = arith.constant 0 : i32
      %dma_wait3A_576 = tpu.memref_slice %arg2[%dma_wait3A_574, %dma_wait3A_575] : memref<1007616x32xi32, #tpu.memory_space<hbm>> -> memref<1007616x32xi32, #tpu.memory_space<hbm>>
      tpu.wait_indirect_dma semaphore(%arg11 : memref<!tpu.dma_semaphore, #tpu.memory_space<semaphore_mem>>) src(%dma_wait3A_576 : memref<1007616x32xi32, #tpu.memory_space<hbm>>) dst(%dma_wait3A_570 : memref<128x32xi32, #tpu.memory_space<vmem>>)
      %gt3A_577 = arith.constant 0 : i32
      %gt3A_578 = arith.cmpi sgt, %scan3A_295, %gt3A_577 : i32
      %convert_element_type3A_579 = arith.extui %gt3A_578 : i1 to i32
      %cond3A_580 = arith.constant 0 : i32
      %cond3A_581 = arith.cmpi ne, %convert_element_type3A_579, %cond3A_580 : i32
      scf.if %cond3A_581 {
        %dma_wait3A_680 = arith.constant 0 : i32
        %dma_wait3A_681 = tpu.memref_slice %arg9[%dma_wait3A_680] : memref<33024xf32, #tpu.memory_space<vmem>> -> memref<4096xf32, #tpu.memory_space<vmem>>
        %dma_wait3A_682 = arith.constant 0 : i32
        %dma_wait3A_683 = tpu.memref_slice %arg4[%dma_wait3A_682] : memref<52428800xf32, #tpu.memory_space<hbm>> -> memref<4096xf32, #tpu.memory_space<hbm>>
        %dma_wait3A_684 = arith.constant 0 : i32
        %dma_wait3A_685 = tpu.memref_slice %arg4[%dma_wait3A_684] : memref<52428800xf32, #tpu.memory_space<hbm>> -> memref<4096xf32, #tpu.memory_space<hbm>>
        %dma_wait3A_686 = arith.constant 0 : i32
        %dma_wait3A_687 = tpu.memref_slice %arg9[%dma_wait3A_686] : memref<33024xf32, #tpu.memory_space<vmem>> -> memref<4096xf32, #tpu.memory_space<vmem>>
        tpu.wait_dma2 semaphore(%arg13 : memref<!tpu.dma_semaphore, #tpu.memory_space<semaphore_mem>>) src(%dma_wait3A_687 : memref<4096xf32, #tpu.memory_space<vmem>>) dst(%dma_wait3A_685 : memref<4096xf32, #tpu.memory_space<hbm>>)
        %dma_wait3A_688 = arith.constant 4128 : i32
        %dma_wait3A_689 = tpu.memref_slice %arg9[%dma_wait3A_688] : memref<33024xf32, #tpu.memory_space<vmem>> -> memref<4096xf32, #tpu.memory_space<vmem>>
        %dma_wait3A_690 = arith.constant 0 : i32
        %dma_wait3A_691 = tpu.memref_slice %arg4[%dma_wait3A_690] : memref<52428800xf32, #tpu.memory_space<hbm>> -> memref<4096xf32, #tpu.memory_space<hbm>>
        %dma_wait3A_692 = arith.constant 0 : i32
        %dma_wait3A_693 = tpu.memref_slice %arg4[%dma_wait3A_692] : memref<52428800xf32, #tpu.memory_space<hbm>> -> memref<4096xf32, #tpu.memory_space<hbm>>
        %dma_wait3A_694 = arith.constant 4128 : i32
        %dma_wait3A_695 = tpu.memref_slice %arg9[%dma_wait3A_694] : memref<33024xf32, #tpu.memory_space<vmem>> -> memref<4096xf32, #tpu.memory_space<vmem>>
        tpu.wait_dma2 semaphore(%arg13 : memref<!tpu.dma_semaphore, #tpu.memory_space<semaphore_mem>>) src(%dma_wait3A_695 : memref<4096xf32, #tpu.memory_space<vmem>>) dst(%dma_wait3A_693 : memref<4096xf32, #tpu.memory_space<hbm>>)
        %dma_wait3A_696 = arith.constant 8256 : i32
        %dma_wait3A_697 = tpu.memref_slice %arg9[%dma_wait3A_696] : memref<33024xf32, #tpu.memory_space<vmem>> -> memref<4096xf32, #tpu.memory_space<vmem>>
        %dma_wait3A_698 = arith.constant 0 : i32
        %dma_wait3A_699 = tpu.memref_slice %arg4[%dma_wait3A_698] : memref<52428800xf32, #tpu.memory_space<hbm>> -> memref<4096xf32, #tpu.memory_space<hbm>>
        %dma_wait3A_700 = arith.constant 0 : i32
        %dma_wait3A_701 = tpu.memref_slice %arg4[%dma_wait3A_700] : memref<52428800xf32, #tpu.memory_space<hbm>> -> memref<4096xf32, #tpu.memory_space<hbm>>
        %dma_wait3A_702 = arith.constant 8256 : i32
        %dma_wait3A_703 = tpu.memref_slice %arg9[%dma_wait3A_702] : memref<33024xf32, #tpu.memory_space<vmem>> -> memref<4096xf32, #tpu.memory_space<vmem>>
        tpu.wait_dma2 semaphore(%arg13 : memref<!tpu.dma_semaphore, #tpu.memory_space<semaphore_mem>>) src(%dma_wait3A_703 : memref<4096xf32, #tpu.memory_space<vmem>>) dst(%dma_wait3A_701 : memref<4096xf32, #tpu.memory_space<hbm>>)
        %dma_wait3A_704 = arith.constant 12384 : i32
        %dma_wait3A_705 = tpu.memref_slice %arg9[%dma_wait3A_704] : memref<33024xf32, #tpu.memory_space<vmem>> -> memref<4096xf32, #tpu.memory_space<vmem>>
        %dma_wait3A_706 = arith.constant 0 : i32
        %dma_wait3A_707 = tpu.memref_slice %arg4[%dma_wait3A_706] : memref<52428800xf32, #tpu.memory_space<hbm>> -> memref<4096xf32, #tpu.memory_space<hbm>>
        %dma_wait3A_708 = arith.constant 0 : i32
        %dma_wait3A_709 = tpu.memref_slice %arg4[%dma_wait3A_708] : memref<52428800xf32, #tpu.memory_space<hbm>> -> memref<4096xf32, #tpu.memory_space<hbm>>
        %dma_wait3A_710 = arith.constant 12384 : i32
        %dma_wait3A_711 = tpu.memref_slice %arg9[%dma_wait3A_710] : memref<33024xf32, #tpu.memory_space<vmem>> -> memref<4096xf32, #tpu.memory_space<vmem>>
        tpu.wait_dma2 semaphore(%arg13 : memref<!tpu.dma_semaphore, #tpu.memory_space<semaphore_mem>>) src(%dma_wait3A_711 : memref<4096xf32, #tpu.memory_space<vmem>>) dst(%dma_wait3A_709 : memref<4096xf32, #tpu.memory_space<hbm>>)
        %dma_wait3A_712 = arith.constant 16512 : i32
        %dma_wait3A_713 = tpu.memref_slice %arg9[%dma_wait3A_712] : memref<33024xf32, #tpu.memory_space<vmem>> -> memref<4096xf32, #tpu.memory_space<vmem>>
        %dma_wait3A_714 = arith.constant 0 : i32
        %dma_wait3A_715 = tpu.memref_slice %arg4[%dma_wait3A_714] : memref<52428800xf32, #tpu.memory_space<hbm>> -> memref<4096xf32, #tpu.memory_space<hbm>>
        %dma_wait3A_716 = arith.constant 0 : i32
        %dma_wait3A_717 = tpu.memref_slice %arg4[%dma_wait3A_716] : memref<52428800xf32, #tpu.memory_space<hbm>> -> memref<4096xf32, #tpu.memory_space<hbm>>
        %dma_wait3A_718 = arith.constant 16512 : i32
        %dma_wait3A_719 = tpu.memref_slice %arg9[%dma_wait3A_718] : memref<33024xf32, #tpu.memory_space<vmem>> -> memref<4096xf32, #tpu.memory_space<vmem>>
        tpu.wait_dma2 semaphore(%arg13 : memref<!tpu.dma_semaphore, #tpu.memory_space<semaphore_mem>>) src(%dma_wait3A_719 : memref<4096xf32, #tpu.memory_space<vmem>>) dst(%dma_wait3A_717 : memref<4096xf32, #tpu.memory_space<hbm>>)
        %dma_wait3A_720 = arith.constant 20640 : i32
        %dma_wait3A_721 = tpu.memref_slice %arg9[%dma_wait3A_720] : memref<33024xf32, #tpu.memory_space<vmem>> -> memref<4096xf32, #tpu.memory_space<vmem>>
        %dma_wait3A_722 = arith.constant 0 : i32
        %dma_wait3A_723 = tpu.memref_slice %arg4[%dma_wait3A_722] : memref<52428800xf32, #tpu.memory_space<hbm>> -> memref<4096xf32, #tpu.memory_space<hbm>>
        %dma_wait3A_724 = arith.constant 0 : i32
        %dma_wait3A_725 = tpu.memref_slice %arg4[%dma_wait3A_724] : memref<52428800xf32, #tpu.memory_space<hbm>> -> memref<4096xf32, #tpu.memory_space<hbm>>
        %dma_wait3A_726 = arith.constant 20640 : i32
        %dma_wait3A_727 = tpu.memref_slice %arg9[%dma_wait3A_726] : memref<33024xf32, #tpu.memory_space<vmem>> -> memref<4096xf32, #tpu.memory_space<vmem>>
        tpu.wait_dma2 semaphore(%arg13 : memref<!tpu.dma_semaphore, #tpu.memory_space<semaphore_mem>>) src(%dma_wait3A_727 : memref<4096xf32, #tpu.memory_space<vmem>>) dst(%dma_wait3A_725 : memref<4096xf32, #tpu.memory_space<hbm>>)
        %dma_wait3A_728 = arith.constant 24768 : i32
        %dma_wait3A_729 = tpu.memref_slice %arg9[%dma_wait3A_728] : memref<33024xf32, #tpu.memory_space<vmem>> -> memref<4096xf32, #tpu.memory_space<vmem>>
        %dma_wait3A_730 = arith.constant 0 : i32
        %dma_wait3A_731 = tpu.memref_slice %arg4[%dma_wait3A_730] : memref<52428800xf32, #tpu.memory_space<hbm>> -> memref<4096xf32, #tpu.memory_space<hbm>>
        %dma_wait3A_732 = arith.constant 0 : i32
        %dma_wait3A_733 = tpu.memref_slice %arg4[%dma_wait3A_732] : memref<52428800xf32, #tpu.memory_space<hbm>> -> memref<4096xf32, #tpu.memory_space<hbm>>
        %dma_wait3A_734 = arith.constant 24768 : i32
        %dma_wait3A_735 = tpu.memref_slice %arg9[%dma_wait3A_734] : memref<33024xf32, #tpu.memory_space<vmem>> -> memref<4096xf32, #tpu.memory_space<vmem>>
        tpu.wait_dma2 semaphore(%arg13 : memref<!tpu.dma_semaphore, #tpu.memory_space<semaphore_mem>>) src(%dma_wait3A_735 : memref<4096xf32, #tpu.memory_space<vmem>>) dst(%dma_wait3A_733 : memref<4096xf32, #tpu.memory_space<hbm>>)
        %dma_wait3A_736 = arith.constant 28896 : i32
        %dma_wait3A_737 = tpu.memref_slice %arg9[%dma_wait3A_736] : memref<33024xf32, #tpu.memory_space<vmem>> -> memref<4096xf32, #tpu.memory_space<vmem>>
        %dma_wait3A_738 = arith.constant 0 : i32
        %dma_wait3A_739 = tpu.memref_slice %arg4[%dma_wait3A_738] : memref<52428800xf32, #tpu.memory_space<hbm>> -> memref<4096xf32, #tpu.memory_space<hbm>>
        %dma_wait3A_740 = arith.constant 0 : i32
        %dma_wait3A_741 = tpu.memref_slice %arg4[%dma_wait3A_740] : memref<52428800xf32, #tpu.memory_space<hbm>> -> memref<4096xf32, #tpu.memory_space<hbm>>
        %dma_wait3A_742 = arith.constant 28896 : i32
        %dma_wait3A_743 = tpu.memref_slice %arg9[%dma_wait3A_742] : memref<33024xf32, #tpu.memory_space<vmem>> -> memref<4096xf32, #tpu.memory_space<vmem>>
        tpu.wait_dma2 semaphore(%arg13 : memref<!tpu.dma_semaphore, #tpu.memory_space<semaphore_mem>>) src(%dma_wait3A_743 : memref<4096xf32, #tpu.memory_space<vmem>>) dst(%dma_wait3A_741 : memref<4096xf32, #tpu.memory_space<hbm>>)
      } else {
      }
      %scan3A_582 = arith.constant 0 : i32
      %scan3A_583 = arith.constant 0 : i32
      %scan3A_584 = arith.constant 128 : i32
      %scan3A_585 = arith.addi %scan3A_583, %scan3A_584 : i32
      %scan3A_586 = arith.constant 4 : i32
      scf.for %scan3A_680 = %scan3A_583 to %scan3A_585 step %scan3A_586  : i32 {
        %add3A_681 = arith.constant 0 : i32
        %add3A_682 = arith.addi %add3A_681, %scan3A_680 : i32
        %get3A = arith.constant 0 : i32
        %get3A_683 = arith.index_cast %get3A : i32 to index
        %get3A_684 = arith.index_cast %scan3A_680 : i32 to index
        %get3A_685 = arith.constant 0 : index
        %get3A_686 = tpu.vector_load %arg7[%get3A_683, %get3A_684, %get3A_685] {strides = array<i32>} : memref<4x128x32xi32, #tpu.memory_space<vmem>>, vector<16xi32>,
        %shift_left3A = arith.constant 13 : i32
        %shift_left3A_687 = vector.broadcast %shift_left3A : i32 to vector<16xi32>
        %shift_left3A_688 = arith.shli %get3A_686, %shift_left3A_687 : vector<16xi32>
        %and3A_689 = arith.constant 268427264 : i32
        %and3A_690 = vector.broadcast %and3A_689 : i32 to vector<16xi32>
        %and3A_691 = arith.andi %shift_left3A_688, %and3A_690 : vector<16xi32>
        %shift_left3A_692 = arith.constant 16 : i32
        %shift_left3A_693 = vector.broadcast %shift_left3A_692 : i32 to vector<16xi32>
        %shift_left3A_694 = arith.shli %get3A_686, %shift_left3A_693 : vector<16xi32>
        %and3A_695 = arith.constant -2147483648 : i32
        %and3A_696 = vector.broadcast %and3A_695 : i32 to vector<16xi32>
        %and3A_697 = arith.andi %shift_left3A_694, %and3A_696 : vector<16xi32>
        %or3A = arith.ori %and3A_691, %and3A_697 : vector<16xi32>
        %bitcast_convert_type3A = tpu.bitcast %or3A : vector<16xi32> -> vector<16xf32>
        %mul3A_698 = arith.constant 5.19229686E+33 : f32
        %mul3A_699 = vector.broadcast %mul3A_698 : f32 to vector<16xf32>
        %mul3A_700 = arith.mulf %bitcast_convert_type3A, %mul3A_699 : vector<16xf32>
        %shift_right_arithmetic3A_701 = arith.constant 3 : i32
        %shift_right_arithmetic3A_702 = vector.broadcast %shift_right_arithmetic3A_701 : i32 to vector<16xi32>
        %shift_right_arithmetic3A_703 = arith.shrsi %get3A_686, %shift_right_arithmetic3A_702 : vector<16xi32>
        %and3A_704 = arith.constant 268427264 : i32
        %and3A_705 = vector.broadcast %and3A_704 : i32 to vector<16xi32>
        %and3A_706 = arith.andi %shift_right_arithmetic3A_703, %and3A_705 : vector<16xi32>
        %and3A_707 = arith.constant -2147483648 : i32
        %and3A_708 = vector.broadcast %and3A_707 : i32 to vector<16xi32>
        %and3A_709 = arith.andi %get3A_686, %and3A_708 : vector<16xi32>
        %or3A_710 = arith.ori %and3A_706, %and3A_709 : vector<16xi32>
        %bitcast_convert_type3A_711 = tpu.bitcast %or3A_710 : vector<16xi32> -> vector<16xf32>
        %mul3A_712 = arith.constant 5.19229686E+33 : f32
        %mul3A_713 = vector.broadcast %mul3A_712 : f32 to vector<16xf32>
        %mul3A_714 = arith.mulf %bitcast_convert_type3A_711, %mul3A_713 : vector<16xf32>
        %add3A_715 = vector.broadcast %add3A_682 : i32 to vector<16xi32>
        %add3A_716 = arith.addi %add3A_19, %add3A_715 : vector<16xi32>
        tpu.vector_store_idx %arg9[%add3A_716], %mul3A_700 : memref<33024xf32, #tpu.memory_space<vmem>>[vector<16xi32>], vector<16xf32>,
        %add3A_717 = vector.broadcast %add3A_682 : i32 to vector<16xi32>
        %add3A_718 = arith.addi %add3A_35, %add3A_717 : vector<16xi32>
        tpu.vector_store_idx %arg9[%add3A_718], %mul3A_714 : memref<33024xf32, #tpu.memory_space<vmem>>[vector<16xi32>], vector<16xf32>,
        %get3A_719 = arith.constant 0 : i32
        %get3A_720 = arith.index_cast %get3A_719 : i32 to index
        %get3A_721 = arith.index_cast %scan3A_680 : i32 to index
        %get3A_722 = arith.constant 16 : index
        %get3A_723 = tpu.vector_load %arg7[%get3A_720, %get3A_721, %get3A_722] {strides = array<i32>} : memref<4x128x32xi32, #tpu.memory_space<vmem>>, vector<16xi32>,
        %shift_left3A_724 = arith.constant 13 : i32
        %shift_left3A_725 = vector.broadcast %shift_left3A_724 : i32 to vector<16xi32>
        %shift_left3A_726 = arith.shli %get3A_723, %shift_left3A_725 : vector<16xi32>
        %and3A_727 = arith.constant 268427264 : i32
        %and3A_728 = vector.broadcast %and3A_727 : i32 to vector<16xi32>
        %and3A_729 = arith.andi %shift_left3A_726, %and3A_728 : vector<16xi32>
        %shift_left3A_730 = arith.constant 16 : i32
        %shift_left3A_731 = vector.broadcast %shift_left3A_730 : i32 to vector<16xi32>
        %shift_left3A_732 = arith.shli %get3A_723, %shift_left3A_731 : vector<16xi32>
        %and3A_733 = arith.constant -2147483648 : i32
        %and3A_734 = vector.broadcast %and3A_733 : i32 to vector<16xi32>
        %and3A_735 = arith.andi %shift_left3A_732, %and3A_734 : vector<16xi32>
        %or3A_736 = arith.ori %and3A_729, %and3A_735 : vector<16xi32>
        %bitcast_convert_type3A_737 = tpu.bitcast %or3A_736 : vector<16xi32> -> vector<16xf32>
        %mul3A_738 = arith.constant 5.19229686E+33 : f32
        %mul3A_739 = vector.broadcast %mul3A_738 : f32 to vector<16xf32>
        %mul3A_740 = arith.mulf %bitcast_convert_type3A_737, %mul3A_739 : vector<16xf32>
        %shift_right_arithmetic3A_741 = arith.constant 3 : i32
        %shift_right_arithmetic3A_742 = vector.broadcast %shift_right_arithmetic3A_741 : i32 to vector<16xi32>
        %shift_right_arithmetic3A_743 = arith.shrsi %get3A_723, %shift_right_arithmetic3A_742 : vector<16xi32>
        %and3A_744 = arith.constant 268427264 : i32
        %and3A_745 = vector.broadcast %and3A_744 : i32 to vector<16xi32>
        %and3A_746 = arith.andi %shift_right_arithmetic3A_743, %and3A_745 : vector<16xi32>
        %and3A_747 = arith.constant -2147483648 : i32
        %and3A_748 = vector.broadcast %and3A_747 : i32 to vector<16xi32>
        %and3A_749 = arith.andi %get3A_723, %and3A_748 : vector<16xi32>
        %or3A_750 = arith.ori %and3A_746, %and3A_749 : vector<16xi32>
        %bitcast_convert_type3A_751 = tpu.bitcast %or3A_750 : vector<16xi32> -> vector<16xf32>
        %mul3A_752 = arith.constant 5.19229686E+33 : f32
        %mul3A_753 = vector.broadcast %mul3A_752 : f32 to vector<16xf32>
        %mul3A_754 = arith.mulf %bitcast_convert_type3A_751, %mul3A_753 : vector<16xf32>
        %add3A_755 = vector.broadcast %add3A_682 : i32 to vector<16xi32>
        %add3A_756 = arith.addi %add3A_51, %add3A_755 : vector<16xi32>
        tpu.vector_store_idx %arg9[%add3A_756], %mul3A_740 : memref<33024xf32, #tpu.memory_space<vmem>>[vector<16xi32>], vector<16xf32>,
        %add3A_757 = vector.broadcast %add3A_682 : i32 to vector<16xi32>
        %add3A_758 = arith.addi %add3A_67, %add3A_757 : vector<16xi32>
        tpu.vector_store_idx %arg9[%add3A_758], %mul3A_754 : memref<33024xf32, #tpu.memory_space<vmem>>[vector<16xi32>], vector<16xf32>,
        %scan3A_759 = arith.constant 1 : i32
        %scan3A_760 = arith.addi %scan3A_680, %scan3A_759 : i32
        %add3A_761 = arith.constant 0 : i32
        %add3A_762 = arith.addi %add3A_761, %scan3A_760 : i32
        %get3A_763 = arith.constant 0 : i32
        %get3A_764 = arith.index_cast %get3A_763 : i32 to index
        %get3A_765 = arith.index_cast %scan3A_760 : i32 to index
        %get3A_766 = arith.constant 0 : index
        %get3A_767 = tpu.vector_load %arg7[%get3A_764, %get3A_765, %get3A_766] {strides = array<i32>} : memref<4x128x32xi32, #tpu.memory_space<vmem>>, vector<16xi32>,
        %shift_left3A_768 = arith.constant 13 : i32
        %shift_left3A_769 = vector.broadcast %shift_left3A_768 : i32 to vector<16xi32>
        %shift_left3A_770 = arith.shli %get3A_767, %shift_left3A_769 : vector<16xi32>
        %and3A_771 = arith.constant 268427264 : i32
        %and3A_772 = vector.broadcast %and3A_771 : i32 to vector<16xi32>
        %and3A_773 = arith.andi %shift_left3A_770, %and3A_772 : vector<16xi32>
        %shift_left3A_774 = arith.constant 16 : i32
        %shift_left3A_775 = vector.broadcast %shift_left3A_774 : i32 to vector<16xi32>
        %shift_left3A_776 = arith.shli %get3A_767, %shift_left3A_775 : vector<16xi32>
        %and3A_777 = arith.constant -2147483648 : i32
        %and3A_778 = vector.broadcast %and3A_777 : i32 to vector<16xi32>
        %and3A_779 = arith.andi %shift_left3A_776, %and3A_778 : vector<16xi32>
        %or3A_780 = arith.ori %and3A_773, %and3A_779 : vector<16xi32>
        %bitcast_convert_type3A_781 = tpu.bitcast %or3A_780 : vector<16xi32> -> vector<16xf32>
        %mul3A_782 = arith.constant 5.19229686E+33 : f32
        %mul3A_783 = vector.broadcast %mul3A_782 : f32 to vector<16xf32>
        %mul3A_784 = arith.mulf %bitcast_convert_type3A_781, %mul3A_783 : vector<16xf32>
        %shift_right_arithmetic3A_785 = arith.constant 3 : i32
        %shift_right_arithmetic3A_786 = vector.broadcast %shift_right_arithmetic3A_785 : i32 to vector<16xi32>
        %shift_right_arithmetic3A_787 = arith.shrsi %get3A_767, %shift_right_arithmetic3A_786 : vector<16xi32>
        %and3A_788 = arith.constant 268427264 : i32
        %and3A_789 = vector.broadcast %and3A_788 : i32 to vector<16xi32>
        %and3A_790 = arith.andi %shift_right_arithmetic3A_787, %and3A_789 : vector<16xi32>
        %and3A_791 = arith.constant -2147483648 : i32
        %and3A_792 = vector.broadcast %and3A_791 : i32 to vector<16xi32>
        %and3A_793 = arith.andi %get3A_767, %and3A_792 : vector<16xi32>
        %or3A_794 = arith.ori %and3A_790, %and3A_793 : vector<16xi32>
        %bitcast_convert_type3A_795 = tpu.bitcast %or3A_794 : vector<16xi32> -> vector<16xf32>
        %mul3A_796 = arith.constant 5.19229686E+33 : f32
        %mul3A_797 = vector.broadcast %mul3A_796 : f32 to vector<16xf32>
        %mul3A_798 = arith.mulf %bitcast_convert_type3A_795, %mul3A_797 : vector<16xf32>
        %add3A_799 = vector.broadcast %add3A_762 : i32 to vector<16xi32>
        %add3A_800 = arith.addi %add3A_19, %add3A_799 : vector<16xi32>
        tpu.vector_store_idx %arg9[%add3A_800], %mul3A_784 : memref<33024xf32, #tpu.memory_space<vmem>>[vector<16xi32>], vector<16xf32>,
        %add3A_801 = vector.broadcast %add3A_762 : i32 to vector<16xi32>
        %add3A_802 = arith.addi %add3A_35, %add3A_801 : vector<16xi32>
        tpu.vector_store_idx %arg9[%add3A_802], %mul3A_798 : memref<33024xf32, #tpu.memory_space<vmem>>[vector<16xi32>], vector<16xf32>,
        %get3A_803 = arith.constant 0 : i32
        %get3A_804 = arith.index_cast %get3A_803 : i32 to index
        %get3A_805 = arith.index_cast %scan3A_760 : i32 to index
        %get3A_806 = arith.constant 16 : index
        %get3A_807 = tpu.vector_load %arg7[%get3A_804, %get3A_805, %get3A_806] {strides = array<i32>} : memref<4x128x32xi32, #tpu.memory_space<vmem>>, vector<16xi32>,
        %shift_left3A_808 = arith.constant 13 : i32
        %shift_left3A_809 = vector.broadcast %shift_left3A_808 : i32 to vector<16xi32>
        %shift_left3A_810 = arith.shli %get3A_807, %shift_left3A_809 : vector<16xi32>
        %and3A_811 = arith.constant 268427264 : i32
        %and3A_812 = vector.broadcast %and3A_811 : i32 to vector<16xi32>
        %and3A_813 = arith.andi %shift_left3A_810, %and3A_812 : vector<16xi32>
        %shift_left3A_814 = arith.constant 16 : i32
        %shift_left3A_815 = vector.broadcast %shift_left3A_814 : i32 to vector<16xi32>
        %shift_left3A_816 = arith.shli %get3A_807, %shift_left3A_815 : vector<16xi32>
        %and3A_817 = arith.constant -2147483648 : i32
        %and3A_818 = vector.broadcast %and3A_817 : i32 to vector<16xi32>
        %and3A_819 = arith.andi %shift_left3A_816, %and3A_818 : vector<16xi32>
        %or3A_820 = arith.ori %and3A_813, %and3A_819 : vector<16xi32>
        %bitcast_convert_type3A_821 = tpu.bitcast %or3A_820 : vector<16xi32> -> vector<16xf32>
        %mul3A_822 = arith.constant 5.19229686E+33 : f32
        %mul3A_823 = vector.broadcast %mul3A_822 : f32 to vector<16xf32>
        %mul3A_824 = arith.mulf %bitcast_convert_type3A_821, %mul3A_823 : vector<16xf32>
        %shift_right_arithmetic3A_825 = arith.constant 3 : i32
        %shift_right_arithmetic3A_826 = vector.broadcast %shift_right_arithmetic3A_825 : i32 to vector<16xi32>
        %shift_right_arithmetic3A_827 = arith.shrsi %get3A_807, %shift_right_arithmetic3A_826 : vector<16xi32>
        %and3A_828 = arith.constant 268427264 : i32
        %and3A_829 = vector.broadcast %and3A_828 : i32 to vector<16xi32>
        %and3A_830 = arith.andi %shift_right_arithmetic3A_827, %and3A_829 : vector<16xi32>
        %and3A_831 = arith.constant -2147483648 : i32
        %and3A_832 = vector.broadcast %and3A_831 : i32 to vector<16xi32>
        %and3A_833 = arith.andi %get3A_807, %and3A_832 : vector<16xi32>
        %or3A_834 = arith.ori %and3A_830, %and3A_833 : vector<16xi32>
        %bitcast_convert_type3A_835 = tpu.bitcast %or3A_834 : vector<16xi32> -> vector<16xf32>
        %mul3A_836 = arith.constant 5.19229686E+33 : f32
        %mul3A_837 = vector.broadcast %mul3A_836 : f32 to vector<16xf32>
        %mul3A_838 = arith.mulf %bitcast_convert_type3A_835, %mul3A_837 : vector<16xf32>
        %add3A_839 = vector.broadcast %add3A_762 : i32 to vector<16xi32>
        %add3A_840 = arith.addi %add3A_51, %add3A_839 : vector<16xi32>
        tpu.vector_store_idx %arg9[%add3A_840], %mul3A_824 : memref<33024xf32, #tpu.memory_space<vmem>>[vector<16xi32>], vector<16xf32>,
        %add3A_841 = vector.broadcast %add3A_762 : i32 to vector<16xi32>
        %add3A_842 = arith.addi %add3A_67, %add3A_841 : vector<16xi32>
        tpu.vector_store_idx %arg9[%add3A_842], %mul3A_838 : memref<33024xf32, #tpu.memory_space<vmem>>[vector<16xi32>], vector<16xf32>,
        %scan3A_843 = arith.constant 2 : i32
        %scan3A_844 = arith.addi %scan3A_680, %scan3A_843 : i32
        %add3A_845 = arith.constant 0 : i32
        %add3A_846 = arith.addi %add3A_845, %scan3A_844 : i32
        %get3A_847 = arith.constant 0 : i32
        %get3A_848 = arith.index_cast %get3A_847 : i32 to index
        %get3A_849 = arith.index_cast %scan3A_844 : i32 to index
        %get3A_850 = arith.constant 0 : index
        %get3A_851 = tpu.vector_load %arg7[%get3A_848, %get3A_849, %get3A_850] {strides = array<i32>} : memref<4x128x32xi32, #tpu.memory_space<vmem>>, vector<16xi32>,
        %shift_left3A_852 = arith.constant 13 : i32
        %shift_left3A_853 = vector.broadcast %shift_left3A_852 : i32 to vector<16xi32>
        %shift_left3A_854 = arith.shli %get3A_851, %shift_left3A_853 : vector<16xi32>
        %and3A_855 = arith.constant 268427264 : i32
        %and3A_856 = vector.broadcast %and3A_855 : i32 to vector<16xi32>
        %and3A_857 = arith.andi %shift_left3A_854, %and3A_856 : vector<16xi32>
        %shift_left3A_858 = arith.constant 16 : i32
        %shift_left3A_859 = vector.broadcast %shift_left3A_858 : i32 to vector<16xi32>
        %shift_left3A_860 = arith.shli %get3A_851, %shift_left3A_859 : vector<16xi32>
        %and3A_861 = arith.constant -2147483648 : i32
        %and3A_862 = vector.broadcast %and3A_861 : i32 to vector<16xi32>
        %and3A_863 = arith.andi %shift_left3A_860, %and3A_862 : vector<16xi32>
        %or3A_864 = arith.ori %and3A_857, %and3A_863 : vector<16xi32>
        %bitcast_convert_type3A_865 = tpu.bitcast %or3A_864 : vector<16xi32> -> vector<16xf32>
        %mul3A_866 = arith.constant 5.19229686E+33 : f32
        %mul3A_867 = vector.broadcast %mul3A_866 : f32 to vector<16xf32>
        %mul3A_868 = arith.mulf %bitcast_convert_type3A_865, %mul3A_867 : vector<16xf32>
        %shift_right_arithmetic3A_869 = arith.constant 3 : i32
        %shift_right_arithmetic3A_870 = vector.broadcast %shift_right_arithmetic3A_869 : i32 to vector<16xi32>
        %shift_right_arithmetic3A_871 = arith.shrsi %get3A_851, %shift_right_arithmetic3A_870 : vector<16xi32>
        %and3A_872 = arith.constant 268427264 : i32
        %and3A_873 = vector.broadcast %and3A_872 : i32 to vector<16xi32>
        %and3A_874 = arith.andi %shift_right_arithmetic3A_871, %and3A_873 : vector<16xi32>
        %and3A_875 = arith.constant -2147483648 : i32
        %and3A_876 = vector.broadcast %and3A_875 : i32 to vector<16xi32>
        %and3A_877 = arith.andi %get3A_851, %and3A_876 : vector<16xi32>
        %or3A_878 = arith.ori %and3A_874, %and3A_877 : vector<16xi32>
        %bitcast_convert_type3A_879 = tpu.bitcast %or3A_878 : vector<16xi32> -> vector<16xf32>
        %mul3A_880 = arith.constant 5.19229686E+33 : f32
        %mul3A_881 = vector.broadcast %mul3A_880 : f32 to vector<16xf32>
        %mul3A_882 = arith.mulf %bitcast_convert_type3A_879, %mul3A_881 : vector<16xf32>
        %add3A_883 = vector.broadcast %add3A_846 : i32 to vector<16xi32>
        %add3A_884 = arith.addi %add3A_19, %add3A_883 : vector<16xi32>
        tpu.vector_store_idx %arg9[%add3A_884], %mul3A_868 : memref<33024xf32, #tpu.memory_space<vmem>>[vector<16xi32>], vector<16xf32>,
        %add3A_885 = vector.broadcast %add3A_846 : i32 to vector<16xi32>
        %add3A_886 = arith.addi %add3A_35, %add3A_885 : vector<16xi32>
        tpu.vector_store_idx %arg9[%add3A_886], %mul3A_882 : memref<33024xf32, #tpu.memory_space<vmem>>[vector<16xi32>], vector<16xf32>,
        %get3A_887 = arith.constant 0 : i32
        %get3A_888 = arith.index_cast %get3A_887 : i32 to index
        %get3A_889 = arith.index_cast %scan3A_844 : i32 to index
        %get3A_890 = arith.constant 16 : index
        %get3A_891 = tpu.vector_load %arg7[%get3A_888, %get3A_889, %get3A_890] {strides = array<i32>} : memref<4x128x32xi32, #tpu.memory_space<vmem>>, vector<16xi32>,
        %shift_left3A_892 = arith.constant 13 : i32
        %shift_left3A_893 = vector.broadcast %shift_left3A_892 : i32 to vector<16xi32>
        %shift_left3A_894 = arith.shli %get3A_891, %shift_left3A_893 : vector<16xi32>
        %and3A_895 = arith.constant 268427264 : i32
        %and3A_896 = vector.broadcast %and3A_895 : i32 to vector<16xi32>
        %and3A_897 = arith.andi %shift_left3A_894, %and3A_896 : vector<16xi32>
        %shift_left3A_898 = arith.constant 16 : i32
        %shift_left3A_899 = vector.broadcast %shift_left3A_898 : i32 to vector<16xi32>
        %shift_left3A_900 = arith.shli %get3A_891, %shift_left3A_899 : vector<16xi32>
        %and3A_901 = arith.constant -2147483648 : i32
        %and3A_902 = vector.broadcast %and3A_901 : i32 to vector<16xi32>
        %and3A_903 = arith.andi %shift_left3A_900, %and3A_902 : vector<16xi32>
        %or3A_904 = arith.ori %and3A_897, %and3A_903 : vector<16xi32>
        %bitcast_convert_type3A_905 = tpu.bitcast %or3A_904 : vector<16xi32> -> vector<16xf32>
        %mul3A_906 = arith.constant 5.19229686E+33 : f32
        %mul3A_907 = vector.broadcast %mul3A_906 : f32 to vector<16xf32>
        %mul3A_908 = arith.mulf %bitcast_convert_type3A_905, %mul3A_907 : vector<16xf32>
        %shift_right_arithmetic3A_909 = arith.constant 3 : i32
        %shift_right_arithmetic3A_910 = vector.broadcast %shift_right_arithmetic3A_909 : i32 to vector<16xi32>
        %shift_right_arithmetic3A_911 = arith.shrsi %get3A_891, %shift_right_arithmetic3A_910 : vector<16xi32>
        %and3A_912 = arith.constant 268427264 : i32
        %and3A_913 = vector.broadcast %and3A_912 : i32 to vector<16xi32>
        %and3A_914 = arith.andi %shift_right_arithmetic3A_911, %and3A_913 : vector<16xi32>
        %and3A_915 = arith.constant -2147483648 : i32
        %and3A_916 = vector.broadcast %and3A_915 : i32 to vector<16xi32>
        %and3A_917 = arith.andi %get3A_891, %and3A_916 : vector<16xi32>
        %or3A_918 = arith.ori %and3A_914, %and3A_917 : vector<16xi32>
        %bitcast_convert_type3A_919 = tpu.bitcast %or3A_918 : vector<16xi32> -> vector<16xf32>
        %mul3A_920 = arith.constant 5.19229686E+33 : f32
        %mul3A_921 = vector.broadcast %mul3A_920 : f32 to vector<16xf32>
        %mul3A_922 = arith.mulf %bitcast_convert_type3A_919, %mul3A_921 : vector<16xf32>
        %add3A_923 = vector.broadcast %add3A_846 : i32 to vector<16xi32>
        %add3A_924 = arith.addi %add3A_51, %add3A_923 : vector<16xi32>
        tpu.vector_store_idx %arg9[%add3A_924], %mul3A_908 : memref<33024xf32, #tpu.memory_space<vmem>>[vector<16xi32>], vector<16xf32>,
        %add3A_925 = vector.broadcast %add3A_846 : i32 to vector<16xi32>
        %add3A_926 = arith.addi %add3A_67, %add3A_925 : vector<16xi32>
        tpu.vector_store_idx %arg9[%add3A_926], %mul3A_922 : memref<33024xf32, #tpu.memory_space<vmem>>[vector<16xi32>], vector<16xf32>,
        %scan3A_927 = arith.constant 3 : i32
        %scan3A_928 = arith.addi %scan3A_680, %scan3A_927 : i32
        %add3A_929 = arith.constant 0 : i32
        %add3A_930 = arith.addi %add3A_929, %scan3A_928 : i32
        %get3A_931 = arith.constant 0 : i32
        %get3A_932 = arith.index_cast %get3A_931 : i32 to index
        %get3A_933 = arith.index_cast %scan3A_928 : i32 to index
        %get3A_934 = arith.constant 0 : index
        %get3A_935 = tpu.vector_load %arg7[%get3A_932, %get3A_933, %get3A_934] {strides = array<i32>} : memref<4x128x32xi32, #tpu.memory_space<vmem>>, vector<16xi32>,
        %shift_left3A_936 = arith.constant 13 : i32
        %shift_left3A_937 = vector.broadcast %shift_left3A_936 : i32 to vector<16xi32>
        %shift_left3A_938 = arith.shli %get3A_935, %shift_left3A_937 : vector<16xi32>
        %and3A_939 = arith.constant 268427264 : i32
        %and3A_940 = vector.broadcast %and3A_939 : i32 to vector<16xi32>
        %and3A_941 = arith.andi %shift_left3A_938, %and3A_940 : vector<16xi32>
        %shift_left3A_942 = arith.constant 16 : i32
        %shift_left3A_943 = vector.broadcast %shift_left3A_942 : i32 to vector<16xi32>
        %shift_left3A_944 = arith.shli %get3A_935, %shift_left3A_943 : vector<16xi32>
        %and3A_945 = arith.constant -2147483648 : i32
        %and3A_946 = vector.broadcast %and3A_945 : i32 to vector<16xi32>
        %and3A_947 = arith.andi %shift_left3A_944, %and3A_946 : vector<16xi32>
        %or3A_948 = arith.ori %and3A_941, %and3A_947 : vector<16xi32>
        %bitcast_convert_type3A_949 = tpu.bitcast %or3A_948 : vector<16xi32> -> vector<16xf32>
        %mul3A_950 = arith.constant 5.19229686E+33 : f32
        %mul3A_951 = vector.broadcast %mul3A_950 : f32 to vector<16xf32>
        %mul3A_952 = arith.mulf %bitcast_convert_type3A_949, %mul3A_951 : vector<16xf32>
        %shift_right_arithmetic3A_953 = arith.constant 3 : i32
        %shift_right_arithmetic3A_954 = vector.broadcast %shift_right_arithmetic3A_953 : i32 to vector<16xi32>
        %shift_right_arithmetic3A_955 = arith.shrsi %get3A_935, %shift_right_arithmetic3A_954 : vector<16xi32>
        %and3A_956 = arith.constant 268427264 : i32
        %and3A_957 = vector.broadcast %and3A_956 : i32 to vector<16xi32>
        %and3A_958 = arith.andi %shift_right_arithmetic3A_955, %and3A_957 : vector<16xi32>
        %and3A_959 = arith.constant -2147483648 : i32
        %and3A_960 = vector.broadcast %and3A_959 : i32 to vector<16xi32>
        %and3A_961 = arith.andi %get3A_935, %and3A_960 : vector<16xi32>
        %or3A_962 = arith.ori %and3A_958, %and3A_961 : vector<16xi32>
        %bitcast_convert_type3A_963 = tpu.bitcast %or3A_962 : vector<16xi32> -> vector<16xf32>
        %mul3A_964 = arith.constant 5.19229686E+33 : f32
        %mul3A_965 = vector.broadcast %mul3A_964 : f32 to vector<16xf32>
        %mul3A_966 = arith.mulf %bitcast_convert_type3A_963, %mul3A_965 : vector<16xf32>
        %add3A_967 = vector.broadcast %add3A_930 : i32 to vector<16xi32>
        %add3A_968 = arith.addi %add3A_19, %add3A_967 : vector<16xi32>
        tpu.vector_store_idx %arg9[%add3A_968], %mul3A_952 : memref<33024xf32, #tpu.memory_space<vmem>>[vector<16xi32>], vector<16xf32>,
        %add3A_969 = vector.broadcast %add3A_930 : i32 to vector<16xi32>
        %add3A_970 = arith.addi %add3A_35, %add3A_969 : vector<16xi32>
        tpu.vector_store_idx %arg9[%add3A_970], %mul3A_966 : memref<33024xf32, #tpu.memory_space<vmem>>[vector<16xi32>], vector<16xf32>,
        %get3A_971 = arith.constant 0 : i32
        %get3A_972 = arith.index_cast %get3A_971 : i32 to index
        %get3A_973 = arith.index_cast %scan3A_928 : i32 to index
        %get3A_974 = arith.constant 16 : index
        %get3A_975 = tpu.vector_load %arg7[%get3A_972, %get3A_973, %get3A_974] {strides = array<i32>} : memref<4x128x32xi32, #tpu.memory_space<vmem>>, vector<16xi32>,
        %shift_left3A_976 = arith.constant 13 : i32
        %shift_left3A_977 = vector.broadcast %shift_left3A_976 : i32 to vector<16xi32>
        %shift_left3A_978 = arith.shli %get3A_975, %shift_left3A_977 : vector<16xi32>
        %and3A_979 = arith.constant 268427264 : i32
        %and3A_980 = vector.broadcast %and3A_979 : i32 to vector<16xi32>
        %and3A_981 = arith.andi %shift_left3A_978, %and3A_980 : vector<16xi32>
        %shift_left3A_982 = arith.constant 16 : i32
        %shift_left3A_983 = vector.broadcast %shift_left3A_982 : i32 to vector<16xi32>
        %shift_left3A_984 = arith.shli %get3A_975, %shift_left3A_983 : vector<16xi32>
        %and3A_985 = arith.constant -2147483648 : i32
        %and3A_986 = vector.broadcast %and3A_985 : i32 to vector<16xi32>
        %and3A_987 = arith.andi %shift_left3A_984, %and3A_986 : vector<16xi32>
        %or3A_988 = arith.ori %and3A_981, %and3A_987 : vector<16xi32>
        %bitcast_convert_type3A_989 = tpu.bitcast %or3A_988 : vector<16xi32> -> vector<16xf32>
        %mul3A_990 = arith.constant 5.19229686E+33 : f32
        %mul3A_991 = vector.broadcast %mul3A_990 : f32 to vector<16xf32>
        %mul3A_992 = arith.mulf %bitcast_convert_type3A_989, %mul3A_991 : vector<16xf32>
        %shift_right_arithmetic3A_993 = arith.constant 3 : i32
        %shift_right_arithmetic3A_994 = vector.broadcast %shift_right_arithmetic3A_993 : i32 to vector<16xi32>
        %shift_right_arithmetic3A_995 = arith.shrsi %get3A_975, %shift_right_arithmetic3A_994 : vector<16xi32>
        %and3A_996 = arith.constant 268427264 : i32
        %and3A_997 = vector.broadcast %and3A_996 : i32 to vector<16xi32>
        %and3A_998 = arith.andi %shift_right_arithmetic3A_995, %and3A_997 : vector<16xi32>
        %and3A_999 = arith.constant -2147483648 : i32
        %and3A_1000 = vector.broadcast %and3A_999 : i32 to vector<16xi32>
        %and3A_1001 = arith.andi %get3A_975, %and3A_1000 : vector<16xi32>
        %or3A_1002 = arith.ori %and3A_998, %and3A_1001 : vector<16xi32>
        %bitcast_convert_type3A_1003 = tpu.bitcast %or3A_1002 : vector<16xi32> -> vector<16xf32>
        %mul3A_1004 = arith.constant 5.19229686E+33 : f32
        %mul3A_1005 = vector.broadcast %mul3A_1004 : f32 to vector<16xf32>
        %mul3A_1006 = arith.mulf %bitcast_convert_type3A_1003, %mul3A_1005 : vector<16xf32>
        %add3A_1007 = vector.broadcast %add3A_930 : i32 to vector<16xi32>
        %add3A_1008 = arith.addi %add3A_51, %add3A_1007 : vector<16xi32>
        tpu.vector_store_idx %arg9[%add3A_1008], %mul3A_992 : memref<33024xf32, #tpu.memory_space<vmem>>[vector<16xi32>], vector<16xf32>,
        %add3A_1009 = vector.broadcast %add3A_930 : i32 to vector<16xi32>
        %add3A_1010 = arith.addi %add3A_67, %add3A_1009 : vector<16xi32>
        tpu.vector_store_idx %arg9[%add3A_1010], %mul3A_1006 : memref<33024xf32, #tpu.memory_space<vmem>>[vector<16xi32>], vector<16xf32>,
      }
      %scan3A_587 = arith.constant 128 : i32
      %scan3A_588 = arith.constant 0 : i32
      %scan3A_589 = arith.constant 0 : i32
      %scan3A_590 = arith.constant 128 : i32
      %scan3A_591 = arith.addi %scan3A_589, %scan3A_590 : i32
      %scan3A_592 = arith.constant 4 : i32
      scf.for %scan3A_680 = %scan3A_589 to %scan3A_591 step %scan3A_592  : i32 {
        %add3A_681 = arith.constant 1024 : i32
        %add3A_682 = arith.addi %add3A_681, %scan3A_680 : i32
        %get3A = arith.constant 1 : i32
        %get3A_683 = arith.index_cast %get3A : i32 to index
        %get3A_684 = arith.index_cast %scan3A_680 : i32 to index
        %get3A_685 = arith.constant 0 : index
        %get3A_686 = tpu.vector_load %arg7[%get3A_683, %get3A_684, %get3A_685] {strides = array<i32>} : memref<4x128x32xi32, #tpu.memory_space<vmem>>, vector<16xi32>,
        %shift_left3A = arith.constant 13 : i32
        %shift_left3A_687 = vector.broadcast %shift_left3A : i32 to vector<16xi32>
        %shift_left3A_688 = arith.shli %get3A_686, %shift_left3A_687 : vector<16xi32>
        %and3A_689 = arith.constant 268427264 : i32
        %and3A_690 = vector.broadcast %and3A_689 : i32 to vector<16xi32>
        %and3A_691 = arith.andi %shift_left3A_688, %and3A_690 : vector<16xi32>
        %shift_left3A_692 = arith.constant 16 : i32
        %shift_left3A_693 = vector.broadcast %shift_left3A_692 : i32 to vector<16xi32>
        %shift_left3A_694 = arith.shli %get3A_686, %shift_left3A_693 : vector<16xi32>
        %and3A_695 = arith.constant -2147483648 : i32
        %and3A_696 = vector.broadcast %and3A_695 : i32 to vector<16xi32>
        %and3A_697 = arith.andi %shift_left3A_694, %and3A_696 : vector<16xi32>
        %or3A = arith.ori %and3A_691, %and3A_697 : vector<16xi32>
        %bitcast_convert_type3A = tpu.bitcast %or3A : vector<16xi32> -> vector<16xf32>
        %mul3A_698 = arith.constant 5.19229686E+33 : f32
        %mul3A_699 = vector.broadcast %mul3A_698 : f32 to vector<16xf32>
        %mul3A_700 = arith.mulf %bitcast_convert_type3A, %mul3A_699 : vector<16xf32>
        %shift_right_arithmetic3A_701 = arith.constant 3 : i32
        %shift_right_arithmetic3A_702 = vector.broadcast %shift_right_arithmetic3A_701 : i32 to vector<16xi32>
        %shift_right_arithmetic3A_703 = arith.shrsi %get3A_686, %shift_right_arithmetic3A_702 : vector<16xi32>
        %and3A_704 = arith.constant 268427264 : i32
        %and3A_705 = vector.broadcast %and3A_704 : i32 to vector<16xi32>
        %and3A_706 = arith.andi %shift_right_arithmetic3A_703, %and3A_705 : vector<16xi32>
        %and3A_707 = arith.constant -2147483648 : i32
        %and3A_708 = vector.broadcast %and3A_707 : i32 to vector<16xi32>
        %and3A_709 = arith.andi %get3A_686, %and3A_708 : vector<16xi32>
        %or3A_710 = arith.ori %and3A_706, %and3A_709 : vector<16xi32>
        %bitcast_convert_type3A_711 = tpu.bitcast %or3A_710 : vector<16xi32> -> vector<16xf32>
        %mul3A_712 = arith.constant 5.19229686E+33 : f32
        %mul3A_713 = vector.broadcast %mul3A_712 : f32 to vector<16xf32>
        %mul3A_714 = arith.mulf %bitcast_convert_type3A_711, %mul3A_713 : vector<16xf32>
        %add3A_715 = vector.broadcast %add3A_682 : i32 to vector<16xi32>
        %add3A_716 = arith.addi %add3A_19, %add3A_715 : vector<16xi32>
        tpu.vector_store_idx %arg9[%add3A_716], %mul3A_700 : memref<33024xf32, #tpu.memory_space<vmem>>[vector<16xi32>], vector<16xf32>,
        %add3A_717 = vector.broadcast %add3A_682 : i32 to vector<16xi32>
        %add3A_718 = arith.addi %add3A_35, %add3A_717 : vector<16xi32>
        tpu.vector_store_idx %arg9[%add3A_718], %mul3A_714 : memref<33024xf32, #tpu.memory_space<vmem>>[vector<16xi32>], vector<16xf32>,
        %get3A_719 = arith.constant 1 : i32
        %get3A_720 = arith.index_cast %get3A_719 : i32 to index
        %get3A_721 = arith.index_cast %scan3A_680 : i32 to index
        %get3A_722 = arith.constant 16 : index
        %get3A_723 = tpu.vector_load %arg7[%get3A_720, %get3A_721, %get3A_722] {strides = array<i32>} : memref<4x128x32xi32, #tpu.memory_space<vmem>>, vector<16xi32>,
        %shift_left3A_724 = arith.constant 13 : i32
        %shift_left3A_725 = vector.broadcast %shift_left3A_724 : i32 to vector<16xi32>
        %shift_left3A_726 = arith.shli %get3A_723, %shift_left3A_725 : vector<16xi32>
        %and3A_727 = arith.constant 268427264 : i32
        %and3A_728 = vector.broadcast %and3A_727 : i32 to vector<16xi32>
        %and3A_729 = arith.andi %shift_left3A_726, %and3A_728 : vector<16xi32>
        %shift_left3A_730 = arith.constant 16 : i32
        %shift_left3A_731 = vector.broadcast %shift_left3A_730 : i32 to vector<16xi32>
        %shift_left3A_732 = arith.shli %get3A_723, %shift_left3A_731 : vector<16xi32>
        %and3A_733 = arith.constant -2147483648 : i32
        %and3A_734 = vector.broadcast %and3A_733 : i32 to vector<16xi32>
        %and3A_735 = arith.andi %shift_left3A_732, %and3A_734 : vector<16xi32>
        %or3A_736 = arith.ori %and3A_729, %and3A_735 : vector<16xi32>
        %bitcast_convert_type3A_737 = tpu.bitcast %or3A_736 : vector<16xi32> -> vector<16xf32>
        %mul3A_738 = arith.constant 5.19229686E+33 : f32
        %mul3A_739 = vector.broadcast %mul3A_738 : f32 to vector<16xf32>
        %mul3A_740 = arith.mulf %bitcast_convert_type3A_737, %mul3A_739 : vector<16xf32>
        %shift_right_arithmetic3A_741 = arith.constant 3 : i32
        %shift_right_arithmetic3A_742 = vector.broadcast %shift_right_arithmetic3A_741 : i32 to vector<16xi32>
        %shift_right_arithmetic3A_743 = arith.shrsi %get3A_723, %shift_right_arithmetic3A_742 : vector<16xi32>
        %and3A_744 = arith.constant 268427264 : i32
        %and3A_745 = vector.broadcast %and3A_744 : i32 to vector<16xi32>
        %and3A_746 = arith.andi %shift_right_arithmetic3A_743, %and3A_745 : vector<16xi32>
        %and3A_747 = arith.constant -2147483648 : i32
        %and3A_748 = vector.broadcast %and3A_747 : i32 to vector<16xi32>
        %and3A_749 = arith.andi %get3A_723, %and3A_748 : vector<16xi32>
        %or3A_750 = arith.ori %and3A_746, %and3A_749 : vector<16xi32>
        %bitcast_convert_type3A_751 = tpu.bitcast %or3A_750 : vector<16xi32> -> vector<16xf32>
        %mul3A_752 = arith.constant 5.19229686E+33 : f32
        %mul3A_753 = vector.broadcast %mul3A_752 : f32 to vector<16xf32>
        %mul3A_754 = arith.mulf %bitcast_convert_type3A_751, %mul3A_753 : vector<16xf32>
        %add3A_755 = vector.broadcast %add3A_682 : i32 to vector<16xi32>
        %add3A_756 = arith.addi %add3A_51, %add3A_755 : vector<16xi32>
        tpu.vector_store_idx %arg9[%add3A_756], %mul3A_740 : memref<33024xf32, #tpu.memory_space<vmem>>[vector<16xi32>], vector<16xf32>,
        %add3A_757 = vector.broadcast %add3A_682 : i32 to vector<16xi32>
        %add3A_758 = arith.addi %add3A_67, %add3A_757 : vector<16xi32>
        tpu.vector_store_idx %arg9[%add3A_758], %mul3A_754 : memref<33024xf32, #tpu.memory_space<vmem>>[vector<16xi32>], vector<16xf32>,
        %scan3A_759 = arith.constant 1 : i32
        %scan3A_760 = arith.addi %scan3A_680, %scan3A_759 : i32
        %add3A_761 = arith.constant 1024 : i32
        %add3A_762 = arith.addi %add3A_761, %scan3A_760 : i32
        %get3A_763 = arith.constant 1 : i32
        %get3A_764 = arith.index_cast %get3A_763 : i32 to index
        %get3A_765 = arith.index_cast %scan3A_760 : i32 to index
        %get3A_766 = arith.constant 0 : index
        %get3A_767 = tpu.vector_load %arg7[%get3A_764, %get3A_765, %get3A_766] {strides = array<i32>} : memref<4x128x32xi32, #tpu.memory_space<vmem>>, vector<16xi32>,
        %shift_left3A_768 = arith.constant 13 : i32
        %shift_left3A_769 = vector.broadcast %shift_left3A_768 : i32 to vector<16xi32>
        %shift_left3A_770 = arith.shli %get3A_767, %shift_left3A_769 : vector<16xi32>
        %and3A_771 = arith.constant 268427264 : i32
        %and3A_772 = vector.broadcast %and3A_771 : i32 to vector<16xi32>
        %and3A_773 = arith.andi %shift_left3A_770, %and3A_772 : vector<16xi32>
        %shift_left3A_774 = arith.constant 16 : i32
        %shift_left3A_775 = vector.broadcast %shift_left3A_774 : i32 to vector<16xi32>
        %shift_left3A_776 = arith.shli %get3A_767, %shift_left3A_775 : vector<16xi32>
        %and3A_777 = arith.constant -2147483648 : i32
        %and3A_778 = vector.broadcast %and3A_777 : i32 to vector<16xi32>
        %and3A_779 = arith.andi %shift_left3A_776, %and3A_778 : vector<16xi32>
        %or3A_780 = arith.ori %and3A_773, %and3A_779 : vector<16xi32>
        %bitcast_convert_type3A_781 = tpu.bitcast %or3A_780 : vector<16xi32> -> vector<16xf32>
        %mul3A_782 = arith.constant 5.19229686E+33 : f32
        %mul3A_783 = vector.broadcast %mul3A_782 : f32 to vector<16xf32>
        %mul3A_784 = arith.mulf %bitcast_convert_type3A_781, %mul3A_783 : vector<16xf32>
        %shift_right_arithmetic3A_785 = arith.constant 3 : i32
        %shift_right_arithmetic3A_786 = vector.broadcast %shift_right_arithmetic3A_785 : i32 to vector<16xi32>
        %shift_right_arithmetic3A_787 = arith.shrsi %get3A_767, %shift_right_arithmetic3A_786 : vector<16xi32>
        %and3A_788 = arith.constant 268427264 : i32
        %and3A_789 = vector.broadcast %and3A_788 : i32 to vector<16xi32>
        %and3A_790 = arith.andi %shift_right_arithmetic3A_787, %and3A_789 : vector<16xi32>
        %and3A_791 = arith.constant -2147483648 : i32
        %and3A_792 = vector.broadcast %and3A_791 : i32 to vector<16xi32>
        %and3A_793 = arith.andi %get3A_767, %and3A_792 : vector<16xi32>
        %or3A_794 = arith.ori %and3A_790, %and3A_793 : vector<16xi32>
        %bitcast_convert_type3A_795 = tpu.bitcast %or3A_794 : vector<16xi32> -> vector<16xf32>
        %mul3A_796 = arith.constant 5.19229686E+33 : f32
        %mul3A_797 = vector.broadcast %mul3A_796 : f32 to vector<16xf32>
        %mul3A_798 = arith.mulf %bitcast_convert_type3A_795, %mul3A_797 : vector<16xf32>
        %add3A_799 = vector.broadcast %add3A_762 : i32 to vector<16xi32>
        %add3A_800 = arith.addi %add3A_19, %add3A_799 : vector<16xi32>
        tpu.vector_store_idx %arg9[%add3A_800], %mul3A_784 : memref<33024xf32, #tpu.memory_space<vmem>>[vector<16xi32>], vector<16xf32>,
        %add3A_801 = vector.broadcast %add3A_762 : i32 to vector<16xi32>
        %add3A_802 = arith.addi %add3A_35, %add3A_801 : vector<16xi32>
        tpu.vector_store_idx %arg9[%add3A_802], %mul3A_798 : memref<33024xf32, #tpu.memory_space<vmem>>[vector<16xi32>], vector<16xf32>,
        %get3A_803 = arith.constant 1 : i32
        %get3A_804 = arith.index_cast %get3A_803 : i32 to index
        %get3A_805 = arith.index_cast %scan3A_760 : i32 to index
        %get3A_806 = arith.constant 16 : index
        %get3A_807 = tpu.vector_load %arg7[%get3A_804, %get3A_805, %get3A_806] {strides = array<i32>} : memref<4x128x32xi32, #tpu.memory_space<vmem>>, vector<16xi32>,
        %shift_left3A_808 = arith.constant 13 : i32
        %shift_left3A_809 = vector.broadcast %shift_left3A_808 : i32 to vector<16xi32>
        %shift_left3A_810 = arith.shli %get3A_807, %shift_left3A_809 : vector<16xi32>
        %and3A_811 = arith.constant 268427264 : i32
        %and3A_812 = vector.broadcast %and3A_811 : i32 to vector<16xi32>
        %and3A_813 = arith.andi %shift_left3A_810, %and3A_812 : vector<16xi32>
        %shift_left3A_814 = arith.constant 16 : i32
        %shift_left3A_815 = vector.broadcast %shift_left3A_814 : i32 to vector<16xi32>
        %shift_left3A_816 = arith.shli %get3A_807, %shift_left3A_815 : vector<16xi32>
        %and3A_817 = arith.constant -2147483648 : i32
        %and3A_818 = vector.broadcast %and3A_817 : i32 to vector<16xi32>
        %and3A_819 = arith.andi %shift_left3A_816, %and3A_818 : vector<16xi32>
        %or3A_820 = arith.ori %and3A_813, %and3A_819 : vector<16xi32>
        %bitcast_convert_type3A_821 = tpu.bitcast %or3A_820 : vector<16xi32> -> vector<16xf32>
        %mul3A_822 = arith.constant 5.19229686E+33 : f32
        %mul3A_823 = vector.broadcast %mul3A_822 : f32 to vector<16xf32>
        %mul3A_824 = arith.mulf %bitcast_convert_type3A_821, %mul3A_823 : vector<16xf32>
        %shift_right_arithmetic3A_825 = arith.constant 3 : i32
        %shift_right_arithmetic3A_826 = vector.broadcast %shift_right_arithmetic3A_825 : i32 to vector<16xi32>
        %shift_right_arithmetic3A_827 = arith.shrsi %get3A_807, %shift_right_arithmetic3A_826 : vector<16xi32>
        %and3A_828 = arith.constant 268427264 : i32
        %and3A_829 = vector.broadcast %and3A_828 : i32 to vector<16xi32>
        %and3A_830 = arith.andi %shift_right_arithmetic3A_827, %and3A_829 : vector<16xi32>
        %and3A_831 = arith.constant -2147483648 : i32
        %and3A_832 = vector.broadcast %and3A_831 : i32 to vector<16xi32>
        %and3A_833 = arith.andi %get3A_807, %and3A_832 : vector<16xi32>
        %or3A_834 = arith.ori %and3A_830, %and3A_833 : vector<16xi32>
        %bitcast_convert_type3A_835 = tpu.bitcast %or3A_834 : vector<16xi32> -> vector<16xf32>
        %mul3A_836 = arith.constant 5.19229686E+33 : f32
        %mul3A_837 = vector.broadcast %mul3A_836 : f32 to vector<16xf32>
        %mul3A_838 = arith.mulf %bitcast_convert_type3A_835, %mul3A_837 : vector<16xf32>
        %add3A_839 = vector.broadcast %add3A_762 : i32 to vector<16xi32>
        %add3A_840 = arith.addi %add3A_51, %add3A_839 : vector<16xi32>
        tpu.vector_store_idx %arg9[%add3A_840], %mul3A_824 : memref<33024xf32, #tpu.memory_space<vmem>>[vector<16xi32>], vector<16xf32>,
        %add3A_841 = vector.broadcast %add3A_762 : i32 to vector<16xi32>
        %add3A_842 = arith.addi %add3A_67, %add3A_841 : vector<16xi32>
        tpu.vector_store_idx %arg9[%add3A_842], %mul3A_838 : memref<33024xf32, #tpu.memory_space<vmem>>[vector<16xi32>], vector<16xf32>,
        %scan3A_843 = arith.constant 2 : i32
        %scan3A_844 = arith.addi %scan3A_680, %scan3A_843 : i32
        %add3A_845 = arith.constant 1024 : i32
        %add3A_846 = arith.addi %add3A_845, %scan3A_844 : i32
        %get3A_847 = arith.constant 1 : i32
        %get3A_848 = arith.index_cast %get3A_847 : i32 to index
        %get3A_849 = arith.index_cast %scan3A_844 : i32 to index
        %get3A_850 = arith.constant 0 : index
        %get3A_851 = tpu.vector_load %arg7[%get3A_848, %get3A_849, %get3A_850] {strides = array<i32>} : memref<4x128x32xi32, #tpu.memory_space<vmem>>, vector<16xi32>,
        %shift_left3A_852 = arith.constant 13 : i32
        %shift_left3A_853 = vector.broadcast %shift_left3A_852 : i32 to vector<16xi32>
        %shift_left3A_854 = arith.shli %get3A_851, %shift_left3A_853 : vector<16xi32>
        %and3A_855 = arith.constant 268427264 : i32
        %and3A_856 = vector.broadcast %and3A_855 : i32 to vector<16xi32>
        %and3A_857 = arith.andi %shift_left3A_854, %and3A_856 : vector<16xi32>
        %shift_left3A_858 = arith.constant 16 : i32
        %shift_left3A_859 = vector.broadcast %shift_left3A_858 : i32 to vector<16xi32>
        %shift_left3A_860 = arith.shli %get3A_851, %shift_left3A_859 : vector<16xi32>
        %and3A_861 = arith.constant -2147483648 : i32
        %and3A_862 = vector.broadcast %and3A_861 : i32 to vector<16xi32>
        %and3A_863 = arith.andi %shift_left3A_860, %and3A_862 : vector<16xi32>
        %or3A_864 = arith.ori %and3A_857, %and3A_863 : vector<16xi32>
        %bitcast_convert_type3A_865 = tpu.bitcast %or3A_864 : vector<16xi32> -> vector<16xf32>
        %mul3A_866 = arith.constant 5.19229686E+33 : f32
        %mul3A_867 = vector.broadcast %mul3A_866 : f32 to vector<16xf32>
        %mul3A_868 = arith.mulf %bitcast_convert_type3A_865, %mul3A_867 : vector<16xf32>
        %shift_right_arithmetic3A_869 = arith.constant 3 : i32
        %shift_right_arithmetic3A_870 = vector.broadcast %shift_right_arithmetic3A_869 : i32 to vector<16xi32>
        %shift_right_arithmetic3A_871 = arith.shrsi %get3A_851, %shift_right_arithmetic3A_870 : vector<16xi32>
        %and3A_872 = arith.constant 268427264 : i32
        %and3A_873 = vector.broadcast %and3A_872 : i32 to vector<16xi32>
        %and3A_874 = arith.andi %shift_right_arithmetic3A_871, %and3A_873 : vector<16xi32>
        %and3A_875 = arith.constant -2147483648 : i32
        %and3A_876 = vector.broadcast %and3A_875 : i32 to vector<16xi32>
        %and3A_877 = arith.andi %get3A_851, %and3A_876 : vector<16xi32>
        %or3A_878 = arith.ori %and3A_874, %and3A_877 : vector<16xi32>
        %bitcast_convert_type3A_879 = tpu.bitcast %or3A_878 : vector<16xi32> -> vector<16xf32>
        %mul3A_880 = arith.constant 5.19229686E+33 : f32
        %mul3A_881 = vector.broadcast %mul3A_880 : f32 to vector<16xf32>
        %mul3A_882 = arith.mulf %bitcast_convert_type3A_879, %mul3A_881 : vector<16xf32>
        %add3A_883 = vector.broadcast %add3A_846 : i32 to vector<16xi32>
        %add3A_884 = arith.addi %add3A_19, %add3A_883 : vector<16xi32>
        tpu.vector_store_idx %arg9[%add3A_884], %mul3A_868 : memref<33024xf32, #tpu.memory_space<vmem>>[vector<16xi32>], vector<16xf32>,
        %add3A_885 = vector.broadcast %add3A_846 : i32 to vector<16xi32>
        %add3A_886 = arith.addi %add3A_35, %add3A_885 : vector<16xi32>
        tpu.vector_store_idx %arg9[%add3A_886], %mul3A_882 : memref<33024xf32, #tpu.memory_space<vmem>>[vector<16xi32>], vector<16xf32>,
        %get3A_887 = arith.constant 1 : i32
        %get3A_888 = arith.index_cast %get3A_887 : i32 to index
        %get3A_889 = arith.index_cast %scan3A_844 : i32 to index
        %get3A_890 = arith.constant 16 : index
        %get3A_891 = tpu.vector_load %arg7[%get3A_888, %get3A_889, %get3A_890] {strides = array<i32>} : memref<4x128x32xi32, #tpu.memory_space<vmem>>, vector<16xi32>,
        %shift_left3A_892 = arith.constant 13 : i32
        %shift_left3A_893 = vector.broadcast %shift_left3A_892 : i32 to vector<16xi32>
        %shift_left3A_894 = arith.shli %get3A_891, %shift_left3A_893 : vector<16xi32>
        %and3A_895 = arith.constant 268427264 : i32
        %and3A_896 = vector.broadcast %and3A_895 : i32 to vector<16xi32>
        %and3A_897 = arith.andi %shift_left3A_894, %and3A_896 : vector<16xi32>
        %shift_left3A_898 = arith.constant 16 : i32
        %shift_left3A_899 = vector.broadcast %shift_left3A_898 : i32 to vector<16xi32>
        %shift_left3A_900 = arith.shli %get3A_891, %shift_left3A_899 : vector<16xi32>
        %and3A_901 = arith.constant -2147483648 : i32
        %and3A_902 = vector.broadcast %and3A_901 : i32 to vector<16xi32>
        %and3A_903 = arith.andi %shift_left3A_900, %and3A_902 : vector<16xi32>
        %or3A_904 = arith.ori %and3A_897, %and3A_903 : vector<16xi32>
        %bitcast_convert_type3A_905 = tpu.bitcast %or3A_904 : vector<16xi32> -> vector<16xf32>
        %mul3A_906 = arith.constant 5.19229686E+33 : f32
        %mul3A_907 = vector.broadcast %mul3A_906 : f32 to vector<16xf32>
        %mul3A_908 = arith.mulf %bitcast_convert_type3A_905, %mul3A_907 : vector<16xf32>
        %shift_right_arithmetic3A_909 = arith.constant 3 : i32
        %shift_right_arithmetic3A_910 = vector.broadcast %shift_right_arithmetic3A_909 : i32 to vector<16xi32>
        %shift_right_arithmetic3A_911 = arith.shrsi %get3A_891, %shift_right_arithmetic3A_910 : vector<16xi32>
        %and3A_912 = arith.constant 268427264 : i32
        %and3A_913 = vector.broadcast %and3A_912 : i32 to vector<16xi32>
        %and3A_914 = arith.andi %shift_right_arithmetic3A_911, %and3A_913 : vector<16xi32>
        %and3A_915 = arith.constant -2147483648 : i32
        %and3A_916 = vector.broadcast %and3A_915 : i32 to vector<16xi32>
        %and3A_917 = arith.andi %get3A_891, %and3A_916 : vector<16xi32>
        %or3A_918 = arith.ori %and3A_914, %and3A_917 : vector<16xi32>
        %bitcast_convert_type3A_919 = tpu.bitcast %or3A_918 : vector<16xi32> -> vector<16xf32>
        %mul3A_920 = arith.constant 5.19229686E+33 : f32
        %mul3A_921 = vector.broadcast %mul3A_920 : f32 to vector<16xf32>
        %mul3A_922 = arith.mulf %bitcast_convert_type3A_919, %mul3A_921 : vector<16xf32>
        %add3A_923 = vector.broadcast %add3A_846 : i32 to vector<16xi32>
        %add3A_924 = arith.addi %add3A_51, %add3A_923 : vector<16xi32>
        tpu.vector_store_idx %arg9[%add3A_924], %mul3A_908 : memref<33024xf32, #tpu.memory_space<vmem>>[vector<16xi32>], vector<16xf32>,
        %add3A_925 = vector.broadcast %add3A_846 : i32 to vector<16xi32>
        %add3A_926 = arith.addi %add3A_67, %add3A_925 : vector<16xi32>
        tpu.vector_store_idx %arg9[%add3A_926], %mul3A_922 : memref<33024xf32, #tpu.memory_space<vmem>>[vector<16xi32>], vector<16xf32>,
        %scan3A_927 = arith.constant 3 : i32
        %scan3A_928 = arith.addi %scan3A_680, %scan3A_927 : i32
        %add3A_929 = arith.constant 1024 : i32
        %add3A_930 = arith.addi %add3A_929, %scan3A_928 : i32
        %get3A_931 = arith.constant 1 : i32
        %get3A_932 = arith.index_cast %get3A_931 : i32 to index
        %get3A_933 = arith.index_cast %scan3A_928 : i32 to index
        %get3A_934 = arith.constant 0 : index
        %get3A_935 = tpu.vector_load %arg7[%get3A_932, %get3A_933, %get3A_934] {strides = array<i32>} : memref<4x128x32xi32, #tpu.memory_space<vmem>>, vector<16xi32>,
        %shift_left3A_936 = arith.constant 13 : i32
        %shift_left3A_937 = vector.broadcast %shift_left3A_936 : i32 to vector<16xi32>
        %shift_left3A_938 = arith.shli %get3A_935, %shift_left3A_937 : vector<16xi32>
        %and3A_939 = arith.constant 268427264 : i32
        %and3A_940 = vector.broadcast %and3A_939 : i32 to vector<16xi32>
        %and3A_941 = arith.andi %shift_left3A_938, %and3A_940 : vector<16xi32>
        %shift_left3A_942 = arith.constant 16 : i32
        %shift_left3A_943 = vector.broadcast %shift_left3A_942 : i32 to vector<16xi32>
        %shift_left3A_944 = arith.shli %get3A_935, %shift_left3A_943 : vector<16xi32>
        %and3A_945 = arith.constant -2147483648 : i32
        %and3A_946 = vector.broadcast %and3A_945 : i32 to vector<16xi32>
        %and3A_947 = arith.andi %shift_left3A_944, %and3A_946 : vector<16xi32>
        %or3A_948 = arith.ori %and3A_941, %and3A_947 : vector<16xi32>
        %bitcast_convert_type3A_949 = tpu.bitcast %or3A_948 : vector<16xi32> -> vector<16xf32>
        %mul3A_950 = arith.constant 5.19229686E+33 : f32
        %mul3A_951 = vector.broadcast %mul3A_950 : f32 to vector<16xf32>
        %mul3A_952 = arith.mulf %bitcast_convert_type3A_949, %mul3A_951 : vector<16xf32>
        %shift_right_arithmetic3A_953 = arith.constant 3 : i32
        %shift_right_arithmetic3A_954 = vector.broadcast %shift_right_arithmetic3A_953 : i32 to vector<16xi32>
        %shift_right_arithmetic3A_955 = arith.shrsi %get3A_935, %shift_right_arithmetic3A_954 : vector<16xi32>
        %and3A_956 = arith.constant 268427264 : i32
        %and3A_957 = vector.broadcast %and3A_956 : i32 to vector<16xi32>
        %and3A_958 = arith.andi %shift_right_arithmetic3A_955, %and3A_957 : vector<16xi32>
        %and3A_959 = arith.constant -2147483648 : i32
        %and3A_960 = vector.broadcast %and3A_959 : i32 to vector<16xi32>
        %and3A_961 = arith.andi %get3A_935, %and3A_960 : vector<16xi32>
        %or3A_962 = arith.ori %and3A_958, %and3A_961 : vector<16xi32>
        %bitcast_convert_type3A_963 = tpu.bitcast %or3A_962 : vector<16xi32> -> vector<16xf32>
        %mul3A_964 = arith.constant 5.19229686E+33 : f32
        %mul3A_965 = vector.broadcast %mul3A_964 : f32 to vector<16xf32>
        %mul3A_966 = arith.mulf %bitcast_convert_type3A_963, %mul3A_965 : vector<16xf32>
        %add3A_967 = vector.broadcast %add3A_930 : i32 to vector<16xi32>
        %add3A_968 = arith.addi %add3A_19, %add3A_967 : vector<16xi32>
        tpu.vector_store_idx %arg9[%add3A_968], %mul3A_952 : memref<33024xf32, #tpu.memory_space<vmem>>[vector<16xi32>], vector<16xf32>,
        %add3A_969 = vector.broadcast %add3A_930 : i32 to vector<16xi32>
        %add3A_970 = arith.addi %add3A_35, %add3A_969 : vector<16xi32>
        tpu.vector_store_idx %arg9[%add3A_970], %mul3A_966 : memref<33024xf32, #tpu.memory_space<vmem>>[vector<16xi32>], vector<16xf32>,
        %get3A_971 = arith.constant 1 : i32
        %get3A_972 = arith.index_cast %get3A_971 : i32 to index
        %get3A_973 = arith.index_cast %scan3A_928 : i32 to index
        %get3A_974 = arith.constant 16 : index
        %get3A_975 = tpu.vector_load %arg7[%get3A_972, %get3A_973, %get3A_974] {strides = array<i32>} : memref<4x128x32xi32, #tpu.memory_space<vmem>>, vector<16xi32>,
        %shift_left3A_976 = arith.constant 13 : i32
        %shift_left3A_977 = vector.broadcast %shift_left3A_976 : i32 to vector<16xi32>
        %shift_left3A_978 = arith.shli %get3A_975, %shift_left3A_977 : vector<16xi32>
        %and3A_979 = arith.constant 268427264 : i32
        %and3A_980 = vector.broadcast %and3A_979 : i32 to vector<16xi32>
        %and3A_981 = arith.andi %shift_left3A_978, %and3A_980 : vector<16xi32>
        %shift_left3A_982 = arith.constant 16 : i32
        %shift_left3A_983 = vector.broadcast %shift_left3A_982 : i32 to vector<16xi32>
        %shift_left3A_984 = arith.shli %get3A_975, %shift_left3A_983 : vector<16xi32>
        %and3A_985 = arith.constant -2147483648 : i32
        %and3A_986 = vector.broadcast %and3A_985 : i32 to vector<16xi32>
        %and3A_987 = arith.andi %shift_left3A_984, %and3A_986 : vector<16xi32>
        %or3A_988 = arith.ori %and3A_981, %and3A_987 : vector<16xi32>
        %bitcast_convert_type3A_989 = tpu.bitcast %or3A_988 : vector<16xi32> -> vector<16xf32>
        %mul3A_990 = arith.constant 5.19229686E+33 : f32
        %mul3A_991 = vector.broadcast %mul3A_990 : f32 to vector<16xf32>
        %mul3A_992 = arith.mulf %bitcast_convert_type3A_989, %mul3A_991 : vector<16xf32>
        %shift_right_arithmetic3A_993 = arith.constant 3 : i32
        %shift_right_arithmetic3A_994 = vector.broadcast %shift_right_arithmetic3A_993 : i32 to vector<16xi32>
        %shift_right_arithmetic3A_995 = arith.shrsi %get3A_975, %shift_right_arithmetic3A_994 : vector<16xi32>
        %and3A_996 = arith.constant 268427264 : i32
        %and3A_997 = vector.broadcast %and3A_996 : i32 to vector<16xi32>
        %and3A_998 = arith.andi %shift_right_arithmetic3A_995, %and3A_997 : vector<16xi32>
        %and3A_999 = arith.constant -2147483648 : i32
        %and3A_1000 = vector.broadcast %and3A_999 : i32 to vector<16xi32>
        %and3A_1001 = arith.andi %get3A_975, %and3A_1000 : vector<16xi32>
        %or3A_1002 = arith.ori %and3A_998, %and3A_1001 : vector<16xi32>
        %bitcast_convert_type3A_1003 = tpu.bitcast %or3A_1002 : vector<16xi32> -> vector<16xf32>
        %mul3A_1004 = arith.constant 5.19229686E+33 : f32
        %mul3A_1005 = vector.broadcast %mul3A_1004 : f32 to vector<16xf32>
        %mul3A_1006 = arith.mulf %bitcast_convert_type3A_1003, %mul3A_1005 : vector<16xf32>
        %add3A_1007 = vector.broadcast %add3A_930 : i32 to vector<16xi32>
        %add3A_1008 = arith.addi %add3A_51, %add3A_1007 : vector<16xi32>
        tpu.vector_store_idx %arg9[%add3A_1008], %mul3A_992 : memref<33024xf32, #tpu.memory_space<vmem>>[vector<16xi32>], vector<16xf32>,
        %add3A_1009 = vector.broadcast %add3A_930 : i32 to vector<16xi32>
        %add3A_1010 = arith.addi %add3A_67, %add3A_1009 : vector<16xi32>
        tpu.vector_store_idx %arg9[%add3A_1010], %mul3A_1006 : memref<33024xf32, #tpu.memory_space<vmem>>[vector<16xi32>], vector<16xf32>,
      }
      %scan3A_593 = arith.constant 128 : i32
      %scan3A_594 = arith.constant 0 : i32
      %scan3A_595 = arith.constant 0 : i32
      %scan3A_596 = arith.constant 128 : i32
      %scan3A_597 = arith.addi %scan3A_595, %scan3A_596 : i32
      %scan3A_598 = arith.constant 4 : i32
      scf.for %scan3A_680 = %scan3A_595 to %scan3A_597 step %scan3A_598  : i32 {
        %add3A_681 = arith.constant 2048 : i32
        %add3A_682 = arith.addi %add3A_681, %scan3A_680 : i32
        %get3A = arith.constant 2 : i32
        %get3A_683 = arith.index_cast %get3A : i32 to index
        %get3A_684 = arith.index_cast %scan3A_680 : i32 to index
        %get3A_685 = arith.constant 0 : index
        %get3A_686 = tpu.vector_load %arg7[%get3A_683, %get3A_684, %get3A_685] {strides = array<i32>} : memref<4x128x32xi32, #tpu.memory_space<vmem>>, vector<16xi32>,
        %shift_left3A = arith.constant 13 : i32
        %shift_left3A_687 = vector.broadcast %shift_left3A : i32 to vector<16xi32>
        %shift_left3A_688 = arith.shli %get3A_686, %shift_left3A_687 : vector<16xi32>
        %and3A_689 = arith.constant 268427264 : i32
        %and3A_690 = vector.broadcast %and3A_689 : i32 to vector<16xi32>
        %and3A_691 = arith.andi %shift_left3A_688, %and3A_690 : vector<16xi32>
        %shift_left3A_692 = arith.constant 16 : i32
        %shift_left3A_693 = vector.broadcast %shift_left3A_692 : i32 to vector<16xi32>
        %shift_left3A_694 = arith.shli %get3A_686, %shift_left3A_693 : vector<16xi32>
        %and3A_695 = arith.constant -2147483648 : i32
        %and3A_696 = vector.broadcast %and3A_695 : i32 to vector<16xi32>
        %and3A_697 = arith.andi %shift_left3A_694, %and3A_696 : vector<16xi32>
        %or3A = arith.ori %and3A_691, %and3A_697 : vector<16xi32>
        %bitcast_convert_type3A = tpu.bitcast %or3A : vector<16xi32> -> vector<16xf32>
        %mul3A_698 = arith.constant 5.19229686E+33 : f32
        %mul3A_699 = vector.broadcast %mul3A_698 : f32 to vector<16xf32>
        %mul3A_700 = arith.mulf %bitcast_convert_type3A, %mul3A_699 : vector<16xf32>
        %shift_right_arithmetic3A_701 = arith.constant 3 : i32
        %shift_right_arithmetic3A_702 = vector.broadcast %shift_right_arithmetic3A_701 : i32 to vector<16xi32>
        %shift_right_arithmetic3A_703 = arith.shrsi %get3A_686, %shift_right_arithmetic3A_702 : vector<16xi32>
        %and3A_704 = arith.constant 268427264 : i32
        %and3A_705 = vector.broadcast %and3A_704 : i32 to vector<16xi32>
        %and3A_706 = arith.andi %shift_right_arithmetic3A_703, %and3A_705 : vector<16xi32>
        %and3A_707 = arith.constant -2147483648 : i32
        %and3A_708 = vector.broadcast %and3A_707 : i32 to vector<16xi32>
        %and3A_709 = arith.andi %get3A_686, %and3A_708 : vector<16xi32>
        %or3A_710 = arith.ori %and3A_706, %and3A_709 : vector<16xi32>
        %bitcast_convert_type3A_711 = tpu.bitcast %or3A_710 : vector<16xi32> -> vector<16xf32>
        %mul3A_712 = arith.constant 5.19229686E+33 : f32
        %mul3A_713 = vector.broadcast %mul3A_712 : f32 to vector<16xf32>
        %mul3A_714 = arith.mulf %bitcast_convert_type3A_711, %mul3A_713 : vector<16xf32>
        %add3A_715 = vector.broadcast %add3A_682 : i32 to vector<16xi32>
        %add3A_716 = arith.addi %add3A_19, %add3A_715 : vector<16xi32>
        tpu.vector_store_idx %arg9[%add3A_716], %mul3A_700 : memref<33024xf32, #tpu.memory_space<vmem>>[vector<16xi32>], vector<16xf32>,
        %add3A_717 = vector.broadcast %add3A_682 : i32 to vector<16xi32>
        %add3A_718 = arith.addi %add3A_35, %add3A_717 : vector<16xi32>
        tpu.vector_store_idx %arg9[%add3A_718], %mul3A_714 : memref<33024xf32, #tpu.memory_space<vmem>>[vector<16xi32>], vector<16xf32>,
        %get3A_719 = arith.constant 2 : i32
        %get3A_720 = arith.index_cast %get3A_719 : i32 to index
        %get3A_721 = arith.index_cast %scan3A_680 : i32 to index
        %get3A_722 = arith.constant 16 : index
        %get3A_723 = tpu.vector_load %arg7[%get3A_720, %get3A_721, %get3A_722] {strides = array<i32>} : memref<4x128x32xi32, #tpu.memory_space<vmem>>, vector<16xi32>,
        %shift_left3A_724 = arith.constant 13 : i32
        %shift_left3A_725 = vector.broadcast %shift_left3A_724 : i32 to vector<16xi32>
        %shift_left3A_726 = arith.shli %get3A_723, %shift_left3A_725 : vector<16xi32>
        %and3A_727 = arith.constant 268427264 : i32
        %and3A_728 = vector.broadcast %and3A_727 : i32 to vector<16xi32>
        %and3A_729 = arith.andi %shift_left3A_726, %and3A_728 : vector<16xi32>
        %shift_left3A_730 = arith.constant 16 : i32
        %shift_left3A_731 = vector.broadcast %shift_left3A_730 : i32 to vector<16xi32>
        %shift_left3A_732 = arith.shli %get3A_723, %shift_left3A_731 : vector<16xi32>
        %and3A_733 = arith.constant -2147483648 : i32
        %and3A_734 = vector.broadcast %and3A_733 : i32 to vector<16xi32>
        %and3A_735 = arith.andi %shift_left3A_732, %and3A_734 : vector<16xi32>
        %or3A_736 = arith.ori %and3A_729, %and3A_735 : vector<16xi32>
        %bitcast_convert_type3A_737 = tpu.bitcast %or3A_736 : vector<16xi32> -> vector<16xf32>
        %mul3A_738 = arith.constant 5.19229686E+33 : f32
        %mul3A_739 = vector.broadcast %mul3A_738 : f32 to vector<16xf32>
        %mul3A_740 = arith.mulf %bitcast_convert_type3A_737, %mul3A_739 : vector<16xf32>
        %shift_right_arithmetic3A_741 = arith.constant 3 : i32
        %shift_right_arithmetic3A_742 = vector.broadcast %shift_right_arithmetic3A_741 : i32 to vector<16xi32>
        %shift_right_arithmetic3A_743 = arith.shrsi %get3A_723, %shift_right_arithmetic3A_742 : vector<16xi32>
        %and3A_744 = arith.constant 268427264 : i32
        %and3A_745 = vector.broadcast %and3A_744 : i32 to vector<16xi32>
        %and3A_746 = arith.andi %shift_right_arithmetic3A_743, %and3A_745 : vector<16xi32>
        %and3A_747 = arith.constant -2147483648 : i32
        %and3A_748 = vector.broadcast %and3A_747 : i32 to vector<16xi32>
        %and3A_749 = arith.andi %get3A_723, %and3A_748 : vector<16xi32>
        %or3A_750 = arith.ori %and3A_746, %and3A_749 : vector<16xi32>
        %bitcast_convert_type3A_751 = tpu.bitcast %or3A_750 : vector<16xi32> -> vector<16xf32>
        %mul3A_752 = arith.constant 5.19229686E+33 : f32
        %mul3A_753 = vector.broadcast %mul3A_752 : f32 to vector<16xf32>
        %mul3A_754 = arith.mulf %bitcast_convert_type3A_751, %mul3A_753 : vector<16xf32>
        %add3A_755 = vector.broadcast %add3A_682 : i32 to vector<16xi32>
        %add3A_756 = arith.addi %add3A_51, %add3A_755 : vector<16xi32>
        tpu.vector_store_idx %arg9[%add3A_756], %mul3A_740 : memref<33024xf32, #tpu.memory_space<vmem>>[vector<16xi32>], vector<16xf32>,
        %add3A_757 = vector.broadcast %add3A_682 : i32 to vector<16xi32>
        %add3A_758 = arith.addi %add3A_67, %add3A_757 : vector<16xi32>
        tpu.vector_store_idx %arg9[%add3A_758], %mul3A_754 : memref<33024xf32, #tpu.memory_space<vmem>>[vector<16xi32>], vector<16xf32>,
        %scan3A_759 = arith.constant 1 : i32
        %scan3A_760 = arith.addi %scan3A_680, %scan3A_759 : i32
        %add3A_761 = arith.constant 2048 : i32
        %add3A_762 = arith.addi %add3A_761, %scan3A_760 : i32
        %get3A_763 = arith.constant 2 : i32
        %get3A_764 = arith.index_cast %get3A_763 : i32 to index
        %get3A_765 = arith.index_cast %scan3A_760 : i32 to index
        %get3A_766 = arith.constant 0 : index
        %get3A_767 = tpu.vector_load %arg7[%get3A_764, %get3A_765, %get3A_766] {strides = array<i32>} : memref<4x128x32xi32, #tpu.memory_space<vmem>>, vector<16xi32>,
        %shift_left3A_768 = arith.constant 13 : i32
        %shift_left3A_769 = vector.broadcast %shift_left3A_768 : i32 to vector<16xi32>
        %shift_left3A_770 = arith.shli %get3A_767, %shift_left3A_769 : vector<16xi32>
        %and3A_771 = arith.constant 268427264 : i32
        %and3A_772 = vector.broadcast %and3A_771 : i32 to vector<16xi32>
        %and3A_773 = arith.andi %shift_left3A_770, %and3A_772 : vector<16xi32>
        %shift_left3A_774 = arith.constant 16 : i32
        %shift_left3A_775 = vector.broadcast %shift_left3A_774 : i32 to vector<16xi32>
        %shift_left3A_776 = arith.shli %get3A_767, %shift_left3A_775 : vector<16xi32>
        %and3A_777 = arith.constant -2147483648 : i32
        %and3A_778 = vector.broadcast %and3A_777 : i32 to vector<16xi32>
        %and3A_779 = arith.andi %shift_left3A_776, %and3A_778 : vector<16xi32>
        %or3A_780 = arith.ori %and3A_773, %and3A_779 : vector<16xi32>
        %bitcast_convert_type3A_781 = tpu.bitcast %or3A_780 : vector<16xi32> -> vector<16xf32>
        %mul3A_782 = arith.constant 5.19229686E+33 : f32
        %mul3A_783 = vector.broadcast %mul3A_782 : f32 to vector<16xf32>
        %mul3A_784 = arith.mulf %bitcast_convert_type3A_781, %mul3A_783 : vector<16xf32>
        %shift_right_arithmetic3A_785 = arith.constant 3 : i32
        %shift_right_arithmetic3A_786 = vector.broadcast %shift_right_arithmetic3A_785 : i32 to vector<16xi32>
        %shift_right_arithmetic3A_787 = arith.shrsi %get3A_767, %shift_right_arithmetic3A_786 : vector<16xi32>
        %and3A_788 = arith.constant 268427264 : i32
        %and3A_789 = vector.broadcast %and3A_788 : i32 to vector<16xi32>
        %and3A_790 = arith.andi %shift_right_arithmetic3A_787, %and3A_789 : vector<16xi32>
        %and3A_791 = arith.constant -2147483648 : i32
        %and3A_792 = vector.broadcast %and3A_791 : i32 to vector<16xi32>
        %and3A_793 = arith.andi %get3A_767, %and3A_792 : vector<16xi32>
        %or3A_794 = arith.ori %and3A_790, %and3A_793 : vector<16xi32>
        %bitcast_convert_type3A_795 = tpu.bitcast %or3A_794 : vector<16xi32> -> vector<16xf32>
        %mul3A_796 = arith.constant 5.19229686E+33 : f32
        %mul3A_797 = vector.broadcast %mul3A_796 : f32 to vector<16xf32>
        %mul3A_798 = arith.mulf %bitcast_convert_type3A_795, %mul3A_797 : vector<16xf32>
        %add3A_799 = vector.broadcast %add3A_762 : i32 to vector<16xi32>
        %add3A_800 = arith.addi %add3A_19, %add3A_799 : vector<16xi32>
        tpu.vector_store_idx %arg9[%add3A_800], %mul3A_784 : memref<33024xf32, #tpu.memory_space<vmem>>[vector<16xi32>], vector<16xf32>,
        %add3A_801 = vector.broadcast %add3A_762 : i32 to vector<16xi32>
        %add3A_802 = arith.addi %add3A_35, %add3A_801 : vector<16xi32>
        tpu.vector_store_idx %arg9[%add3A_802], %mul3A_798 : memref<33024xf32, #tpu.memory_space<vmem>>[vector<16xi32>], vector<16xf32>,
        %get3A_803 = arith.constant 2 : i32
        %get3A_804 = arith.index_cast %get3A_803 : i32 to index
        %get3A_805 = arith.index_cast %scan3A_760 : i32 to index
        %get3A_806 = arith.constant 16 : index
        %get3A_807 = tpu.vector_load %arg7[%get3A_804, %get3A_805, %get3A_806] {strides = array<i32>} : memref<4x128x32xi32, #tpu.memory_space<vmem>>, vector<16xi32>,
        %shift_left3A_808 = arith.constant 13 : i32
        %shift_left3A_809 = vector.broadcast %shift_left3A_808 : i32 to vector<16xi32>
        %shift_left3A_810 = arith.shli %get3A_807, %shift_left3A_809 : vector<16xi32>
        %and3A_811 = arith.constant 268427264 : i32
        %and3A_812 = vector.broadcast %and3A_811 : i32 to vector<16xi32>
        %and3A_813 = arith.andi %shift_left3A_810, %and3A_812 : vector<16xi32>
        %shift_left3A_814 = arith.constant 16 : i32
        %shift_left3A_815 = vector.broadcast %shift_left3A_814 : i32 to vector<16xi32>
        %shift_left3A_816 = arith.shli %get3A_807, %shift_left3A_815 : vector<16xi32>
        %and3A_817 = arith.constant -2147483648 : i32
        %and3A_818 = vector.broadcast %and3A_817 : i32 to vector<16xi32>
        %and3A_819 = arith.andi %shift_left3A_816, %and3A_818 : vector<16xi32>
        %or3A_820 = arith.ori %and3A_813, %and3A_819 : vector<16xi32>
        %bitcast_convert_type3A_821 = tpu.bitcast %or3A_820 : vector<16xi32> -> vector<16xf32>
        %mul3A_822 = arith.constant 5.19229686E+33 : f32
        %mul3A_823 = vector.broadcast %mul3A_822 : f32 to vector<16xf32>
        %mul3A_824 = arith.mulf %bitcast_convert_type3A_821, %mul3A_823 : vector<16xf32>
        %shift_right_arithmetic3A_825 = arith.constant 3 : i32
        %shift_right_arithmetic3A_826 = vector.broadcast %shift_right_arithmetic3A_825 : i32 to vector<16xi32>
        %shift_right_arithmetic3A_827 = arith.shrsi %get3A_807, %shift_right_arithmetic3A_826 : vector<16xi32>
        %and3A_828 = arith.constant 268427264 : i32
        %and3A_829 = vector.broadcast %and3A_828 : i32 to vector<16xi32>
        %and3A_830 = arith.andi %shift_right_arithmetic3A_827, %and3A_829 : vector<16xi32>
        %and3A_831 = arith.constant -2147483648 : i32
        %and3A_832 = vector.broadcast %and3A_831 : i32 to vector<16xi32>
        %and3A_833 = arith.andi %get3A_807, %and3A_832 : vector<16xi32>
        %or3A_834 = arith.ori %and3A_830, %and3A_833 : vector<16xi32>
        %bitcast_convert_type3A_835 = tpu.bitcast %or3A_834 : vector<16xi32> -> vector<16xf32>
        %mul3A_836 = arith.constant 5.19229686E+33 : f32
        %mul3A_837 = vector.broadcast %mul3A_836 : f32 to vector<16xf32>
        %mul3A_838 = arith.mulf %bitcast_convert_type3A_835, %mul3A_837 : vector<16xf32>
        %add3A_839 = vector.broadcast %add3A_762 : i32 to vector<16xi32>
        %add3A_840 = arith.addi %add3A_51, %add3A_839 : vector<16xi32>
        tpu.vector_store_idx %arg9[%add3A_840], %mul3A_824 : memref<33024xf32, #tpu.memory_space<vmem>>[vector<16xi32>], vector<16xf32>,
        %add3A_841 = vector.broadcast %add3A_762 : i32 to vector<16xi32>
        %add3A_842 = arith.addi %add3A_67, %add3A_841 : vector<16xi32>
        tpu.vector_store_idx %arg9[%add3A_842], %mul3A_838 : memref<33024xf32, #tpu.memory_space<vmem>>[vector<16xi32>], vector<16xf32>,
        %scan3A_843 = arith.constant 2 : i32
        %scan3A_844 = arith.addi %scan3A_680, %scan3A_843 : i32
        %add3A_845 = arith.constant 2048 : i32
        %add3A_846 = arith.addi %add3A_845, %scan3A_844 : i32
        %get3A_847 = arith.constant 2 : i32
        %get3A_848 = arith.index_cast %get3A_847 : i32 to index
        %get3A_849 = arith.index_cast %scan3A_844 : i32 to index
        %get3A_850 = arith.constant 0 : index
        %get3A_851 = tpu.vector_load %arg7[%get3A_848, %get3A_849, %get3A_850] {strides = array<i32>} : memref<4x128x32xi32, #tpu.memory_space<vmem>>, vector<16xi32>,
        %shift_left3A_852 = arith.constant 13 : i32
        %shift_left3A_853 = vector.broadcast %shift_left3A_852 : i32 to vector<16xi32>
        %shift_left3A_854 = arith.shli %get3A_851, %shift_left3A_853 : vector<16xi32>
        %and3A_855 = arith.constant 268427264 : i32
        %and3A_856 = vector.broadcast %and3A_855 : i32 to vector<16xi32>
        %and3A_857 = arith.andi %shift_left3A_854, %and3A_856 : vector<16xi32>
        %shift_left3A_858 = arith.constant 16 : i32
        %shift_left3A_859 = vector.broadcast %shift_left3A_858 : i32 to vector<16xi32>
        %shift_left3A_860 = arith.shli %get3A_851, %shift_left3A_859 : vector<16xi32>
        %and3A_861 = arith.constant -2147483648 : i32
        %and3A_862 = vector.broadcast %and3A_861 : i32 to vector<16xi32>
        %and3A_863 = arith.andi %shift_left3A_860, %and3A_862 : vector<16xi32>
        %or3A_864 = arith.ori %and3A_857, %and3A_863 : vector<16xi32>
        %bitcast_convert_type3A_865 = tpu.bitcast %or3A_864 : vector<16xi32> -> vector<16xf32>
        %mul3A_866 = arith.constant 5.19229686E+33 : f32
        %mul3A_867 = vector.broadcast %mul3A_866 : f32 to vector<16xf32>
        %mul3A_868 = arith.mulf %bitcast_convert_type3A_865, %mul3A_867 : vector<16xf32>
        %shift_right_arithmetic3A_869 = arith.constant 3 : i32
        %shift_right_arithmetic3A_870 = vector.broadcast %shift_right_arithmetic3A_869 : i32 to vector<16xi32>
        %shift_right_arithmetic3A_871 = arith.shrsi %get3A_851, %shift_right_arithmetic3A_870 : vector<16xi32>
        %and3A_872 = arith.constant 268427264 : i32
        %and3A_873 = vector.broadcast %and3A_872 : i32 to vector<16xi32>
        %and3A_874 = arith.andi %shift_right_arithmetic3A_871, %and3A_873 : vector<16xi32>
        %and3A_875 = arith.constant -2147483648 : i32
        %and3A_876 = vector.broadcast %and3A_875 : i32 to vector<16xi32>
        %and3A_877 = arith.andi %get3A_851, %and3A_876 : vector<16xi32>
        %or3A_878 = arith.ori %and3A_874, %and3A_877 : vector<16xi32>
        %bitcast_convert_type3A_879 = tpu.bitcast %or3A_878 : vector<16xi32> -> vector<16xf32>
        %mul3A_880 = arith.constant 5.19229686E+33 : f32
        %mul3A_881 = vector.broadcast %mul3A_880 : f32 to vector<16xf32>
        %mul3A_882 = arith.mulf %bitcast_convert_type3A_879, %mul3A_881 : vector<16xf32>
        %add3A_883 = vector.broadcast %add3A_846 : i32 to vector<16xi32>
        %add3A_884 = arith.addi %add3A_19, %add3A_883 : vector<16xi32>
        tpu.vector_store_idx %arg9[%add3A_884], %mul3A_868 : memref<33024xf32, #tpu.memory_space<vmem>>[vector<16xi32>], vector<16xf32>,
        %add3A_885 = vector.broadcast %add3A_846 : i32 to vector<16xi32>
        %add3A_886 = arith.addi %add3A_35, %add3A_885 : vector<16xi32>
        tpu.vector_store_idx %arg9[%add3A_886], %mul3A_882 : memref<33024xf32, #tpu.memory_space<vmem>>[vector<16xi32>], vector<16xf32>,
        %get3A_887 = arith.constant 2 : i32
        %get3A_888 = arith.index_cast %get3A_887 : i32 to index
        %get3A_889 = arith.index_cast %scan3A_844 : i32 to index
        %get3A_890 = arith.constant 16 : index
        %get3A_891 = tpu.vector_load %arg7[%get3A_888, %get3A_889, %get3A_890] {strides = array<i32>} : memref<4x128x32xi32, #tpu.memory_space<vmem>>, vector<16xi32>,
        %shift_left3A_892 = arith.constant 13 : i32
        %shift_left3A_893 = vector.broadcast %shift_left3A_892 : i32 to vector<16xi32>
        %shift_left3A_894 = arith.shli %get3A_891, %shift_left3A_893 : vector<16xi32>
        %and3A_895 = arith.constant 268427264 : i32
        %and3A_896 = vector.broadcast %and3A_895 : i32 to vector<16xi32>
        %and3A_897 = arith.andi %shift_left3A_894, %and3A_896 : vector<16xi32>
        %shift_left3A_898 = arith.constant 16 : i32
        %shift_left3A_899 = vector.broadcast %shift_left3A_898 : i32 to vector<16xi32>
        %shift_left3A_900 = arith.shli %get3A_891, %shift_left3A_899 : vector<16xi32>
        %and3A_901 = arith.constant -2147483648 : i32
        %and3A_902 = vector.broadcast %and3A_901 : i32 to vector<16xi32>
        %and3A_903 = arith.andi %shift_left3A_900, %and3A_902 : vector<16xi32>
        %or3A_904 = arith.ori %and3A_897, %and3A_903 : vector<16xi32>
        %bitcast_convert_type3A_905 = tpu.bitcast %or3A_904 : vector<16xi32> -> vector<16xf32>
        %mul3A_906 = arith.constant 5.19229686E+33 : f32
        %mul3A_907 = vector.broadcast %mul3A_906 : f32 to vector<16xf32>
        %mul3A_908 = arith.mulf %bitcast_convert_type3A_905, %mul3A_907 : vector<16xf32>
        %shift_right_arithmetic3A_909 = arith.constant 3 : i32
        %shift_right_arithmetic3A_910 = vector.broadcast %shift_right_arithmetic3A_909 : i32 to vector<16xi32>
        %shift_right_arithmetic3A_911 = arith.shrsi %get3A_891, %shift_right_arithmetic3A_910 : vector<16xi32>
        %and3A_912 = arith.constant 268427264 : i32
        %and3A_913 = vector.broadcast %and3A_912 : i32 to vector<16xi32>
        %and3A_914 = arith.andi %shift_right_arithmetic3A_911, %and3A_913 : vector<16xi32>
        %and3A_915 = arith.constant -2147483648 : i32
        %and3A_916 = vector.broadcast %and3A_915 : i32 to vector<16xi32>
        %and3A_917 = arith.andi %get3A_891, %and3A_916 : vector<16xi32>
        %or3A_918 = arith.ori %and3A_914, %and3A_917 : vector<16xi32>
        %bitcast_convert_type3A_919 = tpu.bitcast %or3A_918 : vector<16xi32> -> vector<16xf32>
        %mul3A_920 = arith.constant 5.19229686E+33 : f32
        %mul3A_921 = vector.broadcast %mul3A_920 : f32 to vector<16xf32>
        %mul3A_922 = arith.mulf %bitcast_convert_type3A_919, %mul3A_921 : vector<16xf32>
        %add3A_923 = vector.broadcast %add3A_846 : i32 to vector<16xi32>
        %add3A_924 = arith.addi %add3A_51, %add3A_923 : vector<16xi32>
        tpu.vector_store_idx %arg9[%add3A_924], %mul3A_908 : memref<33024xf32, #tpu.memory_space<vmem>>[vector<16xi32>], vector<16xf32>,
        %add3A_925 = vector.broadcast %add3A_846 : i32 to vector<16xi32>
        %add3A_926 = arith.addi %add3A_67, %add3A_925 : vector<16xi32>
        tpu.vector_store_idx %arg9[%add3A_926], %mul3A_922 : memref<33024xf32, #tpu.memory_space<vmem>>[vector<16xi32>], vector<16xf32>,
        %scan3A_927 = arith.constant 3 : i32
        %scan3A_928 = arith.addi %scan3A_680, %scan3A_927 : i32
        %add3A_929 = arith.constant 2048 : i32
        %add3A_930 = arith.addi %add3A_929, %scan3A_928 : i32
        %get3A_931 = arith.constant 2 : i32
        %get3A_932 = arith.index_cast %get3A_931 : i32 to index
        %get3A_933 = arith.index_cast %scan3A_928 : i32 to index
        %get3A_934 = arith.constant 0 : index
        %get3A_935 = tpu.vector_load %arg7[%get3A_932, %get3A_933, %get3A_934] {strides = array<i32>} : memref<4x128x32xi32, #tpu.memory_space<vmem>>, vector<16xi32>,
        %shift_left3A_936 = arith.constant 13 : i32
        %shift_left3A_937 = vector.broadcast %shift_left3A_936 : i32 to vector<16xi32>
        %shift_left3A_938 = arith.shli %get3A_935, %shift_left3A_937 : vector<16xi32>
        %and3A_939 = arith.constant 268427264 : i32
        %and3A_940 = vector.broadcast %and3A_939 : i32 to vector<16xi32>
        %and3A_941 = arith.andi %shift_left3A_938, %and3A_940 : vector<16xi32>
        %shift_left3A_942 = arith.constant 16 : i32
        %shift_left3A_943 = vector.broadcast %shift_left3A_942 : i32 to vector<16xi32>
        %shift_left3A_944 = arith.shli %get3A_935, %shift_left3A_943 : vector<16xi32>
        %and3A_945 = arith.constant -2147483648 : i32
        %and3A_946 = vector.broadcast %and3A_945 : i32 to vector<16xi32>
        %and3A_947 = arith.andi %shift_left3A_944, %and3A_946 : vector<16xi32>
        %or3A_948 = arith.ori %and3A_941, %and3A_947 : vector<16xi32>
        %bitcast_convert_type3A_949 = tpu.bitcast %or3A_948 : vector<16xi32> -> vector<16xf32>
        %mul3A_950 = arith.constant 5.19229686E+33 : f32
        %mul3A_951 = vector.broadcast %mul3A_950 : f32 to vector<16xf32>
        %mul3A_952 = arith.mulf %bitcast_convert_type3A_949, %mul3A_951 : vector<16xf32>
        %shift_right_arithmetic3A_953 = arith.constant 3 : i32
        %shift_right_arithmetic3A_954 = vector.broadcast %shift_right_arithmetic3A_953 : i32 to vector<16xi32>
        %shift_right_arithmetic3A_955 = arith.shrsi %get3A_935, %shift_right_arithmetic3A_954 : vector<16xi32>
        %and3A_956 = arith.constant 268427264 : i32
        %and3A_957 = vector.broadcast %and3A_956 : i32 to vector<16xi32>
        %and3A_958 = arith.andi %shift_right_arithmetic3A_955, %and3A_957 : vector<16xi32>
        %and3A_959 = arith.constant -2147483648 : i32
        %and3A_960 = vector.broadcast %and3A_959 : i32 to vector<16xi32>
        %and3A_961 = arith.andi %get3A_935, %and3A_960 : vector<16xi32>
        %or3A_962 = arith.ori %and3A_958, %and3A_961 : vector<16xi32>
        %bitcast_convert_type3A_963 = tpu.bitcast %or3A_962 : vector<16xi32> -> vector<16xf32>
        %mul3A_964 = arith.constant 5.19229686E+33 : f32
        %mul3A_965 = vector.broadcast %mul3A_964 : f32 to vector<16xf32>
        %mul3A_966 = arith.mulf %bitcast_convert_type3A_963, %mul3A_965 : vector<16xf32>
        %add3A_967 = vector.broadcast %add3A_930 : i32 to vector<16xi32>
        %add3A_968 = arith.addi %add3A_19, %add3A_967 : vector<16xi32>
        tpu.vector_store_idx %arg9[%add3A_968], %mul3A_952 : memref<33024xf32, #tpu.memory_space<vmem>>[vector<16xi32>], vector<16xf32>,
        %add3A_969 = vector.broadcast %add3A_930 : i32 to vector<16xi32>
        %add3A_970 = arith.addi %add3A_35, %add3A_969 : vector<16xi32>
        tpu.vector_store_idx %arg9[%add3A_970], %mul3A_966 : memref<33024xf32, #tpu.memory_space<vmem>>[vector<16xi32>], vector<16xf32>,
        %get3A_971 = arith.constant 2 : i32
        %get3A_972 = arith.index_cast %get3A_971 : i32 to index
        %get3A_973 = arith.index_cast %scan3A_928 : i32 to index
        %get3A_974 = arith.constant 16 : index
        %get3A_975 = tpu.vector_load %arg7[%get3A_972, %get3A_973, %get3A_974] {strides = array<i32>} : memref<4x128x32xi32, #tpu.memory_space<vmem>>, vector<16xi32>,
        %shift_left3A_976 = arith.constant 13 : i32
        %shift_left3A_977 = vector.broadcast %shift_left3A_976 : i32 to vector<16xi32>
        %shift_left3A_978 = arith.shli %get3A_975, %shift_left3A_977 : vector<16xi32>
        %and3A_979 = arith.constant 268427264 : i32
        %and3A_980 = vector.broadcast %and3A_979 : i32 to vector<16xi32>
        %and3A_981 = arith.andi %shift_left3A_978, %and3A_980 : vector<16xi32>
        %shift_left3A_982 = arith.constant 16 : i32
        %shift_left3A_983 = vector.broadcast %shift_left3A_982 : i32 to vector<16xi32>
        %shift_left3A_984 = arith.shli %get3A_975, %shift_left3A_983 : vector<16xi32>
        %and3A_985 = arith.constant -2147483648 : i32
        %and3A_986 = vector.broadcast %and3A_985 : i32 to vector<16xi32>
        %and3A_987 = arith.andi %shift_left3A_984, %and3A_986 : vector<16xi32>
        %or3A_988 = arith.ori %and3A_981, %and3A_987 : vector<16xi32>
        %bitcast_convert_type3A_989 = tpu.bitcast %or3A_988 : vector<16xi32> -> vector<16xf32>
        %mul3A_990 = arith.constant 5.19229686E+33 : f32
        %mul3A_991 = vector.broadcast %mul3A_990 : f32 to vector<16xf32>
        %mul3A_992 = arith.mulf %bitcast_convert_type3A_989, %mul3A_991 : vector<16xf32>
        %shift_right_arithmetic3A_993 = arith.constant 3 : i32
        %shift_right_arithmetic3A_994 = vector.broadcast %shift_right_arithmetic3A_993 : i32 to vector<16xi32>
        %shift_right_arithmetic3A_995 = arith.shrsi %get3A_975, %shift_right_arithmetic3A_994 : vector<16xi32>
        %and3A_996 = arith.constant 268427264 : i32
        %and3A_997 = vector.broadcast %and3A_996 : i32 to vector<16xi32>
        %and3A_998 = arith.andi %shift_right_arithmetic3A_995, %and3A_997 : vector<16xi32>
        %and3A_999 = arith.constant -2147483648 : i32
        %and3A_1000 = vector.broadcast %and3A_999 : i32 to vector<16xi32>
        %and3A_1001 = arith.andi %get3A_975, %and3A_1000 : vector<16xi32>
        %or3A_1002 = arith.ori %and3A_998, %and3A_1001 : vector<16xi32>
        %bitcast_convert_type3A_1003 = tpu.bitcast %or3A_1002 : vector<16xi32> -> vector<16xf32>
        %mul3A_1004 = arith.constant 5.19229686E+33 : f32
        %mul3A_1005 = vector.broadcast %mul3A_1004 : f32 to vector<16xf32>
        %mul3A_1006 = arith.mulf %bitcast_convert_type3A_1003, %mul3A_1005 : vector<16xf32>
        %add3A_1007 = vector.broadcast %add3A_930 : i32 to vector<16xi32>
        %add3A_1008 = arith.addi %add3A_51, %add3A_1007 : vector<16xi32>
        tpu.vector_store_idx %arg9[%add3A_1008], %mul3A_992 : memref<33024xf32, #tpu.memory_space<vmem>>[vector<16xi32>], vector<16xf32>,
        %add3A_1009 = vector.broadcast %add3A_930 : i32 to vector<16xi32>
        %add3A_1010 = arith.addi %add3A_67, %add3A_1009 : vector<16xi32>
        tpu.vector_store_idx %arg9[%add3A_1010], %mul3A_1006 : memref<33024xf32, #tpu.memory_space<vmem>>[vector<16xi32>], vector<16xf32>,
      }
      %scan3A_599 = arith.constant 128 : i32
      %scan3A_600 = arith.constant 0 : i32
      %scan3A_601 = arith.constant 0 : i32
      %scan3A_602 = arith.constant 128 : i32
      %scan3A_603 = arith.addi %scan3A_601, %scan3A_602 : i32
      %scan3A_604 = arith.constant 4 : i32
      scf.for %scan3A_680 = %scan3A_601 to %scan3A_603 step %scan3A_604  : i32 {
        %add3A_681 = arith.constant 3072 : i32
        %add3A_682 = arith.addi %add3A_681, %scan3A_680 : i32
        %get3A = arith.constant 3 : i32
        %get3A_683 = arith.index_cast %get3A : i32 to index
        %get3A_684 = arith.index_cast %scan3A_680 : i32 to index
        %get3A_685 = arith.constant 0 : index
        %get3A_686 = tpu.vector_load %arg7[%get3A_683, %get3A_684, %get3A_685] {strides = array<i32>} : memref<4x128x32xi32, #tpu.memory_space<vmem>>, vector<16xi32>,
        %shift_left3A = arith.constant 13 : i32
        %shift_left3A_687 = vector.broadcast %shift_left3A : i32 to vector<16xi32>
        %shift_left3A_688 = arith.shli %get3A_686, %shift_left3A_687 : vector<16xi32>
        %and3A_689 = arith.constant 268427264 : i32
        %and3A_690 = vector.broadcast %and3A_689 : i32 to vector<16xi32>
        %and3A_691 = arith.andi %shift_left3A_688, %and3A_690 : vector<16xi32>
        %shift_left3A_692 = arith.constant 16 : i32
        %shift_left3A_693 = vector.broadcast %shift_left3A_692 : i32 to vector<16xi32>
        %shift_left3A_694 = arith.shli %get3A_686, %shift_left3A_693 : vector<16xi32>
        %and3A_695 = arith.constant -2147483648 : i32
        %and3A_696 = vector.broadcast %and3A_695 : i32 to vector<16xi32>
        %and3A_697 = arith.andi %shift_left3A_694, %and3A_696 : vector<16xi32>
        %or3A = arith.ori %and3A_691, %and3A_697 : vector<16xi32>
        %bitcast_convert_type3A = tpu.bitcast %or3A : vector<16xi32> -> vector<16xf32>
        %mul3A_698 = arith.constant 5.19229686E+33 : f32
        %mul3A_699 = vector.broadcast %mul3A_698 : f32 to vector<16xf32>
        %mul3A_700 = arith.mulf %bitcast_convert_type3A, %mul3A_699 : vector<16xf32>
        %shift_right_arithmetic3A_701 = arith.constant 3 : i32
        %shift_right_arithmetic3A_702 = vector.broadcast %shift_right_arithmetic3A_701 : i32 to vector<16xi32>
        %shift_right_arithmetic3A_703 = arith.shrsi %get3A_686, %shift_right_arithmetic3A_702 : vector<16xi32>
        %and3A_704 = arith.constant 268427264 : i32
        %and3A_705 = vector.broadcast %and3A_704 : i32 to vector<16xi32>
        %and3A_706 = arith.andi %shift_right_arithmetic3A_703, %and3A_705 : vector<16xi32>
        %and3A_707 = arith.constant -2147483648 : i32
        %and3A_708 = vector.broadcast %and3A_707 : i32 to vector<16xi32>
        %and3A_709 = arith.andi %get3A_686, %and3A_708 : vector<16xi32>
        %or3A_710 = arith.ori %and3A_706, %and3A_709 : vector<16xi32>
        %bitcast_convert_type3A_711 = tpu.bitcast %or3A_710 : vector<16xi32> -> vector<16xf32>
        %mul3A_712 = arith.constant 5.19229686E+33 : f32
        %mul3A_713 = vector.broadcast %mul3A_712 : f32 to vector<16xf32>
        %mul3A_714 = arith.mulf %bitcast_convert_type3A_711, %mul3A_713 : vector<16xf32>
        %add3A_715 = vector.broadcast %add3A_682 : i32 to vector<16xi32>
        %add3A_716 = arith.addi %add3A_19, %add3A_715 : vector<16xi32>
        tpu.vector_store_idx %arg9[%add3A_716], %mul3A_700 : memref<33024xf32, #tpu.memory_space<vmem>>[vector<16xi32>], vector<16xf32>,
        %add3A_717 = vector.broadcast %add3A_682 : i32 to vector<16xi32>
        %add3A_718 = arith.addi %add3A_35, %add3A_717 : vector<16xi32>
        tpu.vector_store_idx %arg9[%add3A_718], %mul3A_714 : memref<33024xf32, #tpu.memory_space<vmem>>[vector<16xi32>], vector<16xf32>,
        %get3A_719 = arith.constant 3 : i32
        %get3A_720 = arith.index_cast %get3A_719 : i32 to index
        %get3A_721 = arith.index_cast %scan3A_680 : i32 to index
        %get3A_722 = arith.constant 16 : index
        %get3A_723 = tpu.vector_load %arg7[%get3A_720, %get3A_721, %get3A_722] {strides = array<i32>} : memref<4x128x32xi32, #tpu.memory_space<vmem>>, vector<16xi32>,
        %shift_left3A_724 = arith.constant 13 : i32
        %shift_left3A_725 = vector.broadcast %shift_left3A_724 : i32 to vector<16xi32>
        %shift_left3A_726 = arith.shli %get3A_723, %shift_left3A_725 : vector<16xi32>
        %and3A_727 = arith.constant 268427264 : i32
        %and3A_728 = vector.broadcast %and3A_727 : i32 to vector<16xi32>
        %and3A_729 = arith.andi %shift_left3A_726, %and3A_728 : vector<16xi32>
        %shift_left3A_730 = arith.constant 16 : i32
        %shift_left3A_731 = vector.broadcast %shift_left3A_730 : i32 to vector<16xi32>
        %shift_left3A_732 = arith.shli %get3A_723, %shift_left3A_731 : vector<16xi32>
        %and3A_733 = arith.constant -2147483648 : i32
        %and3A_734 = vector.broadcast %and3A_733 : i32 to vector<16xi32>
        %and3A_735 = arith.andi %shift_left3A_732, %and3A_734 : vector<16xi32>
        %or3A_736 = arith.ori %and3A_729, %and3A_735 : vector<16xi32>
        %bitcast_convert_type3A_737 = tpu.bitcast %or3A_736 : vector<16xi32> -> vector<16xf32>
        %mul3A_738 = arith.constant 5.19229686E+33 : f32
        %mul3A_739 = vector.broadcast %mul3A_738 : f32 to vector<16xf32>
        %mul3A_740 = arith.mulf %bitcast_convert_type3A_737, %mul3A_739 : vector<16xf32>
        %shift_right_arithmetic3A_741 = arith.constant 3 : i32
        %shift_right_arithmetic3A_742 = vector.broadcast %shift_right_arithmetic3A_741 : i32 to vector<16xi32>
        %shift_right_arithmetic3A_743 = arith.shrsi %get3A_723, %shift_right_arithmetic3A_742 : vector<16xi32>
        %and3A_744 = arith.constant 268427264 : i32
        %and3A_745 = vector.broadcast %and3A_744 : i32 to vector<16xi32>
        %and3A_746 = arith.andi %shift_right_arithmetic3A_743, %and3A_745 : vector<16xi32>
        %and3A_747 = arith.constant -2147483648 : i32
        %and3A_748 = vector.broadcast %and3A_747 : i32 to vector<16xi32>
        %and3A_749 = arith.andi %get3A_723, %and3A_748 : vector<16xi32>
        %or3A_750 = arith.ori %and3A_746, %and3A_749 : vector<16xi32>
        %bitcast_convert_type3A_751 = tpu.bitcast %or3A_750 : vector<16xi32> -> vector<16xf32>
        %mul3A_752 = arith.constant 5.19229686E+33 : f32
        %mul3A_753 = vector.broadcast %mul3A_752 : f32 to vector<16xf32>
        %mul3A_754 = arith.mulf %bitcast_convert_type3A_751, %mul3A_753 : vector<16xf32>
        %add3A_755 = vector.broadcast %add3A_682 : i32 to vector<16xi32>
        %add3A_756 = arith.addi %add3A_51, %add3A_755 : vector<16xi32>
        tpu.vector_store_idx %arg9[%add3A_756], %mul3A_740 : memref<33024xf32, #tpu.memory_space<vmem>>[vector<16xi32>], vector<16xf32>,
        %add3A_757 = vector.broadcast %add3A_682 : i32 to vector<16xi32>
        %add3A_758 = arith.addi %add3A_67, %add3A_757 : vector<16xi32>
        tpu.vector_store_idx %arg9[%add3A_758], %mul3A_754 : memref<33024xf32, #tpu.memory_space<vmem>>[vector<16xi32>], vector<16xf32>,
        %scan3A_759 = arith.constant 1 : i32
        %scan3A_760 = arith.addi %scan3A_680, %scan3A_759 : i32
        %add3A_761 = arith.constant 3072 : i32
        %add3A_762 = arith.addi %add3A_761, %scan3A_760 : i32
        %get3A_763 = arith.constant 3 : i32
        %get3A_764 = arith.index_cast %get3A_763 : i32 to index
        %get3A_765 = arith.index_cast %scan3A_760 : i32 to index
        %get3A_766 = arith.constant 0 : index
        %get3A_767 = tpu.vector_load %arg7[%get3A_764, %get3A_765, %get3A_766] {strides = array<i32>} : memref<4x128x32xi32, #tpu.memory_space<vmem>>, vector<16xi32>,
        %shift_left3A_768 = arith.constant 13 : i32
        %shift_left3A_769 = vector.broadcast %shift_left3A_768 : i32 to vector<16xi32>
        %shift_left3A_770 = arith.shli %get3A_767, %shift_left3A_769 : vector<16xi32>
        %and3A_771 = arith.constant 268427264 : i32
        %and3A_772 = vector.broadcast %and3A_771 : i32 to vector<16xi32>
        %and3A_773 = arith.andi %shift_left3A_770, %and3A_772 : vector<16xi32>
        %shift_left3A_774 = arith.constant 16 : i32
        %shift_left3A_775 = vector.broadcast %shift_left3A_774 : i32 to vector<16xi32>
        %shift_left3A_776 = arith.shli %get3A_767, %shift_left3A_775 : vector<16xi32>
        %and3A_777 = arith.constant -2147483648 : i32
        %and3A_778 = vector.broadcast %and3A_777 : i32 to vector<16xi32>
        %and3A_779 = arith.andi %shift_left3A_776, %and3A_778 : vector<16xi32>
        %or3A_780 = arith.ori %and3A_773, %and3A_779 : vector<16xi32>
        %bitcast_convert_type3A_781 = tpu.bitcast %or3A_780 : vector<16xi32> -> vector<16xf32>
        %mul3A_782 = arith.constant 5.19229686E+33 : f32
        %mul3A_783 = vector.broadcast %mul3A_782 : f32 to vector<16xf32>
        %mul3A_784 = arith.mulf %bitcast_convert_type3A_781, %mul3A_783 : vector<16xf32>
        %shift_right_arithmetic3A_785 = arith.constant 3 : i32
        %shift_right_arithmetic3A_786 = vector.broadcast %shift_right_arithmetic3A_785 : i32 to vector<16xi32>
        %shift_right_arithmetic3A_787 = arith.shrsi %get3A_767, %shift_right_arithmetic3A_786 : vector<16xi32>
        %and3A_788 = arith.constant 268427264 : i32
        %and3A_789 = vector.broadcast %and3A_788 : i32 to vector<16xi32>
        %and3A_790 = arith.andi %shift_right_arithmetic3A_787, %and3A_789 : vector<16xi32>
        %and3A_791 = arith.constant -2147483648 : i32
        %and3A_792 = vector.broadcast %and3A_791 : i32 to vector<16xi32>
        %and3A_793 = arith.andi %get3A_767, %and3A_792 : vector<16xi32>
        %or3A_794 = arith.ori %and3A_790, %and3A_793 : vector<16xi32>
        %bitcast_convert_type3A_795 = tpu.bitcast %or3A_794 : vector<16xi32> -> vector<16xf32>
        %mul3A_796 = arith.constant 5.19229686E+33 : f32
        %mul3A_797 = vector.broadcast %mul3A_796 : f32 to vector<16xf32>
        %mul3A_798 = arith.mulf %bitcast_convert_type3A_795, %mul3A_797 : vector<16xf32>
        %add3A_799 = vector.broadcast %add3A_762 : i32 to vector<16xi32>
        %add3A_800 = arith.addi %add3A_19, %add3A_799 : vector<16xi32>
        tpu.vector_store_idx %arg9[%add3A_800], %mul3A_784 : memref<33024xf32, #tpu.memory_space<vmem>>[vector<16xi32>], vector<16xf32>,
        %add3A_801 = vector.broadcast %add3A_762 : i32 to vector<16xi32>
        %add3A_802 = arith.addi %add3A_35, %add3A_801 : vector<16xi32>
        tpu.vector_store_idx %arg9[%add3A_802], %mul3A_798 : memref<33024xf32, #tpu.memory_space<vmem>>[vector<16xi32>], vector<16xf32>,
        %get3A_803 = arith.constant 3 : i32
        %get3A_804 = arith.index_cast %get3A_803 : i32 to index
        %get3A_805 = arith.index_cast %scan3A_760 : i32 to index
        %get3A_806 = arith.constant 16 : index
        %get3A_807 = tpu.vector_load %arg7[%get3A_804, %get3A_805, %get3A_806] {strides = array<i32>} : memref<4x128x32xi32, #tpu.memory_space<vmem>>, vector<16xi32>,
        %shift_left3A_808 = arith.constant 13 : i32
        %shift_left3A_809 = vector.broadcast %shift_left3A_808 : i32 to vector<16xi32>
        %shift_left3A_810 = arith.shli %get3A_807, %shift_left3A_809 : vector<16xi32>
        %and3A_811 = arith.constant 268427264 : i32
        %and3A_812 = vector.broadcast %and3A_811 : i32 to vector<16xi32>
        %and3A_813 = arith.andi %shift_left3A_810, %and3A_812 : vector<16xi32>
        %shift_left3A_814 = arith.constant 16 : i32
        %shift_left3A_815 = vector.broadcast %shift_left3A_814 : i32 to vector<16xi32>
        %shift_left3A_816 = arith.shli %get3A_807, %shift_left3A_815 : vector<16xi32>
        %and3A_817 = arith.constant -2147483648 : i32
        %and3A_818 = vector.broadcast %and3A_817 : i32 to vector<16xi32>
        %and3A_819 = arith.andi %shift_left3A_816, %and3A_818 : vector<16xi32>
        %or3A_820 = arith.ori %and3A_813, %and3A_819 : vector<16xi32>
        %bitcast_convert_type3A_821 = tpu.bitcast %or3A_820 : vector<16xi32> -> vector<16xf32>
        %mul3A_822 = arith.constant 5.19229686E+33 : f32
        %mul3A_823 = vector.broadcast %mul3A_822 : f32 to vector<16xf32>
        %mul3A_824 = arith.mulf %bitcast_convert_type3A_821, %mul3A_823 : vector<16xf32>
        %shift_right_arithmetic3A_825 = arith.constant 3 : i32
        %shift_right_arithmetic3A_826 = vector.broadcast %shift_right_arithmetic3A_825 : i32 to vector<16xi32>
        %shift_right_arithmetic3A_827 = arith.shrsi %get3A_807, %shift_right_arithmetic3A_826 : vector<16xi32>
        %and3A_828 = arith.constant 268427264 : i32
        %and3A_829 = vector.broadcast %and3A_828 : i32 to vector<16xi32>
        %and3A_830 = arith.andi %shift_right_arithmetic3A_827, %and3A_829 : vector<16xi32>
        %and3A_831 = arith.constant -2147483648 : i32
        %and3A_832 = vector.broadcast %and3A_831 : i32 to vector<16xi32>
        %and3A_833 = arith.andi %get3A_807, %and3A_832 : vector<16xi32>
        %or3A_834 = arith.ori %and3A_830, %and3A_833 : vector<16xi32>
        %bitcast_convert_type3A_835 = tpu.bitcast %or3A_834 : vector<16xi32> -> vector<16xf32>
        %mul3A_836 = arith.constant 5.19229686E+33 : f32
        %mul3A_837 = vector.broadcast %mul3A_836 : f32 to vector<16xf32>
        %mul3A_838 = arith.mulf %bitcast_convert_type3A_835, %mul3A_837 : vector<16xf32>
        %add3A_839 = vector.broadcast %add3A_762 : i32 to vector<16xi32>
        %add3A_840 = arith.addi %add3A_51, %add3A_839 : vector<16xi32>
        tpu.vector_store_idx %arg9[%add3A_840], %mul3A_824 : memref<33024xf32, #tpu.memory_space<vmem>>[vector<16xi32>], vector<16xf32>,
        %add3A_841 = vector.broadcast %add3A_762 : i32 to vector<16xi32>
        %add3A_842 = arith.addi %add3A_67, %add3A_841 : vector<16xi32>
        tpu.vector_store_idx %arg9[%add3A_842], %mul3A_838 : memref<33024xf32, #tpu.memory_space<vmem>>[vector<16xi32>], vector<16xf32>,
        %scan3A_843 = arith.constant 2 : i32
        %scan3A_844 = arith.addi %scan3A_680, %scan3A_843 : i32
        %add3A_845 = arith.constant 3072 : i32
        %add3A_846 = arith.addi %add3A_845, %scan3A_844 : i32
        %get3A_847 = arith.constant 3 : i32
        %get3A_848 = arith.index_cast %get3A_847 : i32 to index
        %get3A_849 = arith.index_cast %scan3A_844 : i32 to index
        %get3A_850 = arith.constant 0 : index
        %get3A_851 = tpu.vector_load %arg7[%get3A_848, %get3A_849, %get3A_850] {strides = array<i32>} : memref<4x128x32xi32, #tpu.memory_space<vmem>>, vector<16xi32>,
        %shift_left3A_852 = arith.constant 13 : i32
        %shift_left3A_853 = vector.broadcast %shift_left3A_852 : i32 to vector<16xi32>
        %shift_left3A_854 = arith.shli %get3A_851, %shift_left3A_853 : vector<16xi32>
        %and3A_855 = arith.constant 268427264 : i32
        %and3A_856 = vector.broadcast %and3A_855 : i32 to vector<16xi32>
        %and3A_857 = arith.andi %shift_left3A_854, %and3A_856 : vector<16xi32>
        %shift_left3A_858 = arith.constant 16 : i32
        %shift_left3A_859 = vector.broadcast %shift_left3A_858 : i32 to vector<16xi32>
        %shift_left3A_860 = arith.shli %get3A_851, %shift_left3A_859 : vector<16xi32>
        %and3A_861 = arith.constant -2147483648 : i32
        %and3A_862 = vector.broadcast %and3A_861 : i32 to vector<16xi32>
        %and3A_863 = arith.andi %shift_left3A_860, %and3A_862 : vector<16xi32>
        %or3A_864 = arith.ori %and3A_857, %and3A_863 : vector<16xi32>
        %bitcast_convert_type3A_865 = tpu.bitcast %or3A_864 : vector<16xi32> -> vector<16xf32>
        %mul3A_866 = arith.constant 5.19229686E+33 : f32
        %mul3A_867 = vector.broadcast %mul3A_866 : f32 to vector<16xf32>
        %mul3A_868 = arith.mulf %bitcast_convert_type3A_865, %mul3A_867 : vector<16xf32>
        %shift_right_arithmetic3A_869 = arith.constant 3 : i32
        %shift_right_arithmetic3A_870 = vector.broadcast %shift_right_arithmetic3A_869 : i32 to vector<16xi32>
        %shift_right_arithmetic3A_871 = arith.shrsi %get3A_851, %shift_right_arithmetic3A_870 : vector<16xi32>
        %and3A_872 = arith.constant 268427264 : i32
        %and3A_873 = vector.broadcast %and3A_872 : i32 to vector<16xi32>
        %and3A_874 = arith.andi %shift_right_arithmetic3A_871, %and3A_873 : vector<16xi32>
        %and3A_875 = arith.constant -2147483648 : i32
        %and3A_876 = vector.broadcast %and3A_875 : i32 to vector<16xi32>
        %and3A_877 = arith.andi %get3A_851, %and3A_876 : vector<16xi32>
        %or3A_878 = arith.ori %and3A_874, %and3A_877 : vector<16xi32>
        %bitcast_convert_type3A_879 = tpu.bitcast %or3A_878 : vector<16xi32> -> vector<16xf32>
        %mul3A_880 = arith.constant 5.19229686E+33 : f32
        %mul3A_881 = vector.broadcast %mul3A_880 : f32 to vector<16xf32>
        %mul3A_882 = arith.mulf %bitcast_convert_type3A_879, %mul3A_881 : vector<16xf32>
        %add3A_883 = vector.broadcast %add3A_846 : i32 to vector<16xi32>
        %add3A_884 = arith.addi %add3A_19, %add3A_883 : vector<16xi32>
        tpu.vector_store_idx %arg9[%add3A_884], %mul3A_868 : memref<33024xf32, #tpu.memory_space<vmem>>[vector<16xi32>], vector<16xf32>,
        %add3A_885 = vector.broadcast %add3A_846 : i32 to vector<16xi32>
        %add3A_886 = arith.addi %add3A_35, %add3A_885 : vector<16xi32>
        tpu.vector_store_idx %arg9[%add3A_886], %mul3A_882 : memref<33024xf32, #tpu.memory_space<vmem>>[vector<16xi32>], vector<16xf32>,
        %get3A_887 = arith.constant 3 : i32
        %get3A_888 = arith.index_cast %get3A_887 : i32 to index
        %get3A_889 = arith.index_cast %scan3A_844 : i32 to index
        %get3A_890 = arith.constant 16 : index
        %get3A_891 = tpu.vector_load %arg7[%get3A_888, %get3A_889, %get3A_890] {strides = array<i32>} : memref<4x128x32xi32, #tpu.memory_space<vmem>>, vector<16xi32>,
        %shift_left3A_892 = arith.constant 13 : i32
        %shift_left3A_893 = vector.broadcast %shift_left3A_892 : i32 to vector<16xi32>
        %shift_left3A_894 = arith.shli %get3A_891, %shift_left3A_893 : vector<16xi32>
        %and3A_895 = arith.constant 268427264 : i32
        %and3A_896 = vector.broadcast %and3A_895 : i32 to vector<16xi32>
        %and3A_897 = arith.andi %shift_left3A_894, %and3A_896 : vector<16xi32>
        %shift_left3A_898 = arith.constant 16 : i32
        %shift_left3A_899 = vector.broadcast %shift_left3A_898 : i32 to vector<16xi32>
        %shift_left3A_900 = arith.shli %get3A_891, %shift_left3A_899 : vector<16xi32>
        %and3A_901 = arith.constant -2147483648 : i32
        %and3A_902 = vector.broadcast %and3A_901 : i32 to vector<16xi32>
        %and3A_903 = arith.andi %shift_left3A_900, %and3A_902 : vector<16xi32>
        %or3A_904 = arith.ori %and3A_897, %and3A_903 : vector<16xi32>
        %bitcast_convert_type3A_905 = tpu.bitcast %or3A_904 : vector<16xi32> -> vector<16xf32>
        %mul3A_906 = arith.constant 5.19229686E+33 : f32
        %mul3A_907 = vector.broadcast %mul3A_906 : f32 to vector<16xf32>
        %mul3A_908 = arith.mulf %bitcast_convert_type3A_905, %mul3A_907 : vector<16xf32>
        %shift_right_arithmetic3A_909 = arith.constant 3 : i32
        %shift_right_arithmetic3A_910 = vector.broadcast %shift_right_arithmetic3A_909 : i32 to vector<16xi32>
        %shift_right_arithmetic3A_911 = arith.shrsi %get3A_891, %shift_right_arithmetic3A_910 : vector<16xi32>
        %and3A_912 = arith.constant 268427264 : i32
        %and3A_913 = vector.broadcast %and3A_912 : i32 to vector<16xi32>
        %and3A_914 = arith.andi %shift_right_arithmetic3A_911, %and3A_913 : vector<16xi32>
        %and3A_915 = arith.constant -2147483648 : i32
        %and3A_916 = vector.broadcast %and3A_915 : i32 to vector<16xi32>
        %and3A_917 = arith.andi %get3A_891, %and3A_916 : vector<16xi32>
        %or3A_918 = arith.ori %and3A_914, %and3A_917 : vector<16xi32>
        %bitcast_convert_type3A_919 = tpu.bitcast %or3A_918 : vector<16xi32> -> vector<16xf32>
        %mul3A_920 = arith.constant 5.19229686E+33 : f32
        %mul3A_921 = vector.broadcast %mul3A_920 : f32 to vector<16xf32>
        %mul3A_922 = arith.mulf %bitcast_convert_type3A_919, %mul3A_921 : vector<16xf32>
        %add3A_923 = vector.broadcast %add3A_846 : i32 to vector<16xi32>
        %add3A_924 = arith.addi %add3A_51, %add3A_923 : vector<16xi32>
        tpu.vector_store_idx %arg9[%add3A_924], %mul3A_908 : memref<33024xf32, #tpu.memory_space<vmem>>[vector<16xi32>], vector<16xf32>,
        %add3A_925 = vector.broadcast %add3A_846 : i32 to vector<16xi32>
        %add3A_926 = arith.addi %add3A_67, %add3A_925 : vector<16xi32>
        tpu.vector_store_idx %arg9[%add3A_926], %mul3A_922 : memref<33024xf32, #tpu.memory_space<vmem>>[vector<16xi32>], vector<16xf32>,
        %scan3A_927 = arith.constant 3 : i32
        %scan3A_928 = arith.addi %scan3A_680, %scan3A_927 : i32
        %add3A_929 = arith.constant 3072 : i32
        %add3A_930 = arith.addi %add3A_929, %scan3A_928 : i32
        %get3A_931 = arith.constant 3 : i32
        %get3A_932 = arith.index_cast %get3A_931 : i32 to index
        %get3A_933 = arith.index_cast %scan3A_928 : i32 to index
        %get3A_934 = arith.constant 0 : index
        %get3A_935 = tpu.vector_load %arg7[%get3A_932, %get3A_933, %get3A_934] {strides = array<i32>} : memref<4x128x32xi32, #tpu.memory_space<vmem>>, vector<16xi32>,
        %shift_left3A_936 = arith.constant 13 : i32
        %shift_left3A_937 = vector.broadcast %shift_left3A_936 : i32 to vector<16xi32>
        %shift_left3A_938 = arith.shli %get3A_935, %shift_left3A_937 : vector<16xi32>
        %and3A_939 = arith.constant 268427264 : i32
        %and3A_940 = vector.broadcast %and3A_939 : i32 to vector<16xi32>
        %and3A_941 = arith.andi %shift_left3A_938, %and3A_940 : vector<16xi32>
        %shift_left3A_942 = arith.constant 16 : i32
        %shift_left3A_943 = vector.broadcast %shift_left3A_942 : i32 to vector<16xi32>
        %shift_left3A_944 = arith.shli %get3A_935, %shift_left3A_943 : vector<16xi32>
        %and3A_945 = arith.constant -2147483648 : i32
        %and3A_946 = vector.broadcast %and3A_945 : i32 to vector<16xi32>
        %and3A_947 = arith.andi %shift_left3A_944, %and3A_946 : vector<16xi32>
        %or3A_948 = arith.ori %and3A_941, %and3A_947 : vector<16xi32>
        %bitcast_convert_type3A_949 = tpu.bitcast %or3A_948 : vector<16xi32> -> vector<16xf32>
        %mul3A_950 = arith.constant 5.19229686E+33 : f32
        %mul3A_951 = vector.broadcast %mul3A_950 : f32 to vector<16xf32>
        %mul3A_952 = arith.mulf %bitcast_convert_type3A_949, %mul3A_951 : vector<16xf32>
        %shift_right_arithmetic3A_953 = arith.constant 3 : i32
        %shift_right_arithmetic3A_954 = vector.broadcast %shift_right_arithmetic3A_953 : i32 to vector<16xi32>
        %shift_right_arithmetic3A_955 = arith.shrsi %get3A_935, %shift_right_arithmetic3A_954 : vector<16xi32>
        %and3A_956 = arith.constant 268427264 : i32
        %and3A_957 = vector.broadcast %and3A_956 : i32 to vector<16xi32>
        %and3A_958 = arith.andi %shift_right_arithmetic3A_955, %and3A_957 : vector<16xi32>
        %and3A_959 = arith.constant -2147483648 : i32
        %and3A_960 = vector.broadcast %and3A_959 : i32 to vector<16xi32>
        %and3A_961 = arith.andi %get3A_935, %and3A_960 : vector<16xi32>
        %or3A_962 = arith.ori %and3A_958, %and3A_961 : vector<16xi32>
        %bitcast_convert_type3A_963 = tpu.bitcast %or3A_962 : vector<16xi32> -> vector<16xf32>
        %mul3A_964 = arith.constant 5.19229686E+33 : f32
        %mul3A_965 = vector.broadcast %mul3A_964 : f32 to vector<16xf32>
        %mul3A_966 = arith.mulf %bitcast_convert_type3A_963, %mul3A_965 : vector<16xf32>
        %add3A_967 = vector.broadcast %add3A_930 : i32 to vector<16xi32>
        %add3A_968 = arith.addi %add3A_19, %add3A_967 : vector<16xi32>
        tpu.vector_store_idx %arg9[%add3A_968], %mul3A_952 : memref<33024xf32, #tpu.memory_space<vmem>>[vector<16xi32>], vector<16xf32>,
        %add3A_969 = vector.broadcast %add3A_930 : i32 to vector<16xi32>
        %add3A_970 = arith.addi %add3A_35, %add3A_969 : vector<16xi32>
        tpu.vector_store_idx %arg9[%add3A_970], %mul3A_966 : memref<33024xf32, #tpu.memory_space<vmem>>[vector<16xi32>], vector<16xf32>,
        %get3A_971 = arith.constant 3 : i32
        %get3A_972 = arith.index_cast %get3A_971 : i32 to index
        %get3A_973 = arith.index_cast %scan3A_928 : i32 to index
        %get3A_974 = arith.constant 16 : index
        %get3A_975 = tpu.vector_load %arg7[%get3A_972, %get3A_973, %get3A_974] {strides = array<i32>} : memref<4x128x32xi32, #tpu.memory_space<vmem>>, vector<16xi32>,
        %shift_left3A_976 = arith.constant 13 : i32
        %shift_left3A_977 = vector.broadcast %shift_left3A_976 : i32 to vector<16xi32>
        %shift_left3A_978 = arith.shli %get3A_975, %shift_left3A_977 : vector<16xi32>
        %and3A_979 = arith.constant 268427264 : i32
        %and3A_980 = vector.broadcast %and3A_979 : i32 to vector<16xi32>
        %and3A_981 = arith.andi %shift_left3A_978, %and3A_980 : vector<16xi32>
        %shift_left3A_982 = arith.constant 16 : i32
        %shift_left3A_983 = vector.broadcast %shift_left3A_982 : i32 to vector<16xi32>
        %shift_left3A_984 = arith.shli %get3A_975, %shift_left3A_983 : vector<16xi32>
        %and3A_985 = arith.constant -2147483648 : i32
        %and3A_986 = vector.broadcast %and3A_985 : i32 to vector<16xi32>
        %and3A_987 = arith.andi %shift_left3A_984, %and3A_986 : vector<16xi32>
        %or3A_988 = arith.ori %and3A_981, %and3A_987 : vector<16xi32>
        %bitcast_convert_type3A_989 = tpu.bitcast %or3A_988 : vector<16xi32> -> vector<16xf32>
        %mul3A_990 = arith.constant 5.19229686E+33 : f32
        %mul3A_991 = vector.broadcast %mul3A_990 : f32 to vector<16xf32>
        %mul3A_992 = arith.mulf %bitcast_convert_type3A_989, %mul3A_991 : vector<16xf32>
        %shift_right_arithmetic3A_993 = arith.constant 3 : i32
        %shift_right_arithmetic3A_994 = vector.broadcast %shift_right_arithmetic3A_993 : i32 to vector<16xi32>
        %shift_right_arithmetic3A_995 = arith.shrsi %get3A_975, %shift_right_arithmetic3A_994 : vector<16xi32>
        %and3A_996 = arith.constant 268427264 : i32
        %and3A_997 = vector.broadcast %and3A_996 : i32 to vector<16xi32>
        %and3A_998 = arith.andi %shift_right_arithmetic3A_995, %and3A_997 : vector<16xi32>
        %and3A_999 = arith.constant -2147483648 : i32
        %and3A_1000 = vector.broadcast %and3A_999 : i32 to vector<16xi32>
        %and3A_1001 = arith.andi %get3A_975, %and3A_1000 : vector<16xi32>
        %or3A_1002 = arith.ori %and3A_998, %and3A_1001 : vector<16xi32>
        %bitcast_convert_type3A_1003 = tpu.bitcast %or3A_1002 : vector<16xi32> -> vector<16xf32>
        %mul3A_1004 = arith.constant 5.19229686E+33 : f32
        %mul3A_1005 = vector.broadcast %mul3A_1004 : f32 to vector<16xf32>
        %mul3A_1006 = arith.mulf %bitcast_convert_type3A_1003, %mul3A_1005 : vector<16xf32>
        %add3A_1007 = vector.broadcast %add3A_930 : i32 to vector<16xi32>
        %add3A_1008 = arith.addi %add3A_51, %add3A_1007 : vector<16xi32>
        tpu.vector_store_idx %arg9[%add3A_1008], %mul3A_992 : memref<33024xf32, #tpu.memory_space<vmem>>[vector<16xi32>], vector<16xf32>,
        %add3A_1009 = vector.broadcast %add3A_930 : i32 to vector<16xi32>
        %add3A_1010 = arith.addi %add3A_67, %add3A_1009 : vector<16xi32>
        tpu.vector_store_idx %arg9[%add3A_1010], %mul3A_1006 : memref<33024xf32, #tpu.memory_space<vmem>>[vector<16xi32>], vector<16xf32>,
      }
      %scan3A_605 = arith.constant 128 : i32
      %mul3A_606 = arith.constant 1048576 : i32
      %mul3A_607 = arith.muli %select_n3A_512, %mul3A_606 : i32
      %mul3A_608 = arith.constant 1024 : i32
      %mul3A_609 = arith.muli %select_n3A_528, %mul3A_608 : i32
      %add3A_610 = arith.addi %mul3A_607, %mul3A_609 : i32
      %add3A_611 = arith.constant 0 : i32
      %add3A_612 = arith.addi %add3A_610, %add3A_611 : i32
      %dma_start3A_613 = arith.constant 0 : i32
      %dma_start3A_614 = tpu.memref_slice %arg9[%dma_start3A_613] : memref<33024xf32, #tpu.memory_space<vmem>> -> memref<4096xf32, #tpu.memory_space<vmem>>
      %dma_start3A_615 = tpu.memref_slice %arg4[%add3A_612] : memref<52428800xf32, #tpu.memory_space<hbm>> -> memref<4096xf32, #tpu.memory_space<hbm>>
      %dma_start3A_616 = tpu.memref_slice %arg4[%add3A_612] : memref<52428800xf32, #tpu.memory_space<hbm>> -> memref<4096xf32, #tpu.memory_space<hbm>>
      %dma_start3A_617 = arith.constant 0 : i32
      %dma_start3A_618 = tpu.memref_slice %arg9[%dma_start3A_617] : memref<33024xf32, #tpu.memory_space<vmem>> -> memref<4096xf32, #tpu.memory_space<vmem>>
      tpu.enqueue_dma source(%dma_start3A_618 : memref<4096xf32, #tpu.memory_space<vmem>>) target(%dma_start3A_616 : memref<4096xf32, #tpu.memory_space<hbm>>) target_semaphore(%arg13 : memref<!tpu.dma_semaphore, #tpu.memory_space<semaphore_mem>>)
      %add3A_619 = arith.constant 131072 : i32
      %add3A_620 = arith.addi %add3A_610, %add3A_619 : i32
      %dma_start3A_621 = arith.constant 4128 : i32
      %dma_start3A_622 = tpu.memref_slice %arg9[%dma_start3A_621] : memref<33024xf32, #tpu.memory_space<vmem>> -> memref<4096xf32, #tpu.memory_space<vmem>>
      %dma_start3A_623 = tpu.memref_slice %arg4[%add3A_620] : memref<52428800xf32, #tpu.memory_space<hbm>> -> memref<4096xf32, #tpu.memory_space<hbm>>
      %dma_start3A_624 = tpu.memref_slice %arg4[%add3A_620] : memref<52428800xf32, #tpu.memory_space<hbm>> -> memref<4096xf32, #tpu.memory_space<hbm>>
      %dma_start3A_625 = arith.constant 4128 : i32
      %dma_start3A_626 = tpu.memref_slice %arg9[%dma_start3A_625] : memref<33024xf32, #tpu.memory_space<vmem>> -> memref<4096xf32, #tpu.memory_space<vmem>>
      tpu.enqueue_dma source(%dma_start3A_626 : memref<4096xf32, #tpu.memory_space<vmem>>) target(%dma_start3A_624 : memref<4096xf32, #tpu.memory_space<hbm>>) target_semaphore(%arg13 : memref<!tpu.dma_semaphore, #tpu.memory_space<semaphore_mem>>)
      %add3A_627 = arith.constant 262144 : i32
      %add3A_628 = arith.addi %add3A_610, %add3A_627 : i32
      %dma_start3A_629 = arith.constant 8256 : i32
      %dma_start3A_630 = tpu.memref_slice %arg9[%dma_start3A_629] : memref<33024xf32, #tpu.memory_space<vmem>> -> memref<4096xf32, #tpu.memory_space<vmem>>
      %dma_start3A_631 = tpu.memref_slice %arg4[%add3A_628] : memref<52428800xf32, #tpu.memory_space<hbm>> -> memref<4096xf32, #tpu.memory_space<hbm>>
      %dma_start3A_632 = tpu.memref_slice %arg4[%add3A_628] : memref<52428800xf32, #tpu.memory_space<hbm>> -> memref<4096xf32, #tpu.memory_space<hbm>>
      %dma_start3A_633 = arith.constant 8256 : i32
      %dma_start3A_634 = tpu.memref_slice %arg9[%dma_start3A_633] : memref<33024xf32, #tpu.memory_space<vmem>> -> memref<4096xf32, #tpu.memory_space<vmem>>
      tpu.enqueue_dma source(%dma_start3A_634 : memref<4096xf32, #tpu.memory_space<vmem>>) target(%dma_start3A_632 : memref<4096xf32, #tpu.memory_space<hbm>>) target_semaphore(%arg13 : memref<!tpu.dma_semaphore, #tpu.memory_space<semaphore_mem>>)
      %add3A_635 = arith.constant 393216 : i32
      %add3A_636 = arith.addi %add3A_610, %add3A_635 : i32
      %dma_start3A_637 = arith.constant 12384 : i32
      %dma_start3A_638 = tpu.memref_slice %arg9[%dma_start3A_637] : memref<33024xf32, #tpu.memory_space<vmem>> -> memref<4096xf32, #tpu.memory_space<vmem>>
      %dma_start3A_639 = tpu.memref_slice %arg4[%add3A_636] : memref<52428800xf32, #tpu.memory_space<hbm>> -> memref<4096xf32, #tpu.memory_space<hbm>>
      %dma_start3A_640 = tpu.memref_slice %arg4[%add3A_636] : memref<52428800xf32, #tpu.memory_space<hbm>> -> memref<4096xf32, #tpu.memory_space<hbm>>
      %dma_start3A_641 = arith.constant 12384 : i32
      %dma_start3A_642 = tpu.memref_slice %arg9[%dma_start3A_641] : memref<33024xf32, #tpu.memory_space<vmem>> -> memref<4096xf32, #tpu.memory_space<vmem>>
      tpu.enqueue_dma source(%dma_start3A_642 : memref<4096xf32, #tpu.memory_space<vmem>>) target(%dma_start3A_640 : memref<4096xf32, #tpu.memory_space<hbm>>) target_semaphore(%arg13 : memref<!tpu.dma_semaphore, #tpu.memory_space<semaphore_mem>>)
      %add3A_643 = arith.constant 524288 : i32
      %add3A_644 = arith.addi %add3A_610, %add3A_643 : i32
      %dma_start3A_645 = arith.constant 16512 : i32
      %dma_start3A_646 = tpu.memref_slice %arg9[%dma_start3A_645] : memref<33024xf32, #tpu.memory_space<vmem>> -> memref<4096xf32, #tpu.memory_space<vmem>>
      %dma_start3A_647 = tpu.memref_slice %arg4[%add3A_644] : memref<52428800xf32, #tpu.memory_space<hbm>> -> memref<4096xf32, #tpu.memory_space<hbm>>
      %dma_start3A_648 = tpu.memref_slice %arg4[%add3A_644] : memref<52428800xf32, #tpu.memory_space<hbm>> -> memref<4096xf32, #tpu.memory_space<hbm>>
      %dma_start3A_649 = arith.constant 16512 : i32
      %dma_start3A_650 = tpu.memref_slice %arg9[%dma_start3A_649] : memref<33024xf32, #tpu.memory_space<vmem>> -> memref<4096xf32, #tpu.memory_space<vmem>>
      tpu.enqueue_dma source(%dma_start3A_650 : memref<4096xf32, #tpu.memory_space<vmem>>) target(%dma_start3A_648 : memref<4096xf32, #tpu.memory_space<hbm>>) target_semaphore(%arg13 : memref<!tpu.dma_semaphore, #tpu.memory_space<semaphore_mem>>)
      %add3A_651 = arith.constant 655360 : i32
      %add3A_652 = arith.addi %add3A_610, %add3A_651 : i32
      %dma_start3A_653 = arith.constant 20640 : i32
      %dma_start3A_654 = tpu.memref_slice %arg9[%dma_start3A_653] : memref<33024xf32, #tpu.memory_space<vmem>> -> memref<4096xf32, #tpu.memory_space<vmem>>
      %dma_start3A_655 = tpu.memref_slice %arg4[%add3A_652] : memref<52428800xf32, #tpu.memory_space<hbm>> -> memref<4096xf32, #tpu.memory_space<hbm>>
      %dma_start3A_656 = tpu.memref_slice %arg4[%add3A_652] : memref<52428800xf32, #tpu.memory_space<hbm>> -> memref<4096xf32, #tpu.memory_space<hbm>>
      %dma_start3A_657 = arith.constant 20640 : i32
      %dma_start3A_658 = tpu.memref_slice %arg9[%dma_start3A_657] : memref<33024xf32, #tpu.memory_space<vmem>> -> memref<4096xf32, #tpu.memory_space<vmem>>
      tpu.enqueue_dma source(%dma_start3A_658 : memref<4096xf32, #tpu.memory_space<vmem>>) target(%dma_start3A_656 : memref<4096xf32, #tpu.memory_space<hbm>>) target_semaphore(%arg13 : memref<!tpu.dma_semaphore, #tpu.memory_space<semaphore_mem>>)
      %add3A_659 = arith.constant 786432 : i32
      %add3A_660 = arith.addi %add3A_610, %add3A_659 : i32
      %dma_start3A_661 = arith.constant 24768 : i32
      %dma_start3A_662 = tpu.memref_slice %arg9[%dma_start3A_661] : memref<33024xf32, #tpu.memory_space<vmem>> -> memref<4096xf32, #tpu.memory_space<vmem>>
      %dma_start3A_663 = tpu.memref_slice %arg4[%add3A_660] : memref<52428800xf32, #tpu.memory_space<hbm>> -> memref<4096xf32, #tpu.memory_space<hbm>>
      %dma_start3A_664 = tpu.memref_slice %arg4[%add3A_660] : memref<52428800xf32, #tpu.memory_space<hbm>> -> memref<4096xf32, #tpu.memory_space<hbm>>
      %dma_start3A_665 = arith.constant 24768 : i32
      %dma_start3A_666 = tpu.memref_slice %arg9[%dma_start3A_665] : memref<33024xf32, #tpu.memory_space<vmem>> -> memref<4096xf32, #tpu.memory_space<vmem>>
      tpu.enqueue_dma source(%dma_start3A_666 : memref<4096xf32, #tpu.memory_space<vmem>>) target(%dma_start3A_664 : memref<4096xf32, #tpu.memory_space<hbm>>) target_semaphore(%arg13 : memref<!tpu.dma_semaphore, #tpu.memory_space<semaphore_mem>>)
      %add3A_667 = arith.constant 917504 : i32
      %add3A_668 = arith.addi %add3A_610, %add3A_667 : i32
      %dma_start3A_669 = arith.constant 28896 : i32
      %dma_start3A_670 = tpu.memref_slice %arg9[%dma_start3A_669] : memref<33024xf32, #tpu.memory_space<vmem>> -> memref<4096xf32, #tpu.memory_space<vmem>>
      %dma_start3A_671 = tpu.memref_slice %arg4[%add3A_668] : memref<52428800xf32, #tpu.memory_space<hbm>> -> memref<4096xf32, #tpu.memory_space<hbm>>
      %dma_start3A_672 = tpu.memref_slice %arg4[%add3A_668] : memref<52428800xf32, #tpu.memory_space<hbm>> -> memref<4096xf32, #tpu.memory_space<hbm>>
      %dma_start3A_673 = arith.constant 28896 : i32
      %dma_start3A_674 = tpu.memref_slice %arg9[%dma_start3A_673] : memref<33024xf32, #tpu.memory_space<vmem>> -> memref<4096xf32, #tpu.memory_space<vmem>>
      tpu.enqueue_dma source(%dma_start3A_674 : memref<4096xf32, #tpu.memory_space<vmem>>) target(%dma_start3A_672 : memref<4096xf32, #tpu.memory_space<hbm>>) target_semaphore(%arg13 : memref<!tpu.dma_semaphore, #tpu.memory_space<semaphore_mem>>)
      %lt3A_675 = arith.constant 24 : i32
      %lt3A_676 = arith.cmpi slt, %scan3A_295, %lt3A_675 : i32
      %convert_element_type3A_677 = arith.extui %lt3A_676 : i1 to i32
      %cond3A_678 = arith.constant 0 : i32
      %cond3A_679 = arith.cmpi ne, %convert_element_type3A_677, %cond3A_678 : i32
      scf.if %cond3A_679 {
        %add3A_680 = arith.constant 2 : i32
        %add3A_681 = arith.addi %add3A_485, %add3A_680 : i32
        %mul3A_682 = arith.constant 4 : i32
        %mul3A_683 = arith.muli %add3A_681, %mul3A_682 : i32
        %add3A_684 = arith.constant 0 : i32
        %add3A_685 = arith.addi %mul3A_683, %add3A_684 : i32
        %dma_start3A_686 = arith.constant 0 : i32
        %dma_start3A_687 = arith.constant 0 : i32
        %dma_start3A_688 = arith.constant 0 : i32
        %dma_start3A_689 = tpu.memref_slice %arg7[%dma_start3A_686, %dma_start3A_687, %dma_start3A_688] : memref<4x128x32xi32, #tpu.memory_space<vmem>> -> memref<1x128x32xi32, #tpu.memory_space<vmem>>
        %dma_start3A_690 = tpu.memref_squeeze %dma_start3A_689 : memref<1x128x32xi32, #tpu.memory_space<vmem>> -> memref<128x32xi32, #tpu.memory_space<vmem>>
        %dma_start3A_691 = arith.constant 0 : i32
        %dma_start3A_692 = tpu.memref_slice %arg5[%add3A_685, %dma_start3A_691] : memref<200x128xi32, #tpu.memory_space<vmem>> -> memref<1x128xi32, #tpu.memory_space<vmem>>
        %dma_start3A_693 = tpu.memref_squeeze %dma_start3A_692 : memref<1x128xi32, #tpu.memory_space<vmem>> -> memref<128xi32, #tpu.memory_space<vmem>>
        %dma_start3A_694 = arith.constant 0 : i32
        %dma_start3A_695 = arith.constant 0 : i32
        %dma_start3A_696 = tpu.memref_slice %arg2[%dma_start3A_694, %dma_start3A_695] : memref<1007616x32xi32, #tpu.memory_space<hbm>> -> memref<1007616x32xi32, #tpu.memory_space<hbm>>
        tpu.enqueue_indirect_dma source(%dma_start3A_696 : memref<1007616x32xi32, #tpu.memory_space<hbm>>) target(%dma_start3A_690 : memref<128x32xi32, #tpu.memory_space<vmem>>) offsets(%dma_start3A_693 : memref<128xi32, #tpu.memory_space<vmem>>) semaphore(%arg11 : memref<!tpu.dma_semaphore, #tpu.memory_space<semaphore_mem>>)
        %mul3A_697 = arith.constant 4 : i32
        %mul3A_698 = arith.muli %add3A_681, %mul3A_697 : i32
        %add3A_699 = arith.constant 1 : i32
        %add3A_700 = arith.addi %mul3A_698, %add3A_699 : i32
        %dma_start3A_701 = arith.constant 1 : i32
        %dma_start3A_702 = arith.constant 0 : i32
        %dma_start3A_703 = arith.constant 0 : i32
        %dma_start3A_704 = tpu.memref_slice %arg7[%dma_start3A_701, %dma_start3A_702, %dma_start3A_703] : memref<4x128x32xi32, #tpu.memory_space<vmem>> -> memref<1x128x32xi32, #tpu.memory_space<vmem>>
        %dma_start3A_705 = tpu.memref_squeeze %dma_start3A_704 : memref<1x128x32xi32, #tpu.memory_space<vmem>> -> memref<128x32xi32, #tpu.memory_space<vmem>>
        %dma_start3A_706 = arith.constant 0 : i32
        %dma_start3A_707 = tpu.memref_slice %arg5[%add3A_700, %dma_start3A_706] : memref<200x128xi32, #tpu.memory_space<vmem>> -> memref<1x128xi32, #tpu.memory_space<vmem>>
        %dma_start3A_708 = tpu.memref_squeeze %dma_start3A_707 : memref<1x128xi32, #tpu.memory_space<vmem>> -> memref<128xi32, #tpu.memory_space<vmem>>
        %dma_start3A_709 = arith.constant 0 : i32
        %dma_start3A_710 = arith.constant 0 : i32
        %dma_start3A_711 = tpu.memref_slice %arg2[%dma_start3A_709, %dma_start3A_710] : memref<1007616x32xi32, #tpu.memory_space<hbm>> -> memref<1007616x32xi32, #tpu.memory_space<hbm>>
        tpu.enqueue_indirect_dma source(%dma_start3A_711 : memref<1007616x32xi32, #tpu.memory_space<hbm>>) target(%dma_start3A_705 : memref<128x32xi32, #tpu.memory_space<vmem>>) offsets(%dma_start3A_708 : memref<128xi32, #tpu.memory_space<vmem>>) semaphore(%arg11 : memref<!tpu.dma_semaphore, #tpu.memory_space<semaphore_mem>>)
        %mul3A_712 = arith.constant 4 : i32
        %mul3A_713 = arith.muli %add3A_681, %mul3A_712 : i32
        %add3A_714 = arith.constant 2 : i32
        %add3A_715 = arith.addi %mul3A_713, %add3A_714 : i32
        %dma_start3A_716 = arith.constant 2 : i32
        %dma_start3A_717 = arith.constant 0 : i32
        %dma_start3A_718 = arith.constant 0 : i32
        %dma_start3A_719 = tpu.memref_slice %arg7[%dma_start3A_716, %dma_start3A_717, %dma_start3A_718] : memref<4x128x32xi32, #tpu.memory_space<vmem>> -> memref<1x128x32xi32, #tpu.memory_space<vmem>>
        %dma_start3A_720 = tpu.memref_squeeze %dma_start3A_719 : memref<1x128x32xi32, #tpu.memory_space<vmem>> -> memref<128x32xi32, #tpu.memory_space<vmem>>
        %dma_start3A_721 = arith.constant 0 : i32
        %dma_start3A_722 = tpu.memref_slice %arg5[%add3A_715, %dma_start3A_721] : memref<200x128xi32, #tpu.memory_space<vmem>> -> memref<1x128xi32, #tpu.memory_space<vmem>>
        %dma_start3A_723 = tpu.memref_squeeze %dma_start3A_722 : memref<1x128xi32, #tpu.memory_space<vmem>> -> memref<128xi32, #tpu.memory_space<vmem>>
        %dma_start3A_724 = arith.constant 0 : i32
        %dma_start3A_725 = arith.constant 0 : i32
        %dma_start3A_726 = tpu.memref_slice %arg2[%dma_start3A_724, %dma_start3A_725] : memref<1007616x32xi32, #tpu.memory_space<hbm>> -> memref<1007616x32xi32, #tpu.memory_space<hbm>>
        tpu.enqueue_indirect_dma source(%dma_start3A_726 : memref<1007616x32xi32, #tpu.memory_space<hbm>>) target(%dma_start3A_720 : memref<128x32xi32, #tpu.memory_space<vmem>>) offsets(%dma_start3A_723 : memref<128xi32, #tpu.memory_space<vmem>>) semaphore(%arg11 : memref<!tpu.dma_semaphore, #tpu.memory_space<semaphore_mem>>)
        %mul3A_727 = arith.constant 4 : i32
        %mul3A_728 = arith.muli %add3A_681, %mul3A_727 : i32
        %add3A_729 = arith.constant 3 : i32
        %add3A_730 = arith.addi %mul3A_728, %add3A_729 : i32
        %dma_start3A_731 = arith.constant 3 : i32
        %dma_start3A_732 = arith.constant 0 : i32
        %dma_start3A_733 = arith.constant 0 : i32
        %dma_start3A_734 = tpu.memref_slice %arg7[%dma_start3A_731, %dma_start3A_732, %dma_start3A_733] : memref<4x128x32xi32, #tpu.memory_space<vmem>> -> memref<1x128x32xi32, #tpu.memory_space<vmem>>
        %dma_start3A_735 = tpu.memref_squeeze %dma_start3A_734 : memref<1x128x32xi32, #tpu.memory_space<vmem>> -> memref<128x32xi32, #tpu.memory_space<vmem>>
        %dma_start3A_736 = arith.constant 0 : i32
        %dma_start3A_737 = tpu.memref_slice %arg5[%add3A_730, %dma_start3A_736] : memref<200x128xi32, #tpu.memory_space<vmem>> -> memref<1x128xi32, #tpu.memory_space<vmem>>
        %dma_start3A_738 = tpu.memref_squeeze %dma_start3A_737 : memref<1x128xi32, #tpu.memory_space<vmem>> -> memref<128xi32, #tpu.memory_space<vmem>>
        %dma_start3A_739 = arith.constant 0 : i32
        %dma_start3A_740 = arith.constant 0 : i32
        %dma_start3A_741 = tpu.memref_slice %arg2[%dma_start3A_739, %dma_start3A_740] : memref<1007616x32xi32, #tpu.memory_space<hbm>> -> memref<1007616x32xi32, #tpu.memory_space<hbm>>
        tpu.enqueue_indirect_dma source(%dma_start3A_741 : memref<1007616x32xi32, #tpu.memory_space<hbm>>) target(%dma_start3A_735 : memref<128x32xi32, #tpu.memory_space<vmem>>) offsets(%dma_start3A_738 : memref<128xi32, #tpu.memory_space<vmem>>) semaphore(%arg11 : memref<!tpu.dma_semaphore, #tpu.memory_space<semaphore_mem>>)
      } else {
      }
    }
    %scan3A_167 = arith.constant 25 : i32
    %dma_wait3A = arith.constant 0 : i32
    %dma_wait3A_168 = tpu.memref_slice %arg8[%dma_wait3A] : memref<33024xf32, #tpu.memory_space<vmem>> -> memref<4096xf32, #tpu.memory_space<vmem>>
    %dma_wait3A_169 = arith.constant 0 : i32
    %dma_wait3A_170 = tpu.memref_slice %arg4[%dma_wait3A_169] : memref<52428800xf32, #tpu.memory_space<hbm>> -> memref<4096xf32, #tpu.memory_space<hbm>>
    %dma_wait3A_171 = arith.constant 0 : i32
    %dma_wait3A_172 = tpu.memref_slice %arg4[%dma_wait3A_171] : memref<52428800xf32, #tpu.memory_space<hbm>> -> memref<4096xf32, #tpu.memory_space<hbm>>
    %dma_wait3A_173 = arith.constant 0 : i32
    %dma_wait3A_174 = tpu.memref_slice %arg8[%dma_wait3A_173] : memref<33024xf32, #tpu.memory_space<vmem>> -> memref<4096xf32, #tpu.memory_space<vmem>>
    tpu.wait_dma2 semaphore(%arg12 : memref<!tpu.dma_semaphore, #tpu.memory_space<semaphore_mem>>) src(%dma_wait3A_174 : memref<4096xf32, #tpu.memory_space<vmem>>) dst(%dma_wait3A_172 : memref<4096xf32, #tpu.memory_space<hbm>>)
    %dma_wait3A_175 = arith.constant 4128 : i32
    %dma_wait3A_176 = tpu.memref_slice %arg8[%dma_wait3A_175] : memref<33024xf32, #tpu.memory_space<vmem>> -> memref<4096xf32, #tpu.memory_space<vmem>>
    %dma_wait3A_177 = arith.constant 0 : i32
    %dma_wait3A_178 = tpu.memref_slice %arg4[%dma_wait3A_177] : memref<52428800xf32, #tpu.memory_space<hbm>> -> memref<4096xf32, #tpu.memory_space<hbm>>
    %dma_wait3A_179 = arith.constant 0 : i32
    %dma_wait3A_180 = tpu.memref_slice %arg4[%dma_wait3A_179] : memref<52428800xf32, #tpu.memory_space<hbm>> -> memref<4096xf32, #tpu.memory_space<hbm>>
    %dma_wait3A_181 = arith.constant 4128 : i32
    %dma_wait3A_182 = tpu.memref_slice %arg8[%dma_wait3A_181] : memref<33024xf32, #tpu.memory_space<vmem>> -> memref<4096xf32, #tpu.memory_space<vmem>>
    tpu.wait_dma2 semaphore(%arg12 : memref<!tpu.dma_semaphore, #tpu.memory_space<semaphore_mem>>) src(%dma_wait3A_182 : memref<4096xf32, #tpu.memory_space<vmem>>) dst(%dma_wait3A_180 : memref<4096xf32, #tpu.memory_space<hbm>>)
    %dma_wait3A_183 = arith.constant 8256 : i32
    %dma_wait3A_184 = tpu.memref_slice %arg8[%dma_wait3A_183] : memref<33024xf32, #tpu.memory_space<vmem>> -> memref<4096xf32, #tpu.memory_space<vmem>>
    %dma_wait3A_185 = arith.constant 0 : i32
    %dma_wait3A_186 = tpu.memref_slice %arg4[%dma_wait3A_185] : memref<52428800xf32, #tpu.memory_space<hbm>> -> memref<4096xf32, #tpu.memory_space<hbm>>
    %dma_wait3A_187 = arith.constant 0 : i32
    %dma_wait3A_188 = tpu.memref_slice %arg4[%dma_wait3A_187] : memref<52428800xf32, #tpu.memory_space<hbm>> -> memref<4096xf32, #tpu.memory_space<hbm>>
    %dma_wait3A_189 = arith.constant 8256 : i32
    %dma_wait3A_190 = tpu.memref_slice %arg8[%dma_wait3A_189] : memref<33024xf32, #tpu.memory_space<vmem>> -> memref<4096xf32, #tpu.memory_space<vmem>>
    tpu.wait_dma2 semaphore(%arg12 : memref<!tpu.dma_semaphore, #tpu.memory_space<semaphore_mem>>) src(%dma_wait3A_190 : memref<4096xf32, #tpu.memory_space<vmem>>) dst(%dma_wait3A_188 : memref<4096xf32, #tpu.memory_space<hbm>>)
    %dma_wait3A_191 = arith.constant 12384 : i32
    %dma_wait3A_192 = tpu.memref_slice %arg8[%dma_wait3A_191] : memref<33024xf32, #tpu.memory_space<vmem>> -> memref<4096xf32, #tpu.memory_space<vmem>>
    %dma_wait3A_193 = arith.constant 0 : i32
    %dma_wait3A_194 = tpu.memref_slice %arg4[%dma_wait3A_193] : memref<52428800xf32, #tpu.memory_space<hbm>> -> memref<4096xf32, #tpu.memory_space<hbm>>
    %dma_wait3A_195 = arith.constant 0 : i32
    %dma_wait3A_196 = tpu.memref_slice %arg4[%dma_wait3A_195] : memref<52428800xf32, #tpu.memory_space<hbm>> -> memref<4096xf32, #tpu.memory_space<hbm>>
    %dma_wait3A_197 = arith.constant 12384 : i32
    %dma_wait3A_198 = tpu.memref_slice %arg8[%dma_wait3A_197] : memref<33024xf32, #tpu.memory_space<vmem>> -> memref<4096xf32, #tpu.memory_space<vmem>>
    tpu.wait_dma2 semaphore(%arg12 : memref<!tpu.dma_semaphore, #tpu.memory_space<semaphore_mem>>) src(%dma_wait3A_198 : memref<4096xf32, #tpu.memory_space<vmem>>) dst(%dma_wait3A_196 : memref<4096xf32, #tpu.memory_space<hbm>>)
    %dma_wait3A_199 = arith.constant 16512 : i32
    %dma_wait3A_200 = tpu.memref_slice %arg8[%dma_wait3A_199] : memref<33024xf32, #tpu.memory_space<vmem>> -> memref<4096xf32, #tpu.memory_space<vmem>>
    %dma_wait3A_201 = arith.constant 0 : i32
    %dma_wait3A_202 = tpu.memref_slice %arg4[%dma_wait3A_201] : memref<52428800xf32, #tpu.memory_space<hbm>> -> memref<4096xf32, #tpu.memory_space<hbm>>
    %dma_wait3A_203 = arith.constant 0 : i32
    %dma_wait3A_204 = tpu.memref_slice %arg4[%dma_wait3A_203] : memref<52428800xf32, #tpu.memory_space<hbm>> -> memref<4096xf32, #tpu.memory_space<hbm>>
    %dma_wait3A_205 = arith.constant 16512 : i32
    %dma_wait3A_206 = tpu.memref_slice %arg8[%dma_wait3A_205] : memref<33024xf32, #tpu.memory_space<vmem>> -> memref<4096xf32, #tpu.memory_space<vmem>>
    tpu.wait_dma2 semaphore(%arg12 : memref<!tpu.dma_semaphore, #tpu.memory_space<semaphore_mem>>) src(%dma_wait3A_206 : memref<4096xf32, #tpu.memory_space<vmem>>) dst(%dma_wait3A_204 : memref<4096xf32, #tpu.memory_space<hbm>>)
    %dma_wait3A_207 = arith.constant 20640 : i32
    %dma_wait3A_208 = tpu.memref_slice %arg8[%dma_wait3A_207] : memref<33024xf32, #tpu.memory_space<vmem>> -> memref<4096xf32, #tpu.memory_space<vmem>>
    %dma_wait3A_209 = arith.constant 0 : i32
    %dma_wait3A_210 = tpu.memref_slice %arg4[%dma_wait3A_209] : memref<52428800xf32, #tpu.memory_space<hbm>> -> memref<4096xf32, #tpu.memory_space<hbm>>
    %dma_wait3A_211 = arith.constant 0 : i32
    %dma_wait3A_212 = tpu.memref_slice %arg4[%dma_wait3A_211] : memref<52428800xf32, #tpu.memory_space<hbm>> -> memref<4096xf32, #tpu.memory_space<hbm>>
    %dma_wait3A_213 = arith.constant 20640 : i32
    %dma_wait3A_214 = tpu.memref_slice %arg8[%dma_wait3A_213] : memref<33024xf32, #tpu.memory_space<vmem>> -> memref<4096xf32, #tpu.memory_space<vmem>>
    tpu.wait_dma2 semaphore(%arg12 : memref<!tpu.dma_semaphore, #tpu.memory_space<semaphore_mem>>) src(%dma_wait3A_214 : memref<4096xf32, #tpu.memory_space<vmem>>) dst(%dma_wait3A_212 : memref<4096xf32, #tpu.memory_space<hbm>>)
    %dma_wait3A_215 = arith.constant 24768 : i32
    %dma_wait3A_216 = tpu.memref_slice %arg8[%dma_wait3A_215] : memref<33024xf32, #tpu.memory_space<vmem>> -> memref<4096xf32, #tpu.memory_space<vmem>>
    %dma_wait3A_217 = arith.constant 0 : i32
    %dma_wait3A_218 = tpu.memref_slice %arg4[%dma_wait3A_217] : memref<52428800xf32, #tpu.memory_space<hbm>> -> memref<4096xf32, #tpu.memory_space<hbm>>
    %dma_wait3A_219 = arith.constant 0 : i32
    %dma_wait3A_220 = tpu.memref_slice %arg4[%dma_wait3A_219] : memref<52428800xf32, #tpu.memory_space<hbm>> -> memref<4096xf32, #tpu.memory_space<hbm>>
    %dma_wait3A_221 = arith.constant 24768 : i32
    %dma_wait3A_222 = tpu.memref_slice %arg8[%dma_wait3A_221] : memref<33024xf32, #tpu.memory_space<vmem>> -> memref<4096xf32, #tpu.memory_space<vmem>>
    tpu.wait_dma2 semaphore(%arg12 : memref<!tpu.dma_semaphore, #tpu.memory_space<semaphore_mem>>) src(%dma_wait3A_222 : memref<4096xf32, #tpu.memory_space<vmem>>) dst(%dma_wait3A_220 : memref<4096xf32, #tpu.memory_space<hbm>>)
    %dma_wait3A_223 = arith.constant 28896 : i32
    %dma_wait3A_224 = tpu.memref_slice %arg8[%dma_wait3A_223] : memref<33024xf32, #tpu.memory_space<vmem>> -> memref<4096xf32, #tpu.memory_space<vmem>>
    %dma_wait3A_225 = arith.constant 0 : i32
    %dma_wait3A_226 = tpu.memref_slice %arg4[%dma_wait3A_225] : memref<52428800xf32, #tpu.memory_space<hbm>> -> memref<4096xf32, #tpu.memory_space<hbm>>
    %dma_wait3A_227 = arith.constant 0 : i32
    %dma_wait3A_228 = tpu.memref_slice %arg4[%dma_wait3A_227] : memref<52428800xf32, #tpu.memory_space<hbm>> -> memref<4096xf32, #tpu.memory_space<hbm>>
    %dma_wait3A_229 = arith.constant 28896 : i32
    %dma_wait3A_230 = tpu.memref_slice %arg8[%dma_wait3A_229] : memref<33024xf32, #tpu.memory_space<vmem>> -> memref<4096xf32, #tpu.memory_space<vmem>>
    tpu.wait_dma2 semaphore(%arg12 : memref<!tpu.dma_semaphore, #tpu.memory_space<semaphore_mem>>) src(%dma_wait3A_230 : memref<4096xf32, #tpu.memory_space<vmem>>) dst(%dma_wait3A_228 : memref<4096xf32, #tpu.memory_space<hbm>>)
    %dma_wait3A_231 = arith.constant 0 : i32
    %dma_wait3A_232 = tpu.memref_slice %arg9[%dma_wait3A_231] : memref<33024xf32, #tpu.memory_space<vmem>> -> memref<4096xf32, #tpu.memory_space<vmem>>
    %dma_wait3A_233 = arith.constant 0 : i32
    %dma_wait3A_234 = tpu.memref_slice %arg4[%dma_wait3A_233] : memref<52428800xf32, #tpu.memory_space<hbm>> -> memref<4096xf32, #tpu.memory_space<hbm>>
    %dma_wait3A_235 = arith.constant 0 : i32
    %dma_wait3A_236 = tpu.memref_slice %arg4[%dma_wait3A_235] : memref<52428800xf32, #tpu.memory_space<hbm>> -> memref<4096xf32, #tpu.memory_space<hbm>>
    %dma_wait3A_237 = arith.constant 0 : i32
    %dma_wait3A_238 = tpu.memref_slice %arg9[%dma_wait3A_237] : memref<33024xf32, #tpu.memory_space<vmem>> -> memref<4096xf32, #tpu.memory_space<vmem>>
    tpu.wait_dma2 semaphore(%arg13 : memref<!tpu.dma_semaphore, #tpu.memory_space<semaphore_mem>>) src(%dma_wait3A_238 : memref<4096xf32, #tpu.memory_space<vmem>>) dst(%dma_wait3A_236 : memref<4096xf32, #tpu.memory_space<hbm>>)
    %dma_wait3A_239 = arith.constant 4128 : i32
    %dma_wait3A_240 = tpu.memref_slice %arg9[%dma_wait3A_239] : memref<33024xf32, #tpu.memory_space<vmem>> -> memref<4096xf32, #tpu.memory_space<vmem>>
    %dma_wait3A_241 = arith.constant 0 : i32
    %dma_wait3A_242 = tpu.memref_slice %arg4[%dma_wait3A_241] : memref<52428800xf32, #tpu.memory_space<hbm>> -> memref<4096xf32, #tpu.memory_space<hbm>>
    %dma_wait3A_243 = arith.constant 0 : i32
    %dma_wait3A_244 = tpu.memref_slice %arg4[%dma_wait3A_243] : memref<52428800xf32, #tpu.memory_space<hbm>> -> memref<4096xf32, #tpu.memory_space<hbm>>
    %dma_wait3A_245 = arith.constant 4128 : i32
    %dma_wait3A_246 = tpu.memref_slice %arg9[%dma_wait3A_245] : memref<33024xf32, #tpu.memory_space<vmem>> -> memref<4096xf32, #tpu.memory_space<vmem>>
    tpu.wait_dma2 semaphore(%arg13 : memref<!tpu.dma_semaphore, #tpu.memory_space<semaphore_mem>>) src(%dma_wait3A_246 : memref<4096xf32, #tpu.memory_space<vmem>>) dst(%dma_wait3A_244 : memref<4096xf32, #tpu.memory_space<hbm>>)
    %dma_wait3A_247 = arith.constant 8256 : i32
    %dma_wait3A_248 = tpu.memref_slice %arg9[%dma_wait3A_247] : memref<33024xf32, #tpu.memory_space<vmem>> -> memref<4096xf32, #tpu.memory_space<vmem>>
    %dma_wait3A_249 = arith.constant 0 : i32
    %dma_wait3A_250 = tpu.memref_slice %arg4[%dma_wait3A_249] : memref<52428800xf32, #tpu.memory_space<hbm>> -> memref<4096xf32, #tpu.memory_space<hbm>>
    %dma_wait3A_251 = arith.constant 0 : i32
    %dma_wait3A_252 = tpu.memref_slice %arg4[%dma_wait3A_251] : memref<52428800xf32, #tpu.memory_space<hbm>> -> memref<4096xf32, #tpu.memory_space<hbm>>
    %dma_wait3A_253 = arith.constant 8256 : i32
    %dma_wait3A_254 = tpu.memref_slice %arg9[%dma_wait3A_253] : memref<33024xf32, #tpu.memory_space<vmem>> -> memref<4096xf32, #tpu.memory_space<vmem>>
    tpu.wait_dma2 semaphore(%arg13 : memref<!tpu.dma_semaphore, #tpu.memory_space<semaphore_mem>>) src(%dma_wait3A_254 : memref<4096xf32, #tpu.memory_space<vmem>>) dst(%dma_wait3A_252 : memref<4096xf32, #tpu.memory_space<hbm>>)
    %dma_wait3A_255 = arith.constant 12384 : i32
    %dma_wait3A_256 = tpu.memref_slice %arg9[%dma_wait3A_255] : memref<33024xf32, #tpu.memory_space<vmem>> -> memref<4096xf32, #tpu.memory_space<vmem>>
    %dma_wait3A_257 = arith.constant 0 : i32
    %dma_wait3A_258 = tpu.memref_slice %arg4[%dma_wait3A_257] : memref<52428800xf32, #tpu.memory_space<hbm>> -> memref<4096xf32, #tpu.memory_space<hbm>>
    %dma_wait3A_259 = arith.constant 0 : i32
    %dma_wait3A_260 = tpu.memref_slice %arg4[%dma_wait3A_259] : memref<52428800xf32, #tpu.memory_space<hbm>> -> memref<4096xf32, #tpu.memory_space<hbm>>
    %dma_wait3A_261 = arith.constant 12384 : i32
    %dma_wait3A_262 = tpu.memref_slice %arg9[%dma_wait3A_261] : memref<33024xf32, #tpu.memory_space<vmem>> -> memref<4096xf32, #tpu.memory_space<vmem>>
    tpu.wait_dma2 semaphore(%arg13 : memref<!tpu.dma_semaphore, #tpu.memory_space<semaphore_mem>>) src(%dma_wait3A_262 : memref<4096xf32, #tpu.memory_space<vmem>>) dst(%dma_wait3A_260 : memref<4096xf32, #tpu.memory_space<hbm>>)
    %dma_wait3A_263 = arith.constant 16512 : i32
    %dma_wait3A_264 = tpu.memref_slice %arg9[%dma_wait3A_263] : memref<33024xf32, #tpu.memory_space<vmem>> -> memref<4096xf32, #tpu.memory_space<vmem>>
    %dma_wait3A_265 = arith.constant 0 : i32
    %dma_wait3A_266 = tpu.memref_slice %arg4[%dma_wait3A_265] : memref<52428800xf32, #tpu.memory_space<hbm>> -> memref<4096xf32, #tpu.memory_space<hbm>>
    %dma_wait3A_267 = arith.constant 0 : i32
    %dma_wait3A_268 = tpu.memref_slice %arg4[%dma_wait3A_267] : memref<52428800xf32, #tpu.memory_space<hbm>> -> memref<4096xf32, #tpu.memory_space<hbm>>
    %dma_wait3A_269 = arith.constant 16512 : i32
    %dma_wait3A_270 = tpu.memref_slice %arg9[%dma_wait3A_269] : memref<33024xf32, #tpu.memory_space<vmem>> -> memref<4096xf32, #tpu.memory_space<vmem>>
    tpu.wait_dma2 semaphore(%arg13 : memref<!tpu.dma_semaphore, #tpu.memory_space<semaphore_mem>>) src(%dma_wait3A_270 : memref<4096xf32, #tpu.memory_space<vmem>>) dst(%dma_wait3A_268 : memref<4096xf32, #tpu.memory_space<hbm>>)
    %dma_wait3A_271 = arith.constant 20640 : i32
    %dma_wait3A_272 = tpu.memref_slice %arg9[%dma_wait3A_271] : memref<33024xf32, #tpu.memory_space<vmem>> -> memref<4096xf32, #tpu.memory_space<vmem>>
    %dma_wait3A_273 = arith.constant 0 : i32
    %dma_wait3A_274 = tpu.memref_slice %arg4[%dma_wait3A_273] : memref<52428800xf32, #tpu.memory_space<hbm>> -> memref<4096xf32, #tpu.memory_space<hbm>>
    %dma_wait3A_275 = arith.constant 0 : i32
    %dma_wait3A_276 = tpu.memref_slice %arg4[%dma_wait3A_275] : memref<52428800xf32, #tpu.memory_space<hbm>> -> memref<4096xf32, #tpu.memory_space<hbm>>
    %dma_wait3A_277 = arith.constant 20640 : i32
    %dma_wait3A_278 = tpu.memref_slice %arg9[%dma_wait3A_277] : memref<33024xf32, #tpu.memory_space<vmem>> -> memref<4096xf32, #tpu.memory_space<vmem>>
    tpu.wait_dma2 semaphore(%arg13 : memref<!tpu.dma_semaphore, #tpu.memory_space<semaphore_mem>>) src(%dma_wait3A_278 : memref<4096xf32, #tpu.memory_space<vmem>>) dst(%dma_wait3A_276 : memref<4096xf32, #tpu.memory_space<hbm>>)
    %dma_wait3A_279 = arith.constant 24768 : i32
    %dma_wait3A_280 = tpu.memref_slice %arg9[%dma_wait3A_279] : memref<33024xf32, #tpu.memory_space<vmem>> -> memref<4096xf32, #tpu.memory_space<vmem>>
    %dma_wait3A_281 = arith.constant 0 : i32
    %dma_wait3A_282 = tpu.memref_slice %arg4[%dma_wait3A_281] : memref<52428800xf32, #tpu.memory_space<hbm>> -> memref<4096xf32, #tpu.memory_space<hbm>>
    %dma_wait3A_283 = arith.constant 0 : i32
    %dma_wait3A_284 = tpu.memref_slice %arg4[%dma_wait3A_283] : memref<52428800xf32, #tpu.memory_space<hbm>> -> memref<4096xf32, #tpu.memory_space<hbm>>
    %dma_wait3A_285 = arith.constant 24768 : i32
    %dma_wait3A_286 = tpu.memref_slice %arg9[%dma_wait3A_285] : memref<33024xf32, #tpu.memory_space<vmem>> -> memref<4096xf32, #tpu.memory_space<vmem>>
    tpu.wait_dma2 semaphore(%arg13 : memref<!tpu.dma_semaphore, #tpu.memory_space<semaphore_mem>>) src(%dma_wait3A_286 : memref<4096xf32, #tpu.memory_space<vmem>>) dst(%dma_wait3A_284 : memref<4096xf32, #tpu.memory_space<hbm>>)
    %dma_wait3A_287 = arith.constant 28896 : i32
    %dma_wait3A_288 = tpu.memref_slice %arg9[%dma_wait3A_287] : memref<33024xf32, #tpu.memory_space<vmem>> -> memref<4096xf32, #tpu.memory_space<vmem>>
    %dma_wait3A_289 = arith.constant 0 : i32
    %dma_wait3A_290 = tpu.memref_slice %arg4[%dma_wait3A_289] : memref<52428800xf32, #tpu.memory_space<hbm>> -> memref<4096xf32, #tpu.memory_space<hbm>>
    %dma_wait3A_291 = arith.constant 0 : i32
    %dma_wait3A_292 = tpu.memref_slice %arg4[%dma_wait3A_291] : memref<52428800xf32, #tpu.memory_space<hbm>> -> memref<4096xf32, #tpu.memory_space<hbm>>
    %dma_wait3A_293 = arith.constant 28896 : i32
    %dma_wait3A_294 = tpu.memref_slice %arg9[%dma_wait3A_293] : memref<33024xf32, #tpu.memory_space<vmem>> -> memref<4096xf32, #tpu.memory_space<vmem>>
    tpu.wait_dma2 semaphore(%arg13 : memref<!tpu.dma_semaphore, #tpu.memory_space<semaphore_mem>>) src(%dma_wait3A_294 : memref<4096xf32, #tpu.memory_space<vmem>>) dst(%dma_wait3A_292 : memref<4096xf32, #tpu.memory_space<hbm>>)
    return
  }
}

module attributes {stable_mosaic.version = 14 : i64} {
  func.func @_pack_body(%arg0: i32, %arg1: memref<64x8192xi16, #tpu.memory_space<vmem>>, %arg2: memref<2048x128xi32, #tpu.memory_space<vmem>>) attributes {dimension_semantics = [#tpu.dimension_semantics<arbitrary>], iteration_bounds = array<i64: 123>, scalar_prefetch = 0 : i64, scratch_operands = 0 : i64, tpu.core_type = #tpu.core_type<tc>, window_params = [{transform_indices = @transform_0, window_bounds = array<i64: 64, 8192>}, {transform_indices = @transform_1, window_bounds = array<i64: 2048, 128>}]} {
    %get3A = arith.constant 0 : index
    %get3A_0 = arith.constant 0 : index
    %get3A_1 = vector.load %arg1[%get3A, %get3A_0] : memref<64x8192xi16, #tpu.memory_space<vmem>>, vector<64x8192xi16>
    %bitcast3A = tpu.bitcast %get3A_1 : vector<64x8192xi16> -> vector<32x8192xi32>
    %slice3A = vector.extract_strided_slice %bitcast3A {offsets = [0, 0], sizes = [32, 2048], strides = [1, 1]} : vector<32x8192xi32> to vector<32x2048xi32>
    %transpose3A = tpu.transpose %slice3A, [1, 0] : vector<32x2048xi32> -> vector<2048x32xi32>
    %swap3A = arith.constant 0 : index
    %swap3A_2 = arith.constant 0 : index
    %swap3A_3 = vector.load %arg2[%swap3A, %swap3A_2] : memref<2048x128xi32, #tpu.memory_space<vmem>>, vector<2048x32xi32>
    tpu.vector_store %arg2[%swap3A, %swap3A_2], %transpose3A {strides = array<i32>} : memref<2048x128xi32, #tpu.memory_space<vmem>>, vector<2048x32xi32>,
    %slice3A_4 = vector.extract_strided_slice %bitcast3A {offsets = [0, 2048], sizes = [32, 2048], strides = [1, 1]} : vector<32x8192xi32> to vector<32x2048xi32>
    %transpose3A_5 = tpu.transpose %slice3A_4, [1, 0] : vector<32x2048xi32> -> vector<2048x32xi32>
    %swap3A_6 = arith.constant 0 : index
    %swap3A_7 = arith.constant 32 : index
    %swap3A_8 = vector.load %arg2[%swap3A_6, %swap3A_7] : memref<2048x128xi32, #tpu.memory_space<vmem>>, vector<2048x32xi32>
    tpu.vector_store %arg2[%swap3A_6, %swap3A_7], %transpose3A_5 {strides = array<i32>} : memref<2048x128xi32, #tpu.memory_space<vmem>>, vector<2048x32xi32>,
    %slice3A_9 = vector.extract_strided_slice %bitcast3A {offsets = [0, 4096], sizes = [32, 2048], strides = [1, 1]} : vector<32x8192xi32> to vector<32x2048xi32>
    %transpose3A_10 = tpu.transpose %slice3A_9, [1, 0] : vector<32x2048xi32> -> vector<2048x32xi32>
    %swap3A_11 = arith.constant 0 : index
    %swap3A_12 = arith.constant 64 : index
    %swap3A_13 = vector.load %arg2[%swap3A_11, %swap3A_12] : memref<2048x128xi32, #tpu.memory_space<vmem>>, vector<2048x32xi32>
    tpu.vector_store %arg2[%swap3A_11, %swap3A_12], %transpose3A_10 {strides = array<i32>} : memref<2048x128xi32, #tpu.memory_space<vmem>>, vector<2048x32xi32>,
    %slice3A_14 = vector.extract_strided_slice %bitcast3A {offsets = [0, 6144], sizes = [32, 2048], strides = [1, 1]} : vector<32x8192xi32> to vector<32x2048xi32>
    %transpose3A_15 = tpu.transpose %slice3A_14, [1, 0] : vector<32x2048xi32> -> vector<2048x32xi32>
    %swap3A_16 = arith.constant 0 : index
    %swap3A_17 = arith.constant 96 : index
    %swap3A_18 = vector.load %arg2[%swap3A_16, %swap3A_17] : memref<2048x128xi32, #tpu.memory_space<vmem>>, vector<2048x32xi32>
    tpu.vector_store %arg2[%swap3A_16, %swap3A_17], %transpose3A_15 {strides = array<i32>} : memref<2048x128xi32, #tpu.memory_space<vmem>>, vector<2048x32xi32>,
    return
  }
  func.func @transform_0(%arg0: i32) -> (i32, i32) {
    %c0_i32 = arith.constant 0 : i32
    %c0_i32_0 = arith.constant 0 : i32
    return %c0_i32, %arg0 : i32, i32
  }
  func.func @transform_1(%arg0: i32) -> (i32, i32) {
    %c0_i32 = arith.constant 0 : i32
    %c0_i32_0 = arith.constant 0 : i32
    return %arg0, %c0_i32 : i32, i32
  }
}

</mosaic_0001>

<sc_bundles>
// kernel: kernel.4.cloned.1.call-start
scs
__scs_entry_jumppad:
0x0: {  	(pc) =	sbr.rel $0x88, $3  }
0x1: {  	(tag) =	ssettag $0x0;
	lr =	simm.s32 $0x1  }
0x2: {  	[smem:$0x3F9F] =	sst lr;
	_ =	strace $0xD0000000  }
0x3: {  	_ = 	snop  }
0x4: {  	_ = 	snop  }
0x5: {  	_ = 	snop  }
0x6: {  	_ = 	snop  }
0x7: {  	_ = 	snop  }
__scs_overlays_trampoline_lowered:
0x8: {  	[smem:$0x3FAE] =	sst s0  }
0x9: {  	[smem:$0x3FAF] =	sst s1  }
0xa: {  	[smem:$0x3FB0] =	sst s2  }
0xb: {  	[smem:$0x3FB1] =	sst s3  }
0xc: {  	[smem:$0x3FB2] =	sst s4  }
0xd: {  	[smem:$0x3FB3] =	sst s5  }
0xe: {  	[smem:$0x3FB4] =	sst s6  }
0xf: {  	[smem:$0x3FB5] =	sst s7  }
0x10: {  	[smem:$0x3FB6] =	sst s8  }
0x11: {  	[smem:$0x3FB7] =	sst s9;
	s0 =	simm.s32 @!p0 $0x0  }
0x12: {  	s1 =	sld [smem:$0x3F9D];
	s0 =	simm.s32 @p0 $0x1  }
0x13: {  	[smem:$0x3FB8] =	sst s0;
	s0 =	simm.s32 @!p1 $0x0  }
0x14: {  	s2 =	sld [smem:$0x3F9C];
	s0 =	simm.s32 @p1 $0x1  }
0x15: {  	[smem:$0x3FB9] =	sst s0;
	s0 =	simm.s32 @!p2 $0x0  }
0x16: {  	s3 =	sld [smem:$0x3FDB];
	s0 =	simm.s32 @p2 $0x1  }
0x17: {  	s4 =	simm.s32 $0x1BF5;
	[smem:$0x3FBB] =	sst s0  }
0x18: {  	s0 =	sld [smem:$0x3F9E];
	_ =	swait.ge [sflag:s4], $0x0  }
0x19: {  	s7 =	sld [smem:$0x3F9F]  }
0x1a: {  	s8 =	sadd.s32 $0xFFFFE003, lr  }
0x1b: {  	s9 =	sadd.s32 $0xFFFFFEF7, lr;
	s5 =	simm.s32 $0xFFFFFFFF;
	p2 =	slt.u32 s8, $0xFFFFF086  }
0x1c: {  	p1 =	slt.u32 s9, $0xF7A;
	s5 =	simm.s32 @!p2 $0x0  }
0x1d: {  	s5 =	simm.s32 @p1 $0x1;
	p0 =	seq.s32 s7, s2  }
0x1e: {  	s7 =	smul.u32 @!p0 $0xF7A, s2;
	p2 =	seq.s32 @!p0 s5, $0x0  }
0x1f: {  	s9 =	smul.u32 $0xF7A, s1;
	s8 =	simm.s32 @!p0 $0x1BF5;
	p2 =	por !p2, p0  }
0x20: {  	[sflag:s8] =	ssyncset.s32 @!p0 $0xFFFFF086;
	s6 =	sadd.s32 @!p0 s3, s7;
	s7 =	simm.s32 @!p0 $0x108  }
0x21: {  	s3 =	sadd.s32 s3, s9;
	s6 =	sadd.s32 @!p0 $0x88, s6;
	s7 =	simm.s32 @p2 $0x1082  }
0x22: {  	[simem:s7], [sflag:s8] =	dma.local @!p0 [hbm:s6], $0xF7A  }
0x23: {  	s9 =	sor.u32 $0xD0000000, s2;
	s6 =	simm.s32 $0x108;
	_ =	swait.ge @!p0 [sflag:s8], $0x0  }
0x24: {  	s3 =	sadd.s32 $0x88, s3;
	s6 =	simm.s32 @!p1 $0x1082;
	[sflag:s4] =	ssyncset.s32 $0xFFFFF086  }
0x25: {  	[simem:s6], [sflag:s4] =	dma.local [hbm:s3], $0xF7A  }
0x26: {  	[smem:$0x3F9F] =	sst s1;
	(tag) =	ssettag s2;
	_ =	strace s9  }
0x27: {  	s1 =	sld [smem:$0x3FAF]  }
0x28: {  	s2 =	sld [smem:$0x3FB0]  }
0x29: {  	s4 =	sld [smem:$0x3FB2]  }
0x2a: {  	p0 =	seq.s32 s5, $0x0;
	s5 =	sld [smem:$0x3FB3]  }
0x2b: {  	s6 =	sld [smem:$0x3FB4]  }
0x2c: {  	s7 =	sld [smem:$0x3FB5]  }
0x2d: {  	s3 =	simm.s32 $0x108;
	s8 =	sld [smem:$0x3FB6]  }
0x2e: {  	s3 =	simm.s32 @!p0 $0x1082;
	s9 =	sld [smem:$0x3FB7]  }
0x2f: {  	lr =	sadd.s32 s0, s3;
	s0 =	sld [smem:$0x3FAE]  }
0x30: {  	s3 =	sld [smem:$0x3FB1]  }
0x31: {  	[smem:$0x3FBA] =	sst s10  }
0x32: {  	s10 =	sld [smem:$0x3FB8];
	_ =	sdelay $0x3  }
0x33: {  	p0 =	seq.s32 s10, $0x1;
	s10 =	sld [smem:$0x3FBA];
	_ =	sdelay $0x3  }
0x34: {  	[smem:$0x3FBA] =	sst s10  }
0x35: {  	s10 =	sld [smem:$0x3FB9];
	_ =	sdelay $0x3  }
0x36: {  	p1 =	seq.s32 s10, $0x1;
	s10 =	sld [smem:$0x3FBA];
	_ =	sdelay $0x3  }
0x37: {  	[smem:$0x3FBA] =	sst s10  }
0x38: {  	s10 =	sld [smem:$0x3FBB]  }
0x39: {  	_ = 	snop;
	(pc) =	sbr.ind lr, $3  }
0x3a: {  	_ = 	snop  }
0x3b: {  	_ = 	snop  }
0x3c: {  	p2 =	seq.s32 s10, $0x1;
	s10 =	sld [smem:$0x3FBA]  }
0x3d: {  	_ =	shalt  }
0x3e: {  	_ =	shalt  }
0x3f: {  	_ =	shalt  }
0x40: {  	_ =	shalt  }
0x41: {  	_ =	shalt  }
0x42: {  	_ =	shalt  }
0x43: {  	_ =	shalt  }
0x44: {  	_ =	shalt  }
0x45: {  	_ =	shalt  }
0x46: {  	_ =	shalt  }
0x47: {  	_ =	shalt  }
0x48: {  	_ =	shalt  }
0x49: {  	_ =	shalt  }
0x4a: {  	_ =	shalt  }
0x4b: {  	_ =	shalt  }
0x4c: {  	_ =	shalt  }
0x4d: {  	_ =	shalt  }
0x4e: {  	_ =	shalt  }
0x4f: {  	_ =	shalt  }
0x50: {  	_ =	shalt  }
0x51: {  	_ =	shalt  }
0x52: {  	_ =	shalt  }
0x53: {  	_ =	shalt  }
0x54: {  	_ =	shalt  }
0x55: {  	_ =	shalt  }
0x56: {  	_ =	shalt  }
0x57: {  	_ =	shalt  }
0x58: {  	_ =	shalt  }
0x59: {  	_ =	shalt  }
0x5a: {  	_ =	shalt  }
0x5b: {  	_ =	shalt  }
0x5c: {  	_ =	shalt  }
0x5d: {  	_ =	shalt  }
0x5e: {  	_ =	shalt  }
0x5f: {  	_ =	shalt  }
0x60: {  	_ =	shalt  }
0x61: {  	_ =	shalt  }
0x62: {  	_ =	shalt  }
0x63: {  	_ =	shalt  }
0x64: {  	_ =	shalt  }
0x65: {  	_ =	shalt  }
0x66: {  	_ =	shalt  }
0x67: {  	_ =	shalt  }
0x68: {  	_ =	shalt  }
0x69: {  	_ =	shalt  }
0x6a: {  	_ =	shalt  }
0x6b: {  	_ =	shalt  }
0x6c: {  	_ =	shalt  }
0x6d: {  	_ =	shalt  }
0x6e: {  	_ =	shalt  }
0x6f: {  	_ =	shalt  }
0x70: {  	_ =	shalt  }
0x71: {  	_ =	shalt  }
0x72: {  	_ =	shalt  }
0x73: {  	_ =	shalt  }
0x74: {  	_ =	shalt  }
0x75: {  	_ =	shalt  }
0x76: {  	_ =	shalt  }
0x77: {  	_ =	shalt  }
0x78: {  	_ =	shalt  }
0x79: {  	_ =	shalt  }
0x7a: {  	_ =	shalt  }
0x7b: {  	_ =	shalt  }
0x7c: {  	_ =	shalt  }
0x7d: {  	_ =	shalt  }
0x7e: {  	_ =	shalt  }
0x7f: {  	_ =	shalt  }
0x80: {  	_ =	shalt  }
0x81: {  	_ =	shalt  }
0x82: {  	_ =	shalt  }
0x83: {  	_ =	shalt  }
0x84: {  	_ =	shalt  }
0x85: {  	_ =	shalt  }
0x86: {  	_ =	shalt  }
0x87: {  	_ =	shalt  }
.Lfunc_end0:
.L_simem_size_0:
called_computation_lowered:
.L_overlay_start_0:
0x88: {  	s2 =	sld [smem:$0x3FD9]  }
0x89: {  	s3 =	sld [smem:$0x3FFE];
	_ =	sdelay $0x1  }
0x8a: {  	s1 =	srdreg.scid  }
0x8b: {  	s0 =	sand.u32 $0x1, s1  }
0x8c: {  	s17 =	sshll.u32 s0, $0xA;
	s2 =	sadd.s32 s3, s2  }
0x8d: {  	s2 =	sadd.s32 s2, s17  }
0x8e: {  	[smem:$0x3FC6] =	sst s2  }
0x8f: {  	_ = 	snop  }
0x90: {  	s2 =	sld [smem:$0x3FD0];
	(tm) =	ssettm $0x1  }
0x91: {  	s18 =	sld [smem:$0x3FFB];
	_ =	sdelay $0x3  }
0x92: {  	_ =	strace s18  }
0x93: {  	s3 =	sld [smem:$0x3FFC];
	_ =	sdelay $0x3  }
0x94: {  	_ =	strace s3  }
0x95: {  	s3 =	sld [smem:$0x3FFD];
	_ =	sdelay $0x3  }
0x96: {  	_ =	strace s3  }
0x97: {  	_ =	strace $0x8FFFFFFF  }
0x98: {  	s19 =	sld [smem:$0x3FDB];
	_ =	sdelay $0x1  }
0x99: {  	s4 =	simm.s32 $_scs_section_size  }
0x9a: {  	s5 =	simm.s32 $_size__tile_overlayer_lowered;
	s6 =	simm.s32 $_tile_overlayer_lowered  }
0x9b: {  	s22 =	simm.s32 $0x1BFF;
	s21 =	sshll.u32 s6, $0x1;
	s3 =	sadd.s32 s4, s19  }
0x9c: {  	s7 =	simm.s32 $0x0;
	s20 =	sshll.u32 s5, $0x1;
	s5 =	sadd.s32 s21, s3  }
0x9d: {  	[timem:s7], [sflag:s22] =	dma.local [hbm:s5], s20  }
0x9e: {  	_ =	swait.ge [sflag:s22], s20  }
0x9f: {  	s4 =	ssub.s32 $0x0, s20;
	[sflag:s22] =	ssyncset.done $0x0  }
0xa0: {  	[sflag:s22] =	ssyncadd.s32 s4;
	_ =	sdelay $0x1  }
0xa1: {  	s23 =	simm.s32 $0x1B8B  }
0xa2: {  	_ =	swait.ge [sflag:s23], $0x1  }
0xa3: {  	[sflag:s23] =	ssyncset.done $0x0  }
0xa4: {  	s25 =	simm.s32 $0x1B8E;
	s24 =	sld [smem:$0x3FFE];
	[sflag:s23] =	ssyncadd.s32 $0xFFFFFFFF  }
0xa5: {  	s26 =	simm.s32 $execute0_lowered;
	[smem:$0x3FD2] =	sst s25  }
0xa6: {  	s5 =	sshll.u32 s26, $0x1;
	_ =	strace $0x80000046;
	[dreg:$0x1] =	wrdreg $0xFFFFFFFF  }
0xa7: {  	s28 =	simm.s32 $_size_execute0_lowered;
	s3 =	sadd.s32 s3, s5;
	[dreg:$0x0] =	wrdreg $0x0  }
0xa8: {  	s5 =	sshll.u32 s28, $0x1;
	[dreg:$0x2] =	wrdreg s3  }
0xa9: {  	[dreg:$0x3] =	wrdreg s5  }
0xaa: {  	[dreg:$0x4] =	wrdreg $0xC0  }
0xab: {  	_ =	task [dreg:s7], $0x5FFFF  }
0xac: {  	[dreg:$0x1] =	wrdreg $0xFFFFFFFF  }
0xad: {  	[dreg:$0x0] =	wrdreg $0x60  }
0xae: {  	[dreg:$0x2] =	wrdreg s24  }
0xaf: {  	[dreg:$0x3] =	wrdreg s2  }
0xb0: {  	[dreg:$0x4] =	wrdreg $0x9  }
0xb1: {  	_ =	task.clear_ibuf [dreg:s7], $0x5FFFF;
	_ =	strace $0x90000046  }
0xb2: {  	s29 =	simm.s32 $0x9;
	_ =	strace $0x80000048  }
0xb3: {  	_ =	swait.ge [sflag:s29], $0x1  }
0xb4: {  	[sflag:s29] =	ssyncadd.s32 $0xFFFFFFFF  }
0xb5: {  	_ =	strace $0x90000048  }
0xb6: {  	_ =	sfence  }
0xb7: {  	s30 =	sld [smem:$0x0];
	_ =	sdelay $0x2  }
0xb8: {  	s31 =	sshll.u32 s1, $0xD;
	s1 =	sshrl.u32 s1, $0x2  }
0xb9: {  	s3 =	sand.u32 $0x4000, s31;
	s1 =	sadd.s32 s1, s30  }
0xba: {  	s0 =	sor.u32 s3, s0;
	s1 =	sshll.u32 s1, $0x11  }
0xbb: {  	s0 =	sor.u32 s1, s0  }
0xbc: {  	s0 =	sadd.s32 $0x8F2B, s0  }
0xbd: {  	[sflag:s0] =	ssyncadd.remote.s32 $0x1  }
0xbe: {  	_ =	sfence.sel $0xFFFF  }
0xbf: {  	[dreg:$0x0] =	wrdreg $0xFFFFFFFF;
	(pc) =	sbr.abs _section_cstart, $3  }
0xc0: {  	[dreg:$0x1] =	wrdreg $0xFFFFFFFF  }
0xc1: {  	_ =	task.clear_ibuf [dreg:s7], $0x2FFFF;
	_ =	strace $0x9FFFFFFF  }
0xc2: {  	(tm) =	ssettm $0x7FFFFFFF  }
0xc3: {  	_ =	shalt  }
tec
execute0_lowered:
.L_overlay_start_1:
0x0: {  	(tag) =	ssettag $0x1  }
0x1: {  	v0 =	vimm.s32 $0x3360  }
0x2: {  	vm14 =	vcmask $0x300;
	vm13 =	vcmask $0x704;
	vm12 =	vcmask $0xB08  }
0x3: {  	vm11 =	vcmask $0xF0C;
	vm10 =	vcmask $0x1310;
	vm9 =	vcmask $0x1714  }
0x4: {  	vm8 =	vcmask $0x1B18;
	vm7 =	vcmask $0x1F1C;
	vm6 =	vcmask $0x2320  }
0x5: {  	vm5 =	vcmask $0x2724;
	vm4 =	vcmask $0x2B28;
	vm3 =	vcmask $0x2F2C  }
0x6: {  	vm2 =	vcmask $0x3330;
	vm1 =	vcmask $0x3734;
	vm0 =	vcmask $0x3B38  }
0x7: {  	v1 =	vimm.s32 $0x33E0;
	v2 =	vimm.s32 $0x73E0;
	v3 =	vimm.s32 $0x7460  }
0x8: {  	v0 =	vsel vm14, $0x0, v0;
	v1 =	vsel vm14, $0x80, v1;
	v2 =	vsel vm14, $0x4080, v2  }
0x9: {  	v3 =	vsel vm14, $0x4100, v3;
	v0 =	vsel vm13, $0x100, v0;
	v1 =	vsel vm13, $0x180, v1  }
0xa: {  	v2 =	vsel vm13, $0x4180, v2;
	v3 =	vsel vm13, $0x4200, v3;
	v0 =	vsel vm12, $0x200, v0  }
0xb: {  	v1 =	vsel vm12, $0x280, v1;
	v2 =	vsel vm12, $0x4280, v2;
	v3 =	vsel vm12, $0x4300, v3  }
0xc: {  	v0 =	vsel vm11, $0x300, v0;
	v1 =	vsel vm11, $0x380, v1;
	v2 =	vsel vm11, $0x4380, v2  }
0xd: {  	v3 =	vsel vm11, $0x4400, v3;
	v0 =	vsel vm10, $0x1020, v0;
	v1 =	vsel vm10, $0x10A0, v1  }
0xe: {  	s0 =	rddreg [dreg:$0x0];
	v2 =	vsel vm10, $0x50A0, v2;
	v3 =	vsel vm10, $0x5120, v3;
	v0 =	vsel vm9, $0x1120, v0  }
0xf: {  	s1 =	srdreg.scid;
	s3 =	stileid.u32;
	v1 =	vsel vm9, $0x11A0, v1;
	v2 =	vsel vm9, $0x51A0, v2;
	v3 =	vsel vm9, $0x5220, v3  }
0x10: {  	s2 =	rddreg [dreg:$0x1];
	s16 =	simm.s32 $0x80;
	s25 =	simm.s32 $0x2;
	v0 =	vsel vm8, $0x1220, v0;
	v1 =	vsel vm8, $0x12A0, v1;
	v2 =	vsel vm8, $0x52A0, v2  }
0x11: {  	s28 =	simm.s32 $0x16500;
	s15 =	simm.s32 $0x1A580;
	s24 =	simm.s32 $0x1B5A0;
	v3 =	vsel vm8, $0x5320, v3;
	v0 =	vsel vm7, $0x1320, v0;
	v1 =	vsel vm7, $0x13A0, v1  }
0x12: {  	s26 =	simm.s32 $0x1C5C0;
	s29 =	simm.s32 $0x1D5E0;
	s17 =	simm.s32 $0x0;
	v2 =	vsel vm7, $0x53A0, v2;
	v3 =	vsel vm7, $0x5420, v3;
	v0 =	vsel vm6, $0x2040, v0  }
0x13: {  	s1 =	sand.u32 $0x1, s1;
	s4 =	sshll.u32 s3, $0x1;
	s3 =	simm.s32 $0x0;
	v1 =	vsel vm6, $0x20C0, v1;
	v2 =	vsel vm6, $0x60C0, v2;
	v3 =	vsel vm6, $0x6140, v3  }
0x14: {  	s7 =	sadd.s32 $0x4000, s2;
	s8 =	sadd.s32 $0x8000, s2;
	s9 =	sadd.s32 $0xC000, s2;
	v0 =	vsel vm5, $0x2140, v0;
	v1 =	vsel vm5, $0x21C0, v1;
	v2 =	vsel vm5, $0x61C0, v2  }
0x15: {  	s10 =	sadd.s32 $0x10000, s2;
	s11 =	sadd.s32 $0x14000, s2;
	s5 =	sor.u32 s1, s4;
	v3 =	vsel vm5, $0x6240, v3;
	v0 =	vsel vm4, $0x2240, v0;
	v1 =	vsel vm4, $0x22C0, v1  }
0x16: {  	s12 =	sadd.s32 $0x18000, s2;
	s1 =	ssub.s32 $0x2, s1;
	s6 =	smul.u32 $0xC80, s5;
	v2 =	vsel vm4, $0x62C0, v2;
	v3 =	vsel vm4, $0x6340, v3;
	v0 =	vsel vm3, $0x2340, v0  }
.Ltmp0:
0x17: {  	s13 =	sadd.s32 $0x1C000, s2;
	s30 =	sshrl.u32 s1, $0x1;
	v1 =	vsel vm3, $0x23C0, v1;
	v2 =	vsel vm3, $0x63C0, v2;
	v3 =	vsel vm3, $0x6440, v3;
	(pc) =	sbr.rel .LBB2_1-.Ltmp0, $4  }
0x18: {  	[smem:$0x7FF] =	sst s3;
	s4 =	sadd.s32 $0x19400, s0;
	s1 =	ssub.s32 s1, s30;
	v0 =	vsel vm2, $0x3060, v0;
	v1 =	vsel vm2, $0x30E0, v1;
	v2 =	vsel vm2, $0x70E0, v2  }
0x19: {  	_ =	strace $0x80000047;
	s0 =	sadd.s32 s6, s0;
	s31 =	smax.u32 s1, $0x1;
	v3 =	vsel vm2, $0x7160, v3;
	v0 =	vsel vm1, $0x3160, v0;
	v1 =	vsel vm1, $0x31E0, v1  }
0x1a: {  	s5 =	smul.u32 $0xC8, s5;
	s0 =	sadd.s32 $0x400, s0;
	[dreg:$0x4] =	wrdreg s31;
	v2 =	vsel vm1, $0x71E0, v2;
	v3 =	vsel vm1, $0x7260, v3;
	v0 =	vsel vm0, $0x3260, v0  }
0x1b: {  	s1 =	simm.s32 $0x1;
	[dreg:$0x3] =	wrdreg s0;
	s0 =	simm.s32 $0xE400;
	v1 =	vsel vm0, $0x32E0, v1;
	v2 =	vsel vm0, $0x72E0, v2;
	v3 =	vsel vm0, $0x7360, v3  }
.LBB2_20:
0x1c: {  	s6 =	simm.s32 $0x3  }
0x1d: {  	_ =	swait.ge [sflag:s6], $0x1000  }
0x1e: {  	[sflag:s6] =	ssyncset.done $0x0  }
0x1f: {  	[sflag:s6] =	ssyncadd.s32 $0xFFFFF000  }
0x20: {  	_ =	swait.ge [sflag:s6], $0x1000  }
0x21: {  	[sflag:s6] =	ssyncset.done $0x0  }
0x22: {  	[sflag:s6] =	ssyncadd.s32 $0xFFFFF000  }
0x23: {  	_ =	swait.ge [sflag:s6], $0x1000  }
0x24: {  	[sflag:s6] =	ssyncset.done $0x0  }
0x25: {  	[sflag:s6] =	ssyncadd.s32 $0xFFFFF000  }
0x26: {  	_ =	swait.ge [sflag:s6], $0x1000  }
0x27: {  	[sflag:s6] =	ssyncset.done $0x0  }
0x28: {  	[sflag:s6] =	ssyncadd.s32 $0xFFFFF000  }
0x29: {  	_ =	swait.ge [sflag:s6], $0x1000  }
0x2a: {  	[sflag:s6] =	ssyncset.done $0x0  }
0x2b: {  	[sflag:s6] =	ssyncadd.s32 $0xFFFFF000  }
0x2c: {  	_ =	swait.ge [sflag:s6], $0x1000  }
0x2d: {  	[sflag:s6] =	ssyncset.done $0x0  }
0x2e: {  	[sflag:s6] =	ssyncadd.s32 $0xFFFFF000  }
0x2f: {  	_ =	swait.ge [sflag:s6], $0x1000  }
0x30: {  	[sflag:s6] =	ssyncset.done $0x0  }
0x31: {  	[sflag:s6] =	ssyncadd.s32 $0xFFFFF000  }
0x32: {  	_ =	swait.ge [sflag:s6], $0x1000  }
0x33: {  	[sflag:s6] =	ssyncset.done $0x0  }
0x34: {  	s14 =	simm.s32 $0x4;
	[sflag:s6] =	ssyncadd.s32 $0xFFFFF000  }
0x35: {  	_ =	swait.ge [sflag:s14], $0x1000  }
0x36: {  	[sflag:s14] =	ssyncset.done $0x0  }
0x37: {  	[sflag:s14] =	ssyncadd.s32 $0xFFFFF000  }
0x38: {  	_ =	swait.ge [sflag:s14], $0x1000  }
0x39: {  	[sflag:s14] =	ssyncset.done $0x0  }
0x3a: {  	[sflag:s14] =	ssyncadd.s32 $0xFFFFF000  }
0x3b: {  	_ =	swait.ge [sflag:s14], $0x1000  }
0x3c: {  	[sflag:s14] =	ssyncset.done $0x0  }
0x3d: {  	[sflag:s14] =	ssyncadd.s32 $0xFFFFF000  }
0x3e: {  	_ =	swait.ge [sflag:s14], $0x1000  }
0x3f: {  	[sflag:s14] =	ssyncset.done $0x0  }
0x40: {  	[sflag:s14] =	ssyncadd.s32 $0xFFFFF000  }
0x41: {  	_ =	swait.ge [sflag:s14], $0x1000  }
0x42: {  	[sflag:s14] =	ssyncset.done $0x0  }
0x43: {  	[sflag:s14] =	ssyncadd.s32 $0xFFFFF000  }
0x44: {  	_ =	swait.ge [sflag:s14], $0x1000  }
0x45: {  	[sflag:s14] =	ssyncset.done $0x0  }
0x46: {  	[sflag:s14] =	ssyncadd.s32 $0xFFFFF000  }
0x47: {  	_ =	swait.ge [sflag:s14], $0x1000  }
0x48: {  	[sflag:s14] =	ssyncset.done $0x0  }
0x49: {  	[sflag:s14] =	ssyncadd.s32 $0xFFFFF000  }
0x4a: {  	_ =	swait.ge [sflag:s14], $0x1000  }
0x4b: {  	s17 =	rddreg [dreg:$0x5]  }
0x4c: {  	s31 =	rddreg [dreg:$0x4];
	s17 =	sadd.s32 $0x1, s17  }
0x4d: {  	p0 =	sne.s32 s17, s31  }
.Ltmp1:
0x4e: {  	_ = 	snop;
	(pc) =	sbr.rel @!p0 .LBB2_21-.Ltmp1, $3  }
0x4f: {  	_ =	sdelay $0x1  }
0x50: {  	[sflag:s14] =	ssyncset.done $0x0  }
0x51: {  	[sflag:s14] =	ssyncadd.s32 $0xFFFFF000  }
.LBB2_1:
0x52: {  	[dreg:$0x5] =	wrdreg s17  }
0x53: {  	s6 =	rddreg [dreg:$0x3];
	s19 =	simm.s32 $0x5  }
0x54: {  	[tilespmem:s3], [sflag:$0x5] =	stream.linear.gather [hbm4b:s6+s3], $0x6400, $0x38;
	[tilespmem:$0x1E600] =	vst v63  }
0x55: {  	_ =	swait.ge [sflag:s19], $0x6400  }
0x56: {  	[sflag:s19] =	ssyncset.done $0x0  }
0x57: {  	s20 =	simm.s32 $0x6400;
	[sflag:s19] =	ssyncadd.s32 $0xFFFF9C00  }
0x58: {  	[tilespmem:s20], [sflag:$0x1] =	stream.indirect.gather [hbm4b:s4+s16], $0x20, s3, s16, $0xb8;
	[tilespmem:$0x1E600] =	vst v63  }
0x59: {  	s21 =	simm.s32 $0x7400  }
0x5a: {  	[tilespmem:s21], [sflag:$0x1] =	stream.indirect.gather [hbm4b:s4+s16], $0x20, s16, s16, $0xb8;
	[tilespmem:$0x1E600] =	vst v63  }
0x5b: {  	s22 =	simm.s32 $0x100;
	s14 =	simm.s32 $0x8400  }
0x5c: {  	[tilespmem:s14], [sflag:$0x1] =	stream.indirect.gather [hbm4b:s4+s16], $0x20, s22, s16, $0xb8;
	[tilespmem:$0x1E600] =	vst v63  }
0x5d: {  	s23 =	simm.s32 $0x180;
	s30 =	simm.s32 $0x9400  }
0x5e: {  	[tilespmem:s30], [sflag:$0x1] =	stream.indirect.gather [hbm4b:s4+s16], $0x20, s23, s16, $0xb8;
	[tilespmem:$0x1E600] =	vst v63  }
0x5f: {  	s17 =	simm.s32 $0x200;
	s18 =	simm.s32 $0xA400  }
0x60: {  	[tilespmem:s18], [sflag:$0x2] =	stream.indirect.gather [hbm4b:s4+s16], $0x20, s17, s16, $0xb8;
	[tilespmem:$0x1E600] =	vst v63  }
0x61: {  	s19 =	simm.s32 $0x280;
	s20 =	simm.s32 $0xB400  }
0x62: {  	[tilespmem:s20], [sflag:$0x2] =	stream.indirect.gather [hbm4b:s4+s16], $0x20, s19, s16, $0xb8;
	[tilespmem:$0x1E600] =	vst v63  }
0x63: {  	s21 =	simm.s32 $0x300;
	s22 =	simm.s32 $0xC400  }
0x64: {  	[tilespmem:s22], [sflag:$0x2] =	stream.indirect.gather [hbm4b:s4+s16], $0x20, s21, s16, $0xb8;
	[tilespmem:$0x1E600] =	vst v63  }
0x65: {  	s31 =	simm.s32 $0x0;
	s23 =	simm.s32 $0x380;
	s30 =	simm.s32 $0xD400  }
0x66: {  	[tilespmem:s30], [sflag:$0x2] =	stream.indirect.gather [hbm4b:s4+s16], $0x20, s23, s16, $0xb8;
	[tilespmem:$0x1E600] =	vst v63  }
.LBB2_2:
0x67: {  	_ =	swait.ge [sflag:s1], $0x1000  }
0x68: {  	[sflag:s1] =	ssyncset.done $0x0  }
0x69: {  	[sflag:s1] =	ssyncadd.s32 $0xFFFFF000  }
0x6a: {  	_ =	swait.ge [sflag:s1], $0x1000  }
0x6b: {  	[sflag:s1] =	ssyncset.done $0x0  }
0x6c: {  	[sflag:s1] =	ssyncadd.s32 $0xFFFFF000  }
0x6d: {  	_ =	swait.ge [sflag:s1], $0x1000  }
0x6e: {  	[sflag:s1] =	ssyncset.done $0x0  }
0x6f: {  	[sflag:s1] =	ssyncadd.s32 $0xFFFFF000  }
0x70: {  	_ =	swait.ge [sflag:s1], $0x1000  }
0x71: {  	p0 =	seq.s32 s31, $0x0;
	[sflag:s1] =	ssyncset.done $0x0  }
0x72: {  	s6 =	simm.s32 @!p0 $0x3;
	[sflag:s1] =	ssyncadd.s32 $0xFFFFF000  }
0x73: {  	_ =	swait.ge @!p0 [sflag:s6], $0x1000  }
0x74: {  	[sflag:s6] =	ssyncset.done @!p0 $0x0  }
0x75: {  	[sflag:s6] =	ssyncadd.s32 @!p0 $0xFFFFF000  }
0x76: {  	_ =	swait.ge @!p0 [sflag:s6], $0x1000  }
0x77: {  	[sflag:s6] =	ssyncset.done @!p0 $0x0  }
0x78: {  	[sflag:s6] =	ssyncadd.s32 @!p0 $0xFFFFF000  }
0x79: {  	_ =	swait.ge @!p0 [sflag:s6], $0x1000  }
0x7a: {  	[sflag:s6] =	ssyncset.done @!p0 $0x0  }
0x7b: {  	[sflag:s6] =	ssyncadd.s32 @!p0 $0xFFFFF000  }
0x7c: {  	_ =	swait.ge @!p0 [sflag:s6], $0x1000  }
0x7d: {  	[sflag:s6] =	ssyncset.done @!p0 $0x0  }
0x7e: {  	[sflag:s6] =	ssyncadd.s32 @!p0 $0xFFFFF000  }
0x7f: {  	_ =	swait.ge @!p0 [sflag:s6], $0x1000  }
0x80: {  	[sflag:s6] =	ssyncset.done @!p0 $0x0  }
0x81: {  	[sflag:s6] =	ssyncadd.s32 @!p0 $0xFFFFF000  }
0x82: {  	_ =	swait.ge @!p0 [sflag:s6], $0x1000  }
0x83: {  	[sflag:s6] =	ssyncset.done @!p0 $0x0  }
0x84: {  	[sflag:s6] =	ssyncadd.s32 @!p0 $0xFFFFF000  }
0x85: {  	_ =	swait.ge @!p0 [sflag:s6], $0x1000  }
0x86: {  	[sflag:s6] =	ssyncset.done @!p0 $0x0  }
0x87: {  	[sflag:s6] =	ssyncadd.s32 @!p0 $0xFFFFF000  }
0x88: {  	_ =	swait.ge @!p0 [sflag:s6], $0x1000  }
0x89: {  	[sflag:s6] =	ssyncset.done @!p0 $0x0  }
0x8a: {  	s22 =	simm.s32 $0x6440;
	[sflag:s6] =	ssyncadd.s32 @!p0 $0xFFFFF000  }
0x8b: {  	v4 =	vld [tilespmem:s22+$0xFFFFFFC0]  }
0x8c: {  	s21 =	simm.s32 $0x0  }
0x8d: {  	v5 =	vmov s21;
	v6 =	vadd.s32 s21, v0  }
0x8e: {  	v7 =	vadd.s32 s21, v1;
	v6 =	vand.u32 $0x33F8, v6;
	v5 =	vand.u32 $0x4, v5  }
0x8f: {  	v7 =	vand.u32 $0x37F8, v7;
	v6 =	vor.u32 v5, v6  }
0x90: {  	v7 =	vor.u32 v5, v7;
	v8 =	vshll.u32 v4, $0xD;
	v9 =	vshll.u32 v4, $0x10  }
0x91: {  	v10 =	vshrl.u32 v4, $0x3;
	v8 =	vand.u32 $0xFFFE000, v8;
	v9 =	vand.u32 $0x80000000, v9  }
0x92: {  	v4 =	vand.u32 $0x80000000, v4;
	v8 =	vor.u32 v9, v8;
	v9 =	vand.u32 $0xFFFE000, v10  }
0x93: {  	v8 =	vmul.f32 $5.192296860e+33, v8;
	v4 =	vor.u32 v4, v9  }
0x94: {  	v4 =	vmul.f32 $5.192296860e+33, v4  }
0x95: {  	[tilespmem:v6+s0+$0x0] =	vst.idx.msk $0xffff, v8  }
0x96: {  	[tilespmem:v7+s0+$0x0] =	vst.idx.msk $0xffff, v4  }
0x97: {  	v4 =	vld [tilespmem:s22+$0xFFFFFFD0];
	_ =	sdelay $0x1  }
0x98: {  	v6 =	vadd.s32 s21, v2  }
0x99: {  	v7 =	vadd.s32 s21, v3;
	v6 =	vand.u32 $0x77F8, v6  }
0x9a: {  	v7 =	vand.u32 $0x77F8, v7;
	v6 =	vor.u32 v5, v6  }
0x9b: {  	v5 =	vor.u32 v5, v7;
	v7 =	vshll.u32 v4, $0xD;
	v8 =	vshll.u32 v4, $0x10  }
0x9c: {  	v9 =	vshrl.u32 v4, $0x3;
	v7 =	vand.u32 $0xFFFE000, v7;
	v8 =	vand.u32 $0x80000000, v8  }
0x9d: {  	v4 =	vand.u32 $0x80000000, v4;
	v9 =	vand.u32 $0xFFFE000, v9;
	v7 =	vor.u32 v8, v7  }
0x9e: {  	v4 =	vor.u32 v4, v9;
	v7 =	vmul.f32 $5.192296860e+33, v7  }
0x9f: {  	v4 =	vmul.f32 $5.192296860e+33, v4  }
0xa0: {  	[tilespmem:v6+s0+$0x0] =	vst.idx.msk $0xffff, v7  }
0xa1: {  	s23 =	simm.s32 $0x2;
	[tilespmem:v5+s0+$0x0] =	vst.idx.msk $0xffff, v4  }
0xa2: {  	s20 =	simm.s32 $0x1;
	v61 =	vadd.s32 s23, v1;
	v62 =	vadd.s32 s23, v2;
	v14 =	vadd.s32 s23, v3;
	v7 =	vld [tilespmem:s22+$0xFFFFFFE0]  }
0xa3: {  	v9 =	vadd.s32 s20, v1;
	v4 =	vmov s20;
	v5 =	vadd.s32 s20, v0  }
0xa4: {  	v5 =	vand.u32 $0x33F8, v5;
	v8 =	vand.u32 $0x5, v4;
	v4 =	vadd.s32 s20, v2  }
0xa5: {  	v6 =	vadd.s32 s20, v3;
	v10 =	vor.u32 v8, v5;
	v4 =	vand.u32 $0x77F8, v4  }
0xa6: {  	v5 =	vand.u32 $0x77F8, v6;
	v6 =	vand.u32 $0x37F8, v9;
	v9 =	vadd.s32 s23, v0  }
0xa7: {  	v6 =	vor.u32 v8, v6;
	v11 =	vshll.u32 v7, $0xD;
	v12 =	vshll.u32 v7, $0x10  }
0xa8: {  	v13 =	vshrl.u32 v7, $0x3;
	v11 =	vand.u32 $0xFFFE000, v11;
	v12 =	vand.u32 $0x80000000, v12  }
0xa9: {  	v7 =	vand.u32 $0x80000000, v7;
	v13 =	vand.u32 $0xFFFE000, v13;
	v11 =	vor.u32 v12, v11  }
0xaa: {  	v4 =	vor.u32 v8, v4;
	v7 =	vor.u32 v7, v13;
	v11 =	vmul.f32 $5.192296860e+33, v11  }
0xab: {  	v5 =	vor.u32 v8, v5;
	v8 =	vmov s23;
	v7 =	vmul.f32 $5.192296860e+33, v7  }
0xac: {  	v63 =	vand.u32 $0x77F8, v14;
	v9 =	vand.u32 $0x33F8, v9;
	v8 =	vand.u32 $0x6, v8;
	[tilespmem:v10+s0+$0x0] =	vst.idx.msk $0xffff, v11  }
0xad: {  	s17 =	sshll.u32 s31, $0x3;
	s30 =	simm.s32 $0x4;
	s19 =	simm.s32 $0xFFFFFFFC;
	v12 =	vand.u32 $0x37F8, v61;
	v10 =	vor.u32 v8, v9;
	v9 =	vand.u32 $0x77F8, v62;
	[tilespmem:v6+s0+$0x0] =	vst.idx.msk $0xffff, v7  }
0xae: {  	s18 =	sadd.s32 s5, s17;
	s20 =	simm.s32 $0x7470;
	s23 =	simm.s32 $0x6440;
	v11 =	vor.u32 v8, v12;
	v7 =	vor.u32 v8, v9;
	v6 =	vor.u32 v8, v63;
	v8 =	vld [tilespmem:s22+$0xFFFFFFF0]  }
.LBB2_3:
0xaf: {  	p1 =	slt.u32 s30, $0x7C  }
0xb0: {  	s22 =	sadd.s32 $0x80, s22;
	s14 =	smov.u32 s30;
	s30 =	sadd.s32 $0x4, s30  }
0xb1: {  	_ =	sdelay $0x1  }
0xb2: {  	v9 =	vshll.u32 v8, $0xD;
	v12 =	vshll.u32 v8, $0x10;
	v13 =	vshrl.u32 v8, $0x3  }
0xb3: {  	v8 =	vand.u32 $0x80000000, v8;
	v9 =	vand.u32 $0xFFFE000, v9;
	v12 =	vand.u32 $0x80000000, v12  }
0xb4: {  	v14 =	vadd.s32 s14, v1;
	v9 =	vor.u32 v12, v9;
	v12 =	vand.u32 $0xFFFE000, v13  }
0xb5: {  	v15 =	vadd.s32 s14, v0;
	v13 =	vmov s14;
	v16 =	vmul.f32 $5.192296860e+33, v9  }
0xb6: {  	v9 =	vand.u32 $0x33F8, v15;
	v13 =	vand.u32 $0x4, v13;
	v8 =	vor.u32 v8, v12  }
0xb7: {  	v12 =	vand.u32 $0x37F8, v14;
	v14 =	vmul.f32 $5.192296860e+33, v8  }
0xb8: {  	v9 =	vor.u32 v13, v9;
	v8 =	vor.u32 v13, v12;
	[tilespmem:v4+s0+$0x0] =	vst.idx.msk $0xffff, v16  }
0xb9: {  	[tilespmem:v5+s0+$0x0] =	vst.idx.msk $0xffff, v14  }
0xba: {  	v4 =	vld [tilespmem:s23+$0x0];
	_ =	sdelay $0x1  }
0xbb: {  	s6 =	sadd.s32 $0x3, s21;
	s21 =	smov.u32 s14  }
0xbc: {  	v5 =	vadd.s32 s6, v1  }
0xbd: {  	v14 =	vadd.s32 s6, v0  }
0xbe: {  	v12 =	vshll.u32 v4, $0xD;
	v15 =	vshll.u32 v4, $0x10;
	v16 =	vand.u32 $0x80000000, v4  }
0xbf: {  	v4 =	vshrl.u32 v4, $0x3;
	v12 =	vand.u32 $0xFFFE000, v12;
	v15 =	vand.u32 $0x80000000, v15  }
0xc0: {  	v4 =	vand.u32 $0xFFFE000, v4;
	v12 =	vor.u32 v15, v12  }
0xc1: {  	v4 =	vor.u32 v16, v4;
	v12 =	vmul.f32 $5.192296860e+33, v12  }
0xc2: {  	v4 =	vmul.f32 $5.192296860e+33, v4  }
0xc3: {  	[tilespmem:v10+s0+$0x0] =	vst.idx.msk $0xffff, v12  }
0xc4: {  	[tilespmem:v11+s0+$0x0] =	vst.idx.msk $0xffff, v4  }
0xc5: {  	v4 =	vld [tilespmem:s23+$0x10];
	_ =	sdelay $0x4  }
0xc6: {  	v10 =	vshll.u32 v4, $0xD;
	v11 =	vshll.u32 v4, $0x10;
	v12 =	vshrl.u32 v4, $0x3  }
0xc7: {  	v10 =	vand.u32 $0xFFFE000, v10;
	v11 =	vand.u32 $0x80000000, v11;
	v12 =	vand.u32 $0xFFFE000, v12  }
0xc8: {  	v4 =	vand.u32 $0x80000000, v4;
	v10 =	vor.u32 v11, v10  }
0xc9: {  	v4 =	vor.u32 v4, v12;
	v10 =	vmul.f32 $5.192296860e+33, v10  }
0xca: {  	v4 =	vmul.f32 $5.192296860e+33, v4  }
0xcb: {  	v11 =	vadd.s32 s21, v2;
	v12 =	vadd.s32 s21, v3;
	[tilespmem:v7+s0+$0x0] =	vst.idx.msk $0xffff, v10  }
0xcc: {  	v7 =	vand.u32 $0x77F8, v12;
	[tilespmem:v6+s0+$0x0] =	vst.idx.msk $0xffff, v4  }
0xcd: {  	v4 =	vand.u32 $0x77F8, v11;
	v10 =	vld [tilespmem:s23+$0x20]  }
0xce: {  	v12 =	vor.u32 v13, v7;
	v6 =	vor.u32 v13, v4;
	_ =	sdelay $0x3  }
0xcf: {  	v4 =	vshll.u32 v10, $0xD;
	v7 =	vshll.u32 v10, $0x10;
	v11 =	vshrl.u32 v10, $0x3  }
0xd0: {  	v4 =	vand.u32 $0xFFFE000, v4;
	v7 =	vand.u32 $0x80000000, v7;
	v11 =	vand.u32 $0xFFFE000, v11  }
0xd1: {  	v4 =	vor.u32 v7, v4;
	v7 =	vand.u32 $0x80000000, v10  }
0xd2: {  	v4 =	vmul.f32 $5.192296860e+33, v4;
	v7 =	vor.u32 v7, v11  }
0xd3: {  	v7 =	vmul.f32 $5.192296860e+33, v7  }
0xd4: {  	[tilespmem:v14+s0+$0x0] =	vst.idx.msk $0xffff, v4  }
0xd5: {  	s14 =	sadd.s32 $0x1, s21;
	[tilespmem:v5+s0+$0x0] =	vst.idx.msk $0xffff, v7  }
0xd6: {  	v4 =	vmov s14;
	v5 =	vadd.s32 s14, v0;
	v7 =	vadd.s32 s14, v3;
	v10 =	vld [tilespmem:s23+$0x30];
	s23 =	smov.u32 s22  }
0xd7: {  	v11 =	vand.u32 $0x5, v4;
	v5 =	vand.u32 $0x33F8, v5  }
0xd8: {  	v13 =	vadd.s32 s14, v1;
	v14 =	vadd.s32 s6, v3;
	v4 =	vadd.s32 s14, v2  }
0xd9: {  	v4 =	vand.u32 $0x77F8, v4;
	v15 =	vor.u32 v11, v5;
	v5 =	vand.u32 $0x77F8, v7  }
0xda: {  	v4 =	vor.u32 v11, v4;
	v7 =	vadd.s32 s6, v2;
	v5 =	vor.u32 v11, v5  }
0xdb: {  	v16 =	vshll.u32 v10, $0xD;
	v17 =	vshll.u32 v10, $0x10;
	v18 =	vshrl.u32 v10, $0x3  }
0xdc: {  	v16 =	vand.u32 $0xFFFE000, v16;
	v17 =	vand.u32 $0x80000000, v17;
	v18 =	vand.u32 $0xFFFE000, v18  }
0xdd: {  	v13 =	vand.u32 $0x37F8, v13;
	v10 =	vand.u32 $0x80000000, v10;
	v16 =	vor.u32 v17, v16  }
0xde: {  	v13 =	vor.u32 v11, v13;
	v10 =	vor.u32 v10, v18;
	v11 =	vmul.f32 $5.192296860e+33, v16  }
0xdf: {  	v10 =	vmul.f32 $5.192296860e+33, v10  }
0xe0: {  	[tilespmem:v7+s0+$0x0] =	vst.idx.msk $0xffff, v11  }
0xe1: {  	[tilespmem:v14+s0+$0x0] =	vst.idx.msk $0xffff, v10  }
0xe2: {  	v7 =	vld [tilespmem:s22+$0xFFFFFFC0];
	_ =	sdelay $0x4  }
0xe3: {  	v10 =	vshll.u32 v7, $0xD;
	v11 =	vshll.u32 v7, $0x10;
	v14 =	vand.u32 $0x80000000, v7  }
0xe4: {  	v7 =	vshrl.u32 v7, $0x3;
	v10 =	vand.u32 $0xFFFE000, v10;
	v11 =	vand.u32 $0x80000000, v11  }
0xe5: {  	v7 =	vand.u32 $0xFFFE000, v7;
	v10 =	vor.u32 v11, v10  }
0xe6: {  	v7 =	vor.u32 v14, v7;
	v10 =	vmul.f32 $5.192296860e+33, v10  }
0xe7: {  	v7 =	vmul.f32 $5.192296860e+33, v7  }
0xe8: {  	[tilespmem:v9+s0+$0x0] =	vst.idx.msk $0xffff, v10  }
0xe9: {  	[tilespmem:v8+s0+$0x0] =	vst.idx.msk $0xffff, v7  }
0xea: {  	v7 =	vld [tilespmem:s22+$0xFFFFFFD0];
	_ =	sdelay $0x1  }
0xeb: {  	s6 =	sadd.s32 $0x2, s21  }
0xec: {  	v9 =	vadd.s32 s6, v0;
	v10 =	vadd.s32 s6, v1;
	v8 =	vmov s6  }
0xed: {  	v9 =	vand.u32 $0x33F8, v9;
	v11 =	vand.u32 $0x37F8, v10;
	v8 =	vand.u32 $0x6, v8  }
0xee: {  	v14 =	vshll.u32 v7, $0xD;
	v16 =	vshll.u32 v7, $0x10;
	v10 =	vshrl.u32 v7, $0x3  }
0xef: {  	v7 =	vand.u32 $0x80000000, v7;
	v17 =	vand.u32 $0xFFFE000, v10;
	v10 =	vor.u32 v8, v9  }
0xf0: {  	v9 =	vand.u32 $0xFFFE000, v14;
	v14 =	vand.u32 $0x80000000, v16;
	v7 =	vor.u32 v7, v17  }
0xf1: {  	v11 =	vor.u32 v8, v11;
	v9 =	vor.u32 v14, v9  }
0xf2: {  	v16 =	vadd.s32 s6, v3;
	v14 =	vadd.s32 s6, v2;
	v9 =	vmul.f32 $5.192296860e+33, v9  }
0xf3: {  	v17 =	vmul.f32 $5.192296860e+33, v7;
	v7 =	vand.u32 $0x77F8, v14;
	v14 =	vand.u32 $0x77F8, v16  }
0xf4: {  	v7 =	vor.u32 v8, v7;
	[tilespmem:v6+s0+$0x0] =	vst.idx.msk $0xffff, v9;
	v6 =	vor.u32 v8, v14  }
0xf5: {  	[tilespmem:v12+s0+$0x0] =	vst.idx.msk $0xffff, v17  }
0xf6: {  	v8 =	vld [tilespmem:s22+$0xFFFFFFE0];
	_ =	sdelay $0x4  }
0xf7: {  	v9 =	vshll.u32 v8, $0xD;
	v12 =	vshll.u32 v8, $0x10;
	v14 =	vshrl.u32 v8, $0x3  }
0xf8: {  	v9 =	vand.u32 $0xFFFE000, v9;
	v12 =	vand.u32 $0x80000000, v12;
	v14 =	vand.u32 $0xFFFE000, v14  }
0xf9: {  	v8 =	vand.u32 $0x80000000, v8;
	v9 =	vor.u32 v12, v9  }
0xfa: {  	v8 =	vor.u32 v8, v14;
	v9 =	vmul.f32 $5.192296860e+33, v9  }
.Ltmp2:
0xfb: {  	v8 =	vmul.f32 $5.192296860e+33, v8;
	(pc) =	sbr.rel @p1 .LBB2_3-.Ltmp2, $3  }
0xfc: {  	[tilespmem:v15+s0+$0x0] =	vst.idx.msk $0xffff, v9  }
0xfd: {  	[tilespmem:v13+s0+$0x0] =	vst.idx.msk $0xffff, v8  }
0xfe: {  	v8 =	vld [tilespmem:s22+$0xFFFFFFF0];
	_ =	sdelay $0x1  }
0xff: {  	_ =	sdelay $0x2  }
0x100: {  	v9 =	vshll.u32 v8, $0xD;
	v12 =	vshll.u32 v8, $0x10  }
0x101: {  	v13 =	vshrl.u32 v8, $0x3;
	v9 =	vand.u32 $0xFFFE000, v9;
	v12 =	vand.u32 $0x80000000, v12  }
0x102: {  	v36 =	vand.u32 $0x80000000, v8;
	v37 =	vand.u32 $0xFFFE000, v13;
	v9 =	vor.u32 v12, v9  }
0x103: {  	v8 =	vor.u32 v36, v37;
	v9 =	vmul.f32 $5.192296860e+33, v9  }
0x104: {  	v8 =	vmul.f32 $5.192296860e+33, v8  }
0x105: {  	[tilespmem:v4+s0+$0x0] =	vst.idx.msk $0xffff, v9  }
0x106: {  	[tilespmem:v5+s0+$0x0] =	vst.idx.msk $0xffff, v8  }
0x107: {  	v4 =	vld [tilespmem:s23+$0x0];
	_ =	sdelay $0x4  }
0x108: {  	v5 =	vshll.u32 v4, $0xD;
	v38 =	vshll.u32 v4, $0x10  }
0x109: {  	v39 =	vshrl.u32 v4, $0x3;
	v5 =	vand.u32 $0xFFFE000, v5;
	v8 =	vand.u32 $0x80000000, v38  }
0x10a: {  	v4 =	vand.u32 $0x80000000, v4;
	v40 =	vand.u32 $0xFFFE000, v39;
	v5 =	vor.u32 v8, v5  }
0x10b: {  	v4 =	vor.u32 v4, v40;
	v5 =	vmul.f32 $5.192296860e+33, v5  }
0x10c: {  	v4 =	vmul.f32 $5.192296860e+33, v4  }
0x10d: {  	[tilespmem:v10+s0+$0x0] =	vst.idx.msk $0xffff, v5  }
0x10e: {  	[tilespmem:v11+s0+$0x0] =	vst.idx.msk $0xffff, v4  }
0x10f: {  	v4 =	vld [tilespmem:s23+$0x10];
	_ =	sdelay $0x4  }
0x110: {  	v5 =	vshll.u32 v4, $0xD;
	v41 =	vshll.u32 v4, $0x10  }
0x111: {  	v42 =	vshrl.u32 v4, $0x3;
	v5 =	vand.u32 $0xFFFE000, v5;
	v8 =	vand.u32 $0x80000000, v41  }
0x112: {  	v4 =	vand.u32 $0x80000000, v4;
	v9 =	vand.u32 $0xFFFE000, v42;
	v5 =	vor.u32 v8, v5  }
0x113: {  	v4 =	vor.u32 v4, v9;
	v5 =	vmul.f32 $5.192296860e+33, v5  }
0x114: {  	v4 =	vmul.f32 $5.192296860e+33, v4  }
0x115: {  	[tilespmem:v7+s0+$0x0] =	vst.idx.msk $0xffff, v5  }
0x116: {  	[tilespmem:v6+s0+$0x0] =	vst.idx.msk $0xffff, v4  }
0x117: {  	v4 =	vld [tilespmem:s23+$0x20];
	_ =	sdelay $0x2  }
0x118: {  	s6 =	sadd.s32 $0x3, s21  }
0x119: {  	v5 =	vadd.s32 s6, v1  }
0x11a: {  	v6 =	vadd.s32 s6, v0;
	v7 =	vshll.u32 v4, $0xD;
	v43 =	vshll.u32 v4, $0x10  }
0x11b: {  	v44 =	vshrl.u32 v4, $0x3;
	v7 =	vand.u32 $0xFFFE000, v7;
	v8 =	vand.u32 $0x80000000, v43  }
0x11c: {  	v4 =	vand.u32 $0x80000000, v4;
	v9 =	vand.u32 $0xFFFE000, v44;
	v7 =	vor.u32 v8, v7  }
0x11d: {  	v4 =	vor.u32 v4, v9;
	v7 =	vmul.f32 $5.192296860e+33, v7  }
0x11e: {  	v4 =	vmul.f32 $5.192296860e+33, v4  }
0x11f: {  	[tilespmem:v6+s0+$0x0] =	vst.idx.msk $0xffff, v7  }
0x120: {  	[tilespmem:v5+s0+$0x0] =	vst.idx.msk $0xffff, v4  }
0x121: {  	v4 =	vld [tilespmem:s23+$0x30];
	_ =	sdelay $0x3  }
0x122: {  	v6 =	vadd.s32 s6, v2  }
0x123: {  	v5 =	vadd.s32 s6, v3;
	v7 =	vshll.u32 v4, $0xD;
	v45 =	vshll.u32 v4, $0x10  }
0x124: {  	v46 =	vshrl.u32 v4, $0x3;
	v7 =	vand.u32 $0xFFFE000, v7;
	v8 =	vand.u32 $0x80000000, v45  }
0x125: {  	v4 =	vand.u32 $0x80000000, v4;
	v9 =	vand.u32 $0xFFFE000, v46;
	v7 =	vor.u32 v8, v7  }
0x126: {  	v4 =	vor.u32 v4, v9;
	v7 =	vmul.f32 $5.192296860e+33, v7  }
0x127: {  	v4 =	vmul.f32 $5.192296860e+33, v4  }
0x128: {  	[tilespmem:v6+s0+$0x0] =	vst.idx.msk $0xffff, v7  }
0x129: {  	[tilespmem:v5+s0+$0x0] =	vst.idx.msk $0xffff, v4  }
0x12a: {  	v4 =	vld [tilespmem:s20+$0xFFFFFF90]  }
0x12b: {  	s21 =	simm.s32 $0x400  }
0x12c: {  	v6 =	vadd.s32 s21, v1;
	v5 =	vmov s21  }
0x12d: {  	v7 =	vadd.s32 s21, v0;
	v6 =	vand.u32 $0x3FF8, v6;
	v5 =	vand.u32 $0x4, v5  }
0x12e: {  	v7 =	vand.u32 $0x37F8, v7;
	v6 =	vor.u32 v5, v6  }
0x12f: {  	v7 =	vor.u32 v5, v7;
	v47 =	vshll.u32 v4, $0xD;
	v48 =	vshll.u32 v4, $0x10  }
0x130: {  	v49 =	vshrl.u32 v4, $0x3;
	v8 =	vand.u32 $0xFFFE000, v47;
	v9 =	vand.u32 $0x80000000, v48  }
0x131: {  	v4 =	vand.u32 $0x80000000, v4;
	v50 =	vand.u32 $0xFFFE000, v49;
	v8 =	vor.u32 v9, v8  }
0x132: {  	v4 =	vor.u32 v4, v50;
	v8 =	vmul.f32 $5.192296860e+33, v8  }
0x133: {  	v4 =	vmul.f32 $5.192296860e+33, v4  }
0x134: {  	[tilespmem:v7+s0+$0x0] =	vst.idx.msk $0xffff, v8  }
0x135: {  	[tilespmem:v6+s0+$0x0] =	vst.idx.msk $0xffff, v4  }
0x136: {  	v4 =	vld [tilespmem:s20+$0xFFFFFFA0];
	_ =	sdelay $0x1  }
0x137: {  	v6 =	vadd.s32 s21, v2  }
0x138: {  	v7 =	vadd.s32 s21, v3;
	v6 =	vand.u32 $0x7FF8, v6  }
0x139: {  	v7 =	vand.u32 $0x7FF8, v7;
	v6 =	vor.u32 v5, v6  }
0x13a: {  	v5 =	vor.u32 v5, v7;
	v7 =	vshll.u32 v4, $0xD;
	v51 =	vshll.u32 v4, $0x10  }
0x13b: {  	v52 =	vshrl.u32 v4, $0x3;
	v8 =	vand.u32 $0x80000000, v51;
	v7 =	vand.u32 $0xFFFE000, v7  }
0x13c: {  	v4 =	vand.u32 $0x80000000, v4;
	v9 =	vand.u32 $0xFFFE000, v52;
	v7 =	vor.u32 v8, v7  }
0x13d: {  	v4 =	vor.u32 v4, v9;
	v7 =	vmul.f32 $5.192296860e+33, v7  }
0x13e: {  	v4 =	vmul.f32 $5.192296860e+33, v4  }
0x13f: {  	[tilespmem:v6+s0+$0x0] =	vst.idx.msk $0xffff, v7  }
0x140: {  	[tilespmem:v5+s0+$0x0] =	vst.idx.msk $0xffff, v4  }
0x141: {  	v4 =	vld [tilespmem:s20+$0xFFFFFFB0]  }
0x142: {  	s22 =	simm.s32 $0x401  }
0x143: {  	v6 =	vadd.s32 s22, v1;
	v5 =	vmov s22  }
0x144: {  	v7 =	vadd.s32 s22, v0;
	v6 =	vand.u32 $0x3FF8, v6;
	v5 =	vand.u32 $0x5, v5  }
0x145: {  	v7 =	vand.u32 $0x37F8, v7;
	v6 =	vor.u32 v5, v6  }
0x146: {  	v7 =	vor.u32 v5, v7;
	v53 =	vshll.u32 v4, $0xD;
	v54 =	vshll.u32 v4, $0x10  }
0x147: {  	v55 =	vshrl.u32 v4, $0x3;
	v8 =	vand.u32 $0xFFFE000, v53;
	v9 =	vand.u32 $0x80000000, v54  }
0x148: {  	v4 =	vand.u32 $0x80000000, v4;
	v10 =	vand.u32 $0xFFFE000, v55;
	v8 =	vor.u32 v9, v8  }
0x149: {  	v4 =	vor.u32 v4, v10;
	v8 =	vmul.f32 $5.192296860e+33, v8  }
0x14a: {  	v4 =	vmul.f32 $5.192296860e+33, v4  }
0x14b: {  	[tilespmem:v7+s0+$0x0] =	vst.idx.msk $0xffff, v8  }
0x14c: {  	[tilespmem:v6+s0+$0x0] =	vst.idx.msk $0xffff, v4  }
0x14d: {  	v4 =	vld [tilespmem:s20+$0xFFFFFFC0];
	_ =	sdelay $0x1  }
0x14e: {  	v6 =	vadd.s32 s22, v2  }
0x14f: {  	v7 =	vadd.s32 s22, v3;
	v6 =	vand.u32 $0x7FF8, v6  }
0x150: {  	v7 =	vand.u32 $0x7FF8, v7;
	v6 =	vor.u32 v5, v6  }
0x151: {  	v5 =	vor.u32 v5, v7;
	v7 =	vshll.u32 v4, $0xD;
	v56 =	vshll.u32 v4, $0x10  }
0x152: {  	v57 =	vshrl.u32 v4, $0x3;
	v7 =	vand.u32 $0xFFFE000, v7;
	v8 =	vand.u32 $0x80000000, v56  }
0x153: {  	v4 =	vand.u32 $0x80000000, v4;
	v58 =	vand.u32 $0xFFFE000, v57;
	v7 =	vor.u32 v8, v7  }
0x154: {  	v4 =	vor.u32 v4, v58;
	v7 =	vmul.f32 $5.192296860e+33, v7  }
0x155: {  	v4 =	vmul.f32 $5.192296860e+33, v4  }
0x156: {  	[tilespmem:v6+s0+$0x0] =	vst.idx.msk $0xffff, v7  }
0x157: {  	[tilespmem:v5+s0+$0x0] =	vst.idx.msk $0xffff, v4  }
0x158: {  	v4 =	vld [tilespmem:s20+$0xFFFFFFD0]  }
0x159: {  	s23 =	simm.s32 $0x402  }
0x15a: {  	v6 =	vadd.s32 s23, v1;
	v5 =	vmov s23  }
0x15b: {  	v7 =	vadd.s32 s23, v0;
	v6 =	vand.u32 $0x3FF8, v6;
	v5 =	vand.u32 $0x6, v5  }
0x15c: {  	v7 =	vand.u32 $0x37F8, v7;
	v6 =	vor.u32 v5, v6  }
0x15d: {  	v7 =	vor.u32 v5, v7;
	v59 =	vshll.u32 v4, $0xD;
	v60 =	vshll.u32 v4, $0x10  }
0x15e: {  	v61 =	vshrl.u32 v4, $0x3;
	v8 =	vand.u32 $0xFFFE000, v59;
	v9 =	vand.u32 $0x80000000, v60  }
0x15f: {  	v4 =	vand.u32 $0x80000000, v4;
	v10 =	vand.u32 $0xFFFE000, v61;
	v8 =	vor.u32 v9, v8  }
0x160: {  	v4 =	vor.u32 v4, v10;
	v8 =	vmul.f32 $5.192296860e+33, v8  }
0x161: {  	v4 =	vmul.f32 $5.192296860e+33, v4  }
0x162: {  	[tilespmem:v7+s0+$0x0] =	vst.idx.msk $0xffff, v8  }
0x163: {  	[tilespmem:v6+s0+$0x0] =	vst.idx.msk $0xffff, v4  }
0x164: {  	v4 =	vld [tilespmem:s20+$0xFFFFFFE0];
	_ =	sdelay $0x1  }
0x165: {  	v6 =	vadd.s32 s23, v2  }
0x166: {  	v7 =	vadd.s32 s23, v3;
	v6 =	vand.u32 $0x7FF8, v6  }
0x167: {  	v7 =	vand.u32 $0x7FF8, v7;
	v6 =	vor.u32 v5, v6  }
0x168: {  	v5 =	vor.u32 v5, v7;
	v7 =	vshll.u32 v4, $0xD;
	v62 =	vshll.u32 v4, $0x10  }
0x169: {  	v63 =	vshrl.u32 v4, $0x3;
	v7 =	vand.u32 $0xFFFE000, v7;
	v8 =	vand.u32 $0x80000000, v62  }
0x16a: {  	v4 =	vand.u32 $0x80000000, v4;
	v9 =	vand.u32 $0xFFFE000, v63;
	v7 =	vor.u32 v8, v7  }
0x16b: {  	v4 =	vor.u32 v4, v9;
	v7 =	vmul.f32 $5.192296860e+33, v7  }
0x16c: {  	v4 =	vmul.f32 $5.192296860e+33, v4  }
0x16d: {  	[tilespmem:v6+s0+$0x0] =	vst.idx.msk $0xffff, v7  }
0x16e: {  	[tilespmem:v5+s0+$0x0] =	vst.idx.msk $0xffff, v4  }
0x16f: {  	v4 =	vld [tilespmem:s20+$0xFFFFFFF0]  }
0x170: {  	s30 =	simm.s32 $0xFFFFFFFC  }
0x171: {  	s21 =	simm.s32 $0x8470;
	s22 =	simm.s32 $0x7470;
	s23 =	simm.s32 $0x0  }
.LBB2_5:
0x172: {  	s6 =	sadd.s32 $0x407, s30  }
0x173: {  	s20 =	sadd.s32 $0x80, s20;
	s30 =	smov.u32 s23;
	s23 =	sadd.s32 $0x4, s23  }
0x174: {  	p1 =	slt.u32 s23, $0x7C;
	v5 =	vshll.u32 v4, $0xD;
	v6 =	vshll.u32 v4, $0x10;
	v7 =	vadd.s32 s6, v1  }
0x175: {  	v8 =	vshrl.u32 v4, $0x3;
	v5 =	vand.u32 $0xFFFE000, v5;
	v6 =	vand.u32 $0x80000000, v6  }
0x176: {  	v4 =	vand.u32 $0x80000000, v4;
	v5 =	vor.u32 v6, v5;
	v6 =	vadd.s32 s6, v0  }
0x177: {  	v8 =	vand.u32 $0xFFFE000, v8;
	v5 =	vmul.f32 $5.192296860e+33, v5  }
0x178: {  	v4 =	vor.u32 v4, v8  }
0x179: {  	s14 =	sadd.s32 $0x404, s30;
	v4 =	vmul.f32 $5.192296860e+33, v4  }
0x17a: {  	v9 =	vadd.s32 s14, v0;
	v10 =	vadd.s32 s14, v1;
	v8 =	vmov s14  }
0x17b: {  	v9 =	vand.u32 $0x37F8, v9;
	v10 =	vand.u32 $0x3FF8, v10;
	v8 =	vand.u32 $0x4, v8;
	[tilespmem:v6+s0+$0x0] =	vst.idx.msk $0xffff, v5  }
0x17c: {  	v5 =	vor.u32 v8, v10;
	v6 =	vadd.s32 s14, v3;
	[tilespmem:v7+s0+$0x0] =	vst.idx.msk $0xffff, v4  }
0x17d: {  	v4 =	vor.u32 v8, v9;
	v7 =	vld [tilespmem:s22+$0x0];
	s22 =	smov.u32 s20;
	_ =	sdelay $0x1  }
0x17e: {  	v10 =	vadd.s32 s6, v2;
	v9 =	vadd.s32 s14, v2;
	v6 =	vand.u32 $0x7FF8, v6  }
0x17f: {  	v9 =	vand.u32 $0x7FF8, v9  }
0x180: {  	v11 =	vadd.s32 s6, v3;
	v9 =	vor.u32 v8, v9  }
0x181: {  	v6 =	vor.u32 v8, v6;
	v8 =	vshll.u32 v7, $0xD;
	v12 =	vshll.u32 v7, $0x10  }
0x182: {  	v13 =	vshrl.u32 v7, $0x3;
	v8 =	vand.u32 $0xFFFE000, v8;
	v12 =	vand.u32 $0x80000000, v12  }
0x183: {  	v7 =	vand.u32 $0x80000000, v7;
	v8 =	vor.u32 v12, v8;
	v12 =	vand.u32 $0xFFFE000, v13  }
0x184: {  	v8 =	vmul.f32 $5.192296860e+33, v8;
	v7 =	vor.u32 v7, v12  }
0x185: {  	v7 =	vmul.f32 $5.192296860e+33, v7  }
0x186: {  	[tilespmem:v10+s0+$0x0] =	vst.idx.msk $0xffff, v8  }
0x187: {  	[tilespmem:v11+s0+$0x0] =	vst.idx.msk $0xffff, v7  }
0x188: {  	v7 =	vld [tilespmem:s20+$0xFFFFFF90];
	_ =	sdelay $0x4  }
0x189: {  	v8 =	vshll.u32 v7, $0xD;
	v10 =	vshll.u32 v7, $0x10;
	v11 =	vand.u32 $0x80000000, v7  }
0x18a: {  	v7 =	vshrl.u32 v7, $0x3;
	v8 =	vand.u32 $0xFFFE000, v8;
	v10 =	vand.u32 $0x80000000, v10  }
0x18b: {  	v7 =	vand.u32 $0xFFFE000, v7;
	v8 =	vor.u32 v10, v8  }
0x18c: {  	v7 =	vor.u32 v11, v7;
	v8 =	vmul.f32 $5.192296860e+33, v8  }
0x18d: {  	s6 =	sadd.s32 $0x405, s30;
	v7 =	vmul.f32 $5.192296860e+33, v7  }
0x18e: {  	v10 =	vadd.s32 s6, v1;
	[tilespmem:v4+s0+$0x0] =	vst.idx.msk $0xffff, v8;
	v4 =	vmov s6;
	v8 =	vadd.s32 s6, v0  }
0x18f: {  	[tilespmem:v5+s0+$0x0] =	vst.idx.msk $0xffff, v7;
	v5 =	vand.u32 $0x37F8, v8;
	v4 =	vand.u32 $0x5, v4;
	v7 =	vand.u32 $0x3FF8, v10  }
0x190: {  	v11 =	vadd.s32 s6, v3;
	v10 =	vadd.s32 s6, v2;
	v8 =	vld [tilespmem:s20+$0xFFFFFFA0];
	v7 =	vor.u32 v4, v7  }
0x191: {  	v5 =	vor.u32 v4, v5;
	v10 =	vand.u32 $0x7FF8, v10  }
0x192: {  	v11 =	vand.u32 $0x7FF8, v11;
	v10 =	vor.u32 v4, v10  }
0x193: {  	v4 =	vor.u32 v4, v11;
	_ =	sdelay $0x1  }
0x194: {  	v11 =	vshll.u32 v8, $0xD;
	v12 =	vshll.u32 v8, $0x10;
	v13 =	vshrl.u32 v8, $0x3  }
0x195: {  	v8 =	vand.u32 $0x80000000, v8;
	v12 =	vand.u32 $0x80000000, v12;
	v13 =	vand.u32 $0xFFFE000, v13  }
0x196: {  	v11 =	vand.u32 $0xFFFE000, v11;
	v8 =	vor.u32 v8, v13  }
0x197: {  	v11 =	vor.u32 v12, v11;
	v8 =	vmul.f32 $5.192296860e+33, v8  }
0x198: {  	v11 =	vmul.f32 $5.192296860e+33, v11;
	_ =	sdelay $0x1  }
0x199: {  	[tilespmem:v9+s0+$0x0] =	vst.idx.msk $0xffff, v11  }
0x19a: {  	[tilespmem:v6+s0+$0x0] =	vst.idx.msk $0xffff, v8  }
0x19b: {  	v6 =	vld [tilespmem:s20+$0xFFFFFFB0];
	_ =	sdelay $0x4  }
0x19c: {  	v8 =	vshll.u32 v6, $0xD;
	v9 =	vshll.u32 v6, $0x10;
	v11 =	vshrl.u32 v6, $0x3  }
0x19d: {  	v8 =	vand.u32 $0xFFFE000, v8;
	v9 =	vand.u32 $0x80000000, v9;
	v11 =	vand.u32 $0xFFFE000, v11  }
0x19e: {  	v6 =	vand.u32 $0x80000000, v6;
	v8 =	vor.u32 v9, v8  }
0x19f: {  	v6 =	vor.u32 v6, v11;
	v8 =	vmul.f32 $5.192296860e+33, v8  }
0x1a0: {  	v6 =	vmul.f32 $5.192296860e+33, v6  }
0x1a1: {  	[tilespmem:v5+s0+$0x0] =	vst.idx.msk $0xffff, v8  }
0x1a2: {  	[tilespmem:v7+s0+$0x0] =	vst.idx.msk $0xffff, v6  }
0x1a3: {  	s6 =	sadd.s32 $0x406, s30;
	v5 =	vld [tilespmem:s20+$0xFFFFFFC0]  }
0x1a4: {  	v8 =	vadd.s32 s6, v1;
	v6 =	vmov s6;
	v7 =	vadd.s32 s6, v0  }
0x1a5: {  	v8 =	vand.u32 $0x3FF8, v8;
	v7 =	vand.u32 $0x37F8, v7;
	v6 =	vand.u32 $0x6, v6  }
0x1a6: {  	v9 =	vadd.s32 s6, v2;
	v11 =	vadd.s32 s6, v3;
	v8 =	vor.u32 v6, v8  }
0x1a7: {  	v9 =	vand.u32 $0x7FF8, v9;
	v11 =	vand.u32 $0x7FF8, v11;
	v7 =	vor.u32 v6, v7  }
0x1a8: {  	v12 =	vshll.u32 v5, $0xD;
	v13 =	vshll.u32 v5, $0x10;
	v14 =	vshrl.u32 v5, $0x3  }
0x1a9: {  	v5 =	vand.u32 $0x80000000, v5;
	v12 =	vand.u32 $0xFFFE000, v12;
	v13 =	vand.u32 $0x80000000, v13  }
0x1aa: {  	v9 =	vor.u32 v6, v9;
	v12 =	vor.u32 v13, v12;
	v13 =	vand.u32 $0xFFFE000, v14  }
0x1ab: {  	v6 =	vor.u32 v6, v11;
	v12 =	vmul.f32 $5.192296860e+33, v12;
	v5 =	vor.u32 v5, v13  }
0x1ac: {  	v5 =	vmul.f32 $5.192296860e+33, v5  }
0x1ad: {  	[tilespmem:v10+s0+$0x0] =	vst.idx.msk $0xffff, v12  }
0x1ae: {  	[tilespmem:v4+s0+$0x0] =	vst.idx.msk $0xffff, v5  }
0x1af: {  	v4 =	vld [tilespmem:s20+$0xFFFFFFD0];
	_ =	sdelay $0x4  }
0x1b0: {  	v5 =	vshll.u32 v4, $0xD;
	v10 =	vshll.u32 v4, $0x10;
	v11 =	vshrl.u32 v4, $0x3  }
0x1b1: {  	v5 =	vand.u32 $0xFFFE000, v5;
	v10 =	vand.u32 $0x80000000, v10;
	v11 =	vand.u32 $0xFFFE000, v11  }
0x1b2: {  	v4 =	vand.u32 $0x80000000, v4;
	v5 =	vor.u32 v10, v5  }
0x1b3: {  	v4 =	vor.u32 v4, v11;
	v5 =	vmul.f32 $5.192296860e+33, v5  }
0x1b4: {  	v4 =	vmul.f32 $5.192296860e+33, v4  }
0x1b5: {  	[tilespmem:v7+s0+$0x0] =	vst.idx.msk $0xffff, v5  }
0x1b6: {  	[tilespmem:v8+s0+$0x0] =	vst.idx.msk $0xffff, v4  }
0x1b7: {  	v4 =	vld [tilespmem:s20+$0xFFFFFFE0];
	_ =	sdelay $0x4  }
0x1b8: {  	v5 =	vshll.u32 v4, $0xD;
	v7 =	vshll.u32 v4, $0x10;
	v8 =	vshrl.u32 v4, $0x3  }
0x1b9: {  	v5 =	vand.u32 $0xFFFE000, v5;
	v7 =	vand.u32 $0x80000000, v7;
	v8 =	vand.u32 $0xFFFE000, v8  }
0x1ba: {  	v4 =	vand.u32 $0x80000000, v4;
	v5 =	vor.u32 v7, v5  }
0x1bb: {  	v4 =	vor.u32 v4, v8;
	v5 =	vmul.f32 $5.192296860e+33, v5  }
0x1bc: {  	v4 =	vmul.f32 $5.192296860e+33, v4  }
0x1bd: {  	[tilespmem:v9+s0+$0x0] =	vst.idx.msk $0xffff, v5  }
.Ltmp3:
0x1be: {  	[tilespmem:v6+s0+$0x0] =	vst.idx.msk $0xffff, v4;
	(pc) =	sbr.rel @p1 .LBB2_5-.Ltmp3, $1  }
0x1bf: {  	v4 =	vld [tilespmem:s20+$0xFFFFFFF0];
	_ =	sdelay $0x3  }
0x1c0: {  	_ = 	snop  }
0x1c1: {  	s6 =	sadd.s32 $0x407, s30;
	v5 =	vshll.u32 v4, $0xD  }
0x1c2: {  	v6 =	vshll.u32 v4, $0x10;
	v7 =	vadd.s32 s6, v1;
	v8 =	vadd.s32 s6, v0  }
0x1c3: {  	v9 =	vshrl.u32 v4, $0x3;
	v5 =	vand.u32 $0xFFFE000, v5;
	v6 =	vand.u32 $0x80000000, v6  }
0x1c4: {  	v4 =	vand.u32 $0x80000000, v4;
	v5 =	vor.u32 v6, v5;
	v6 =	vand.u32 $0xFFFE000, v9  }
0x1c5: {  	v5 =	vmul.f32 $5.192296860e+33, v5;
	v4 =	vor.u32 v4, v6  }
0x1c6: {  	v4 =	vmul.f32 $5.192296860e+33, v4  }
0x1c7: {  	[tilespmem:v8+s0+$0x0] =	vst.idx.msk $0xffff, v5  }
0x1c8: {  	[tilespmem:v7+s0+$0x0] =	vst.idx.msk $0xffff, v4  }
0x1c9: {  	v4 =	vld [tilespmem:s22+$0x0];
	_ =	sdelay $0x3  }
0x1ca: {  	v6 =	vadd.s32 s6, v3  }
0x1cb: {  	v5 =	vadd.s32 s6, v2;
	v7 =	vshll.u32 v4, $0xD;
	v8 =	vshll.u32 v4, $0x10  }
0x1cc: {  	v52 =	vshrl.u32 v4, $0x3;
	v7 =	vand.u32 $0xFFFE000, v7;
	v8 =	vand.u32 $0x80000000, v8  }
0x1cd: {  	v4 =	vand.u32 $0x80000000, v4;
	v7 =	vor.u32 v8, v7;
	v8 =	vand.u32 $0xFFFE000, v52  }
0x1ce: {  	v7 =	vmul.f32 $5.192296860e+33, v7;
	v4 =	vor.u32 v4, v8  }
0x1cf: {  	v4 =	vmul.f32 $5.192296860e+33, v4  }
0x1d0: {  	[tilespmem:v5+s0+$0x0] =	vst.idx.msk $0xffff, v7  }
0x1d1: {  	[tilespmem:v6+s0+$0x0] =	vst.idx.msk $0xffff, v4  }
0x1d2: {  	v4 =	vld [tilespmem:s21+$0xFFFFFF90]  }
0x1d3: {  	s20 =	simm.s32 $0x800  }
0x1d4: {  	v5 =	vmov s20;
	v7 =	vadd.s32 s20, v1  }
0x1d5: {  	v6 =	vadd.s32 s20, v0;
	v5 =	vand.u32 $0x4, v5;
	v7 =	vand.u32 $0x3FF8, v7  }
0x1d6: {  	v6 =	vand.u32 $0x3BF8, v6;
	v7 =	vor.u32 v5, v7  }
0x1d7: {  	v6 =	vor.u32 v5, v6;
	v8 =	vshll.u32 v4, $0xD;
	v53 =	vshll.u32 v4, $0x10  }
0x1d8: {  	v10 =	vshrl.u32 v4, $0x3;
	v8 =	vand.u32 $0xFFFE000, v8;
	v9 =	vand.u32 $0x80000000, v53  }
0x1d9: {  	v4 =	vand.u32 $0x80000000, v4;
	v54 =	vand.u32 $0xFFFE000, v10;
	v8 =	vor.u32 v9, v8  }
0x1da: {  	v4 =	vor.u32 v4, v54;
	v8 =	vmul.f32 $5.192296860e+33, v8  }
0x1db: {  	v4 =	vmul.f32 $5.192296860e+33, v4  }
0x1dc: {  	[tilespmem:v6+s0+$0x0] =	vst.idx.msk $0xffff, v8  }
0x1dd: {  	[tilespmem:v7+s0+$0x0] =	vst.idx.msk $0xffff, v4  }
0x1de: {  	v4 =	vld [tilespmem:s21+$0xFFFFFFA0];
	_ =	sdelay $0x1  }
0x1df: {  	v6 =	vadd.s32 s20, v2  }
0x1e0: {  	v6 =	vand.u32 $0x7FF8, v6;
	v7 =	vadd.s32 s20, v3  }
0x1e1: {  	v6 =	vor.u32 v5, v6;
	v7 =	vand.u32 $0x7FF8, v7  }
0x1e2: {  	v5 =	vor.u32 v5, v7;
	v7 =	vshll.u32 v4, $0xD;
	v8 =	vshll.u32 v4, $0x10  }
0x1e3: {  	v55 =	vshrl.u32 v4, $0x3;
	v7 =	vand.u32 $0xFFFE000, v7;
	v8 =	vand.u32 $0x80000000, v8  }
0x1e4: {  	v4 =	vand.u32 $0x80000000, v4;
	v9 =	vand.u32 $0xFFFE000, v55;
	v7 =	vor.u32 v8, v7  }
0x1e5: {  	v4 =	vor.u32 v4, v9;
	v7 =	vmul.f32 $5.192296860e+33, v7  }
0x1e6: {  	v4 =	vmul.f32 $5.192296860e+33, v4  }
0x1e7: {  	[tilespmem:v6+s0+$0x0] =	vst.idx.msk $0xffff, v7  }
0x1e8: {  	[tilespmem:v5+s0+$0x0] =	vst.idx.msk $0xffff, v4  }
0x1e9: {  	v4 =	vld [tilespmem:s21+$0xFFFFFFB0]  }
0x1ea: {  	s22 =	simm.s32 $0x801  }
0x1eb: {  	v6 =	vadd.s32 s22, v0;
	v5 =	vmov s22  }
0x1ec: {  	v7 =	vadd.s32 s22, v1;
	v6 =	vand.u32 $0x3BF8, v6;
	v5 =	vand.u32 $0x5, v5  }
0x1ed: {  	v7 =	vand.u32 $0x3FF8, v7;
	v6 =	vor.u32 v5, v6  }
0x1ee: {  	v7 =	vor.u32 v5, v7;
	v8 =	vshll.u32 v4, $0xD;
	v56 =	vshll.u32 v4, $0x10  }
0x1ef: {  	v57 =	vshrl.u32 v4, $0x3;
	v8 =	vand.u32 $0xFFFE000, v8;
	v9 =	vand.u32 $0x80000000, v56  }
0x1f0: {  	v4 =	vand.u32 $0x80000000, v4;
	v58 =	vand.u32 $0xFFFE000, v57;
	v8 =	vor.u32 v9, v8  }
0x1f1: {  	v4 =	vor.u32 v4, v58;
	v8 =	vmul.f32 $5.192296860e+33, v8  }
0x1f2: {  	v4 =	vmul.f32 $5.192296860e+33, v4  }
0x1f3: {  	[tilespmem:v6+s0+$0x0] =	vst.idx.msk $0xffff, v8  }
0x1f4: {  	[tilespmem:v7+s0+$0x0] =	vst.idx.msk $0xffff, v4  }
0x1f5: {  	v4 =	vld [tilespmem:s21+$0xFFFFFFC0];
	_ =	sdelay $0x1  }
0x1f6: {  	v6 =	vadd.s32 s22, v2  }
0x1f7: {  	v6 =	vand.u32 $0x7FF8, v6;
	v7 =	vadd.s32 s22, v3  }
0x1f8: {  	v6 =	vor.u32 v5, v6;
	v7 =	vand.u32 $0x7FF8, v7  }
0x1f9: {  	v5 =	vor.u32 v5, v7;
	v7 =	vshll.u32 v4, $0xD;
	v8 =	vshll.u32 v4, $0x10  }
0x1fa: {  	v59 =	vshrl.u32 v4, $0x3;
	v7 =	vand.u32 $0xFFFE000, v7;
	v8 =	vand.u32 $0x80000000, v8  }
0x1fb: {  	v4 =	vand.u32 $0x80000000, v4;
	v7 =	vor.u32 v8, v7;
	v8 =	vand.u32 $0xFFFE000, v59  }
0x1fc: {  	v7 =	vmul.f32 $5.192296860e+33, v7;
	v4 =	vor.u32 v4, v8  }
0x1fd: {  	v4 =	vmul.f32 $5.192296860e+33, v4  }
0x1fe: {  	[tilespmem:v6+s0+$0x0] =	vst.idx.msk $0xffff, v7  }
0x1ff: {  	[tilespmem:v5+s0+$0x0] =	vst.idx.msk $0xffff, v4  }
0x200: {  	v4 =	vld [tilespmem:s21+$0xFFFFFFD0]  }
0x201: {  	s23 =	simm.s32 $0x802  }
0x202: {  	v6 =	vadd.s32 s23, v0;
	v5 =	vmov s23  }
0x203: {  	v6 =	vand.u32 $0x3BF8, v6;
	v7 =	vand.u32 $0x6, v5;
	v5 =	vadd.s32 s23, v1  }
0x204: {  	v5 =	vand.u32 $0x3FF8, v5;
	v6 =	vor.u32 v7, v6  }
0x205: {  	v5 =	vor.u32 v7, v5;
	v8 =	vshll.u32 v4, $0xD;
	v60 =	vshll.u32 v4, $0x10  }
0x206: {  	v61 =	vshrl.u32 v4, $0x3;
	v8 =	vand.u32 $0xFFFE000, v8;
	v9 =	vand.u32 $0x80000000, v60  }
0x207: {  	v4 =	vand.u32 $0x80000000, v4;
	v10 =	vand.u32 $0xFFFE000, v61;
	v8 =	vor.u32 v9, v8  }
0x208: {  	v4 =	vor.u32 v4, v10;
	v8 =	vmul.f32 $5.192296860e+33, v8  }
0x209: {  	v4 =	vmul.f32 $5.192296860e+33, v4  }
0x20a: {  	v63 =	vadd.s32 s23, v2;
	[tilespmem:v6+s0+$0x0] =	vst.idx.msk $0xffff, v8  }
0x20b: {  	v6 =	vand.u32 $0x7FF8, v63;
	[tilespmem:v5+s0+$0x0] =	vst.idx.msk $0xffff, v4  }
0x20c: {  	v62 =	vadd.s32 s23, v3;
	v5 =	vor.u32 v7, v6;
	v6 =	vld [tilespmem:s21+$0xFFFFFFE0]  }
0x20d: {  	v8 =	vand.u32 $0x7FF8, v62  }
0x20e: {  	s30 =	simm.s32 $0x0;
	s20 =	simm.s32 $0x9470;
	s23 =	simm.s32 $0x8470;
	v4 =	vor.u32 v7, v8  }
.LBB2_7:
0x20f: {  	s6 =	sadd.s32 $0x807, s19  }
0x210: {  	s21 =	sadd.s32 $0x80, s21;
	s19 =	smov.u32 s30;
	s30 =	sadd.s32 $0x4, s30  }
0x211: {  	p1 =	slt.u32 s30, $0x7C;
	v7 =	vshll.u32 v6, $0xD;
	v8 =	vand.u32 $0x80000000, v6;
	v9 =	vadd.s32 s6, v1  }
0x212: {  	v10 =	vshll.u32 v6, $0x10;
	v6 =	vshrl.u32 v6, $0x3;
	v7 =	vand.u32 $0xFFFE000, v7  }
0x213: {  	v11 =	vadd.s32 s6, v0;
	v10 =	vand.u32 $0x80000000, v10;
	v6 =	vand.u32 $0xFFFE000, v6  }
0x214: {  	v7 =	vor.u32 v10, v7;
	v6 =	vor.u32 v8, v6  }
0x215: {  	s14 =	sadd.s32 $0x804, s19;
	v7 =	vmul.f32 $5.192296860e+33, v7  }
0x216: {  	v8 =	vmov s14;
	v10 =	vadd.s32 s14, v0;
	v6 =	vmul.f32 $5.192296860e+33, v6  }
0x217: {  	v10 =	vand.u32 $0x3BF8, v10;
	v8 =	vand.u32 $0x4, v8;
	[tilespmem:v5+s0+$0x0] =	vst.idx.msk $0xffff, v7  }
0x218: {  	v5 =	vadd.s32 s14, v1;
	[tilespmem:v4+s0+$0x0] =	vst.idx.msk $0xffff, v6  }
0x219: {  	v4 =	vor.u32 v8, v10;
	v5 =	vand.u32 $0x3FF8, v5;
	v6 =	vld [tilespmem:s23+$0xFFFFFFF0]  }
0x21a: {  	v5 =	vor.u32 v8, v5  }
0x21b: {  	v7 =	vadd.s32 s14, v2  }
0x21c: {  	v7 =	vand.u32 $0x7FF8, v7;
	v10 =	vadd.s32 s14, v3  }
0x21d: {  	v7 =	vor.u32 v8, v7;
	v10 =	vand.u32 $0x7FF8, v10  }
0x21e: {  	v8 =	vor.u32 v8, v10;
	v10 =	vshll.u32 v6, $0xD;
	v12 =	vshll.u32 v6, $0x10  }
0x21f: {  	v13 =	vshrl.u32 v6, $0x3;
	v10 =	vand.u32 $0xFFFE000, v10;
	v12 =	vand.u32 $0x80000000, v12  }
0x220: {  	v6 =	vand.u32 $0x80000000, v6;
	v10 =	vor.u32 v12, v10;
	v12 =	vand.u32 $0xFFFE000, v13  }
0x221: {  	v10 =	vmul.f32 $5.192296860e+33, v10;
	v6 =	vor.u32 v6, v12  }
0x222: {  	v6 =	vmul.f32 $5.192296860e+33, v6  }
0x223: {  	[tilespmem:v11+s0+$0x0] =	vst.idx.msk $0xffff, v10  }
0x224: {  	[tilespmem:v9+s0+$0x0] =	vst.idx.msk $0xffff, v6  }
0x225: {  	v6 =	vld [tilespmem:s23+$0x0];
	s23 =	smov.u32 s21;
	_ =	sdelay $0x3  }
0x226: {  	v10 =	vadd.s32 s6, v3;
	v9 =	vadd.s32 s6, v2  }
0x227: {  	v11 =	vshll.u32 v6, $0xD;
	v12 =	vshll.u32 v6, $0x10;
	v13 =	vshrl.u32 v6, $0x3  }
0x228: {  	v11 =	vand.u32 $0xFFFE000, v11;
	v12 =	vand.u32 $0x80000000, v12;
	v13 =	vand.u32 $0xFFFE000, v13  }
0x229: {  	v6 =	vand.u32 $0x80000000, v6;
	v11 =	vor.u32 v12, v11  }
0x22a: {  	v6 =	vor.u32 v6, v13;
	v11 =	vmul.f32 $5.192296860e+33, v11  }
0x22b: {  	s6 =	sadd.s32 $0x805, s19;
	v6 =	vmul.f32 $5.192296860e+33, v6  }
0x22c: {  	v12 =	vmov s6;
	v13 =	vadd.s32 s6, v0;
	[tilespmem:v9+s0+$0x0] =	vst.idx.msk $0xffff, v11  }
0x22d: {  	v9 =	vand.u32 $0x3BF8, v13;
	v11 =	vand.u32 $0x5, v12;
	[tilespmem:v10+s0+$0x0] =	vst.idx.msk $0xffff, v6  }
0x22e: {  	v6 =	vld [tilespmem:s21+$0xFFFFFF90]  }
0x22f: {  	v9 =	vor.u32 v11, v9;
	v10 =	vadd.s32 s6, v1  }
0x230: {  	v10 =	vand.u32 $0x3FF8, v10  }
0x231: {  	v12 =	vadd.s32 s6, v2;
	v10 =	vor.u32 v11, v10  }
0x232: {  	v13 =	vadd.s32 s6, v3;
	v12 =	vand.u32 $0x7FF8, v12  }
0x233: {  	v13 =	vand.u32 $0x7FF8, v13;
	v12 =	vor.u32 v11, v12;
	v14 =	vshll.u32 v6, $0xD  }
0x234: {  	v11 =	vor.u32 v11, v13;
	v15 =	vshll.u32 v6, $0x10;
	v14 =	vand.u32 $0xFFFE000, v14  }
0x235: {  	v13 =	vand.u32 $0x80000000, v15;
	v15 =	vshrl.u32 v6, $0x3  }
0x236: {  	v6 =	vand.u32 $0x80000000, v6;
	v13 =	vor.u32 v13, v14;
	v14 =	vand.u32 $0xFFFE000, v15  }
0x237: {  	v13 =	vmul.f32 $5.192296860e+33, v13;
	v6 =	vor.u32 v6, v14  }
0x238: {  	v6 =	vmul.f32 $5.192296860e+33, v6  }
0x239: {  	[tilespmem:v4+s0+$0x0] =	vst.idx.msk $0xffff, v13  }
0x23a: {  	[tilespmem:v5+s0+$0x0] =	vst.idx.msk $0xffff, v6  }
0x23b: {  	v4 =	vld [tilespmem:s21+$0xFFFFFFA0];
	_ =	sdelay $0x4  }
0x23c: {  	v5 =	vshll.u32 v4, $0xD;
	v6 =	vshll.u32 v4, $0x10;
	v13 =	vshrl.u32 v4, $0x3  }
0x23d: {  	v5 =	vand.u32 $0xFFFE000, v5;
	v6 =	vand.u32 $0x80000000, v6;
	v13 =	vand.u32 $0xFFFE000, v13  }
0x23e: {  	v4 =	vand.u32 $0x80000000, v4;
	v5 =	vor.u32 v6, v5  }
0x23f: {  	v4 =	vor.u32 v4, v13;
	v5 =	vmul.f32 $5.192296860e+33, v5  }
0x240: {  	v4 =	vmul.f32 $5.192296860e+33, v4  }
0x241: {  	[tilespmem:v7+s0+$0x0] =	vst.idx.msk $0xffff, v5  }
0x242: {  	[tilespmem:v8+s0+$0x0] =	vst.idx.msk $0xffff, v4  }
0x243: {  	v4 =	vld [tilespmem:s21+$0xFFFFFFB0];
	_ =	sdelay $0x4  }
0x244: {  	v5 =	vshll.u32 v4, $0xD;
	v6 =	vshll.u32 v4, $0x10;
	v7 =	vshrl.u32 v4, $0x3  }
0x245: {  	v5 =	vand.u32 $0xFFFE000, v5;
	v6 =	vand.u32 $0x80000000, v6  }
0x246: {  	v4 =	vand.u32 $0x80000000, v4;
	v5 =	vor.u32 v6, v5;
	v6 =	vand.u32 $0xFFFE000, v7  }
0x247: {  	v5 =	vmul.f32 $5.192296860e+33, v5;
	v4 =	vor.u32 v4, v6  }
0x248: {  	s6 =	sadd.s32 $0x806, s19;
	v4 =	vmul.f32 $5.192296860e+33, v4  }
0x249: {  	v7 =	vadd.s32 s6, v3;
	v6 =	vadd.s32 s6, v0;
	[tilespmem:v9+s0+$0x0] =	vst.idx.msk $0xffff, v5;
	v5 =	vmov s6  }
0x24a: {  	[tilespmem:v10+s0+$0x0] =	vst.idx.msk $0xffff, v4;
	v4 =	vand.u32 $0x3BF8, v6;
	v6 =	vand.u32 $0x6, v5;
	v5 =	vadd.s32 s6, v1  }
0x24b: {  	v9 =	vadd.s32 s6, v2;
	v8 =	vld [tilespmem:s21+$0xFFFFFFC0];
	v5 =	vand.u32 $0x3FF8, v5  }
0x24c: {  	v7 =	vand.u32 $0x7FF8, v7;
	v10 =	vor.u32 v6, v4;
	v4 =	vand.u32 $0x7FF8, v9  }
0x24d: {  	v9 =	vor.u32 v6, v5;
	v5 =	vor.u32 v6, v4;
	v4 =	vor.u32 v6, v7;
	_ =	sdelay $0x2  }
0x24e: {  	v6 =	vshll.u32 v8, $0xD;
	v7 =	vshll.u32 v8, $0x10;
	v13 =	vshrl.u32 v8, $0x3  }
0x24f: {  	v8 =	vand.u32 $0x80000000, v8;
	v6 =	vand.u32 $0xFFFE000, v6;
	v7 =	vand.u32 $0x80000000, v7  }
0x250: {  	v6 =	vor.u32 v7, v6;
	v7 =	vand.u32 $0xFFFE000, v13  }
0x251: {  	v6 =	vmul.f32 $5.192296860e+33, v6;
	v7 =	vor.u32 v8, v7  }
0x252: {  	v7 =	vmul.f32 $5.192296860e+33, v7  }
0x253: {  	[tilespmem:v12+s0+$0x0] =	vst.idx.msk $0xffff, v6  }
0x254: {  	[tilespmem:v11+s0+$0x0] =	vst.idx.msk $0xffff, v7  }
0x255: {  	v6 =	vld [tilespmem:s21+$0xFFFFFFD0];
	_ =	sdelay $0x4  }
0x256: {  	v7 =	vshll.u32 v6, $0xD;
	v8 =	vshll.u32 v6, $0x10;
	v11 =	vshrl.u32 v6, $0x3  }
0x257: {  	v7 =	vand.u32 $0xFFFE000, v7;
	v8 =	vand.u32 $0x80000000, v8;
	v11 =	vand.u32 $0xFFFE000, v11  }
0x258: {  	v6 =	vand.u32 $0x80000000, v6;
	v7 =	vor.u32 v8, v7  }
0x259: {  	v6 =	vor.u32 v6, v11;
	v7 =	vmul.f32 $5.192296860e+33, v7  }
0x25a: {  	v6 =	vmul.f32 $5.192296860e+33, v6  }
0x25b: {  	[tilespmem:v10+s0+$0x0] =	vst.idx.msk $0xffff, v7  }
.Ltmp4:
0x25c: {  	[tilespmem:v9+s0+$0x0] =	vst.idx.msk $0xffff, v6;
	(pc) =	sbr.rel @p1 .LBB2_7-.Ltmp4, $2  }
0x25d: {  	v6 =	vld [tilespmem:s21+$0xFFFFFFE0];
	_ =	sdelay $0x2  }
0x25e: {  	s22 =	simm.s32 $0xFFFFFFFC  }
0x25f: {  	_ = 	snop  }
0x260: {  	v7 =	vshll.u32 v6, $0xD;
	v8 =	vshll.u32 v6, $0x10  }
0x261: {  	v9 =	vshrl.u32 v6, $0x3;
	v7 =	vand.u32 $0xFFFE000, v7;
	v8 =	vand.u32 $0x80000000, v8  }
0x262: {  	v6 =	vand.u32 $0x80000000, v6;
	v9 =	vand.u32 $0xFFFE000, v9;
	v7 =	vor.u32 v8, v7  }
0x263: {  	v6 =	vor.u32 v6, v9;
	v7 =	vmul.f32 $5.192296860e+33, v7  }
0x264: {  	v6 =	vmul.f32 $5.192296860e+33, v6  }
0x265: {  	[tilespmem:v5+s0+$0x0] =	vst.idx.msk $0xffff, v7  }
0x266: {  	[tilespmem:v4+s0+$0x0] =	vst.idx.msk $0xffff, v6  }
0x267: {  	v4 =	vld [tilespmem:s23+$0xFFFFFFF0];
	_ =	sdelay $0x2  }
0x268: {  	s6 =	sadd.s32 $0x807, s19  }
0x269: {  	v5 =	vadd.s32 s6, v1  }
0x26a: {  	v6 =	vadd.s32 s6, v0;
	v7 =	vshll.u32 v4, $0xD;
	v8 =	vshll.u32 v4, $0x10  }
0x26b: {  	v9 =	vshrl.u32 v4, $0x3;
	v7 =	vand.u32 $0xFFFE000, v7;
	v8 =	vand.u32 $0x80000000, v8  }
0x26c: {  	v4 =	vand.u32 $0x80000000, v4;
	v7 =	vor.u32 v8, v7;
	v8 =	vand.u32 $0xFFFE000, v9  }
0x26d: {  	v7 =	vmul.f32 $5.192296860e+33, v7;
	v4 =	vor.u32 v4, v8  }
0x26e: {  	v4 =	vmul.f32 $5.192296860e+33, v4  }
0x26f: {  	[tilespmem:v6+s0+$0x0] =	vst.idx.msk $0xffff, v7  }
0x270: {  	[tilespmem:v5+s0+$0x0] =	vst.idx.msk $0xffff, v4  }
0x271: {  	v4 =	vld [tilespmem:s23+$0x0];
	_ =	sdelay $0x3  }
0x272: {  	v6 =	vadd.s32 s6, v3  }
0x273: {  	v5 =	vadd.s32 s6, v2;
	v7 =	vshll.u32 v4, $0xD;
	v8 =	vshll.u32 v4, $0x10  }
0x274: {  	v9 =	vshrl.u32 v4, $0x3;
	v7 =	vand.u32 $0xFFFE000, v7;
	v8 =	vand.u32 $0x80000000, v8  }
0x275: {  	v4 =	vand.u32 $0x80000000, v4;
	v9 =	vand.u32 $0xFFFE000, v9;
	v7 =	vor.u32 v8, v7  }
0x276: {  	v4 =	vor.u32 v4, v9;
	v7 =	vmul.f32 $5.192296860e+33, v7  }
0x277: {  	v4 =	vmul.f32 $5.192296860e+33, v4  }
0x278: {  	[tilespmem:v5+s0+$0x0] =	vst.idx.msk $0xffff, v7  }
0x279: {  	[tilespmem:v6+s0+$0x0] =	vst.idx.msk $0xffff, v4  }
0x27a: {  	v4 =	vld [tilespmem:s20+$0xFFFFFF90]  }
0x27b: {  	s21 =	simm.s32 $0xC00  }
0x27c: {  	v5 =	vmov s21;
	v7 =	vadd.s32 s21, v1  }
0x27d: {  	v6 =	vadd.s32 s21, v0;
	v5 =	vand.u32 $0x4, v5;
	v7 =	vand.u32 $0x7FF8, v7  }
0x27e: {  	v6 =	vand.u32 $0x3FF8, v6;
	v7 =	vor.u32 v5, v7  }
0x27f: {  	v6 =	vor.u32 v5, v6;
	v8 =	vshll.u32 v4, $0xD;
	v9 =	vshll.u32 v4, $0x10  }
0x280: {  	v10 =	vshrl.u32 v4, $0x3;
	v8 =	vand.u32 $0xFFFE000, v8;
	v9 =	vand.u32 $0x80000000, v9  }
0x281: {  	v4 =	vand.u32 $0x80000000, v4;
	v8 =	vor.u32 v9, v8;
	v9 =	vand.u32 $0xFFFE000, v10  }
0x282: {  	v8 =	vmul.f32 $5.192296860e+33, v8;
	v4 =	vor.u32 v4, v9  }
0x283: {  	v4 =	vmul.f32 $5.192296860e+33, v4  }
0x284: {  	[tilespmem:v6+s0+$0x0] =	vst.idx.msk $0xffff, v8  }
0x285: {  	[tilespmem:v7+s0+$0x0] =	vst.idx.msk $0xffff, v4  }
0x286: {  	v4 =	vld [tilespmem:s20+$0xFFFFFFA0];
	_ =	sdelay $0x1  }
0x287: {  	v6 =	vadd.s32 s21, v2  }
0x288: {  	v6 =	vand.u32 $0xFFF8, v6;
	v7 =	vadd.s32 s21, v3  }
0x289: {  	v6 =	vor.u32 v5, v6;
	v7 =	vand.u32 $0xFFF8, v7  }
0x28a: {  	v5 =	vor.u32 v5, v7;
	v7 =	vshll.u32 v4, $0xD;
	v8 =	vshll.u32 v4, $0x10  }
0x28b: {  	v9 =	vshrl.u32 v4, $0x3;
	v7 =	vand.u32 $0xFFFE000, v7;
	v8 =	vand.u32 $0x80000000, v8  }
0x28c: {  	v4 =	vand.u32 $0x80000000, v4;
	v9 =	vand.u32 $0xFFFE000, v9;
	v7 =	vor.u32 v8, v7  }
0x28d: {  	v4 =	vor.u32 v4, v9;
	v7 =	vmul.f32 $5.192296860e+33, v7  }
0x28e: {  	v4 =	vmul.f32 $5.192296860e+33, v4  }
0x28f: {  	[tilespmem:v6+s0+$0x0] =	vst.idx.msk $0xffff, v7  }
0x290: {  	[tilespmem:v5+s0+$0x0] =	vst.idx.msk $0xffff, v4  }
0x291: {  	v4 =	vld [tilespmem:s20+$0xFFFFFFB0]  }
0x292: {  	s23 =	simm.s32 $0xC01  }
0x293: {  	v6 =	vadd.s32 s23, v0;
	v5 =	vmov s23  }
0x294: {  	v7 =	vadd.s32 s23, v1;
	v6 =	vand.u32 $0x3FF8, v6;
	v5 =	vand.u32 $0x5, v5  }
0x295: {  	v7 =	vand.u32 $0x7FF8, v7;
	v6 =	vor.u32 v5, v6  }
0x296: {  	v7 =	vor.u32 v5, v7;
	v8 =	vshll.u32 v4, $0xD;
	v9 =	vshll.u32 v4, $0x10  }
0x297: {  	v10 =	vshrl.u32 v4, $0x3;
	v8 =	vand.u32 $0xFFFE000, v8;
	v9 =	vand.u32 $0x80000000, v9  }
0x298: {  	v4 =	vand.u32 $0x80000000, v4;
	v10 =	vand.u32 $0xFFFE000, v10;
	v8 =	vor.u32 v9, v8  }
0x299: {  	v4 =	vor.u32 v4, v10;
	v8 =	vmul.f32 $5.192296860e+33, v8  }
0x29a: {  	v4 =	vmul.f32 $5.192296860e+33, v4  }
0x29b: {  	[tilespmem:v6+s0+$0x0] =	vst.idx.msk $0xffff, v8  }
0x29c: {  	[tilespmem:v7+s0+$0x0] =	vst.idx.msk $0xffff, v4  }
0x29d: {  	v4 =	vld [tilespmem:s20+$0xFFFFFFC0];
	_ =	sdelay $0x1  }
0x29e: {  	s30 =	simm.s32 $0xC02;
	v6 =	vadd.s32 s23, v2  }
0x29f: {  	v12 =	vadd.s32 s30, v2;
	v7 =	vadd.s32 s23, v3;
	v6 =	vand.u32 $0xFFF8, v6  }
0x2a0: {  	v7 =	vand.u32 $0xFFF8, v7;
	v8 =	vor.u32 v5, v6;
	v6 =	vmov s30  }
0x2a1: {  	v5 =	vor.u32 v5, v7;
	v9 =	vshll.u32 v4, $0xD;
	v10 =	vshll.u32 v4, $0x10  }
0x2a2: {  	v11 =	vshrl.u32 v4, $0x3;
	v9 =	vand.u32 $0xFFFE000, v9;
	v10 =	vand.u32 $0x80000000, v10  }
0x2a3: {  	v4 =	vand.u32 $0x80000000, v4;
	v9 =	vor.u32 v10, v9;
	v10 =	vand.u32 $0xFFFE000, v11  }
0x2a4: {  	v7 =	vadd.s32 s30, v0;
	v9 =	vmul.f32 $5.192296860e+33, v9;
	v4 =	vor.u32 v4, v10  }
0x2a5: {  	v7 =	vand.u32 $0x3FF8, v7;
	v10 =	vand.u32 $0x6, v6;
	v4 =	vmul.f32 $5.192296860e+33, v4  }
0x2a6: {  	v11 =	vadd.s32 s30, v1;
	v6 =	vor.u32 v10, v7;
	v7 =	vadd.s32 s30, v3;
	[tilespmem:v8+s0+$0x0] =	vst.idx.msk $0xffff, v9  }
0x2a7: {  	v8 =	vand.u32 $0xFFF8, v12;
	v9 =	vand.u32 $0x7FF8, v11;
	v11 =	vand.u32 $0xFFF8, v7;
	[tilespmem:v5+s0+$0x0] =	vst.idx.msk $0xffff, v4  }
0x2a8: {  	s19 =	simm.s32 $0x9470;
	s21 =	simm.s32 $0x0;
	v4 =	vor.u32 v10, v8;
	v7 =	vor.u32 v10, v9;
	v5 =	vor.u32 v10, v11;
	v8 =	vld [tilespmem:s20+$0xFFFFFFD0]  }
.LBB2_9:
0x2a9: {  	_ =	sdelay $0x2  }
0x2aa: {  	s20 =	sadd.s32 $0x80, s20;
	s14 =	smov.u32 s21;
	s21 =	sadd.s32 $0x4, s21  }
0x2ab: {  	p1 =	slt.u32 s21, $0x7C;
	v9 =	vshll.u32 v8, $0xD;
	v10 =	vshll.u32 v8, $0x10;
	v11 =	vshrl.u32 v8, $0x3  }
0x2ac: {  	v8 =	vand.u32 $0x80000000, v8;
	v9 =	vand.u32 $0xFFFE000, v9;
	v10 =	vand.u32 $0x80000000, v10  }
0x2ad: {  	v9 =	vor.u32 v10, v9;
	v10 =	vand.u32 $0xFFFE000, v11  }
0x2ae: {  	v9 =	vmul.f32 $5.192296860e+33, v9;
	v8 =	vor.u32 v8, v10  }
0x2af: {  	s6 =	sadd.s32 $0xC04, s14;
	v8 =	vmul.f32 $5.192296860e+33, v8  }
0x2b0: {  	v11 =	vadd.s32 s6, v0;
	v10 =	vmov s6;
	[tilespmem:v6+s0+$0x0] =	vst.idx.msk $0xffff, v9  }
0x2b1: {  	v6 =	vand.u32 $0x3FF8, v11;
	v9 =	vand.u32 $0x4, v10;
	[tilespmem:v7+s0+$0x0] =	vst.idx.msk $0xffff, v8  }
0x2b2: {  	v7 =	vadd.s32 s6, v1;
	v8 =	vld [tilespmem:s19+$0xFFFFFFE0]  }
0x2b3: {  	v10 =	vor.u32 v9, v6;
	v6 =	vand.u32 $0x7FF8, v7  }
0x2b4: {  	v11 =	vor.u32 v9, v6  }
0x2b5: {  	v6 =	vadd.s32 s6, v2  }
0x2b6: {  	v7 =	vadd.s32 s6, v3;
	v6 =	vand.u32 $0xFFF8, v6  }
0x2b7: {  	v7 =	vand.u32 $0xFFF8, v7;
	s6 =	sadd.s32 $0xC07, s22;
	s22 =	smov.u32 s14;
	v6 =	vor.u32 v9, v6;
	v12 =	vshll.u32 v8, $0xD  }
0x2b8: {  	v7 =	vor.u32 v9, v7;
	v13 =	vadd.s32 s6, v0;
	v9 =	vshll.u32 v8, $0x10  }
0x2b9: {  	v14 =	vshrl.u32 v8, $0x3;
	v12 =	vand.u32 $0xFFFE000, v12;
	v9 =	vand.u32 $0x80000000, v9  }
0x2ba: {  	v8 =	vand.u32 $0x80000000, v8;
	v9 =	vor.u32 v9, v12;
	v12 =	vand.u32 $0xFFFE000, v14  }
0x2bb: {  	v9 =	vmul.f32 $5.192296860e+33, v9;
	v8 =	vor.u32 v8, v12  }
0x2bc: {  	v8 =	vmul.f32 $5.192296860e+33, v8  }
0x2bd: {  	[tilespmem:v4+s0+$0x0] =	vst.idx.msk $0xffff, v9  }
0x2be: {  	[tilespmem:v5+s0+$0x0] =	vst.idx.msk $0xffff, v8  }
0x2bf: {  	v4 =	vld [tilespmem:s19+$0xFFFFFFF0];
	_ =	sdelay $0x2  }
0x2c0: {  	v5 =	vadd.s32 s6, v1;
	_ =	sdelay $0x1  }
0x2c1: {  	v8 =	vshll.u32 v4, $0xD;
	v9 =	vshll.u32 v4, $0x10;
	v12 =	vshrl.u32 v4, $0x3  }
0x2c2: {  	v4 =	vand.u32 $0x80000000, v4;
	v8 =	vand.u32 $0xFFFE000, v8;
	v9 =	vand.u32 $0x80000000, v9  }
0x2c3: {  	v8 =	vor.u32 v9, v8;
	v9 =	vand.u32 $0xFFFE000, v12  }
0x2c4: {  	v8 =	vmul.f32 $5.192296860e+33, v8;
	v4 =	vor.u32 v4, v9  }
0x2c5: {  	s14 =	sadd.s32 $0xC05, s22;
	v4 =	vmul.f32 $5.192296860e+33, v4  }
0x2c6: {  	v12 =	vadd.s32 s14, v0;
	v9 =	vmov s14;
	[tilespmem:v13+s0+$0x0] =	vst.idx.msk $0xffff, v8  }
0x2c7: {  	v9 =	vand.u32 $0x5, v9;
	v8 =	vand.u32 $0x3FF8, v12;
	[tilespmem:v5+s0+$0x0] =	vst.idx.msk $0xffff, v4  }
0x2c8: {  	v4 =	vld [tilespmem:s19+$0x0];
	s19 =	smov.u32 s20  }
0x2c9: {  	v12 =	vor.u32 v9, v8;
	v5 =	vadd.s32 s14, v1  }
0x2ca: {  	v5 =	vand.u32 $0x7FF8, v5  }
0x2cb: {  	v14 =	vadd.s32 s6, v3;
	v13 =	vor.u32 v9, v5;
	v5 =	vadd.s32 s14, v2  }
0x2cc: {  	v16 =	vadd.s32 s6, v2;
	v15 =	vadd.s32 s14, v3;
	v5 =	vand.u32 $0xFFF8, v5  }
0x2cd: {  	v8 =	vor.u32 v9, v5;
	v5 =	vand.u32 $0xFFF8, v15;
	v15 =	vshrl.u32 v4, $0x3  }
0x2ce: {  	v9 =	vor.u32 v9, v5;
	v5 =	vshll.u32 v4, $0xD;
	v17 =	vshll.u32 v4, $0x10  }
0x2cf: {  	v5 =	vand.u32 $0xFFFE000, v5;
	v17 =	vand.u32 $0x80000000, v17;
	v15 =	vand.u32 $0xFFFE000, v15  }
0x2d0: {  	v4 =	vand.u32 $0x80000000, v4;
	v5 =	vor.u32 v17, v5  }
0x2d1: {  	v4 =	vor.u32 v4, v15;
	v5 =	vmul.f32 $5.192296860e+33, v5  }
0x2d2: {  	v4 =	vmul.f32 $5.192296860e+33, v4  }
0x2d3: {  	[tilespmem:v16+s0+$0x0] =	vst.idx.msk $0xffff, v5  }
0x2d4: {  	[tilespmem:v14+s0+$0x0] =	vst.idx.msk $0xffff, v4  }
0x2d5: {  	v4 =	vld [tilespmem:s20+$0xFFFFFF90];
	_ =	sdelay $0x4  }
0x2d6: {  	v5 =	vshll.u32 v4, $0xD;
	v14 =	vshll.u32 v4, $0x10;
	v15 =	vshrl.u32 v4, $0x3  }
0x2d7: {  	v4 =	vand.u32 $0x80000000, v4;
	v5 =	vand.u32 $0xFFFE000, v5;
	v14 =	vand.u32 $0x80000000, v14  }
0x2d8: {  	v5 =	vor.u32 v14, v5;
	v14 =	vand.u32 $0xFFFE000, v15  }
0x2d9: {  	v5 =	vmul.f32 $5.192296860e+33, v5;
	v4 =	vor.u32 v4, v14  }
0x2da: {  	v4 =	vmul.f32 $5.192296860e+33, v4  }
0x2db: {  	[tilespmem:v10+s0+$0x0] =	vst.idx.msk $0xffff, v5  }
0x2dc: {  	[tilespmem:v11+s0+$0x0] =	vst.idx.msk $0xffff, v4  }
0x2dd: {  	v4 =	vld [tilespmem:s20+$0xFFFFFFA0];
	_ =	sdelay $0x4  }
0x2de: {  	v5 =	vshll.u32 v4, $0xD;
	v10 =	vshll.u32 v4, $0x10;
	v11 =	vshrl.u32 v4, $0x3  }
0x2df: {  	v5 =	vand.u32 $0xFFFE000, v5;
	v10 =	vand.u32 $0x80000000, v10;
	v11 =	vand.u32 $0xFFFE000, v11  }
0x2e0: {  	v4 =	vand.u32 $0x80000000, v4;
	v5 =	vor.u32 v10, v5  }
0x2e1: {  	v4 =	vor.u32 v4, v11;
	v5 =	vmul.f32 $5.192296860e+33, v5  }
0x2e2: {  	s6 =	sadd.s32 $0xC06, s22;
	v4 =	vmul.f32 $5.192296860e+33, v4  }
0x2e3: {  	[tilespmem:v6+s0+$0x0] =	vst.idx.msk $0xffff, v5;
	v5 =	vmov s6;
	v6 =	vadd.s32 s6, v0  }
0x2e4: {  	[tilespmem:v7+s0+$0x0] =	vst.idx.msk $0xffff, v4;
	v4 =	vand.u32 $0x3FF8, v6;
	v5 =	vand.u32 $0x6, v5  }
0x2e5: {  	v11 =	vadd.s32 s6, v2;
	v7 =	vadd.s32 s6, v1;
	v10 =	vld [tilespmem:s20+$0xFFFFFFB0]  }
0x2e6: {  	v6 =	vor.u32 v5, v4;
	v4 =	vand.u32 $0xFFF8, v11;
	v11 =	vadd.s32 s6, v3  }
0x2e7: {  	v7 =	vand.u32 $0x7FF8, v7;
	v4 =	vor.u32 v5, v4;
	v11 =	vand.u32 $0xFFF8, v11  }
0x2e8: {  	v7 =	vor.u32 v5, v7;
	v5 =	vor.u32 v5, v11;
	_ =	sdelay $0x1  }
0x2e9: {  	v11 =	vshll.u32 v10, $0xD;
	v14 =	vshll.u32 v10, $0x10;
	v15 =	vshrl.u32 v10, $0x3  }
0x2ea: {  	v11 =	vand.u32 $0xFFFE000, v11;
	v14 =	vand.u32 $0x80000000, v14;
	v15 =	vand.u32 $0xFFFE000, v15  }
0x2eb: {  	v10 =	vand.u32 $0x80000000, v10;
	v11 =	vor.u32 v14, v11  }
0x2ec: {  	v10 =	vor.u32 v10, v15;
	v11 =	vmul.f32 $5.192296860e+33, v11  }
0x2ed: {  	v10 =	vmul.f32 $5.192296860e+33, v10  }
0x2ee: {  	[tilespmem:v12+s0+$0x0] =	vst.idx.msk $0xffff, v11  }
0x2ef: {  	[tilespmem:v13+s0+$0x0] =	vst.idx.msk $0xffff, v10  }
0x2f0: {  	v10 =	vld [tilespmem:s20+$0xFFFFFFC0];
	_ =	sdelay $0x4  }
0x2f1: {  	v11 =	vshll.u32 v10, $0xD;
	v12 =	vshll.u32 v10, $0x10;
	v13 =	vshrl.u32 v10, $0x3  }
0x2f2: {  	v11 =	vand.u32 $0xFFFE000, v11;
	v12 =	vand.u32 $0x80000000, v12  }
0x2f3: {  	v10 =	vand.u32 $0x80000000, v10;
	v11 =	vor.u32 v12, v11;
	v12 =	vand.u32 $0xFFFE000, v13  }
.Ltmp5:
0x2f4: {  	v11 =	vmul.f32 $5.192296860e+33, v11;
	v10 =	vor.u32 v10, v12;
	(pc) =	sbr.rel @p1 .LBB2_9-.Ltmp5, $4  }
0x2f5: {  	v10 =	vmul.f32 $5.192296860e+33, v10  }
0x2f6: {  	[tilespmem:v8+s0+$0x0] =	vst.idx.msk $0xffff, v11  }
0x2f7: {  	[tilespmem:v9+s0+$0x0] =	vst.idx.msk $0xffff, v10  }
0x2f8: {  	v8 =	vld [tilespmem:s20+$0xFFFFFFD0]  }
0x2f9: {  	_ =	sdelay $0x3  }
0x2fa: {  	v9 =	vshll.u32 v8, $0xD;
	v10 =	vshll.u32 v8, $0x10  }
0x2fb: {  	v11 =	vshrl.u32 v8, $0x3;
	v9 =	vand.u32 $0xFFFE000, v9;
	v10 =	vand.u32 $0x80000000, v10  }
0x2fc: {  	v8 =	vand.u32 $0x80000000, v8;
	v9 =	vor.u32 v10, v9;
	v10 =	vand.u32 $0xFFFE000, v11  }
0x2fd: {  	v9 =	vmul.f32 $5.192296860e+33, v9;
	v8 =	vor.u32 v8, v10  }
0x2fe: {  	v8 =	vmul.f32 $5.192296860e+33, v8  }
0x2ff: {  	[tilespmem:v6+s0+$0x0] =	vst.idx.msk $0xffff, v9  }
0x300: {  	[tilespmem:v7+s0+$0x0] =	vst.idx.msk $0xffff, v8  }
0x301: {  	v6 =	vld [tilespmem:s19+$0xFFFFFFE0];
	_ =	sdelay $0x4  }
0x302: {  	v7 =	vshll.u32 v6, $0xD;
	v8 =	vshll.u32 v6, $0x10  }
0x303: {  	v9 =	vshrl.u32 v6, $0x3;
	v7 =	vand.u32 $0xFFFE000, v7;
	v8 =	vand.u32 $0x80000000, v8  }
0x304: {  	v6 =	vand.u32 $0x80000000, v6;
	v7 =	vor.u32 v8, v7;
	v8 =	vand.u32 $0xFFFE000, v9  }
0x305: {  	v7 =	vmul.f32 $5.192296860e+33, v7;
	v6 =	vor.u32 v6, v8  }
0x306: {  	v6 =	vmul.f32 $5.192296860e+33, v6  }
0x307: {  	[tilespmem:v4+s0+$0x0] =	vst.idx.msk $0xffff, v7  }
0x308: {  	[tilespmem:v5+s0+$0x0] =	vst.idx.msk $0xffff, v6  }
0x309: {  	v4 =	vld [tilespmem:s19+$0xFFFFFFF0];
	_ =	sdelay $0x2  }
0x30a: {  	s6 =	sadd.s32 $0xC07, s22  }
0x30b: {  	v5 =	vadd.s32 s6, v0  }
0x30c: {  	v6 =	vadd.s32 s6, v1;
	v7 =	vshll.u32 v4, $0xD;
	v8 =	vshll.u32 v4, $0x10  }
0x30d: {  	v9 =	vshrl.u32 v4, $0x3;
	v7 =	vand.u32 $0xFFFE000, v7;
	v8 =	vand.u32 $0x80000000, v8  }
0x30e: {  	v4 =	vand.u32 $0x80000000, v4;
	v7 =	vor.u32 v8, v7;
	v8 =	vand.u32 $0xFFFE000, v9  }
0x30f: {  	v7 =	vmul.f32 $5.192296860e+33, v7;
	v4 =	vor.u32 v4, v8  }
0x310: {  	v4 =	vmul.f32 $5.192296860e+33, v4  }
0x311: {  	[tilespmem:v5+s0+$0x0] =	vst.idx.msk $0xffff, v7  }
0x312: {  	[tilespmem:v6+s0+$0x0] =	vst.idx.msk $0xffff, v4  }
0x313: {  	v4 =	vld [tilespmem:s19+$0x0];
	_ =	sdelay $0x3  }
0x314: {  	v5 =	vadd.s32 s6, v3  }
0x315: {  	v6 =	vadd.s32 s6, v2;
	v7 =	vshll.u32 v4, $0xD;
	v8 =	vshll.u32 v4, $0x10  }
0x316: {  	v9 =	vshrl.u32 v4, $0x3;
	v7 =	vand.u32 $0xFFFE000, v7;
	v8 =	vand.u32 $0x80000000, v8  }
0x317: {  	v4 =	vand.u32 $0x80000000, v4;
	v9 =	vand.u32 $0xFFFE000, v9;
	v7 =	vor.u32 v8, v7  }
0x318: {  	s20 =	sshll.u32 s18, $0xA;
	s14 =	sshll.u32 s18, $0x7;
	v4 =	vor.u32 v4, v9;
	v7 =	vmul.f32 $5.192296860e+33, v7  }
0x319: {  	s14 =	sand.u32 $0x3C00, s14;
	s6 =	sand.u32 $0xFFE0000, s20;
	v4 =	vmul.f32 $5.192296860e+33, v4  }
0x31a: {  	s6 =	sor.u32 s14, s6;
	[tilespmem:v6+s0+$0x0] =	vst.idx.msk $0xffff, v7  }
0x31b: {  	s14 =	sadd.s32 s2, s6;
	[tilespmem:v5+s0+$0x0] =	vst.idx.msk $0xffff, v4  }
0x31c: {  	[hbm4b:s14+s3] =	stream.linear.scatter [tilespmem:s0], [sflag:$0x3], $0x1000, $0x38;
	[tilespmem:$0x1E600] =	vst v63  }
0x31d: {  	s22 =	simm.s32 $0xF420;
	s21 =	sadd.s32 s6, s7  }
0x31e: {  	[hbm4b:s21+s3] =	stream.linear.scatter [tilespmem:s22], [sflag:$0x3], $0x1000, $0x38;
	[tilespmem:$0x1E600] =	vst v63  }
0x31f: {  	s30 =	simm.s32 $0x10440;
	s23 =	sadd.s32 s6, s8  }
0x320: {  	[hbm4b:s23+s3] =	stream.linear.scatter [tilespmem:s30], [sflag:$0x3], $0x1000, $0x38;
	[tilespmem:$0x1E600] =	vst v63  }
0x321: {  	s20 =	simm.s32 $0x11460;
	s19 =	sadd.s32 s6, s9  }
0x322: {  	[hbm4b:s19+s3] =	stream.linear.scatter [tilespmem:s20], [sflag:$0x3], $0x1000, $0x38;
	[tilespmem:$0x1E600] =	vst v63  }
0x323: {  	s21 =	sadd.s32 s6, s10;
	s22 =	simm.s32 $0x12480  }
0x324: {  	[hbm4b:s21+s3] =	stream.linear.scatter [tilespmem:s22], [sflag:$0x3], $0x1000, $0x38;
	[tilespmem:$0x1E600] =	vst v63  }
0x325: {  	s23 =	sadd.s32 s6, s11;
	s30 =	simm.s32 $0x134A0  }
0x326: {  	[hbm4b:s23+s3] =	stream.linear.scatter [tilespmem:s30], [sflag:$0x3], $0x1000, $0x38;
	[tilespmem:$0x1E600] =	vst v63  }
0x327: {  	s19 =	sadd.s32 s6, s12;
	s20 =	simm.s32 $0x144C0  }
0x328: {  	[hbm4b:s19+s3] =	stream.linear.scatter [tilespmem:s20], [sflag:$0x3], $0x1000, $0x38;
	[tilespmem:$0x1E600] =	vst v63  }
0x329: {  	p1 =	seq.s32 s31, $0x18;
	s6 =	sadd.s32 s6, s13;
	s21 =	simm.s32 $0x154E0  }
0x32a: {  	[hbm4b:s6+s3] =	stream.linear.scatter [tilespmem:s21], [sflag:$0x3], $0x1000, $0x38;
	[tilespmem:$0x1E600] =	vst v63  }
0x32b: {  	s6 =	sshll.u32 @!p1 s31, $0xA  }
0x32c: {  	s6 =	sand.u32 @!p1 $0x3FFFFC00, s6  }
0x32d: {  	s18 =	simm.s32 @!p1 $0x80;
	s19 =	simm.s32 @!p1 $0x6400;
	s14 =	sadd.s32 @!p1 $0x400, s6  }
0x32e: {  	[tilespmem:s19], [sflag:$0x1] =	stream.indirect.gather @!p1 [hbm4b:s4+s18], $0x20, s14, s18, $0xb8;
	[tilespmem:$0x1E600] =	vst v63  }
0x32f: {  	s14 =	sadd.s32 @!p1 $0x480, s6;
	s19 =	simm.s32 @!p1 $0x7400  }
0x330: {  	[tilespmem:s19], [sflag:$0x1] =	stream.indirect.gather @!p1 [hbm4b:s4+s18], $0x20, s14, s18, $0xb8;
	[tilespmem:$0x1E600] =	vst v63  }
0x331: {  	s14 =	sadd.s32 @!p1 $0x500, s6;
	s19 =	simm.s32 @!p1 $0x8400  }
0x332: {  	[tilespmem:s19], [sflag:$0x1] =	stream.indirect.gather @!p1 [hbm4b:s4+s18], $0x20, s14, s18, $0xb8;
	[tilespmem:$0x1E600] =	vst v63  }
0x333: {  	s6 =	sadd.s32 @!p1 $0x580, s6;
	s14 =	simm.s32 @!p1 $0x9400  }
0x334: {  	[tilespmem:s14], [sflag:$0x1] =	stream.indirect.gather @!p1 [hbm4b:s4+s18], $0x20, s6, s18, $0xb8;
	[tilespmem:$0x1E600] =	vst v63  }
0x335: {  	_ =	swait.ge [sflag:s25], $0x1000  }
0x336: {  	[sflag:s25] =	ssyncset.done $0x0  }
0x337: {  	[sflag:s25] =	ssyncadd.s32 $0xFFFFF000  }
0x338: {  	_ =	swait.ge [sflag:s25], $0x1000  }
0x339: {  	[sflag:s25] =	ssyncset.done $0x0  }
0x33a: {  	[sflag:s25] =	ssyncadd.s32 $0xFFFFF000  }
0x33b: {  	_ =	swait.ge [sflag:s25], $0x1000  }
0x33c: {  	[sflag:s25] =	ssyncset.done $0x0  }
0x33d: {  	[sflag:s25] =	ssyncadd.s32 $0xFFFFF000  }
0x33e: {  	_ =	swait.ge [sflag:s25], $0x1000  }
0x33f: {  	[sflag:s25] =	ssyncset.done $0x0  }
0x340: {  	s6 =	simm.s32 @!p0 $0x4;
	[sflag:s25] =	ssyncadd.s32 $0xFFFFF000  }
0x341: {  	_ =	swait.ge @!p0 [sflag:s6], $0x1000  }
0x342: {  	[sflag:s6] =	ssyncset.done @!p0 $0x0  }
0x343: {  	[sflag:s6] =	ssyncadd.s32 @!p0 $0xFFFFF000  }
0x344: {  	_ =	swait.ge @!p0 [sflag:s6], $0x1000  }
0x345: {  	[sflag:s6] =	ssyncset.done @!p0 $0x0  }
0x346: {  	[sflag:s6] =	ssyncadd.s32 @!p0 $0xFFFFF000  }
0x347: {  	_ =	swait.ge @!p0 [sflag:s6], $0x1000  }
0x348: {  	[sflag:s6] =	ssyncset.done @!p0 $0x0  }
0x349: {  	[sflag:s6] =	ssyncadd.s32 @!p0 $0xFFFFF000  }
0x34a: {  	_ =	swait.ge @!p0 [sflag:s6], $0x1000  }
0x34b: {  	[sflag:s6] =	ssyncset.done @!p0 $0x0  }
0x34c: {  	[sflag:s6] =	ssyncadd.s32 @!p0 $0xFFFFF000  }
0x34d: {  	_ =	swait.ge @!p0 [sflag:s6], $0x1000  }
0x34e: {  	[sflag:s6] =	ssyncset.done @!p0 $0x0  }
0x34f: {  	[sflag:s6] =	ssyncadd.s32 @!p0 $0xFFFFF000  }
0x350: {  	_ =	swait.ge @!p0 [sflag:s6], $0x1000  }
0x351: {  	[sflag:s6] =	ssyncset.done @!p0 $0x0  }
0x352: {  	[sflag:s6] =	ssyncadd.s32 @!p0 $0xFFFFF000  }
0x353: {  	_ =	swait.ge @!p0 [sflag:s6], $0x1000  }
0x354: {  	[sflag:s6] =	ssyncset.done @!p0 $0x0  }
0x355: {  	[sflag:s6] =	ssyncadd.s32 @!p0 $0xFFFFF000  }
0x356: {  	_ =	swait.ge @!p0 [sflag:s6], $0x1000  }
0x357: {  	[sflag:s6] =	ssyncset.done @!p0 $0x0  }
0x358: {  	s21 =	simm.s32 $0xA440;
	[sflag:s6] =	ssyncadd.s32 @!p0 $0xFFFFF000  }
0x359: {  	v4 =	vld [tilespmem:s21+$0xFFFFFFC0]  }
0x35a: {  	s20 =	simm.s32 $0x0  }
0x35b: {  	v5 =	vmov s20;
	v6 =	vadd.s32 s20, v0  }
0x35c: {  	v7 =	vadd.s32 s20, v1;
	v6 =	vand.u32 $0x33F8, v6;
	v5 =	vand.u32 $0x4, v5  }
0x35d: {  	v7 =	vand.u32 $0x37F8, v7;
	v6 =	vor.u32 v5, v6  }
0x35e: {  	v7 =	vor.u32 v5, v7;
	v8 =	vshll.u32 v4, $0xD;
	v9 =	vshll.u32 v4, $0x10  }
0x35f: {  	v10 =	vshrl.u32 v4, $0x3;
	v8 =	vand.u32 $0xFFFE000, v8;
	v9 =	vand.u32 $0x80000000, v9  }
0x360: {  	v4 =	vand.u32 $0x80000000, v4;
	v8 =	vor.u32 v9, v8;
	v9 =	vand.u32 $0xFFFE000, v10  }
0x361: {  	v8 =	vmul.f32 $5.192296860e+33, v8;
	v4 =	vor.u32 v4, v9  }
0x362: {  	v4 =	vmul.f32 $5.192296860e+33, v4  }
0x363: {  	[tilespmem:v6+s28+$0x0] =	vst.idx.msk $0xffff, v8  }
0x364: {  	[tilespmem:v7+s28+$0x0] =	vst.idx.msk $0xffff, v4  }
0x365: {  	v4 =	vld [tilespmem:s21+$0xFFFFFFD0];
	_ =	sdelay $0x1  }
0x366: {  	v6 =	vadd.s32 s20, v2  }
0x367: {  	v7 =	vadd.s32 s20, v3;
	v6 =	vand.u32 $0x77F8, v6  }
0x368: {  	v7 =	vand.u32 $0x77F8, v7;
	v6 =	vor.u32 v5, v6  }
0x369: {  	v5 =	vor.u32 v5, v7;
	v7 =	vshll.u32 v4, $0xD;
	v8 =	vshll.u32 v4, $0x10  }
0x36a: {  	v9 =	vshrl.u32 v4, $0x3;
	v7 =	vand.u32 $0xFFFE000, v7;
	v8 =	vand.u32 $0x80000000, v8  }
0x36b: {  	v4 =	vand.u32 $0x80000000, v4;
	v9 =	vand.u32 $0xFFFE000, v9;
	v7 =	vor.u32 v8, v7  }
0x36c: {  	v4 =	vor.u32 v4, v9;
	v7 =	vmul.f32 $5.192296860e+33, v7  }
0x36d: {  	v4 =	vmul.f32 $5.192296860e+33, v4  }
0x36e: {  	[tilespmem:v6+s28+$0x0] =	vst.idx.msk $0xffff, v7  }
0x36f: {  	s23 =	simm.s32 $0x2;
	[tilespmem:v5+s28+$0x0] =	vst.idx.msk $0xffff, v4  }
0x370: {  	s22 =	simm.s32 $0x1;
	v61 =	vadd.s32 s23, v1;
	v62 =	vadd.s32 s23, v2;
	v14 =	vadd.s32 s23, v3;
	v7 =	vld [tilespmem:s21+$0xFFFFFFE0]  }
0x371: {  	v9 =	vadd.s32 s22, v1;
	v4 =	vmov s22;
	v5 =	vadd.s32 s22, v0  }
0x372: {  	v5 =	vand.u32 $0x33F8, v5;
	v8 =	vand.u32 $0x5, v4;
	v4 =	vadd.s32 s22, v2  }
0x373: {  	v6 =	vadd.s32 s22, v3;
	v10 =	vor.u32 v8, v5;
	v4 =	vand.u32 $0x77F8, v4  }
0x374: {  	v5 =	vand.u32 $0x77F8, v6;
	v6 =	vand.u32 $0x37F8, v9;
	v9 =	vadd.s32 s23, v0  }
0x375: {  	v6 =	vor.u32 v8, v6;
	v11 =	vshll.u32 v7, $0xD;
	v12 =	vshll.u32 v7, $0x10  }
0x376: {  	v13 =	vshrl.u32 v7, $0x3;
	v11 =	vand.u32 $0xFFFE000, v11;
	v12 =	vand.u32 $0x80000000, v12  }
0x377: {  	v7 =	vand.u32 $0x80000000, v7;
	v13 =	vand.u32 $0xFFFE000, v13;
	v11 =	vor.u32 v12, v11  }
0x378: {  	v4 =	vor.u32 v8, v4;
	v7 =	vor.u32 v7, v13;
	v11 =	vmul.f32 $5.192296860e+33, v11  }
0x379: {  	v5 =	vor.u32 v8, v5;
	v8 =	vmov s23;
	v7 =	vmul.f32 $5.192296860e+33, v7  }
0x37a: {  	s30 =	sadd.s32 s17, s5;
	v63 =	vand.u32 $0x77F8, v14;
	v9 =	vand.u32 $0x33F8, v9;
	v8 =	vand.u32 $0x6, v8;
	[tilespmem:v10+s28+$0x0] =	vst.idx.msk $0xffff, v11  }
0x37b: {  	s17 =	sadd.s32 $0x4, s30;
	v12 =	vand.u32 $0x37F8, v61;
	v10 =	vor.u32 v8, v9;
	v9 =	vand.u32 $0x77F8, v62;
	[tilespmem:v6+s28+$0x0] =	vst.idx.msk $0xffff, v7  }
0x37c: {  	s19 =	simm.s32 $0xB470;
	s22 =	simm.s32 $0xA440;
	s23 =	simm.s32 $0x4;
	v11 =	vor.u32 v8, v12;
	v7 =	vor.u32 v8, v9;
	v6 =	vor.u32 v8, v63;
	v8 =	vld [tilespmem:s21+$0xFFFFFFF0]  }
.LBB2_11:
0x37d: {  	p0 =	slt.u32 s23, $0x7C  }
0x37e: {  	s21 =	sadd.s32 $0x80, s21;
	s14 =	smov.u32 s23;
	s23 =	sadd.s32 $0x4, s23  }
0x37f: {  	_ =	sdelay $0x1  }
0x380: {  	v9 =	vshll.u32 v8, $0xD;
	v12 =	vshll.u32 v8, $0x10;
	v13 =	vshrl.u32 v8, $0x3  }
0x381: {  	v8 =	vand.u32 $0x80000000, v8;
	v9 =	vand.u32 $0xFFFE000, v9;
	v12 =	vand.u32 $0x80000000, v12  }
0x382: {  	v14 =	vadd.s32 s14, v1;
	v9 =	vor.u32 v12, v9;
	v12 =	vand.u32 $0xFFFE000, v13  }
0x383: {  	v15 =	vadd.s32 s14, v0;
	v13 =	vmov s14;
	v16 =	vmul.f32 $5.192296860e+33, v9  }
0x384: {  	v9 =	vand.u32 $0x33F8, v15;
	v13 =	vand.u32 $0x4, v13;
	v8 =	vor.u32 v8, v12  }
0x385: {  	v12 =	vand.u32 $0x37F8, v14;
	v14 =	vmul.f32 $5.192296860e+33, v8  }
0x386: {  	v9 =	vor.u32 v13, v9;
	v8 =	vor.u32 v13, v12;
	[tilespmem:v4+s28+$0x0] =	vst.idx.msk $0xffff, v16  }
0x387: {  	[tilespmem:v5+s28+$0x0] =	vst.idx.msk $0xffff, v14  }
0x388: {  	v4 =	vld [tilespmem:s22+$0x0];
	_ =	sdelay $0x1  }
0x389: {  	s6 =	sadd.s32 $0x3, s20;
	s20 =	smov.u32 s14  }
0x38a: {  	v5 =	vadd.s32 s6, v1  }
0x38b: {  	v14 =	vadd.s32 s6, v0  }
0x38c: {  	v12 =	vshll.u32 v4, $0xD;
	v15 =	vshll.u32 v4, $0x10;
	v16 =	vand.u32 $0x80000000, v4  }
0x38d: {  	v4 =	vshrl.u32 v4, $0x3;
	v12 =	vand.u32 $0xFFFE000, v12;
	v15 =	vand.u32 $0x80000000, v15  }
0x38e: {  	v4 =	vand.u32 $0xFFFE000, v4;
	v12 =	vor.u32 v15, v12  }
0x38f: {  	v4 =	vor.u32 v16, v4;
	v12 =	vmul.f32 $5.192296860e+33, v12  }
0x390: {  	v4 =	vmul.f32 $5.192296860e+33, v4  }
0x391: {  	[tilespmem:v10+s28+$0x0] =	vst.idx.msk $0xffff, v12  }
0x392: {  	[tilespmem:v11+s28+$0x0] =	vst.idx.msk $0xffff, v4  }
0x393: {  	v4 =	vld [tilespmem:s22+$0x10];
	_ =	sdelay $0x4  }
0x394: {  	v10 =	vshll.u32 v4, $0xD;
	v11 =	vshll.u32 v4, $0x10;
	v12 =	vshrl.u32 v4, $0x3  }
0x395: {  	v10 =	vand.u32 $0xFFFE000, v10;
	v11 =	vand.u32 $0x80000000, v11;
	v12 =	vand.u32 $0xFFFE000, v12  }
0x396: {  	v4 =	vand.u32 $0x80000000, v4;
	v10 =	vor.u32 v11, v10  }
0x397: {  	v4 =	vor.u32 v4, v12;
	v10 =	vmul.f32 $5.192296860e+33, v10  }
0x398: {  	v4 =	vmul.f32 $5.192296860e+33, v4  }
0x399: {  	v11 =	vadd.s32 s20, v2;
	v12 =	vadd.s32 s20, v3;
	[tilespmem:v7+s28+$0x0] =	vst.idx.msk $0xffff, v10  }
0x39a: {  	v7 =	vand.u32 $0x77F8, v12;
	[tilespmem:v6+s28+$0x0] =	vst.idx.msk $0xffff, v4  }
0x39b: {  	v4 =	vand.u32 $0x77F8, v11;
	v10 =	vld [tilespmem:s22+$0x20]  }
0x39c: {  	v12 =	vor.u32 v13, v7;
	v6 =	vor.u32 v13, v4;
	_ =	sdelay $0x3  }
0x39d: {  	v4 =	vshll.u32 v10, $0xD;
	v7 =	vshll.u32 v10, $0x10;
	v11 =	vshrl.u32 v10, $0x3  }
0x39e: {  	v4 =	vand.u32 $0xFFFE000, v4;
	v7 =	vand.u32 $0x80000000, v7;
	v11 =	vand.u32 $0xFFFE000, v11  }
0x39f: {  	v4 =	vor.u32 v7, v4;
	v7 =	vand.u32 $0x80000000, v10  }
0x3a0: {  	v4 =	vmul.f32 $5.192296860e+33, v4;
	v7 =	vor.u32 v7, v11  }
0x3a1: {  	v7 =	vmul.f32 $5.192296860e+33, v7  }
0x3a2: {  	[tilespmem:v14+s28+$0x0] =	vst.idx.msk $0xffff, v4  }
0x3a3: {  	s14 =	sadd.s32 $0x1, s20;
	[tilespmem:v5+s28+$0x0] =	vst.idx.msk $0xffff, v7  }
0x3a4: {  	v4 =	vmov s14;
	v5 =	vadd.s32 s14, v0;
	v7 =	vadd.s32 s14, v3;
	v10 =	vld [tilespmem:s22+$0x30];
	s22 =	smov.u32 s21  }
0x3a5: {  	v11 =	vand.u32 $0x5, v4;
	v5 =	vand.u32 $0x33F8, v5  }
0x3a6: {  	v13 =	vadd.s32 s14, v1;
	v14 =	vadd.s32 s6, v3;
	v4 =	vadd.s32 s14, v2  }
0x3a7: {  	v4 =	vand.u32 $0x77F8, v4;
	v15 =	vor.u32 v11, v5;
	v5 =	vand.u32 $0x77F8, v7  }
0x3a8: {  	v4 =	vor.u32 v11, v4;
	v7 =	vadd.s32 s6, v2;
	v5 =	vor.u32 v11, v5  }
0x3a9: {  	v16 =	vshll.u32 v10, $0xD;
	v17 =	vshll.u32 v10, $0x10;
	v18 =	vshrl.u32 v10, $0x3  }
0x3aa: {  	v16 =	vand.u32 $0xFFFE000, v16;
	v17 =	vand.u32 $0x80000000, v17;
	v18 =	vand.u32 $0xFFFE000, v18  }
0x3ab: {  	v13 =	vand.u32 $0x37F8, v13;
	v10 =	vand.u32 $0x80000000, v10;
	v16 =	vor.u32 v17, v16  }
0x3ac: {  	v13 =	vor.u32 v11, v13;
	v10 =	vor.u32 v10, v18;
	v11 =	vmul.f32 $5.192296860e+33, v16  }
0x3ad: {  	v10 =	vmul.f32 $5.192296860e+33, v10  }
0x3ae: {  	[tilespmem:v7+s28+$0x0] =	vst.idx.msk $0xffff, v11  }
0x3af: {  	[tilespmem:v14+s28+$0x0] =	vst.idx.msk $0xffff, v10  }
0x3b0: {  	v7 =	vld [tilespmem:s21+$0xFFFFFFC0];
	_ =	sdelay $0x4  }
0x3b1: {  	v10 =	vshll.u32 v7, $0xD;
	v11 =	vshll.u32 v7, $0x10;
	v14 =	vand.u32 $0x80000000, v7  }
0x3b2: {  	v7 =	vshrl.u32 v7, $0x3;
	v10 =	vand.u32 $0xFFFE000, v10;
	v11 =	vand.u32 $0x80000000, v11  }
0x3b3: {  	v7 =	vand.u32 $0xFFFE000, v7;
	v10 =	vor.u32 v11, v10  }
0x3b4: {  	v7 =	vor.u32 v14, v7;
	v10 =	vmul.f32 $5.192296860e+33, v10  }
0x3b5: {  	v7 =	vmul.f32 $5.192296860e+33, v7  }
0x3b6: {  	[tilespmem:v9+s28+$0x0] =	vst.idx.msk $0xffff, v10  }
0x3b7: {  	[tilespmem:v8+s28+$0x0] =	vst.idx.msk $0xffff, v7  }
0x3b8: {  	v7 =	vld [tilespmem:s21+$0xFFFFFFD0];
	_ =	sdelay $0x1  }
0x3b9: {  	s6 =	sadd.s32 $0x2, s20  }
0x3ba: {  	v9 =	vadd.s32 s6, v0;
	v10 =	vadd.s32 s6, v1;
	v8 =	vmov s6  }
0x3bb: {  	v9 =	vand.u32 $0x33F8, v9;
	v11 =	vand.u32 $0x37F8, v10;
	v8 =	vand.u32 $0x6, v8  }
0x3bc: {  	v14 =	vshll.u32 v7, $0xD;
	v16 =	vshll.u32 v7, $0x10;
	v10 =	vshrl.u32 v7, $0x3  }
0x3bd: {  	v7 =	vand.u32 $0x80000000, v7;
	v17 =	vand.u32 $0xFFFE000, v10;
	v10 =	vor.u32 v8, v9  }
0x3be: {  	v9 =	vand.u32 $0xFFFE000, v14;
	v14 =	vand.u32 $0x80000000, v16;
	v7 =	vor.u32 v7, v17  }
0x3bf: {  	v11 =	vor.u32 v8, v11;
	v9 =	vor.u32 v14, v9  }
0x3c0: {  	v16 =	vadd.s32 s6, v3;
	v14 =	vadd.s32 s6, v2;
	v9 =	vmul.f32 $5.192296860e+33, v9  }
0x3c1: {  	v17 =	vmul.f32 $5.192296860e+33, v7;
	v7 =	vand.u32 $0x77F8, v14;
	v14 =	vand.u32 $0x77F8, v16  }
0x3c2: {  	v7 =	vor.u32 v8, v7;
	[tilespmem:v6+s28+$0x0] =	vst.idx.msk $0xffff, v9;
	v6 =	vor.u32 v8, v14  }
0x3c3: {  	[tilespmem:v12+s28+$0x0] =	vst.idx.msk $0xffff, v17  }
0x3c4: {  	v8 =	vld [tilespmem:s21+$0xFFFFFFE0];
	_ =	sdelay $0x4  }
0x3c5: {  	v9 =	vshll.u32 v8, $0xD;
	v12 =	vshll.u32 v8, $0x10;
	v14 =	vshrl.u32 v8, $0x3  }
0x3c6: {  	v9 =	vand.u32 $0xFFFE000, v9;
	v12 =	vand.u32 $0x80000000, v12;
	v14 =	vand.u32 $0xFFFE000, v14  }
0x3c7: {  	v8 =	vand.u32 $0x80000000, v8;
	v9 =	vor.u32 v12, v9  }
0x3c8: {  	v8 =	vor.u32 v8, v14;
	v9 =	vmul.f32 $5.192296860e+33, v9  }
.Ltmp6:
0x3c9: {  	v8 =	vmul.f32 $5.192296860e+33, v8;
	(pc) =	sbr.rel @p0 .LBB2_11-.Ltmp6, $4  }
0x3ca: {  	[tilespmem:v15+s28+$0x0] =	vst.idx.msk $0xffff, v9  }
0x3cb: {  	[tilespmem:v13+s28+$0x0] =	vst.idx.msk $0xffff, v8  }
0x3cc: {  	v8 =	vld [tilespmem:s21+$0xFFFFFFF0]  }
0x3cd: {  	s18 =	simm.s32 $0xFFFFFFFC  }
0x3ce: {  	_ =	sdelay $0x2  }
0x3cf: {  	v9 =	vshll.u32 v8, $0xD;
	v12 =	vshll.u32 v8, $0x10  }
0x3d0: {  	v13 =	vshrl.u32 v8, $0x3;
	v9 =	vand.u32 $0xFFFE000, v9;
	v12 =	vand.u32 $0x80000000, v12  }
0x3d1: {  	v36 =	vand.u32 $0x80000000, v8;
	v37 =	vand.u32 $0xFFFE000, v13;
	v9 =	vor.u32 v12, v9  }
0x3d2: {  	v8 =	vor.u32 v36, v37;
	v9 =	vmul.f32 $5.192296860e+33, v9  }
0x3d3: {  	v8 =	vmul.f32 $5.192296860e+33, v8  }
0x3d4: {  	[tilespmem:v4+s28+$0x0] =	vst.idx.msk $0xffff, v9  }
0x3d5: {  	[tilespmem:v5+s28+$0x0] =	vst.idx.msk $0xffff, v8  }
0x3d6: {  	v4 =	vld [tilespmem:s22+$0x0];
	_ =	sdelay $0x4  }
0x3d7: {  	v5 =	vshll.u32 v4, $0xD;
	v38 =	vshll.u32 v4, $0x10  }
0x3d8: {  	v39 =	vshrl.u32 v4, $0x3;
	v5 =	vand.u32 $0xFFFE000, v5;
	v8 =	vand.u32 $0x80000000, v38  }
0x3d9: {  	v4 =	vand.u32 $0x80000000, v4;
	v40 =	vand.u32 $0xFFFE000, v39;
	v5 =	vor.u32 v8, v5  }
0x3da: {  	v4 =	vor.u32 v4, v40;
	v5 =	vmul.f32 $5.192296860e+33, v5  }
0x3db: {  	v4 =	vmul.f32 $5.192296860e+33, v4  }
0x3dc: {  	[tilespmem:v10+s28+$0x0] =	vst.idx.msk $0xffff, v5  }
0x3dd: {  	[tilespmem:v11+s28+$0x0] =	vst.idx.msk $0xffff, v4  }
0x3de: {  	v4 =	vld [tilespmem:s22+$0x10];
	_ =	sdelay $0x4  }
0x3df: {  	v5 =	vshll.u32 v4, $0xD;
	v41 =	vshll.u32 v4, $0x10  }
0x3e0: {  	v42 =	vshrl.u32 v4, $0x3;
	v5 =	vand.u32 $0xFFFE000, v5;
	v8 =	vand.u32 $0x80000000, v41  }
0x3e1: {  	v4 =	vand.u32 $0x80000000, v4;
	v9 =	vand.u32 $0xFFFE000, v42;
	v5 =	vor.u32 v8, v5  }
0x3e2: {  	v4 =	vor.u32 v4, v9;
	v5 =	vmul.f32 $5.192296860e+33, v5  }
0x3e3: {  	v4 =	vmul.f32 $5.192296860e+33, v4  }
0x3e4: {  	[tilespmem:v7+s28+$0x0] =	vst.idx.msk $0xffff, v5  }
0x3e5: {  	[tilespmem:v6+s28+$0x0] =	vst.idx.msk $0xffff, v4  }
0x3e6: {  	v4 =	vld [tilespmem:s22+$0x20];
	_ =	sdelay $0x2  }
0x3e7: {  	s6 =	sadd.s32 $0x3, s20  }
0x3e8: {  	v5 =	vadd.s32 s6, v1  }
0x3e9: {  	v6 =	vadd.s32 s6, v0;
	v7 =	vshll.u32 v4, $0xD;
	v43 =	vshll.u32 v4, $0x10  }
0x3ea: {  	v44 =	vshrl.u32 v4, $0x3;
	v7 =	vand.u32 $0xFFFE000, v7;
	v8 =	vand.u32 $0x80000000, v43  }
0x3eb: {  	v4 =	vand.u32 $0x80000000, v4;
	v9 =	vand.u32 $0xFFFE000, v44;
	v7 =	vor.u32 v8, v7  }
0x3ec: {  	v4 =	vor.u32 v4, v9;
	v7 =	vmul.f32 $5.192296860e+33, v7  }
0x3ed: {  	v4 =	vmul.f32 $5.192296860e+33, v4  }
0x3ee: {  	[tilespmem:v6+s28+$0x0] =	vst.idx.msk $0xffff, v7  }
0x3ef: {  	[tilespmem:v5+s28+$0x0] =	vst.idx.msk $0xffff, v4  }
0x3f0: {  	v4 =	vld [tilespmem:s22+$0x30];
	_ =	sdelay $0x3  }
0x3f1: {  	v6 =	vadd.s32 s6, v2  }
0x3f2: {  	v5 =	vadd.s32 s6, v3;
	v7 =	vshll.u32 v4, $0xD;
	v45 =	vshll.u32 v4, $0x10  }
0x3f3: {  	v46 =	vshrl.u32 v4, $0x3;
	v7 =	vand.u32 $0xFFFE000, v7;
	v8 =	vand.u32 $0x80000000, v45  }
0x3f4: {  	v4 =	vand.u32 $0x80000000, v4;
	v9 =	vand.u32 $0xFFFE000, v46;
	v7 =	vor.u32 v8, v7  }
0x3f5: {  	v4 =	vor.u32 v4, v9;
	v7 =	vmul.f32 $5.192296860e+33, v7  }
0x3f6: {  	v4 =	vmul.f32 $5.192296860e+33, v4  }
0x3f7: {  	[tilespmem:v6+s28+$0x0] =	vst.idx.msk $0xffff, v7  }
0x3f8: {  	[tilespmem:v5+s28+$0x0] =	vst.idx.msk $0xffff, v4  }
0x3f9: {  	v4 =	vld [tilespmem:s19+$0xFFFFFF90]  }
0x3fa: {  	s22 =	simm.s32 $0x400  }
0x3fb: {  	v6 =	vadd.s32 s22, v1;
	v5 =	vmov s22  }
0x3fc: {  	v7 =	vadd.s32 s22, v0;
	v6 =	vand.u32 $0x3FF8, v6;
	v5 =	vand.u32 $0x4, v5  }
0x3fd: {  	v7 =	vand.u32 $0x37F8, v7;
	v6 =	vor.u32 v5, v6  }
0x3fe: {  	v7 =	vor.u32 v5, v7;
	v47 =	vshll.u32 v4, $0xD;
	v48 =	vshll.u32 v4, $0x10  }
0x3ff: {  	v49 =	vshrl.u32 v4, $0x3;
	v8 =	vand.u32 $0xFFFE000, v47;
	v9 =	vand.u32 $0x80000000, v48  }
0x400: {  	v4 =	vand.u32 $0x80000000, v4;
	v50 =	vand.u32 $0xFFFE000, v49;
	v8 =	vor.u32 v9, v8  }
0x401: {  	v4 =	vor.u32 v4, v50;
	v8 =	vmul.f32 $5.192296860e+33, v8  }
0x402: {  	v4 =	vmul.f32 $5.192296860e+33, v4  }
0x403: {  	[tilespmem:v7+s28+$0x0] =	vst.idx.msk $0xffff, v8  }
0x404: {  	[tilespmem:v6+s28+$0x0] =	vst.idx.msk $0xffff, v4  }
0x405: {  	v4 =	vld [tilespmem:s19+$0xFFFFFFA0];
	_ =	sdelay $0x1  }
0x406: {  	v6 =	vadd.s32 s22, v2  }
0x407: {  	v7 =	vadd.s32 s22, v3;
	v6 =	vand.u32 $0x7FF8, v6  }
0x408: {  	v7 =	vand.u32 $0x7FF8, v7;
	v6 =	vor.u32 v5, v6  }
0x409: {  	v5 =	vor.u32 v5, v7;
	v7 =	vshll.u32 v4, $0xD;
	v51 =	vshll.u32 v4, $0x10  }
0x40a: {  	v52 =	vshrl.u32 v4, $0x3;
	v8 =	vand.u32 $0x80000000, v51;
	v7 =	vand.u32 $0xFFFE000, v7  }
0x40b: {  	v4 =	vand.u32 $0x80000000, v4;
	v9 =	vand.u32 $0xFFFE000, v52;
	v7 =	vor.u32 v8, v7  }
0x40c: {  	v4 =	vor.u32 v4, v9;
	v7 =	vmul.f32 $5.192296860e+33, v7  }
0x40d: {  	v4 =	vmul.f32 $5.192296860e+33, v4  }
0x40e: {  	[tilespmem:v6+s28+$0x0] =	vst.idx.msk $0xffff, v7  }
0x40f: {  	[tilespmem:v5+s28+$0x0] =	vst.idx.msk $0xffff, v4  }
0x410: {  	v4 =	vld [tilespmem:s19+$0xFFFFFFB0]  }
0x411: {  	s23 =	simm.s32 $0x401  }
0x412: {  	v6 =	vadd.s32 s23, v1;
	v5 =	vmov s23  }
0x413: {  	v7 =	vadd.s32 s23, v0;
	v6 =	vand.u32 $0x3FF8, v6;
	v5 =	vand.u32 $0x5, v5  }
0x414: {  	v7 =	vand.u32 $0x37F8, v7;
	v6 =	vor.u32 v5, v6  }
0x415: {  	v7 =	vor.u32 v5, v7;
	v53 =	vshll.u32 v4, $0xD;
	v54 =	vshll.u32 v4, $0x10  }
0x416: {  	v55 =	vshrl.u32 v4, $0x3;
	v8 =	vand.u32 $0xFFFE000, v53;
	v9 =	vand.u32 $0x80000000, v54  }
0x417: {  	v4 =	vand.u32 $0x80000000, v4;
	v10 =	vand.u32 $0xFFFE000, v55;
	v8 =	vor.u32 v9, v8  }
0x418: {  	v4 =	vor.u32 v4, v10;
	v8 =	vmul.f32 $5.192296860e+33, v8  }
0x419: {  	v4 =	vmul.f32 $5.192296860e+33, v4  }
0x41a: {  	[tilespmem:v7+s28+$0x0] =	vst.idx.msk $0xffff, v8  }
0x41b: {  	[tilespmem:v6+s28+$0x0] =	vst.idx.msk $0xffff, v4  }
0x41c: {  	v4 =	vld [tilespmem:s19+$0xFFFFFFC0];
	_ =	sdelay $0x1  }
0x41d: {  	v6 =	vadd.s32 s23, v2  }
0x41e: {  	v7 =	vadd.s32 s23, v3;
	v6 =	vand.u32 $0x7FF8, v6  }
0x41f: {  	v7 =	vand.u32 $0x7FF8, v7;
	v6 =	vor.u32 v5, v6  }
0x420: {  	v5 =	vor.u32 v5, v7;
	v7 =	vshll.u32 v4, $0xD;
	v56 =	vshll.u32 v4, $0x10  }
0x421: {  	v57 =	vshrl.u32 v4, $0x3;
	v7 =	vand.u32 $0xFFFE000, v7;
	v8 =	vand.u32 $0x80000000, v56  }
0x422: {  	v4 =	vand.u32 $0x80000000, v4;
	v58 =	vand.u32 $0xFFFE000, v57;
	v7 =	vor.u32 v8, v7  }
0x423: {  	v4 =	vor.u32 v4, v58;
	v7 =	vmul.f32 $5.192296860e+33, v7  }
0x424: {  	v4 =	vmul.f32 $5.192296860e+33, v4  }
0x425: {  	[tilespmem:v6+s28+$0x0] =	vst.idx.msk $0xffff, v7  }
0x426: {  	[tilespmem:v5+s28+$0x0] =	vst.idx.msk $0xffff, v4  }
0x427: {  	v4 =	vld [tilespmem:s19+$0xFFFFFFD0]  }
0x428: {  	s30 =	simm.s32 $0x402  }
0x429: {  	v6 =	vadd.s32 s30, v1;
	v5 =	vmov s30  }
0x42a: {  	v7 =	vadd.s32 s30, v0;
	v6 =	vand.u32 $0x3FF8, v6;
	v5 =	vand.u32 $0x6, v5  }
0x42b: {  	v7 =	vand.u32 $0x37F8, v7;
	v6 =	vor.u32 v5, v6  }
0x42c: {  	v7 =	vor.u32 v5, v7;
	v59 =	vshll.u32 v4, $0xD;
	v60 =	vshll.u32 v4, $0x10  }
0x42d: {  	v61 =	vshrl.u32 v4, $0x3;
	v8 =	vand.u32 $0xFFFE000, v59;
	v9 =	vand.u32 $0x80000000, v60  }
0x42e: {  	v4 =	vand.u32 $0x80000000, v4;
	v10 =	vand.u32 $0xFFFE000, v61;
	v8 =	vor.u32 v9, v8  }
0x42f: {  	v4 =	vor.u32 v4, v10;
	v8 =	vmul.f32 $5.192296860e+33, v8  }
0x430: {  	v4 =	vmul.f32 $5.192296860e+33, v4  }
0x431: {  	[tilespmem:v7+s28+$0x0] =	vst.idx.msk $0xffff, v8  }
0x432: {  	[tilespmem:v6+s28+$0x0] =	vst.idx.msk $0xffff, v4  }
0x433: {  	v4 =	vld [tilespmem:s19+$0xFFFFFFE0];
	_ =	sdelay $0x1  }
0x434: {  	v6 =	vadd.s32 s30, v2  }
0x435: {  	v7 =	vadd.s32 s30, v3;
	v6 =	vand.u32 $0x7FF8, v6  }
0x436: {  	v7 =	vand.u32 $0x7FF8, v7;
	v6 =	vor.u32 v5, v6  }
0x437: {  	v5 =	vor.u32 v5, v7;
	v7 =	vshll.u32 v4, $0xD;
	v62 =	vshll.u32 v4, $0x10  }
0x438: {  	v63 =	vshrl.u32 v4, $0x3;
	v7 =	vand.u32 $0xFFFE000, v7;
	v8 =	vand.u32 $0x80000000, v62  }
0x439: {  	v4 =	vand.u32 $0x80000000, v4;
	v9 =	vand.u32 $0xFFFE000, v63;
	v7 =	vor.u32 v8, v7  }
0x43a: {  	v4 =	vor.u32 v4, v9;
	v7 =	vmul.f32 $5.192296860e+33, v7  }
0x43b: {  	v4 =	vmul.f32 $5.192296860e+33, v4  }
0x43c: {  	[tilespmem:v6+s28+$0x0] =	vst.idx.msk $0xffff, v7  }
0x43d: {  	[tilespmem:v5+s28+$0x0] =	vst.idx.msk $0xffff, v4  }
0x43e: {  	v4 =	vld [tilespmem:s19+$0xFFFFFFF0]  }
0x43f: {  	s20 =	simm.s32 $0xC470  }
0x440: {  	s21 =	simm.s32 $0xB470;
	s22 =	simm.s32 $0x0;
	s23 =	simm.s32 $0xFFFFFFFC  }
.LBB2_13:
0x441: {  	s6 =	sadd.s32 $0x407, s23  }
0x442: {  	s19 =	sadd.s32 $0x80, s19;
	s23 =	smov.u32 s22;
	s22 =	sadd.s32 $0x4, s22  }
0x443: {  	p0 =	slt.u32 s22, $0x7C;
	v5 =	vshll.u32 v4, $0xD;
	v6 =	vshll.u32 v4, $0x10;
	v7 =	vadd.s32 s6, v1  }
0x444: {  	v8 =	vshrl.u32 v4, $0x3;
	v5 =	vand.u32 $0xFFFE000, v5;
	v6 =	vand.u32 $0x80000000, v6  }
0x445: {  	v4 =	vand.u32 $0x80000000, v4;
	v5 =	vor.u32 v6, v5;
	v6 =	vadd.s32 s6, v0  }
0x446: {  	v8 =	vand.u32 $0xFFFE000, v8;
	v5 =	vmul.f32 $5.192296860e+33, v5  }
0x447: {  	v4 =	vor.u32 v4, v8  }
0x448: {  	s14 =	sadd.s32 $0x404, s23;
	v4 =	vmul.f32 $5.192296860e+33, v4  }
0x449: {  	v9 =	vadd.s32 s14, v0;
	v10 =	vadd.s32 s14, v1;
	v8 =	vmov s14  }
0x44a: {  	v9 =	vand.u32 $0x37F8, v9;
	v10 =	vand.u32 $0x3FF8, v10;
	v8 =	vand.u32 $0x4, v8;
	[tilespmem:v6+s28+$0x0] =	vst.idx.msk $0xffff, v5  }
0x44b: {  	v5 =	vor.u32 v8, v10;
	v6 =	vadd.s32 s14, v3;
	[tilespmem:v7+s28+$0x0] =	vst.idx.msk $0xffff, v4  }
0x44c: {  	v4 =	vor.u32 v8, v9;
	v7 =	vld [tilespmem:s21+$0x0];
	s21 =	smov.u32 s19;
	_ =	sdelay $0x1  }
0x44d: {  	v10 =	vadd.s32 s6, v2;
	v9 =	vadd.s32 s14, v2;
	v6 =	vand.u32 $0x7FF8, v6  }
0x44e: {  	v9 =	vand.u32 $0x7FF8, v9  }
0x44f: {  	v11 =	vadd.s32 s6, v3;
	v9 =	vor.u32 v8, v9  }
0x450: {  	v6 =	vor.u32 v8, v6;
	v8 =	vshll.u32 v7, $0xD;
	v12 =	vshll.u32 v7, $0x10  }
0x451: {  	v13 =	vshrl.u32 v7, $0x3;
	v8 =	vand.u32 $0xFFFE000, v8;
	v12 =	vand.u32 $0x80000000, v12  }
0x452: {  	v7 =	vand.u32 $0x80000000, v7;
	v8 =	vor.u32 v12, v8;
	v12 =	vand.u32 $0xFFFE000, v13  }
0x453: {  	v8 =	vmul.f32 $5.192296860e+33, v8;
	v7 =	vor.u32 v7, v12  }
0x454: {  	v7 =	vmul.f32 $5.192296860e+33, v7  }
0x455: {  	[tilespmem:v10+s28+$0x0] =	vst.idx.msk $0xffff, v8  }
0x456: {  	[tilespmem:v11+s28+$0x0] =	vst.idx.msk $0xffff, v7  }
0x457: {  	v7 =	vld [tilespmem:s19+$0xFFFFFF90];
	_ =	sdelay $0x4  }
0x458: {  	v8 =	vshll.u32 v7, $0xD;
	v10 =	vshll.u32 v7, $0x10;
	v11 =	vand.u32 $0x80000000, v7  }
0x459: {  	v7 =	vshrl.u32 v7, $0x3;
	v8 =	vand.u32 $0xFFFE000, v8;
	v10 =	vand.u32 $0x80000000, v10  }
0x45a: {  	v7 =	vand.u32 $0xFFFE000, v7;
	v8 =	vor.u32 v10, v8  }
0x45b: {  	v7 =	vor.u32 v11, v7;
	v8 =	vmul.f32 $5.192296860e+33, v8  }
0x45c: {  	s6 =	sadd.s32 $0x405, s23;
	v7 =	vmul.f32 $5.192296860e+33, v7  }
0x45d: {  	v10 =	vadd.s32 s6, v1;
	[tilespmem:v4+s28+$0x0] =	vst.idx.msk $0xffff, v8;
	v4 =	vmov s6;
	v8 =	vadd.s32 s6, v0  }
0x45e: {  	[tilespmem:v5+s28+$0x0] =	vst.idx.msk $0xffff, v7;
	v5 =	vand.u32 $0x37F8, v8;
	v4 =	vand.u32 $0x5, v4;
	v7 =	vand.u32 $0x3FF8, v10  }
0x45f: {  	v11 =	vadd.s32 s6, v3;
	v10 =	vadd.s32 s6, v2;
	v8 =	vld [tilespmem:s19+$0xFFFFFFA0];
	v7 =	vor.u32 v4, v7  }
0x460: {  	v5 =	vor.u32 v4, v5;
	v10 =	vand.u32 $0x7FF8, v10  }
0x461: {  	v11 =	vand.u32 $0x7FF8, v11;
	v10 =	vor.u32 v4, v10  }
0x462: {  	v4 =	vor.u32 v4, v11;
	_ =	sdelay $0x1  }
0x463: {  	v11 =	vshll.u32 v8, $0xD;
	v12 =	vshll.u32 v8, $0x10;
	v13 =	vshrl.u32 v8, $0x3  }
0x464: {  	v8 =	vand.u32 $0x80000000, v8;
	v12 =	vand.u32 $0x80000000, v12;
	v13 =	vand.u32 $0xFFFE000, v13  }
0x465: {  	v11 =	vand.u32 $0xFFFE000, v11;
	v8 =	vor.u32 v8, v13  }
0x466: {  	v11 =	vor.u32 v12, v11;
	v8 =	vmul.f32 $5.192296860e+33, v8  }
0x467: {  	v11 =	vmul.f32 $5.192296860e+33, v11;
	_ =	sdelay $0x1  }
0x468: {  	[tilespmem:v9+s28+$0x0] =	vst.idx.msk $0xffff, v11  }
0x469: {  	[tilespmem:v6+s28+$0x0] =	vst.idx.msk $0xffff, v8  }
0x46a: {  	v6 =	vld [tilespmem:s19+$0xFFFFFFB0];
	_ =	sdelay $0x4  }
0x46b: {  	v8 =	vshll.u32 v6, $0xD;
	v9 =	vshll.u32 v6, $0x10;
	v11 =	vshrl.u32 v6, $0x3  }
0x46c: {  	v8 =	vand.u32 $0xFFFE000, v8;
	v9 =	vand.u32 $0x80000000, v9;
	v11 =	vand.u32 $0xFFFE000, v11  }
0x46d: {  	v6 =	vand.u32 $0x80000000, v6;
	v8 =	vor.u32 v9, v8  }
0x46e: {  	v6 =	vor.u32 v6, v11;
	v8 =	vmul.f32 $5.192296860e+33, v8  }
0x46f: {  	v6 =	vmul.f32 $5.192296860e+33, v6  }
0x470: {  	[tilespmem:v5+s28+$0x0] =	vst.idx.msk $0xffff, v8  }
0x471: {  	[tilespmem:v7+s28+$0x0] =	vst.idx.msk $0xffff, v6  }
0x472: {  	s6 =	sadd.s32 $0x406, s23;
	v5 =	vld [tilespmem:s19+$0xFFFFFFC0]  }
0x473: {  	v8 =	vadd.s32 s6, v1;
	v6 =	vmov s6;
	v7 =	vadd.s32 s6, v0  }
0x474: {  	v8 =	vand.u32 $0x3FF8, v8;
	v7 =	vand.u32 $0x37F8, v7;
	v6 =	vand.u32 $0x6, v6  }
0x475: {  	v9 =	vadd.s32 s6, v2;
	v11 =	vadd.s32 s6, v3;
	v8 =	vor.u32 v6, v8  }
0x476: {  	v9 =	vand.u32 $0x7FF8, v9;
	v11 =	vand.u32 $0x7FF8, v11;
	v7 =	vor.u32 v6, v7  }
0x477: {  	v12 =	vshll.u32 v5, $0xD;
	v13 =	vshll.u32 v5, $0x10;
	v14 =	vshrl.u32 v5, $0x3  }
0x478: {  	v5 =	vand.u32 $0x80000000, v5;
	v12 =	vand.u32 $0xFFFE000, v12;
	v13 =	vand.u32 $0x80000000, v13  }
0x479: {  	v9 =	vor.u32 v6, v9;
	v12 =	vor.u32 v13, v12;
	v13 =	vand.u32 $0xFFFE000, v14  }
0x47a: {  	v6 =	vor.u32 v6, v11;
	v12 =	vmul.f32 $5.192296860e+33, v12;
	v5 =	vor.u32 v5, v13  }
0x47b: {  	v5 =	vmul.f32 $5.192296860e+33, v5  }
0x47c: {  	[tilespmem:v10+s28+$0x0] =	vst.idx.msk $0xffff, v12  }
0x47d: {  	[tilespmem:v4+s28+$0x0] =	vst.idx.msk $0xffff, v5  }
0x47e: {  	v4 =	vld [tilespmem:s19+$0xFFFFFFD0];
	_ =	sdelay $0x4  }
0x47f: {  	v5 =	vshll.u32 v4, $0xD;
	v10 =	vshll.u32 v4, $0x10;
	v11 =	vshrl.u32 v4, $0x3  }
0x480: {  	v5 =	vand.u32 $0xFFFE000, v5;
	v10 =	vand.u32 $0x80000000, v10;
	v11 =	vand.u32 $0xFFFE000, v11  }
0x481: {  	v4 =	vand.u32 $0x80000000, v4;
	v5 =	vor.u32 v10, v5  }
0x482: {  	v4 =	vor.u32 v4, v11;
	v5 =	vmul.f32 $5.192296860e+33, v5  }
0x483: {  	v4 =	vmul.f32 $5.192296860e+33, v4  }
0x484: {  	[tilespmem:v7+s28+$0x0] =	vst.idx.msk $0xffff, v5  }
0x485: {  	[tilespmem:v8+s28+$0x0] =	vst.idx.msk $0xffff, v4  }
0x486: {  	v4 =	vld [tilespmem:s19+$0xFFFFFFE0];
	_ =	sdelay $0x4  }
0x487: {  	v5 =	vshll.u32 v4, $0xD;
	v7 =	vshll.u32 v4, $0x10;
	v8 =	vshrl.u32 v4, $0x3  }
0x488: {  	v5 =	vand.u32 $0xFFFE000, v5;
	v7 =	vand.u32 $0x80000000, v7;
	v8 =	vand.u32 $0xFFFE000, v8  }
0x489: {  	v4 =	vand.u32 $0x80000000, v4;
	v5 =	vor.u32 v7, v5  }
0x48a: {  	v4 =	vor.u32 v4, v8;
	v5 =	vmul.f32 $5.192296860e+33, v5  }
0x48b: {  	v4 =	vmul.f32 $5.192296860e+33, v4  }
0x48c: {  	[tilespmem:v9+s28+$0x0] =	vst.idx.msk $0xffff, v5  }
.Ltmp7:
0x48d: {  	[tilespmem:v6+s28+$0x0] =	vst.idx.msk $0xffff, v4;
	(pc) =	sbr.rel @p0 .LBB2_13-.Ltmp7, $1  }
0x48e: {  	v4 =	vld [tilespmem:s19+$0xFFFFFFF0];
	_ =	sdelay $0x3  }
0x48f: {  	_ = 	snop  }
0x490: {  	s6 =	sadd.s32 $0x407, s23;
	v5 =	vshll.u32 v4, $0xD  }
0x491: {  	v6 =	vshll.u32 v4, $0x10;
	v7 =	vadd.s32 s6, v1;
	v8 =	vadd.s32 s6, v0  }
0x492: {  	v9 =	vshrl.u32 v4, $0x3;
	v5 =	vand.u32 $0xFFFE000, v5;
	v6 =	vand.u32 $0x80000000, v6  }
0x493: {  	v4 =	vand.u32 $0x80000000, v4;
	v5 =	vor.u32 v6, v5;
	v6 =	vand.u32 $0xFFFE000, v9  }
0x494: {  	v5 =	vmul.f32 $5.192296860e+33, v5;
	v4 =	vor.u32 v4, v6  }
0x495: {  	v4 =	vmul.f32 $5.192296860e+33, v4  }
0x496: {  	[tilespmem:v8+s28+$0x0] =	vst.idx.msk $0xffff, v5  }
0x497: {  	[tilespmem:v7+s28+$0x0] =	vst.idx.msk $0xffff, v4  }
0x498: {  	v4 =	vld [tilespmem:s21+$0x0];
	_ =	sdelay $0x3  }
0x499: {  	v6 =	vadd.s32 s6, v3  }
0x49a: {  	v5 =	vadd.s32 s6, v2;
	v7 =	vshll.u32 v4, $0xD;
	v8 =	vshll.u32 v4, $0x10  }
0x49b: {  	v52 =	vshrl.u32 v4, $0x3;
	v7 =	vand.u32 $0xFFFE000, v7;
	v8 =	vand.u32 $0x80000000, v8  }
0x49c: {  	v4 =	vand.u32 $0x80000000, v4;
	v7 =	vor.u32 v8, v7;
	v8 =	vand.u32 $0xFFFE000, v52  }
0x49d: {  	v7 =	vmul.f32 $5.192296860e+33, v7;
	v4 =	vor.u32 v4, v8  }
0x49e: {  	v4 =	vmul.f32 $5.192296860e+33, v4  }
0x49f: {  	[tilespmem:v5+s28+$0x0] =	vst.idx.msk $0xffff, v7  }
0x4a0: {  	[tilespmem:v6+s28+$0x0] =	vst.idx.msk $0xffff, v4  }
0x4a1: {  	v4 =	vld [tilespmem:s20+$0xFFFFFF90]  }
0x4a2: {  	s22 =	simm.s32 $0x800  }
0x4a3: {  	v5 =	vmov s22;
	v7 =	vadd.s32 s22, v1  }
0x4a4: {  	v6 =	vadd.s32 s22, v0;
	v5 =	vand.u32 $0x4, v5;
	v7 =	vand.u32 $0x3FF8, v7  }
0x4a5: {  	v6 =	vand.u32 $0x3BF8, v6;
	v7 =	vor.u32 v5, v7  }
0x4a6: {  	v6 =	vor.u32 v5, v6;
	v8 =	vshll.u32 v4, $0xD;
	v53 =	vshll.u32 v4, $0x10  }
0x4a7: {  	v10 =	vshrl.u32 v4, $0x3;
	v8 =	vand.u32 $0xFFFE000, v8;
	v9 =	vand.u32 $0x80000000, v53  }
0x4a8: {  	v4 =	vand.u32 $0x80000000, v4;
	v54 =	vand.u32 $0xFFFE000, v10;
	v8 =	vor.u32 v9, v8  }
0x4a9: {  	v4 =	vor.u32 v4, v54;
	v8 =	vmul.f32 $5.192296860e+33, v8  }
0x4aa: {  	v4 =	vmul.f32 $5.192296860e+33, v4  }
0x4ab: {  	[tilespmem:v6+s28+$0x0] =	vst.idx.msk $0xffff, v8  }
0x4ac: {  	[tilespmem:v7+s28+$0x0] =	vst.idx.msk $0xffff, v4  }
0x4ad: {  	v4 =	vld [tilespmem:s20+$0xFFFFFFA0];
	_ =	sdelay $0x1  }
0x4ae: {  	v6 =	vadd.s32 s22, v2  }
0x4af: {  	v6 =	vand.u32 $0x7FF8, v6;
	v7 =	vadd.s32 s22, v3  }
0x4b0: {  	v6 =	vor.u32 v5, v6;
	v7 =	vand.u32 $0x7FF8, v7  }
0x4b1: {  	v5 =	vor.u32 v5, v7;
	v7 =	vshll.u32 v4, $0xD;
	v8 =	vshll.u32 v4, $0x10  }
0x4b2: {  	v55 =	vshrl.u32 v4, $0x3;
	v7 =	vand.u32 $0xFFFE000, v7;
	v8 =	vand.u32 $0x80000000, v8  }
0x4b3: {  	v4 =	vand.u32 $0x80000000, v4;
	v9 =	vand.u32 $0xFFFE000, v55;
	v7 =	vor.u32 v8, v7  }
0x4b4: {  	v4 =	vor.u32 v4, v9;
	v7 =	vmul.f32 $5.192296860e+33, v7  }
0x4b5: {  	v4 =	vmul.f32 $5.192296860e+33, v4  }
0x4b6: {  	[tilespmem:v6+s28+$0x0] =	vst.idx.msk $0xffff, v7  }
0x4b7: {  	[tilespmem:v5+s28+$0x0] =	vst.idx.msk $0xffff, v4  }
0x4b8: {  	v4 =	vld [tilespmem:s20+$0xFFFFFFB0]  }
0x4b9: {  	s23 =	simm.s32 $0x801  }
0x4ba: {  	v6 =	vadd.s32 s23, v0;
	v5 =	vmov s23  }
0x4bb: {  	v7 =	vadd.s32 s23, v1;
	v6 =	vand.u32 $0x3BF8, v6;
	v5 =	vand.u32 $0x5, v5  }
0x4bc: {  	v7 =	vand.u32 $0x3FF8, v7;
	v6 =	vor.u32 v5, v6  }
0x4bd: {  	v7 =	vor.u32 v5, v7;
	v8 =	vshll.u32 v4, $0xD;
	v56 =	vshll.u32 v4, $0x10  }
0x4be: {  	v57 =	vshrl.u32 v4, $0x3;
	v8 =	vand.u32 $0xFFFE000, v8;
	v9 =	vand.u32 $0x80000000, v56  }
0x4bf: {  	v4 =	vand.u32 $0x80000000, v4;
	v58 =	vand.u32 $0xFFFE000, v57;
	v8 =	vor.u32 v9, v8  }
0x4c0: {  	v4 =	vor.u32 v4, v58;
	v8 =	vmul.f32 $5.192296860e+33, v8  }
0x4c1: {  	v4 =	vmul.f32 $5.192296860e+33, v4  }
0x4c2: {  	[tilespmem:v6+s28+$0x0] =	vst.idx.msk $0xffff, v8  }
0x4c3: {  	[tilespmem:v7+s28+$0x0] =	vst.idx.msk $0xffff, v4  }
0x4c4: {  	v4 =	vld [tilespmem:s20+$0xFFFFFFC0];
	_ =	sdelay $0x1  }
0x4c5: {  	v6 =	vadd.s32 s23, v2  }
0x4c6: {  	v6 =	vand.u32 $0x7FF8, v6;
	v7 =	vadd.s32 s23, v3  }
0x4c7: {  	v6 =	vor.u32 v5, v6;
	v7 =	vand.u32 $0x7FF8, v7  }
0x4c8: {  	v5 =	vor.u32 v5, v7;
	v7 =	vshll.u32 v4, $0xD;
	v8 =	vshll.u32 v4, $0x10  }
0x4c9: {  	v59 =	vshrl.u32 v4, $0x3;
	v7 =	vand.u32 $0xFFFE000, v7;
	v8 =	vand.u32 $0x80000000, v8  }
0x4ca: {  	v4 =	vand.u32 $0x80000000, v4;
	v7 =	vor.u32 v8, v7;
	v8 =	vand.u32 $0xFFFE000, v59  }
0x4cb: {  	v7 =	vmul.f32 $5.192296860e+33, v7;
	v4 =	vor.u32 v4, v8  }
0x4cc: {  	v4 =	vmul.f32 $5.192296860e+33, v4  }
0x4cd: {  	[tilespmem:v6+s28+$0x0] =	vst.idx.msk $0xffff, v7  }
0x4ce: {  	[tilespmem:v5+s28+$0x0] =	vst.idx.msk $0xffff, v4  }
0x4cf: {  	v4 =	vld [tilespmem:s20+$0xFFFFFFD0]  }
0x4d0: {  	s30 =	simm.s32 $0x802  }
0x4d1: {  	v6 =	vadd.s32 s30, v0;
	v5 =	vmov s30  }
0x4d2: {  	v6 =	vand.u32 $0x3BF8, v6;
	v7 =	vand.u32 $0x6, v5;
	v5 =	vadd.s32 s30, v1  }
0x4d3: {  	v5 =	vand.u32 $0x3FF8, v5;
	v6 =	vor.u32 v7, v6  }
0x4d4: {  	v5 =	vor.u32 v7, v5;
	v8 =	vshll.u32 v4, $0xD;
	v60 =	vshll.u32 v4, $0x10  }
0x4d5: {  	v61 =	vshrl.u32 v4, $0x3;
	v8 =	vand.u32 $0xFFFE000, v8;
	v9 =	vand.u32 $0x80000000, v60  }
0x4d6: {  	v4 =	vand.u32 $0x80000000, v4;
	v10 =	vand.u32 $0xFFFE000, v61;
	v8 =	vor.u32 v9, v8  }
0x4d7: {  	v4 =	vor.u32 v4, v10;
	v8 =	vmul.f32 $5.192296860e+33, v8  }
0x4d8: {  	v4 =	vmul.f32 $5.192296860e+33, v4  }
0x4d9: {  	v63 =	vadd.s32 s30, v2;
	[tilespmem:v6+s28+$0x0] =	vst.idx.msk $0xffff, v8  }
0x4da: {  	v6 =	vand.u32 $0x7FF8, v63;
	[tilespmem:v5+s28+$0x0] =	vst.idx.msk $0xffff, v4  }
0x4db: {  	v62 =	vadd.s32 s30, v3;
	v5 =	vor.u32 v7, v6;
	v6 =	vld [tilespmem:s20+$0xFFFFFFE0]  }
0x4dc: {  	v8 =	vand.u32 $0x7FF8, v62  }
0x4dd: {  	s19 =	simm.s32 $0xD470;
	s22 =	simm.s32 $0xC470;
	s23 =	simm.s32 $0x0;
	v4 =	vor.u32 v7, v8  }
.LBB2_15:
0x4de: {  	s6 =	sadd.s32 $0x807, s18  }
0x4df: {  	s20 =	sadd.s32 $0x80, s20;
	s18 =	smov.u32 s23;
	s23 =	sadd.s32 $0x4, s23  }
0x4e0: {  	p0 =	slt.u32 s23, $0x7C;
	v7 =	vshll.u32 v6, $0xD;
	v8 =	vand.u32 $0x80000000, v6;
	v9 =	vadd.s32 s6, v1  }
0x4e1: {  	v10 =	vshll.u32 v6, $0x10;
	v6 =	vshrl.u32 v6, $0x3;
	v7 =	vand.u32 $0xFFFE000, v7  }
0x4e2: {  	v11 =	vadd.s32 s6, v0;
	v10 =	vand.u32 $0x80000000, v10;
	v6 =	vand.u32 $0xFFFE000, v6  }
0x4e3: {  	v7 =	vor.u32 v10, v7;
	v6 =	vor.u32 v8, v6  }
0x4e4: {  	s14 =	sadd.s32 $0x804, s18;
	v7 =	vmul.f32 $5.192296860e+33, v7  }
0x4e5: {  	v8 =	vmov s14;
	v10 =	vadd.s32 s14, v0;
	v6 =	vmul.f32 $5.192296860e+33, v6  }
0x4e6: {  	v10 =	vand.u32 $0x3BF8, v10;
	v8 =	vand.u32 $0x4, v8;
	[tilespmem:v5+s28+$0x0] =	vst.idx.msk $0xffff, v7  }
0x4e7: {  	v5 =	vadd.s32 s14, v1;
	[tilespmem:v4+s28+$0x0] =	vst.idx.msk $0xffff, v6  }
0x4e8: {  	v4 =	vor.u32 v8, v10;
	v5 =	vand.u32 $0x3FF8, v5;
	v6 =	vld [tilespmem:s22+$0xFFFFFFF0]  }
0x4e9: {  	v5 =	vor.u32 v8, v5  }
0x4ea: {  	v7 =	vadd.s32 s14, v2  }
0x4eb: {  	v7 =	vand.u32 $0x7FF8, v7;
	v10 =	vadd.s32 s14, v3  }
0x4ec: {  	v7 =	vor.u32 v8, v7;
	v10 =	vand.u32 $0x7FF8, v10  }
0x4ed: {  	v8 =	vor.u32 v8, v10;
	v10 =	vshll.u32 v6, $0xD;
	v12 =	vshll.u32 v6, $0x10  }
0x4ee: {  	v13 =	vshrl.u32 v6, $0x3;
	v10 =	vand.u32 $0xFFFE000, v10;
	v12 =	vand.u32 $0x80000000, v12  }
0x4ef: {  	v6 =	vand.u32 $0x80000000, v6;
	v10 =	vor.u32 v12, v10;
	v12 =	vand.u32 $0xFFFE000, v13  }
0x4f0: {  	v10 =	vmul.f32 $5.192296860e+33, v10;
	v6 =	vor.u32 v6, v12  }
0x4f1: {  	v6 =	vmul.f32 $5.192296860e+33, v6  }
0x4f2: {  	[tilespmem:v11+s28+$0x0] =	vst.idx.msk $0xffff, v10  }
0x4f3: {  	[tilespmem:v9+s28+$0x0] =	vst.idx.msk $0xffff, v6  }
0x4f4: {  	v6 =	vld [tilespmem:s22+$0x0];
	s22 =	smov.u32 s20;
	_ =	sdelay $0x3  }
0x4f5: {  	v10 =	vadd.s32 s6, v3;
	v9 =	vadd.s32 s6, v2  }
0x4f6: {  	v11 =	vshll.u32 v6, $0xD;
	v12 =	vshll.u32 v6, $0x10;
	v13 =	vshrl.u32 v6, $0x3  }
0x4f7: {  	v11 =	vand.u32 $0xFFFE000, v11;
	v12 =	vand.u32 $0x80000000, v12;
	v13 =	vand.u32 $0xFFFE000, v13  }
0x4f8: {  	v6 =	vand.u32 $0x80000000, v6;
	v11 =	vor.u32 v12, v11  }
0x4f9: {  	v6 =	vor.u32 v6, v13;
	v11 =	vmul.f32 $5.192296860e+33, v11  }
0x4fa: {  	s6 =	sadd.s32 $0x805, s18;
	v6 =	vmul.f32 $5.192296860e+33, v6  }
0x4fb: {  	v12 =	vmov s6;
	v13 =	vadd.s32 s6, v0;
	[tilespmem:v9+s28+$0x0] =	vst.idx.msk $0xffff, v11  }
0x4fc: {  	v9 =	vand.u32 $0x3BF8, v13;
	v11 =	vand.u32 $0x5, v12;
	[tilespmem:v10+s28+$0x0] =	vst.idx.msk $0xffff, v6  }
0x4fd: {  	v6 =	vld [tilespmem:s20+$0xFFFFFF90]  }
0x4fe: {  	v9 =	vor.u32 v11, v9;
	v10 =	vadd.s32 s6, v1  }
0x4ff: {  	v10 =	vand.u32 $0x3FF8, v10  }
0x500: {  	v12 =	vadd.s32 s6, v2;
	v10 =	vor.u32 v11, v10  }
0x501: {  	v13 =	vadd.s32 s6, v3;
	v12 =	vand.u32 $0x7FF8, v12  }
0x502: {  	v13 =	vand.u32 $0x7FF8, v13;
	v12 =	vor.u32 v11, v12;
	v14 =	vshll.u32 v6, $0xD  }
0x503: {  	v11 =	vor.u32 v11, v13;
	v15 =	vshll.u32 v6, $0x10;
	v14 =	vand.u32 $0xFFFE000, v14  }
0x504: {  	v13 =	vand.u32 $0x80000000, v15;
	v15 =	vshrl.u32 v6, $0x3  }
0x505: {  	v6 =	vand.u32 $0x80000000, v6;
	v13 =	vor.u32 v13, v14;
	v14 =	vand.u32 $0xFFFE000, v15  }
0x506: {  	v13 =	vmul.f32 $5.192296860e+33, v13;
	v6 =	vor.u32 v6, v14  }
0x507: {  	v6 =	vmul.f32 $5.192296860e+33, v6  }
0x508: {  	[tilespmem:v4+s28+$0x0] =	vst.idx.msk $0xffff, v13  }
0x509: {  	[tilespmem:v5+s28+$0x0] =	vst.idx.msk $0xffff, v6  }
0x50a: {  	v4 =	vld [tilespmem:s20+$0xFFFFFFA0];
	_ =	sdelay $0x4  }
0x50b: {  	v5 =	vshll.u32 v4, $0xD;
	v6 =	vshll.u32 v4, $0x10;
	v13 =	vshrl.u32 v4, $0x3  }
0x50c: {  	v5 =	vand.u32 $0xFFFE000, v5;
	v6 =	vand.u32 $0x80000000, v6;
	v13 =	vand.u32 $0xFFFE000, v13  }
0x50d: {  	v4 =	vand.u32 $0x80000000, v4;
	v5 =	vor.u32 v6, v5  }
0x50e: {  	v4 =	vor.u32 v4, v13;
	v5 =	vmul.f32 $5.192296860e+33, v5  }
0x50f: {  	v4 =	vmul.f32 $5.192296860e+33, v4  }
0x510: {  	[tilespmem:v7+s28+$0x0] =	vst.idx.msk $0xffff, v5  }
0x511: {  	[tilespmem:v8+s28+$0x0] =	vst.idx.msk $0xffff, v4  }
0x512: {  	v4 =	vld [tilespmem:s20+$0xFFFFFFB0];
	_ =	sdelay $0x4  }
0x513: {  	v5 =	vshll.u32 v4, $0xD;
	v6 =	vshll.u32 v4, $0x10;
	v7 =	vshrl.u32 v4, $0x3  }
0x514: {  	v5 =	vand.u32 $0xFFFE000, v5;
	v6 =	vand.u32 $0x80000000, v6  }
0x515: {  	v4 =	vand.u32 $0x80000000, v4;
	v5 =	vor.u32 v6, v5;
	v6 =	vand.u32 $0xFFFE000, v7  }
0x516: {  	v5 =	vmul.f32 $5.192296860e+33, v5;
	v4 =	vor.u32 v4, v6  }
0x517: {  	s6 =	sadd.s32 $0x806, s18;
	v4 =	vmul.f32 $5.192296860e+33, v4  }
0x518: {  	v7 =	vadd.s32 s6, v3;
	v6 =	vadd.s32 s6, v0;
	[tilespmem:v9+s28+$0x0] =	vst.idx.msk $0xffff, v5;
	v5 =	vmov s6  }
0x519: {  	[tilespmem:v10+s28+$0x0] =	vst.idx.msk $0xffff, v4;
	v4 =	vand.u32 $0x3BF8, v6;
	v6 =	vand.u32 $0x6, v5;
	v5 =	vadd.s32 s6, v1  }
0x51a: {  	v9 =	vadd.s32 s6, v2;
	v8 =	vld [tilespmem:s20+$0xFFFFFFC0];
	v5 =	vand.u32 $0x3FF8, v5  }
0x51b: {  	v7 =	vand.u32 $0x7FF8, v7;
	v10 =	vor.u32 v6, v4;
	v4 =	vand.u32 $0x7FF8, v9  }
0x51c: {  	v9 =	vor.u32 v6, v5;
	v5 =	vor.u32 v6, v4;
	v4 =	vor.u32 v6, v7;
	_ =	sdelay $0x2  }
0x51d: {  	v6 =	vshll.u32 v8, $0xD;
	v7 =	vshll.u32 v8, $0x10;
	v13 =	vshrl.u32 v8, $0x3  }
0x51e: {  	v8 =	vand.u32 $0x80000000, v8;
	v6 =	vand.u32 $0xFFFE000, v6;
	v7 =	vand.u32 $0x80000000, v7  }
0x51f: {  	v6 =	vor.u32 v7, v6;
	v7 =	vand.u32 $0xFFFE000, v13  }
0x520: {  	v6 =	vmul.f32 $5.192296860e+33, v6;
	v7 =	vor.u32 v8, v7  }
0x521: {  	v7 =	vmul.f32 $5.192296860e+33, v7  }
0x522: {  	[tilespmem:v12+s28+$0x0] =	vst.idx.msk $0xffff, v6  }
0x523: {  	[tilespmem:v11+s28+$0x0] =	vst.idx.msk $0xffff, v7  }
0x524: {  	v6 =	vld [tilespmem:s20+$0xFFFFFFD0];
	_ =	sdelay $0x4  }
0x525: {  	v7 =	vshll.u32 v6, $0xD;
	v8 =	vshll.u32 v6, $0x10;
	v11 =	vshrl.u32 v6, $0x3  }
0x526: {  	v7 =	vand.u32 $0xFFFE000, v7;
	v8 =	vand.u32 $0x80000000, v8;
	v11 =	vand.u32 $0xFFFE000, v11  }
0x527: {  	v6 =	vand.u32 $0x80000000, v6;
	v7 =	vor.u32 v8, v7  }
0x528: {  	v6 =	vor.u32 v6, v11;
	v7 =	vmul.f32 $5.192296860e+33, v7  }
0x529: {  	v6 =	vmul.f32 $5.192296860e+33, v6  }
0x52a: {  	[tilespmem:v10+s28+$0x0] =	vst.idx.msk $0xffff, v7  }
.Ltmp8:
0x52b: {  	[tilespmem:v9+s28+$0x0] =	vst.idx.msk $0xffff, v6;
	(pc) =	sbr.rel @p0 .LBB2_15-.Ltmp8, $2  }
0x52c: {  	v6 =	vld [tilespmem:s20+$0xFFFFFFE0];
	_ =	sdelay $0x2  }
0x52d: {  	s21 =	simm.s32 $0xFFFFFFFC  }
0x52e: {  	_ = 	snop  }
0x52f: {  	v7 =	vshll.u32 v6, $0xD;
	v8 =	vshll.u32 v6, $0x10  }
0x530: {  	v9 =	vshrl.u32 v6, $0x3;
	v7 =	vand.u32 $0xFFFE000, v7;
	v8 =	vand.u32 $0x80000000, v8  }
0x531: {  	v6 =	vand.u32 $0x80000000, v6;
	v9 =	vand.u32 $0xFFFE000, v9;
	v7 =	vor.u32 v8, v7  }
0x532: {  	v6 =	vor.u32 v6, v9;
	v7 =	vmul.f32 $5.192296860e+33, v7  }
0x533: {  	v6 =	vmul.f32 $5.192296860e+33, v6  }
0x534: {  	[tilespmem:v5+s28+$0x0] =	vst.idx.msk $0xffff, v7  }
0x535: {  	[tilespmem:v4+s28+$0x0] =	vst.idx.msk $0xffff, v6  }
0x536: {  	v4 =	vld [tilespmem:s22+$0xFFFFFFF0];
	_ =	sdelay $0x2  }
0x537: {  	s6 =	sadd.s32 $0x807, s18  }
0x538: {  	v5 =	vadd.s32 s6, v1  }
0x539: {  	v6 =	vadd.s32 s6, v0;
	v7 =	vshll.u32 v4, $0xD;
	v8 =	vshll.u32 v4, $0x10  }
0x53a: {  	v9 =	vshrl.u32 v4, $0x3;
	v7 =	vand.u32 $0xFFFE000, v7;
	v8 =	vand.u32 $0x80000000, v8  }
0x53b: {  	v4 =	vand.u32 $0x80000000, v4;
	v7 =	vor.u32 v8, v7;
	v8 =	vand.u32 $0xFFFE000, v9  }
0x53c: {  	v7 =	vmul.f32 $5.192296860e+33, v7;
	v4 =	vor.u32 v4, v8  }
0x53d: {  	v4 =	vmul.f32 $5.192296860e+33, v4  }
0x53e: {  	[tilespmem:v6+s28+$0x0] =	vst.idx.msk $0xffff, v7  }
0x53f: {  	[tilespmem:v5+s28+$0x0] =	vst.idx.msk $0xffff, v4  }
0x540: {  	v4 =	vld [tilespmem:s22+$0x0];
	_ =	sdelay $0x3  }
0x541: {  	v6 =	vadd.s32 s6, v3  }
0x542: {  	v5 =	vadd.s32 s6, v2;
	v7 =	vshll.u32 v4, $0xD;
	v8 =	vshll.u32 v4, $0x10  }
0x543: {  	v9 =	vshrl.u32 v4, $0x3;
	v7 =	vand.u32 $0xFFFE000, v7;
	v8 =	vand.u32 $0x80000000, v8  }
0x544: {  	v4 =	vand.u32 $0x80000000, v4;
	v9 =	vand.u32 $0xFFFE000, v9;
	v7 =	vor.u32 v8, v7  }
0x545: {  	v4 =	vor.u32 v4, v9;
	v7 =	vmul.f32 $5.192296860e+33, v7  }
0x546: {  	v4 =	vmul.f32 $5.192296860e+33, v4  }
0x547: {  	[tilespmem:v5+s28+$0x0] =	vst.idx.msk $0xffff, v7  }
0x548: {  	[tilespmem:v6+s28+$0x0] =	vst.idx.msk $0xffff, v4  }
0x549: {  	v4 =	vld [tilespmem:s19+$0xFFFFFF90]  }
0x54a: {  	s22 =	simm.s32 $0xC00  }
0x54b: {  	v5 =	vmov s22;
	v7 =	vadd.s32 s22, v1  }
0x54c: {  	v6 =	vadd.s32 s22, v0;
	v5 =	vand.u32 $0x4, v5;
	v7 =	vand.u32 $0x7FF8, v7  }
0x54d: {  	v6 =	vand.u32 $0x3FF8, v6;
	v7 =	vor.u32 v5, v7  }
0x54e: {  	v6 =	vor.u32 v5, v6;
	v8 =	vshll.u32 v4, $0xD;
	v9 =	vshll.u32 v4, $0x10  }
0x54f: {  	v10 =	vshrl.u32 v4, $0x3;
	v8 =	vand.u32 $0xFFFE000, v8;
	v9 =	vand.u32 $0x80000000, v9  }
0x550: {  	v4 =	vand.u32 $0x80000000, v4;
	v8 =	vor.u32 v9, v8;
	v9 =	vand.u32 $0xFFFE000, v10  }
0x551: {  	v8 =	vmul.f32 $5.192296860e+33, v8;
	v4 =	vor.u32 v4, v9  }
0x552: {  	v4 =	vmul.f32 $5.192296860e+33, v4  }
0x553: {  	[tilespmem:v6+s28+$0x0] =	vst.idx.msk $0xffff, v8  }
0x554: {  	[tilespmem:v7+s28+$0x0] =	vst.idx.msk $0xffff, v4  }
0x555: {  	v4 =	vld [tilespmem:s19+$0xFFFFFFA0];
	_ =	sdelay $0x1  }
0x556: {  	v6 =	vadd.s32 s22, v2  }
0x557: {  	v6 =	vand.u32 $0xFFF8, v6;
	v7 =	vadd.s32 s22, v3  }
0x558: {  	v6 =	vor.u32 v5, v6;
	v7 =	vand.u32 $0xFFF8, v7  }
0x559: {  	v5 =	vor.u32 v5, v7;
	v7 =	vshll.u32 v4, $0xD;
	v8 =	vshll.u32 v4, $0x10  }
0x55a: {  	v9 =	vshrl.u32 v4, $0x3;
	v7 =	vand.u32 $0xFFFE000, v7;
	v8 =	vand.u32 $0x80000000, v8  }
0x55b: {  	v4 =	vand.u32 $0x80000000, v4;
	v9 =	vand.u32 $0xFFFE000, v9;
	v7 =	vor.u32 v8, v7  }
0x55c: {  	v4 =	vor.u32 v4, v9;
	v7 =	vmul.f32 $5.192296860e+33, v7  }
0x55d: {  	v4 =	vmul.f32 $5.192296860e+33, v4  }
0x55e: {  	[tilespmem:v6+s28+$0x0] =	vst.idx.msk $0xffff, v7  }
0x55f: {  	[tilespmem:v5+s28+$0x0] =	vst.idx.msk $0xffff, v4  }
0x560: {  	v4 =	vld [tilespmem:s19+$0xFFFFFFB0]  }
0x561: {  	s23 =	simm.s32 $0xC01  }
0x562: {  	v6 =	vadd.s32 s23, v0;
	v5 =	vmov s23  }
0x563: {  	v7 =	vadd.s32 s23, v1;
	v6 =	vand.u32 $0x3FF8, v6;
	v5 =	vand.u32 $0x5, v5  }
0x564: {  	v7 =	vand.u32 $0x7FF8, v7;
	v6 =	vor.u32 v5, v6  }
0x565: {  	v7 =	vor.u32 v5, v7;
	v8 =	vshll.u32 v4, $0xD;
	v9 =	vshll.u32 v4, $0x10  }
0x566: {  	v10 =	vshrl.u32 v4, $0x3;
	v8 =	vand.u32 $0xFFFE000, v8;
	v9 =	vand.u32 $0x80000000, v9  }
0x567: {  	v4 =	vand.u32 $0x80000000, v4;
	v10 =	vand.u32 $0xFFFE000, v10;
	v8 =	vor.u32 v9, v8  }
0x568: {  	v4 =	vor.u32 v4, v10;
	v8 =	vmul.f32 $5.192296860e+33, v8  }
0x569: {  	v4 =	vmul.f32 $5.192296860e+33, v4  }
0x56a: {  	[tilespmem:v6+s28+$0x0] =	vst.idx.msk $0xffff, v8  }
0x56b: {  	[tilespmem:v7+s28+$0x0] =	vst.idx.msk $0xffff, v4  }
0x56c: {  	v4 =	vld [tilespmem:s19+$0xFFFFFFC0];
	_ =	sdelay $0x1  }
0x56d: {  	s30 =	simm.s32 $0xC02;
	v6 =	vadd.s32 s23, v2  }
0x56e: {  	v12 =	vadd.s32 s30, v2;
	v7 =	vadd.s32 s23, v3;
	v6 =	vand.u32 $0xFFF8, v6  }
0x56f: {  	v7 =	vand.u32 $0xFFF8, v7;
	v8 =	vor.u32 v5, v6;
	v6 =	vmov s30  }
0x570: {  	v5 =	vor.u32 v5, v7;
	v9 =	vshll.u32 v4, $0xD;
	v10 =	vshll.u32 v4, $0x10  }
0x571: {  	v11 =	vshrl.u32 v4, $0x3;
	v9 =	vand.u32 $0xFFFE000, v9;
	v10 =	vand.u32 $0x80000000, v10  }
0x572: {  	v4 =	vand.u32 $0x80000000, v4;
	v9 =	vor.u32 v10, v9;
	v10 =	vand.u32 $0xFFFE000, v11  }
0x573: {  	v7 =	vadd.s32 s30, v0;
	v9 =	vmul.f32 $5.192296860e+33, v9;
	v4 =	vor.u32 v4, v10  }
0x574: {  	v7 =	vand.u32 $0x3FF8, v7;
	v10 =	vand.u32 $0x6, v6;
	v4 =	vmul.f32 $5.192296860e+33, v4  }
0x575: {  	v11 =	vadd.s32 s30, v1;
	v6 =	vor.u32 v10, v7;
	v7 =	vadd.s32 s30, v3;
	[tilespmem:v8+s28+$0x0] =	vst.idx.msk $0xffff, v9  }
0x576: {  	v8 =	vand.u32 $0xFFF8, v12;
	v9 =	vand.u32 $0x7FF8, v11;
	v11 =	vand.u32 $0xFFF8, v7;
	[tilespmem:v5+s28+$0x0] =	vst.idx.msk $0xffff, v4  }
0x577: {  	s20 =	simm.s32 $0x0;
	s18 =	simm.s32 $0xD470;
	v4 =	vor.u32 v10, v8;
	v7 =	vor.u32 v10, v9;
	v5 =	vor.u32 v10, v11;
	v8 =	vld [tilespmem:s19+$0xFFFFFFD0]  }
.LBB2_17:
0x578: {  	_ =	sdelay $0x2  }
0x579: {  	s19 =	sadd.s32 $0x80, s19;
	s14 =	smov.u32 s20;
	s20 =	sadd.s32 $0x4, s20  }
0x57a: {  	p0 =	slt.u32 s20, $0x7C;
	v9 =	vshll.u32 v8, $0xD;
	v10 =	vshll.u32 v8, $0x10;
	v11 =	vshrl.u32 v8, $0x3  }
0x57b: {  	v8 =	vand.u32 $0x80000000, v8;
	v9 =	vand.u32 $0xFFFE000, v9;
	v10 =	vand.u32 $0x80000000, v10  }
0x57c: {  	v9 =	vor.u32 v10, v9;
	v10 =	vand.u32 $0xFFFE000, v11  }
0x57d: {  	v9 =	vmul.f32 $5.192296860e+33, v9;
	v8 =	vor.u32 v8, v10  }
0x57e: {  	s6 =	sadd.s32 $0xC04, s14;
	v8 =	vmul.f32 $5.192296860e+33, v8  }
0x57f: {  	v11 =	vadd.s32 s6, v0;
	v10 =	vmov s6;
	[tilespmem:v6+s28+$0x0] =	vst.idx.msk $0xffff, v9  }
0x580: {  	v6 =	vand.u32 $0x3FF8, v11;
	v9 =	vand.u32 $0x4, v10;
	[tilespmem:v7+s28+$0x0] =	vst.idx.msk $0xffff, v8  }
0x581: {  	v7 =	vadd.s32 s6, v1;
	v8 =	vld [tilespmem:s18+$0xFFFFFFE0]  }
0x582: {  	v10 =	vor.u32 v9, v6;
	v6 =	vand.u32 $0x7FF8, v7  }
0x583: {  	v11 =	vor.u32 v9, v6  }
0x584: {  	v6 =	vadd.s32 s6, v2  }
0x585: {  	v7 =	vadd.s32 s6, v3;
	v6 =	vand.u32 $0xFFF8, v6  }
0x586: {  	v7 =	vand.u32 $0xFFF8, v7;
	s6 =	sadd.s32 $0xC07, s21;
	s21 =	smov.u32 s14;
	v6 =	vor.u32 v9, v6;
	v12 =	vshll.u32 v8, $0xD  }
0x587: {  	v7 =	vor.u32 v9, v7;
	v13 =	vadd.s32 s6, v0;
	v9 =	vshll.u32 v8, $0x10  }
0x588: {  	v14 =	vshrl.u32 v8, $0x3;
	v12 =	vand.u32 $0xFFFE000, v12;
	v9 =	vand.u32 $0x80000000, v9  }
0x589: {  	v8 =	vand.u32 $0x80000000, v8;
	v9 =	vor.u32 v9, v12;
	v12 =	vand.u32 $0xFFFE000, v14  }
0x58a: {  	v9 =	vmul.f32 $5.192296860e+33, v9;
	v8 =	vor.u32 v8, v12  }
0x58b: {  	v8 =	vmul.f32 $5.192296860e+33, v8  }
0x58c: {  	[tilespmem:v4+s28+$0x0] =	vst.idx.msk $0xffff, v9  }
0x58d: {  	[tilespmem:v5+s28+$0x0] =	vst.idx.msk $0xffff, v8  }
0x58e: {  	v4 =	vld [tilespmem:s18+$0xFFFFFFF0];
	_ =	sdelay $0x2  }
0x58f: {  	v5 =	vadd.s32 s6, v1;
	_ =	sdelay $0x1  }
0x590: {  	v8 =	vshll.u32 v4, $0xD;
	v9 =	vshll.u32 v4, $0x10;
	v12 =	vshrl.u32 v4, $0x3  }
0x591: {  	v4 =	vand.u32 $0x80000000, v4;
	v8 =	vand.u32 $0xFFFE000, v8;
	v9 =	vand.u32 $0x80000000, v9  }
0x592: {  	v8 =	vor.u32 v9, v8;
	v9 =	vand.u32 $0xFFFE000, v12  }
0x593: {  	v8 =	vmul.f32 $5.192296860e+33, v8;
	v4 =	vor.u32 v4, v9  }
0x594: {  	s14 =	sadd.s32 $0xC05, s21;
	v4 =	vmul.f32 $5.192296860e+33, v4  }
0x595: {  	v12 =	vadd.s32 s14, v0;
	v9 =	vmov s14;
	[tilespmem:v13+s28+$0x0] =	vst.idx.msk $0xffff, v8  }
0x596: {  	v9 =	vand.u32 $0x5, v9;
	v8 =	vand.u32 $0x3FF8, v12;
	[tilespmem:v5+s28+$0x0] =	vst.idx.msk $0xffff, v4  }
0x597: {  	v4 =	vld [tilespmem:s18+$0x0];
	s18 =	smov.u32 s19  }
0x598: {  	v12 =	vor.u32 v9, v8;
	v5 =	vadd.s32 s14, v1  }
0x599: {  	v5 =	vand.u32 $0x7FF8, v5  }
0x59a: {  	v14 =	vadd.s32 s6, v3;
	v13 =	vor.u32 v9, v5;
	v5 =	vadd.s32 s14, v2  }
0x59b: {  	v16 =	vadd.s32 s6, v2;
	v15 =	vadd.s32 s14, v3;
	v5 =	vand.u32 $0xFFF8, v5  }
0x59c: {  	v8 =	vor.u32 v9, v5;
	v5 =	vand.u32 $0xFFF8, v15;
	v15 =	vshrl.u32 v4, $0x3  }
0x59d: {  	v9 =	vor.u32 v9, v5;
	v5 =	vshll.u32 v4, $0xD;
	v17 =	vshll.u32 v4, $0x10  }
0x59e: {  	v5 =	vand.u32 $0xFFFE000, v5;
	v17 =	vand.u32 $0x80000000, v17;
	v15 =	vand.u32 $0xFFFE000, v15  }
0x59f: {  	v4 =	vand.u32 $0x80000000, v4;
	v5 =	vor.u32 v17, v5  }
0x5a0: {  	v4 =	vor.u32 v4, v15;
	v5 =	vmul.f32 $5.192296860e+33, v5  }
0x5a1: {  	v4 =	vmul.f32 $5.192296860e+33, v4  }
0x5a2: {  	[tilespmem:v16+s28+$0x0] =	vst.idx.msk $0xffff, v5  }
0x5a3: {  	[tilespmem:v14+s28+$0x0] =	vst.idx.msk $0xffff, v4  }
0x5a4: {  	v4 =	vld [tilespmem:s19+$0xFFFFFF90];
	_ =	sdelay $0x4  }
0x5a5: {  	v5 =	vshll.u32 v4, $0xD;
	v14 =	vshll.u32 v4, $0x10;
	v15 =	vshrl.u32 v4, $0x3  }
0x5a6: {  	v4 =	vand.u32 $0x80000000, v4;
	v5 =	vand.u32 $0xFFFE000, v5;
	v14 =	vand.u32 $0x80000000, v14  }
0x5a7: {  	v5 =	vor.u32 v14, v5;
	v14 =	vand.u32 $0xFFFE000, v15  }
0x5a8: {  	v5 =	vmul.f32 $5.192296860e+33, v5;
	v4 =	vor.u32 v4, v14  }
0x5a9: {  	v4 =	vmul.f32 $5.192296860e+33, v4  }
0x5aa: {  	[tilespmem:v10+s28+$0x0] =	vst.idx.msk $0xffff, v5  }
0x5ab: {  	[tilespmem:v11+s28+$0x0] =	vst.idx.msk $0xffff, v4  }
0x5ac: {  	v4 =	vld [tilespmem:s19+$0xFFFFFFA0];
	_ =	sdelay $0x4  }
0x5ad: {  	v5 =	vshll.u32 v4, $0xD;
	v10 =	vshll.u32 v4, $0x10;
	v11 =	vshrl.u32 v4, $0x3  }
0x5ae: {  	v5 =	vand.u32 $0xFFFE000, v5;
	v10 =	vand.u32 $0x80000000, v10;
	v11 =	vand.u32 $0xFFFE000, v11  }
0x5af: {  	v4 =	vand.u32 $0x80000000, v4;
	v5 =	vor.u32 v10, v5  }
0x5b0: {  	v4 =	vor.u32 v4, v11;
	v5 =	vmul.f32 $5.192296860e+33, v5  }
0x5b1: {  	s6 =	sadd.s32 $0xC06, s21;
	v4 =	vmul.f32 $5.192296860e+33, v4  }
0x5b2: {  	[tilespmem:v6+s28+$0x0] =	vst.idx.msk $0xffff, v5;
	v5 =	vmov s6;
	v6 =	vadd.s32 s6, v0  }
0x5b3: {  	[tilespmem:v7+s28+$0x0] =	vst.idx.msk $0xffff, v4;
	v4 =	vand.u32 $0x3FF8, v6;
	v5 =	vand.u32 $0x6, v5  }
0x5b4: {  	v11 =	vadd.s32 s6, v2;
	v7 =	vadd.s32 s6, v1;
	v10 =	vld [tilespmem:s19+$0xFFFFFFB0]  }
0x5b5: {  	v6 =	vor.u32 v5, v4;
	v4 =	vand.u32 $0xFFF8, v11;
	v11 =	vadd.s32 s6, v3  }
0x5b6: {  	v7 =	vand.u32 $0x7FF8, v7;
	v4 =	vor.u32 v5, v4;
	v11 =	vand.u32 $0xFFF8, v11  }
0x5b7: {  	v7 =	vor.u32 v5, v7;
	v5 =	vor.u32 v5, v11;
	_ =	sdelay $0x1  }
0x5b8: {  	v11 =	vshll.u32 v10, $0xD;
	v14 =	vshll.u32 v10, $0x10;
	v15 =	vshrl.u32 v10, $0x3  }
0x5b9: {  	v11 =	vand.u32 $0xFFFE000, v11;
	v14 =	vand.u32 $0x80000000, v14;
	v15 =	vand.u32 $0xFFFE000, v15  }
0x5ba: {  	v10 =	vand.u32 $0x80000000, v10;
	v11 =	vor.u32 v14, v11  }
0x5bb: {  	v10 =	vor.u32 v10, v15;
	v11 =	vmul.f32 $5.192296860e+33, v11  }
0x5bc: {  	v10 =	vmul.f32 $5.192296860e+33, v10  }
0x5bd: {  	[tilespmem:v12+s28+$0x0] =	vst.idx.msk $0xffff, v11  }
0x5be: {  	[tilespmem:v13+s28+$0x0] =	vst.idx.msk $0xffff, v10  }
0x5bf: {  	v10 =	vld [tilespmem:s19+$0xFFFFFFC0];
	_ =	sdelay $0x4  }
0x5c0: {  	v11 =	vshll.u32 v10, $0xD;
	v12 =	vshll.u32 v10, $0x10;
	v13 =	vshrl.u32 v10, $0x3  }
0x5c1: {  	v11 =	vand.u32 $0xFFFE000, v11;
	v12 =	vand.u32 $0x80000000, v12  }
0x5c2: {  	v10 =	vand.u32 $0x80000000, v10;
	v11 =	vor.u32 v12, v11;
	v12 =	vand.u32 $0xFFFE000, v13  }
.Ltmp9:
0x5c3: {  	v11 =	vmul.f32 $5.192296860e+33, v11;
	v10 =	vor.u32 v10, v12;
	(pc) =	sbr.rel @p0 .LBB2_17-.Ltmp9, $4  }
0x5c4: {  	v10 =	vmul.f32 $5.192296860e+33, v10  }
0x5c5: {  	[tilespmem:v8+s28+$0x0] =	vst.idx.msk $0xffff, v11  }
0x5c6: {  	[tilespmem:v9+s28+$0x0] =	vst.idx.msk $0xffff, v10  }
0x5c7: {  	v8 =	vld [tilespmem:s19+$0xFFFFFFD0]  }
0x5c8: {  	_ =	sdelay $0x3  }
0x5c9: {  	v9 =	vshll.u32 v8, $0xD;
	v10 =	vshll.u32 v8, $0x10  }
0x5ca: {  	v11 =	vshrl.u32 v8, $0x3;
	v9 =	vand.u32 $0xFFFE000, v9;
	v10 =	vand.u32 $0x80000000, v10  }
0x5cb: {  	v49 =	vand.u32 $0x80000000, v8;
	v50 =	vand.u32 $0xFFFE000, v11;
	v9 =	vor.u32 v10, v9  }
0x5cc: {  	v8 =	vor.u32 v49, v50;
	v9 =	vmul.f32 $5.192296860e+33, v9  }
0x5cd: {  	v8 =	vmul.f32 $5.192296860e+33, v8  }
0x5ce: {  	[tilespmem:v6+s28+$0x0] =	vst.idx.msk $0xffff, v9  }
0x5cf: {  	[tilespmem:v7+s28+$0x0] =	vst.idx.msk $0xffff, v8  }
0x5d0: {  	v6 =	vld [tilespmem:s18+$0xFFFFFFE0];
	_ =	sdelay $0x4  }
0x5d1: {  	v51 =	vshll.u32 v6, $0xD;
	v52 =	vshll.u32 v6, $0x10  }
0x5d2: {  	v53 =	vshrl.u32 v6, $0x3;
	v7 =	vand.u32 $0xFFFE000, v51;
	v8 =	vand.u32 $0x80000000, v52  }
0x5d3: {  	v6 =	vand.u32 $0x80000000, v6;
	v54 =	vand.u32 $0xFFFE000, v53;
	v7 =	vor.u32 v8, v7  }
0x5d4: {  	v6 =	vor.u32 v6, v54;
	v7 =	vmul.f32 $5.192296860e+33, v7  }
0x5d5: {  	v6 =	vmul.f32 $5.192296860e+33, v6  }
0x5d6: {  	[tilespmem:v4+s28+$0x0] =	vst.idx.msk $0xffff, v7  }
0x5d7: {  	[tilespmem:v5+s28+$0x0] =	vst.idx.msk $0xffff, v6  }
0x5d8: {  	v4 =	vld [tilespmem:s18+$0xFFFFFFF0];
	_ =	sdelay $0x2  }
0x5d9: {  	s6 =	sadd.s32 $0xC07, s21  }
0x5da: {  	v55 =	vadd.s32 s6, v1  }
0x5db: {  	v5 =	vadd.s32 s6, v0;
	v56 =	vshll.u32 v4, $0xD;
	v57 =	vshll.u32 v4, $0x10  }
0x5dc: {  	v58 =	vshrl.u32 v4, $0x3;
	v7 =	vand.u32 $0xFFFE000, v56;
	v8 =	vand.u32 $0x80000000, v57  }
0x5dd: {  	v4 =	vand.u32 $0x80000000, v4;
	v59 =	vand.u32 $0xFFFE000, v58;
	v7 =	vor.u32 v8, v7  }
0x5de: {  	v4 =	vor.u32 v4, v59;
	v7 =	vmul.f32 $5.192296860e+33, v7  }
0x5df: {  	v4 =	vmul.f32 $5.192296860e+33, v4  }
0x5e0: {  	[tilespmem:v5+s28+$0x0] =	vst.idx.msk $0xffff, v7  }
0x5e1: {  	[tilespmem:v55+s28+$0x0] =	vst.idx.msk $0xffff, v4  }
0x5e2: {  	v4 =	vld [tilespmem:s18+$0x0];
	_ =	sdelay $0x3  }
0x5e3: {  	v60 =	vadd.s32 s6, v2  }
0x5e4: {  	v5 =	vadd.s32 s6, v3;
	v61 =	vshll.u32 v4, $0xD;
	v62 =	vshll.u32 v4, $0x10  }
0x5e5: {  	v63 =	vshrl.u32 v4, $0x3;
	v7 =	vand.u32 $0xFFFE000, v61;
	v8 =	vand.u32 $0x80000000, v62  }
0x5e6: {  	v4 =	vand.u32 $0x80000000, v4;
	v9 =	vand.u32 $0xFFFE000, v63;
	v7 =	vor.u32 v8, v7  }
0x5e7: {  	s22 =	sshll.u32 s17, $0xA;
	s14 =	sshll.u32 s17, $0x7;
	v4 =	vor.u32 v4, v9;
	v7 =	vmul.f32 $5.192296860e+33, v7  }
0x5e8: {  	s14 =	sand.u32 $0x3E00, s14;
	s6 =	sand.u32 $0xFFE0000, s22;
	v4 =	vmul.f32 $5.192296860e+33, v4  }
0x5e9: {  	s6 =	sor.u32 s14, s6;
	[tilespmem:v60+s28+$0x0] =	vst.idx.msk $0xffff, v7  }
0x5ea: {  	s14 =	sadd.s32 s2, s6;
	[tilespmem:v5+s28+$0x0] =	vst.idx.msk $0xffff, v4  }
0x5eb: {  	[hbm4b:s14+s3] =	stream.linear.scatter [tilespmem:s28], [sflag:$0x4], $0x1000, $0x38;
	[tilespmem:$0x1E600] =	vst v63  }
0x5ec: {  	s30 =	simm.s32 $0x17520;
	s23 =	sadd.s32 s6, s7  }
0x5ed: {  	[hbm4b:s23+s3] =	stream.linear.scatter [tilespmem:s30], [sflag:$0x4], $0x1000, $0x38;
	[tilespmem:$0x1E600] =	vst v63  }
0x5ee: {  	s19 =	simm.s32 $0x18540;
	s18 =	sadd.s32 s6, s8  }
0x5ef: {  	[hbm4b:s18+s3] =	stream.linear.scatter [tilespmem:s19], [sflag:$0x4], $0x1000, $0x38;
	[tilespmem:$0x1E600] =	vst v63  }
0x5f0: {  	s21 =	simm.s32 $0x19560;
	s20 =	sadd.s32 s6, s9  }
0x5f1: {  	[hbm4b:s20+s3] =	stream.linear.scatter [tilespmem:s21], [sflag:$0x4], $0x1000, $0x38;
	[tilespmem:$0x1E600] =	vst v63  }
0x5f2: {  	s22 =	sadd.s32 s6, s10  }
0x5f3: {  	[hbm4b:s22+s3] =	stream.linear.scatter [tilespmem:s15], [sflag:$0x4], $0x1000, $0x38;
	[tilespmem:$0x1E600] =	vst v63  }
0x5f4: {  	s23 =	sadd.s32 s6, s11  }
0x5f5: {  	[hbm4b:s23+s3] =	stream.linear.scatter [tilespmem:s24], [sflag:$0x4], $0x1000, $0x38;
	[tilespmem:$0x1E600] =	vst v63  }
.Ltmp10:
0x5f6: {  	_ = 	snop;
	(pc) =	sbr.rel @p1 .LBB2_20-.Ltmp10, $4  }
0x5f7: {  	s30 =	sadd.s32 s6, s12  }
0x5f8: {  	[hbm4b:s30+s3] =	stream.linear.scatter [tilespmem:s26], [sflag:$0x4], $0x1000, $0x38;
	[tilespmem:$0x1E600] =	vst v63  }
0x5f9: {  	s6 =	sadd.s32 s6, s13  }
0x5fa: {  	[hbm4b:s6+s3] =	stream.linear.scatter [tilespmem:s29], [sflag:$0x4], $0x1000, $0x38;
	[tilespmem:$0x1E600] =	vst v63  }
0x5fb: {  	s6 =	sshll.u32 s31, $0xA  }
0x5fc: {  	s6 =	sand.u32 $0x3FFFFC00, s6  }
0x5fd: {  	s17 =	simm.s32 $0xA400;
	s14 =	sadd.s32 $0x600, s6  }
0x5fe: {  	[tilespmem:s17], [sflag:$0x2] =	stream.indirect.gather [hbm4b:s4+s16], $0x20, s14, s16, $0xb8;
	[tilespmem:$0x1E600] =	vst v63  }
0x5ff: {  	s21 =	simm.s32 $0xB400;
	s20 =	sadd.s32 $0x680, s6  }
0x600: {  	[tilespmem:s21], [sflag:$0x2] =	stream.indirect.gather [hbm4b:s4+s16], $0x20, s20, s16, $0xb8;
	[tilespmem:$0x1E600] =	vst v63  }
.Ltmp11:
0x601: {  	_ = 	snop;
	(pc) =	sbr.rel .LBB2_2-.Ltmp11, $4  }
0x602: {  	s23 =	simm.s32 $0xC400;
	s22 =	sadd.s32 $0x700, s6  }
0x603: {  	[tilespmem:s23], [sflag:$0x2] =	stream.indirect.gather [hbm4b:s4+s16], $0x20, s22, s16, $0xb8;
	[tilespmem:$0x1E600] =	vst v63  }
0x604: {  	s30 =	simm.s32 $0xD400;
	s31 =	sadd.s32 $0x1, s31;
	s6 =	sadd.s32 $0x780, s6  }
0x605: {  	[tilespmem:s30], [sflag:$0x2] =	stream.indirect.gather [hbm4b:s4+s16], $0x20, s6, s16, $0xb8;
	[tilespmem:$0x1E600] =	vst v63  }
.LBB2_21:
0x606: {  	_ =	sfence.sel $0x180000  }
0x607: {  	[bflag:$0x0] =	sbarrier.arrive $0xFFFF  }
0x608: {  	_ =	strace $0x90000047  }
0x609: {  	s0 =	stileid.u32;
	[bflag:$0x2] =	sbarrier.arrive $0xFFFF  }
0x60a: {  	p0 =	sne.s32 s0, $0x0;
	s0 =	rddreg [dreg:$0x2]  }
0x60b: {  	s0 =	sadd.s32 @!p0 $0x100000, s0  }
0x60c: {  	[sflag:s0] =	ssyncadd.tile.s32 @!p0 $0x1;
	_ =	shalt  }
.Lfunc_end2:
_tile_overlayer_lowered:
.L_overlay_start_2:
0x60d: {  	(tag) =	ssettag $0x2  }
0x60e: {  	s0 =	rddreg [dreg:$0x0];
	s2 =	stileid.u32  }
0x60f: {  	s1 =	rddreg [dreg:$0x1];
	p0 =	sne.s32 s2, $0x0  }
0x610: {  	s3 =	rddreg [dreg:$0x2];
	[bflag:$0x3] =	sbarrier.arrive $0xFFFF;
	s2 =	simm.s32 @!p0 $0x1C05  }
0x611: {  	[timem:s3], [sflag:s2] =	dma.local @!p0 [hbm:s0], s1  }
0x612: {  	s0 =	simm.s32 @!p0 $0x5  }
0x613: {  	_ =	swait.ge @!p0 [sflag:s0], s1  }
0x614: {  	s1 =	ssub.s32 @!p0 $0x0, s1;
	[sflag:s0] =	ssyncset.done @!p0 $0x0  }
0x615: {  	[sflag:s0] =	ssyncadd.s32 @!p0 s1  }
0x616: {  	[bflag:$0x3] =	sbarrier.arrive $0xFFFF  }
0x617: {  	_ =	shalt  }

</sc_bundles>
